<compile_context>
chip_gen: v7x
topology: tpu7x:2x2x1
jax: 0.10.2.dev20260603
libtpu: 0.0.44.dev20260713+nightly
codegen_flags: <defaults>
</compile_context>

<pallas_src>
import jax
import jax.numpy as jnp
from jax.experimental import pallas as pl
from jax.experimental.pallas import tpu as pltpu

CUTOFF = 8.0
MAX_NN = 32
EBLK = 256


def _silu(x):
    return x * (1.0 / (1.0 + jnp.exp(-x)))


def _edge_mlp_body(cnt_ref, he_ref, ef_ref, W1_ref, W2_ref, P_ref, w1_ref, w2_ref):
    blk_active = pl.program_id(0) * EBLK < cnt_ref[0, 0]

    @pl.when(jnp.logical_not(blk_active))
    def _():
        w1_ref[...] = jnp.zeros_like(w1_ref)
        w2_ref[...] = jnp.zeros_like(w2_ref)

    @pl.when(blk_active)
    def _():
        _edge_mlp_active(he_ref, ef_ref, W1_ref, W2_ref, P_ref, w1_ref, w2_ref)


def _edge_mlp_active(he_ref, ef_ref, W1_ref, W2_ref, P_ref, w1_ref, w2_ref):
    he = he_ref[...]
    ef = ef_ref[...]
    P = P_ref[...]
    dx = ef[:, 9:10]
    dy = ef[:, 10:11]
    dz = ef[:, 11:12]
    valid = ef[:, 12:13]
    d2 = dx * dx + dy * dy + dz * dz
    rn = 1.0 / jnp.maximum(jnp.sqrt(d2), 1e-12)
    dnx = dx * rn
    dny = dy * rn
    dnz = dz * rn
    g0 = dnx * ef[:, 0:1] + dny * ef[:, 3:4] + dnz * ef[:, 6:7]
    g1 = dnx * ef[:, 1:2] + dny * ef[:, 4:5] + dnz * ef[:, 7:8]
    g2 = dnx * ef[:, 2:3] + dny * ef[:, 5:6] + dnz * ef[:, 8:9]

    he2 = _silu(jnp.dot(he, W1_ref[...], preferred_element_type=jnp.float32)
                + P[0:1, :])
    he2 = jnp.dot(he2, W2_ref[...], preferred_element_type=jnp.float32) + P[1:2, :]

    def scalar_mlp(r0):
        q = (g0 * P[r0:r0 + 1, 0:32] + g1 * P[r0 + 1:r0 + 2, 0:32]
             + g2 * P[r0 + 2:r0 + 3, 0:32])
        a1 = P[r0 + 3:r0 + 4, 0:32]
        A2 = P[r0 + 4:r0 + 5, 0:32]
        a2 = P[r0 + 5:r0 + 6, 0:1]
        accs = [jnp.zeros_like(he2) for _ in range(4)]
        for k in range(32):
            x = he2 * q[:, k:k + 1] + a1[:, k:k + 1]
            h = 0.5 * x
            s = h + h * jnp.tanh(h)
            accs[k % 4] = accs[k % 4] + s * A2[:, k:k + 1]
        return (accs[0] + accs[1]) + (accs[2] + accs[3]) + (a2 + he2 * g0)

    w1 = scalar_mlp(2)
    w2 = scalar_mlp(8)
    w1_ref[...] = w1 * valid
    w2_ref[...] = w2 * valid


def _pack_layer_params(lp):
    P = jnp.zeros((16, 128), jnp.float32)
    P = P.at[0, :].set(lp["b1"])
    P = P.at[1, :].set(lp["b2"])
    for r0, s in ((2, lp["s1"]), (8, lp["s2"])):
        P = P.at[r0:r0 + 3, 0:32].set(s["A1"])
        P = P.at[r0 + 3, 0:32].set(s["a1"])
        P = P.at[r0 + 4, 0:32].set(s["A2"][:, 0])
        P = P.at[r0 + 5, 0].set(s["a2"][0])
    return P


def _edge_mlp(cnt, he, ef, W1, W2, P):
    E = he.shape[0]
    return pl.pallas_call(
        _edge_mlp_body,
        grid=(E // EBLK,),
        in_specs=[
            pl.BlockSpec((1, 1), lambda i: (0, 0), memory_space=pltpu.SMEM),
            pl.BlockSpec((EBLK, 128), lambda i: (i, 0)),
            pl.BlockSpec((EBLK, 16), lambda i: (i, 0)),
            pl.BlockSpec((128, 128), lambda i: (0, 0)),
            pl.BlockSpec((128, 128), lambda i: (0, 0)),
            pl.BlockSpec((16, 128), lambda i: (0, 0)),
        ],
        out_specs=[
            pl.BlockSpec((EBLK, 128), lambda i: (i, 0)),
            pl.BlockSpec((EBLK, 128), lambda i: (i, 0)),
        ],
        out_shape=[
            jax.ShapeDtypeStruct((E, 128), jnp.float32),
            jax.ShapeDtypeStruct((E, 128), jnp.float32),
        ],
    )(cnt.reshape(1, 1), he, ef, W1, W2, P)


def _final_body(x_ref, M1_ref, FP_ref, o_ref):
    FP = FP_ref[...]
    h = _silu(jnp.dot(x_ref[...], M1_ref[...],
                      preferred_element_type=jnp.float32) + FP[0:1, :])
    y = jnp.sum(h * FP[1:2, :], axis=1, keepdims=True) + FP[2:3, 0:1]
    o_ref[...] = jnp.broadcast_to(y, o_ref.shape)


def _final_mlp(x, fp):
    R = x.shape[0]
    BLK = 1000
    FP = jnp.zeros((8, 128), jnp.float32)
    FP = FP.at[0, :].set(fp["m1"])
    FP = FP.at[1, :].set(fp["M2"][:, 0])
    FP = FP.at[2, 0].set(fp["m2"][0])
    out = pl.pallas_call(
        _final_body,
        grid=(R // BLK,),
        in_specs=[
            pl.BlockSpec((BLK, 128), lambda i: (i, 0)),
            pl.BlockSpec((128, 128), lambda i: (0, 0)),
            pl.BlockSpec((8, 128), lambda i: (0, 0)),
        ],
        out_specs=pl.BlockSpec((BLK, 128), lambda i: (i, 0)),
        out_shape=jax.ShapeDtypeStruct((R, 128), jnp.float32),
    )(x, fp["M1"], FP)
    return out[:, 0]


def _norm(x, eps=1e-12):
    n = jnp.linalg.norm(x, axis=-1, keepdims=True)
    return x / jnp.maximum(n, eps)


def _radius_jnp(pos_x, pos_y, r, max_nn=MAX_NN):
    Nx = pos_x.shape[0]
    Ny = pos_y.shape[0]
    B = 2000
    col_ids = jnp.arange(Nx, dtype=jnp.int32)

    def chunk(py_c):
        d2 = ((py_c[:, None, :] - pos_x[None, :, :]) ** 2).sum(-1)
        m = d2 <= r * r
        cand = jnp.where(m, col_ids[None, :], Nx)
        top = jax.lax.top_k(-cand, max_nn)[0]
        return -top

    sel = jax.lax.map(chunk, pos_y.reshape(-1, B, 3))
    sel = sel.reshape(Ny, max_nn)
    valid = sel < Nx
    cols = jnp.where(valid, sel, 0).astype(jnp.int32)
    rows = jnp.repeat(jnp.arange(Ny, dtype=jnp.int32), max_nn)
    return rows, cols.reshape(-1), valid.reshape(-1)


def _frame_jnp(pos_residue):
    u = _norm(pos_residue[1:] - pos_residue[:-1])
    start = u[1:]
    end = u[:-1]
    diff = _norm(end - start)
    cross = _norm(jnp.cross(end, start))
    vertical = _norm(jnp.cross(diff, cross))
    frame = jnp.stack([diff, cross, vertical], axis=1)
    return jnp.concatenate([frame[:1], frame, frame[-1:]], axis=0)


def kernel(ligand_repr, ligand_vec_input, pos_ligand, batch_ligand,
           residue_repr, pos_residue, batch_residue, params):
    N, D = ligand_repr.shape
    rows, cols, valid = _radius_jnp(pos_ligand, pos_residue, CUTOFF)
    E = rows.shape[0]
    vi = valid.astype(jnp.int32)
    cnt = vi.sum()
    pos = jnp.where(valid, jnp.cumsum(vi) - 1, cnt + jnp.cumsum(1 - vi) - 1)
    perm = jnp.zeros((E,), jnp.int32).at[pos].set(jnp.arange(E, dtype=jnp.int32))
    rows = rows[perm]
    cols = cols[perm]
    valid = valid[perm]
    frame = _frame_jnp(pos_residue)
    fr9 = frame.reshape(-1, 9)

    he = ligand_repr[cols] + residue_repr[rows]
    diff = pos_ligand[cols] - pos_residue[rows]
    ef = jnp.concatenate(
        [fr9[rows], diff, valid[:, None].astype(jnp.float32),
         jnp.zeros((rows.shape[0], 3), jnp.float32)], axis=1)
    dn = _norm(diff) * valid[:, None].astype(jnp.float32)

    lig_vec = jnp.zeros((N, 3 * D), jnp.float32)
    for li, lp in enumerate(params["layers"]):
        Pk = _pack_layer_params(lp)
        w1, w2 = _edge_mlp(cnt, he, ef, lp["W1"], lp["W2"], Pk)
        if li == 0:
            lv_e = jnp.concatenate(
                [dn[:, i:i + 1] * w2 for i in range(3)], axis=1)
        else:
            lvg = lig_vec[cols]
            lv_e = jnp.concatenate(
                [lvg[:, i * D:(i + 1) * D] * w1 + dn[:, i:i + 1] * w2
                 for i in range(3)], axis=1)
        lig_vec = lig_vec.at[cols].add(lv_e)

    x = lig_vec.reshape(N * 3, D)
    out = _final_mlp(x, params["final"]).reshape(N, 3)
    return out + ligand_vec_input

# --- scband reference (transcript-rebuilt; emitter-appended) ---
"""Pipeline reference for scband-frame-net-complex01-44117904065146 (READ-ONLY COPY).

The authoritative reference and input builder live on the scoring server;
editing this copy changes nothing except your own understanding.
"""

import jax, jax.numpy as jnp
import numpy as np

LATENT_DIM = 128
NUM_LAYER = 2
CUTOFF = 8.0
N_LIGAND = 10000
N_RESIDUE = 10000
BOX = 140.0


def _norm(x, eps=1e-12):
    n = jnp.linalg.norm(x, axis=-1, keepdims=True)
    return x / jnp.maximum(n, eps)


def _silu(x):
    return x * jax.nn.sigmoid(x)


def _lin(x, W, b):
    return x @ W + b


def _radius(pos_x, pos_y, r, batch_x, batch_y, max_nn=32):
    # mirrors torch_cluster.radius(x, y, r, batch_x, batch_y):
    # row indexes y (residue queries), col indexes x (ligand), capped at max_nn per row
    Nx = pos_x.shape[0]
    Ny = pos_y.shape[0]
    B = 2000
    col_ids = jnp.arange(Nx, dtype=jnp.int32)

    def chunk(args):
        py_c, by_c = args
        d2 = ((py_c[:, None, :] - pos_x[None, :, :]) ** 2).sum(-1)
        m = (d2 <= r * r) & (by_c[:, None] == batch_x[None, :])
        cand = jnp.where(m, col_ids[None, :], Nx)
        top = jax.lax.top_k(-cand, max_nn)[0]
        return -top  # ascending column order, sentinel Nx for padding

    sel = jax.lax.map(chunk, (pos_y.reshape(-1, B, 3), batch_y.reshape(-1, B)))
    sel = sel.reshape(Ny, max_nn)
    valid = sel < Nx
    cols = jnp.where(valid, sel, 0).astype(jnp.int32)
    rows = jnp.repeat(jnp.arange(Ny, dtype=jnp.int32), max_nn)
    return rows, cols.reshape(-1), valid.reshape(-1)


def _frame(pos_residue):
    u = _norm(pos_residue[1:] - pos_residue[:-1])
    start = u[1:]
    end = u[:-1]
    diff = _norm(end - start)
    cross = _norm(jnp.cross(end, start))
    vertical = _norm(jnp.cross(diff, cross))
    frame = jnp.stack([diff, cross, vertical], axis=1)
    return jnp.concatenate([frame[:1], frame, frame[-1:]], axis=0)


def _init_params(key, D):
    ks = jax.random.split(key, 32)
    it = iter(range(32))
    def w(shape, fan_in):
        return jax.random.normal(ks[next(it)], shape, dtype=jnp.float32) / np.sqrt(fan_in)
    layers = []
    for _ in range(NUM_LAYER):
        s1 = {"A1": w((3, D // 4), 3), "a1": jnp.zeros((D // 4,), jnp.float32), "A2": w((D // 4, 1), D // 4), "a2": jnp.zeros((1,), jnp.float32)}
        s2 = {"A1": w((3, D // 4), 3), "a1": jnp.zeros((D // 4,), jnp.float32), "A2": w((D // 4, 1), D // 4), "a2": jnp.zeros((1,), jnp.float32)}
        layers.append({"W1": w((D, D), D), "b1": jnp.zeros((D,), jnp.float32), "W2": w((D, D), D), "b2": jnp.zeros((D,), jnp.float32), "s1": s1, "s2": s2})
    final = {"M1": w((D, D), D), "m1": jnp.zeros((D,), jnp.float32), "M2": w((D, 1), D), "m2": jnp.zeros((1,), jnp.float32)}
    return {"layers": layers, "final": final}


def setup_inputs(seed: int = 0):
    key = jax.random.key(seed)
    k = jax.random.split(key, 8)
    return {
        "ligand_repr": jax.random.normal(k[0], (N_LIGAND, LATENT_DIM), dtype=jnp.float32),
        "ligand_vec_input": jax.random.normal(k[1], (N_LIGAND, 3), dtype=jnp.float32),
        "pos_ligand": jax.random.uniform(k[2], (N_LIGAND, 3), dtype=jnp.float32) * BOX,
        "batch_ligand": jnp.zeros((N_LIGAND,), dtype=jnp.int32),
        "residue_repr": jax.random.normal(k[3], (N_RESIDUE, LATENT_DIM), dtype=jnp.float32),
        "pos_residue": jax.random.uniform(k[4], (N_RESIDUE, 3), dtype=jnp.float32) * BOX,
        "batch_residue": jnp.zeros((N_RESIDUE,), dtype=jnp.int32),
        "params": _init_params(k[5], LATENT_DIM),
    }


def _forward(ligand_repr, ligand_vec_input, pos_ligand, residue_repr, pos_residue, params, edge_res, edge_lig, edge_valid):
    frame = _frame(pos_residue)
    edge_diff = _norm(pos_ligand[edge_lig] - pos_residue[edge_res])
    N, D = ligand_repr.shape
    lig_vec = jnp.zeros((N, 3, D), dtype=jnp.float32)
    for lp in params["layers"]:
        he = ligand_repr[edge_lig] + residue_repr[edge_res]
        he = _lin(_silu(_lin(he, lp["W1"], lp["b1"])), lp["W2"], lp["b2"])
        h_eq = he[:, None, :] * edge_diff[:, :, None]            # [E,3,D]
        Fm = frame[edge_res]                                      # [E,3,3]
        h_sc = jnp.einsum('eid,eij->ejd', h_eq, Fm)               # [E,3,D] (sum over i)
        p = jnp.transpose(h_sc, (0, 2, 1))                        # [E,D,3]
        w1 = (_lin(_silu(_lin(p, lp["s1"]["A1"], lp["s1"]["a1"])), lp["s1"]["A2"], lp["s1"]["a2"]) + p[:, :, 0:1])[..., 0]
        w2 = (_lin(_silu(_lin(p, lp["s2"]["A1"], lp["s2"]["a1"])), lp["s2"]["A2"], lp["s2"]["a2"]) + p[:, :, 0:1])[..., 0]
        lv_e = lig_vec[edge_lig] * w1[:, None, :] + edge_diff[:, :, None] * w2[:, None, :]
        lv_e = jnp.where(edge_valid[:, None, None], lv_e, 0.0)
        d = jnp.zeros((N, 3, D), dtype=jnp.float32).at[edge_lig].add(lv_e)
        lig_vec = lig_vec + d
    fp = params["final"]
    out = _lin(_silu(_lin(lig_vec, fp["M1"], fp["m1"])), fp["M2"], fp["m2"])[..., 0]  # [N,3]
    return out + ligand_vec_input


def reference(ligand_repr, ligand_vec_input, pos_ligand, batch_ligand, residue_repr, pos_residue, batch_residue, params):
    edge_res, edge_lig, edge_valid = _radius(pos_ligand, pos_residue, CUTOFF, batch_ligand, batch_residue)
    return _forward(ligand_repr, ligand_vec_input, pos_ligand, residue_repr, pos_residue, params, edge_res, edge_lig, edge_valid)

if __name__ == "__main__":
    import jax
    _d = setup_inputs()
    print(jax.jit(kernel)(*tuple(_d.values())))

</pallas_src>

<mosaic_0001>
module attributes {stable_mosaic.version = 14 : i64} {
  func.func @_edge_mlp_body(%arg0: i32, %arg1: memref<1x1xi32, #tpu.memory_space<smem>>, %arg2: memref<256x128xf32, #tpu.memory_space<vmem>>, %arg3: memref<256x16xf32, #tpu.memory_space<vmem>>, %arg4: memref<128x128xf32, #tpu.memory_space<vmem>>, %arg5: memref<128x128xf32, #tpu.memory_space<vmem>>, %arg6: memref<16x128xf32, #tpu.memory_space<vmem>>, %arg7: memref<256x128xf32, #tpu.memory_space<vmem>>, %arg8: memref<256x128xf32, #tpu.memory_space<vmem>>) attributes {dimension_semantics = [#tpu.dimension_semantics<arbitrary>], iteration_bounds = array<i64: 1250>, scalar_prefetch = 0 : i64, scratch_operands = 0 : i64, tpu.core_type = #tpu.core_type<tc>, window_params = [{transform_indices = @transform_0, window_bounds = array<i64: 1, 1>}, {transform_indices = @transform_1, window_bounds = array<i64: 256, 128>}, {transform_indices = @transform_2, window_bounds = array<i64: 256, 16>}, {pipeline_mode = #tpu.pipeline_mode<synchronous>, transform_indices = @transform_3, window_bounds = array<i64: 128, 128>}, {pipeline_mode = #tpu.pipeline_mode<synchronous>, transform_indices = @transform_4, window_bounds = array<i64: 128, 128>}, {pipeline_mode = #tpu.pipeline_mode<synchronous>, transform_indices = @transform_5, window_bounds = array<i64: 16, 128>}, {transform_indices = @transform_6, window_bounds = array<i64: 256, 128>}, {transform_indices = @transform_7, window_bounds = array<i64: 256, 128>}]} {
    %mul3A = arith.constant 256 : i32
    %mul3A_0 = arith.muli %arg0, %mul3A : i32
    %get3A = arith.constant 0 : index
    %get3A_1 = arith.constant 0 : index
    %get3A_2 = memref.load %arg1[%get3A, %get3A_1] : memref<1x1xi32, #tpu.memory_space<smem>>
    %lt3A = arith.cmpi slt, %mul3A_0, %get3A_2 : i32
    %not3A = arith.constant true
    %not3A_3 = arith.xori %lt3A, %not3A : i1
    %convert_element_type3A = arith.extui %not3A_3 : i1 to i32
    %cond3A = arith.constant 0 : i32
    %cond3A_4 = arith.cmpi ne, %convert_element_type3A, %cond3A : i32
    scf.if %cond3A_4 {
      %broadcast_in_dim3A = arith.constant 0.000000e+00 : f32
      %broadcast_in_dim3A_8 = vector.broadcast %broadcast_in_dim3A : f32 to vector<256x128xf32>
      %swap3A = arith.constant 0 : index
      %swap3A_9 = arith.constant 0 : index
      %swap3A_10 = vector.load %arg7[%swap3A, %swap3A_9] : memref<256x128xf32, #tpu.memory_space<vmem>>, vector<256x128xf32>
      tpu.vector_store %arg7[%swap3A, %swap3A_9], %broadcast_in_dim3A_8 {strides = array<i32>} : memref<256x128xf32, #tpu.memory_space<vmem>>, vector<256x128xf32>,
      %broadcast_in_dim3A_11 = arith.constant 0.000000e+00 : f32
      %broadcast_in_dim3A_12 = vector.broadcast %broadcast_in_dim3A_11 : f32 to vector<256x128xf32>
      %swap3A_13 = arith.constant 0 : index
      %swap3A_14 = arith.constant 0 : index
      %swap3A_15 = vector.load %arg8[%swap3A_13, %swap3A_14] : memref<256x128xf32, #tpu.memory_space<vmem>>, vector<256x128xf32>
      tpu.vector_store %arg8[%swap3A_13, %swap3A_14], %broadcast_in_dim3A_12 {strides = array<i32>} : memref<256x128xf32, #tpu.memory_space<vmem>>, vector<256x128xf32>,
    } else {
    }
    %convert_element_type3A_5 = arith.extui %lt3A : i1 to i32
    %cond3A_6 = arith.constant 0 : i32
    %cond3A_7 = arith.cmpi ne, %convert_element_type3A_5, %cond3A_6 : i32
    scf.if %cond3A_7 {
      %get3A_8 = arith.constant 0 : index
      %get3A_9 = arith.constant 0 : index
      %get3A_10 = vector.load %arg2[%get3A_8, %get3A_9] : memref<256x128xf32, #tpu.memory_space<vmem>>, vector<256x128xf32>
      %get3A_11 = arith.constant 0 : index
      %get3A_12 = arith.constant 0 : index
      %get3A_13 = vector.load %arg3[%get3A_11, %get3A_12] : memref<256x16xf32, #tpu.memory_space<vmem>>, vector<256x16xf32>
      %get3A_14 = arith.constant 0 : index
      %get3A_15 = arith.constant 0 : index
      %get3A_16 = vector.load %arg6[%get3A_14, %get3A_15] : memref<16x128xf32, #tpu.memory_space<vmem>>, vector<16x128xf32>
      %slice3A = vector.extract_strided_slice %get3A_13 {offsets = [0, 9], sizes = [256, 1], strides = [1, 1]} : vector<256x16xf32> to vector<256x1xf32>
      %slice3A_17 = vector.extract_strided_slice %get3A_13 {offsets = [0, 10], sizes = [256, 1], strides = [1, 1]} : vector<256x16xf32> to vector<256x1xf32>
      %slice3A_18 = vector.extract_strided_slice %get3A_13 {offsets = [0, 11], sizes = [256, 1], strides = [1, 1]} : vector<256x16xf32> to vector<256x1xf32>
      %slice3A_19 = vector.extract_strided_slice %get3A_13 {offsets = [0, 12], sizes = [256, 1], strides = [1, 1]} : vector<256x16xf32> to vector<256x1xf32>
      %mul3A_20 = arith.mulf %slice3A, %slice3A : vector<256x1xf32>
      %mul3A_21 = arith.mulf %slice3A_17, %slice3A_17 : vector<256x1xf32>
      %add3A = arith.addf %mul3A_20, %mul3A_21 : vector<256x1xf32>
      %mul3A_22 = arith.mulf %slice3A_18, %slice3A_18 : vector<256x1xf32>
      %add3A_23 = arith.addf %add3A, %mul3A_22 : vector<256x1xf32>
      %sqrt3A = math.sqrt %add3A_23 : vector<256x1xf32>
      %max3A = arith.constant 9.99999996E-13 : f32
      %max3A_24 = vector.broadcast %max3A : f32 to vector<256x1xf32>
      %max3A_25 = arith.maximumf %sqrt3A, %max3A_24 : vector<256x1xf32>
      %div3A = arith.constant 1.000000e+00 : f32
      %div3A_26 = vector.broadcast %div3A : f32 to vector<256x1xf32>
      %div3A_27 = arith.divf %div3A_26, %max3A_25 : vector<256x1xf32>
      %mul3A_28 = arith.mulf %slice3A, %div3A_27 : vector<256x1xf32>
      %mul3A_29 = arith.mulf %slice3A_17, %div3A_27 : vector<256x1xf32>
      %mul3A_30 = arith.mulf %slice3A_18, %div3A_27 : vector<256x1xf32>
      %slice3A_31 = vector.extract_strided_slice %get3A_13 {offsets = [0, 0], sizes = [256, 1], strides = [1, 1]} : vector<256x16xf32> to vector<256x1xf32>
      %mul3A_32 = arith.mulf %mul3A_28, %slice3A_31 : vector<256x1xf32>
      %slice3A_33 = vector.extract_strided_slice %get3A_13 {offsets = [0, 3], sizes = [256, 1], strides = [1, 1]} : vector<256x16xf32> to vector<256x1xf32>
      %mul3A_34 = arith.mulf %mul3A_29, %slice3A_33 : vector<256x1xf32>
      %add3A_35 = arith.addf %mul3A_32, %mul3A_34 : vector<256x1xf32>
      %slice3A_36 = vector.extract_strided_slice %get3A_13 {offsets = [0, 6], sizes = [256, 1], strides = [1, 1]} : vector<256x16xf32> to vector<256x1xf32>
      %mul3A_37 = arith.mulf %mul3A_30, %slice3A_36 : vector<256x1xf32>
      %add3A_38 = arith.addf %add3A_35, %mul3A_37 : vector<256x1xf32>
      %slice3A_39 = vector.extract_strided_slice %get3A_13 {offsets = [0, 1], sizes = [256, 1], strides = [1, 1]} : vector<256x16xf32> to vector<256x1xf32>
      %mul3A_40 = arith.mulf %mul3A_28, %slice3A_39 : vector<256x1xf32>
      %slice3A_41 = vector.extract_strided_slice %get3A_13 {offsets = [0, 4], sizes = [256, 1], strides = [1, 1]} : vector<256x16xf32> to vector<256x1xf32>
      %mul3A_42 = arith.mulf %mul3A_29, %slice3A_41 : vector<256x1xf32>
      %add3A_43 = arith.addf %mul3A_40, %mul3A_42 : vector<256x1xf32>
      %slice3A_44 = vector.extract_strided_slice %get3A_13 {offsets = [0, 7], sizes = [256, 1], strides = [1, 1]} : vector<256x16xf32> to vector<256x1xf32>
      %mul3A_45 = arith.mulf %mul3A_30, %slice3A_44 : vector<256x1xf32>
      %add3A_46 = arith.addf %add3A_43, %mul3A_45 : vector<256x1xf32>
      %slice3A_47 = vector.extract_strided_slice %get3A_13 {offsets = [0, 2], sizes = [256, 1], strides = [1, 1]} : vector<256x16xf32> to vector<256x1xf32>
      %mul3A_48 = arith.mulf %mul3A_28, %slice3A_47 : vector<256x1xf32>
      %slice3A_49 = vector.extract_strided_slice %get3A_13 {offsets = [0, 5], sizes = [256, 1], strides = [1, 1]} : vector<256x16xf32> to vector<256x1xf32>
      %mul3A_50 = arith.mulf %mul3A_29, %slice3A_49 : vector<256x1xf32>
      %add3A_51 = arith.addf %mul3A_48, %mul3A_50 : vector<256x1xf32>
      %slice3A_52 = vector.extract_strided_slice %get3A_13 {offsets = [0, 8], sizes = [256, 1], strides = [1, 1]} : vector<256x16xf32> to vector<256x1xf32>
      %mul3A_53 = arith.mulf %mul3A_30, %slice3A_52 : vector<256x1xf32>
      %add3A_54 = arith.addf %add3A_51, %mul3A_53 : vector<256x1xf32>
      %get3A_55 = arith.constant 0 : index
      %get3A_56 = arith.constant 0 : index
      %get3A_57 = vector.load %arg4[%get3A_55, %get3A_56] : memref<128x128xf32, #tpu.memory_space<vmem>>, vector<128x128xf32>
      %dot_general3A = arith.constant dense<0.000000e+00> : vector<256x128xf32>
      %dot_general3A_58 = tpu.matmul %get3A_10, %get3A_57, %dot_general3A {dimension_numbers = #tpu.dot_dimension_numbers<[1], [0], [0], [1], [0, 0, 1, 1], [], []>, transpose_lhs_hint = false} : vector<256x128xf32>, vector<128x128xf32>, vector<256x128xf32> -> vector<256x128xf32>
      %slice3A_59 = vector.extract_strided_slice %get3A_16 {offsets = [0, 0], sizes = [1, 128], strides = [1, 1]} : vector<16x128xf32> to vector<1x128xf32>
      %add3A_60 = vector.broadcast %slice3A_59 : vector<1x128xf32> to vector<256x128xf32>
      %add3A_61 = arith.addf %dot_general3A_58, %add3A_60 : vector<256x128xf32>
      %logistic3A = arith.negf %add3A_61 : vector<256x128xf32>
      %logistic3A_62 = math.exp %logistic3A : vector<256x128xf32>
      %logistic3A_63 = arith.constant 1.000000e+00 : f32
      %logistic3A_64 = vector.broadcast %logistic3A_63 : f32 to vector<256x128xf32>
      %logistic3A_65 = arith.addf %logistic3A_64, %logistic3A_62 : vector<256x128xf32>
      %logistic3A_66 = arith.divf %logistic3A_64, %logistic3A_65 : vector<256x128xf32>
      %mul3A_67 = arith.mulf %add3A_61, %logistic3A_66 : vector<256x128xf32>
      %get3A_68 = arith.constant 0 : index
      %get3A_69 = arith.constant 0 : index
      %get3A_70 = vector.load %arg5[%get3A_68, %get3A_69] : memref<128x128xf32, #tpu.memory_space<vmem>>, vector<128x128xf32>
      %dot_general3A_71 = arith.constant dense<0.000000e+00> : vector<256x128xf32>
      %dot_general3A_72 = tpu.matmul %mul3A_67, %get3A_70, %dot_general3A_71 {dimension_numbers = #tpu.dot_dimension_numbers<[1], [0], [0], [1], [0, 0, 1, 1], [], []>, transpose_lhs_hint = false} : vector<256x128xf32>, vector<128x128xf32>, vector<256x128xf32> -> vector<256x128xf32>
      %slice3A_73 = vector.extract_strided_slice %get3A_16 {offsets = [1, 0], sizes = [1, 128], strides = [1, 1]} : vector<16x128xf32> to vector<1x128xf32>
      %add3A_74 = vector.broadcast %slice3A_73 : vector<1x128xf32> to vector<256x128xf32>
      %add3A_75 = arith.addf %dot_general3A_72, %add3A_74 : vector<256x128xf32>
      %slice3A_76 = vector.extract_strided_slice %get3A_16 {offsets = [2, 0], sizes = [1, 32], strides = [1, 1]} : vector<16x128xf32> to vector<1x32xf32>
      %mul3A_77 = vector.broadcast %add3A_38 : vector<256x1xf32> to vector<256x32xf32>
      %mul3A_78 = vector.broadcast %slice3A_76 : vector<1x32xf32> to vector<256x32xf32>
      %mul3A_79 = arith.mulf %mul3A_77, %mul3A_78 : vector<256x32xf32>
      %slice3A_80 = vector.extract_strided_slice %get3A_16 {offsets = [3, 0], sizes = [1, 32], strides = [1, 1]} : vector<16x128xf32> to vector<1x32xf32>
      %mul3A_81 = vector.broadcast %add3A_46 : vector<256x1xf32> to vector<256x32xf32>
      %mul3A_82 = vector.broadcast %slice3A_80 : vector<1x32xf32> to vector<256x32xf32>
      %mul3A_83 = arith.mulf %mul3A_81, %mul3A_82 : vector<256x32xf32>
      %add3A_84 = arith.addf %mul3A_79, %mul3A_83 : vector<256x32xf32>
      %slice3A_85 = vector.extract_strided_slice %get3A_16 {offsets = [4, 0], sizes = [1, 32], strides = [1, 1]} : vector<16x128xf32> to vector<1x32xf32>
      %mul3A_86 = vector.broadcast %add3A_54 : vector<256x1xf32> to vector<256x32xf32>
      %mul3A_87 = vector.broadcast %slice3A_85 : vector<1x32xf32> to vector<256x32xf32>
      %mul3A_88 = arith.mulf %mul3A_86, %mul3A_87 : vector<256x32xf32>
      %add3A_89 = arith.addf %add3A_84, %mul3A_88 : vector<256x32xf32>
      %slice3A_90 = vector.extract_strided_slice %get3A_16 {offsets = [5, 0], sizes = [1, 32], strides = [1, 1]} : vector<16x128xf32> to vector<1x32xf32>
      %slice3A_91 = vector.extract_strided_slice %get3A_16 {offsets = [6, 0], sizes = [1, 32], strides = [1, 1]} : vector<16x128xf32> to vector<1x32xf32>
      %slice3A_92 = vector.extract_strided_slice %get3A_16 {offsets = [7, 0], sizes = [1, 1], strides = [1, 1]} : vector<16x128xf32> to vector<1x1xf32>
      %broadcast_in_dim3A = arith.constant 0.000000e+00 : f32
      %broadcast_in_dim3A_93 = vector.broadcast %broadcast_in_dim3A : f32 to vector<256x128xf32>
      %broadcast_in_dim3A_94 = arith.constant 0.000000e+00 : f32
      %broadcast_in_dim3A_95 = vector.broadcast %broadcast_in_dim3A_94 : f32 to vector<256x128xf32>
      %broadcast_in_dim3A_96 = arith.constant 0.000000e+00 : f32
      %broadcast_in_dim3A_97 = vector.broadcast %broadcast_in_dim3A_96 : f32 to vector<256x128xf32>
      %broadcast_in_dim3A_98 = arith.constant 0.000000e+00 : f32
      %broadcast_in_dim3A_99 = vector.broadcast %broadcast_in_dim3A_98 : f32 to vector<256x128xf32>
      %slice3A_100 = vector.extract_strided_slice %add3A_89 {offsets = [0, 0], sizes = [256, 1], strides = [1, 1]} : vector<256x32xf32> to vector<256x1xf32>
      %mul3A_101 = vector.broadcast %slice3A_100 : vector<256x1xf32> to vector<256x128xf32>
      %mul3A_102 = arith.mulf %add3A_75, %mul3A_101 : vector<256x128xf32>
      %slice3A_103 = vector.extract_strided_slice %slice3A_90 {offsets = [0, 0], sizes = [1, 1], strides = [1, 1]} : vector<1x32xf32> to vector<1x1xf32>
      %add3A_104 = vector.broadcast %slice3A_103 : vector<1x1xf32> to vector<256x128xf32>
      %add3A_105 = arith.addf %mul3A_102, %add3A_104 : vector<256x128xf32>
      %mul3A_106 = arith.constant 5.000000e-01 : f32
      %mul3A_107 = vector.broadcast %mul3A_106 : f32 to vector<256x128xf32>
      %mul3A_108 = arith.mulf %mul3A_107, %add3A_105 : vector<256x128xf32>
      %tanh3A = math.tanh %mul3A_108 : vector<256x128xf32>
      %mul3A_109 = arith.mulf %mul3A_108, %tanh3A : vector<256x128xf32>
      %add3A_110 = arith.addf %mul3A_108, %mul3A_109 : vector<256x128xf32>
      %slice3A_111 = vector.extract_strided_slice %slice3A_91 {offsets = [0, 0], sizes = [1, 1], strides = [1, 1]} : vector<1x32xf32> to vector<1x1xf32>
      %mul3A_112 = vector.broadcast %slice3A_111 : vector<1x1xf32> to vector<256x128xf32>
      %mul3A_113 = arith.mulf %add3A_110, %mul3A_112 : vector<256x128xf32>
      %add3A_114 = arith.addf %broadcast_in_dim3A_93, %mul3A_113 : vector<256x128xf32>
      %slice3A_115 = vector.extract_strided_slice %add3A_89 {offsets = [0, 1], sizes = [256, 1], strides = [1, 1]} : vector<256x32xf32> to vector<256x1xf32>
      %mul3A_116 = vector.broadcast %slice3A_115 : vector<256x1xf32> to vector<256x128xf32>
      %mul3A_117 = arith.mulf %add3A_75, %mul3A_116 : vector<256x128xf32>
      %slice3A_118 = vector.extract_strided_slice %slice3A_90 {offsets = [0, 1], sizes = [1, 1], strides = [1, 1]} : vector<1x32xf32> to vector<1x1xf32>
      %add3A_119 = vector.broadcast %slice3A_118 : vector<1x1xf32> to vector<256x128xf32>
      %add3A_120 = arith.addf %mul3A_117, %add3A_119 : vector<256x128xf32>
      %mul3A_121 = arith.constant 5.000000e-01 : f32
      %mul3A_122 = vector.broadcast %mul3A_121 : f32 to vector<256x128xf32>
      %mul3A_123 = arith.mulf %mul3A_122, %add3A_120 : vector<256x128xf32>
      %tanh3A_124 = math.tanh %mul3A_123 : vector<256x128xf32>
      %mul3A_125 = arith.mulf %mul3A_123, %tanh3A_124 : vector<256x128xf32>
      %add3A_126 = arith.addf %mul3A_123, %mul3A_125 : vector<256x128xf32>
      %slice3A_127 = vector.extract_strided_slice %slice3A_91 {offsets = [0, 1], sizes = [1, 1], strides = [1, 1]} : vector<1x32xf32> to vector<1x1xf32>
      %mul3A_128 = vector.broadcast %slice3A_127 : vector<1x1xf32> to vector<256x128xf32>
      %mul3A_129 = arith.mulf %add3A_126, %mul3A_128 : vector<256x128xf32>
      %add3A_130 = arith.addf %broadcast_in_dim3A_95, %mul3A_129 : vector<256x128xf32>
      %slice3A_131 = vector.extract_strided_slice %add3A_89 {offsets = [0, 2], sizes = [256, 1], strides = [1, 1]} : vector<256x32xf32> to vector<256x1xf32>
      %mul3A_132 = vector.broadcast %slice3A_131 : vector<256x1xf32> to vector<256x128xf32>
      %mul3A_133 = arith.mulf %add3A_75, %mul3A_132 : vector<256x128xf32>
      %slice3A_134 = vector.extract_strided_slice %slice3A_90 {offsets = [0, 2], sizes = [1, 1], strides = [1, 1]} : vector<1x32xf32> to vector<1x1xf32>
      %add3A_135 = vector.broadcast %slice3A_134 : vector<1x1xf32> to vector<256x128xf32>
      %add3A_136 = arith.addf %mul3A_133, %add3A_135 : vector<256x128xf32>
      %mul3A_137 = arith.constant 5.000000e-01 : f32
      %mul3A_138 = vector.broadcast %mul3A_137 : f32 to vector<256x128xf32>
      %mul3A_139 = arith.mulf %mul3A_138, %add3A_136 : vector<256x128xf32>
      %tanh3A_140 = math.tanh %mul3A_139 : vector<256x128xf32>
      %mul3A_141 = arith.mulf %mul3A_139, %tanh3A_140 : vector<256x128xf32>
      %add3A_142 = arith.addf %mul3A_139, %mul3A_141 : vector<256x128xf32>
      %slice3A_143 = vector.extract_strided_slice %slice3A_91 {offsets = [0, 2], sizes = [1, 1], strides = [1, 1]} : vector<1x32xf32> to vector<1x1xf32>
      %mul3A_144 = vector.broadcast %slice3A_143 : vector<1x1xf32> to vector<256x128xf32>
      %mul3A_145 = arith.mulf %add3A_142, %mul3A_144 : vector<256x128xf32>
      %add3A_146 = arith.addf %broadcast_in_dim3A_97, %mul3A_145 : vector<256x128xf32>
      %slice3A_147 = vector.extract_strided_slice %add3A_89 {offsets = [0, 3], sizes = [256, 1], strides = [1, 1]} : vector<256x32xf32> to vector<256x1xf32>
      %mul3A_148 = vector.broadcast %slice3A_147 : vector<256x1xf32> to vector<256x128xf32>
      %mul3A_149 = arith.mulf %add3A_75, %mul3A_148 : vector<256x128xf32>
      %slice3A_150 = vector.extract_strided_slice %slice3A_90 {offsets = [0, 3], sizes = [1, 1], strides = [1, 1]} : vector<1x32xf32> to vector<1x1xf32>
      %add3A_151 = vector.broadcast %slice3A_150 : vector<1x1xf32> to vector<256x128xf32>
      %add3A_152 = arith.addf %mul3A_149, %add3A_151 : vector<256x128xf32>
      %mul3A_153 = arith.constant 5.000000e-01 : f32
      %mul3A_154 = vector.broadcast %mul3A_153 : f32 to vector<256x128xf32>
      %mul3A_155 = arith.mulf %mul3A_154, %add3A_152 : vector<256x128xf32>
      %tanh3A_156 = math.tanh %mul3A_155 : vector<256x128xf32>
      %mul3A_157 = arith.mulf %mul3A_155, %tanh3A_156 : vector<256x128xf32>
      %add3A_158 = arith.addf %mul3A_155, %mul3A_157 : vector<256x128xf32>
      %slice3A_159 = vector.extract_strided_slice %slice3A_91 {offsets = [0, 3], sizes = [1, 1], strides = [1, 1]} : vector<1x32xf32> to vector<1x1xf32>
      %mul3A_160 = vector.broadcast %slice3A_159 : vector<1x1xf32> to vector<256x128xf32>
      %mul3A_161 = arith.mulf %add3A_158, %mul3A_160 : vector<256x128xf32>
      %add3A_162 = arith.addf %broadcast_in_dim3A_99, %mul3A_161 : vector<256x128xf32>
      %slice3A_163 = vector.extract_strided_slice %add3A_89 {offsets = [0, 4], sizes = [256, 1], strides = [1, 1]} : vector<256x32xf32> to vector<256x1xf32>
      %mul3A_164 = vector.broadcast %slice3A_163 : vector<256x1xf32> to vector<256x128xf32>
      %mul3A_165 = arith.mulf %add3A_75, %mul3A_164 : vector<256x128xf32>
      %slice3A_166 = vector.extract_strided_slice %slice3A_90 {offsets = [0, 4], sizes = [1, 1], strides = [1, 1]} : vector<1x32xf32> to vector<1x1xf32>
      %add3A_167 = vector.broadcast %slice3A_166 : vector<1x1xf32> to vector<256x128xf32>
      %add3A_168 = arith.addf %mul3A_165, %add3A_167 : vector<256x128xf32>
      %mul3A_169 = arith.constant 5.000000e-01 : f32
      %mul3A_170 = vector.broadcast %mul3A_169 : f32 to vector<256x128xf32>
      %mul3A_171 = arith.mulf %mul3A_170, %add3A_168 : vector<256x128xf32>
      %tanh3A_172 = math.tanh %mul3A_171 : vector<256x128xf32>
      %mul3A_173 = arith.mulf %mul3A_171, %tanh3A_172 : vector<256x128xf32>
      %add3A_174 = arith.addf %mul3A_171, %mul3A_173 : vector<256x128xf32>
      %slice3A_175 = vector.extract_strided_slice %slice3A_91 {offsets = [0, 4], sizes = [1, 1], strides = [1, 1]} : vector<1x32xf32> to vector<1x1xf32>
      %mul3A_176 = vector.broadcast %slice3A_175 : vector<1x1xf32> to vector<256x128xf32>
      %mul3A_177 = arith.mulf %add3A_174, %mul3A_176 : vector<256x128xf32>
      %add3A_178 = arith.addf %add3A_114, %mul3A_177 : vector<256x128xf32>
      %slice3A_179 = vector.extract_strided_slice %add3A_89 {offsets = [0, 5], sizes = [256, 1], strides = [1, 1]} : vector<256x32xf32> to vector<256x1xf32>
      %mul3A_180 = vector.broadcast %slice3A_179 : vector<256x1xf32> to vector<256x128xf32>
      %mul3A_181 = arith.mulf %add3A_75, %mul3A_180 : vector<256x128xf32>
      %slice3A_182 = vector.extract_strided_slice %slice3A_90 {offsets = [0, 5], sizes = [1, 1], strides = [1, 1]} : vector<1x32xf32> to vector<1x1xf32>
      %add3A_183 = vector.broadcast %slice3A_182 : vector<1x1xf32> to vector<256x128xf32>
      %add3A_184 = arith.addf %mul3A_181, %add3A_183 : vector<256x128xf32>
      %mul3A_185 = arith.constant 5.000000e-01 : f32
      %mul3A_186 = vector.broadcast %mul3A_185 : f32 to vector<256x128xf32>
      %mul3A_187 = arith.mulf %mul3A_186, %add3A_184 : vector<256x128xf32>
      %tanh3A_188 = math.tanh %mul3A_187 : vector<256x128xf32>
      %mul3A_189 = arith.mulf %mul3A_187, %tanh3A_188 : vector<256x128xf32>
      %add3A_190 = arith.addf %mul3A_187, %mul3A_189 : vector<256x128xf32>
      %slice3A_191 = vector.extract_strided_slice %slice3A_91 {offsets = [0, 5], sizes = [1, 1], strides = [1, 1]} : vector<1x32xf32> to vector<1x1xf32>
      %mul3A_192 = vector.broadcast %slice3A_191 : vector<1x1xf32> to vector<256x128xf32>
      %mul3A_193 = arith.mulf %add3A_190, %mul3A_192 : vector<256x128xf32>
      %add3A_194 = arith.addf %add3A_130, %mul3A_193 : vector<256x128xf32>
      %slice3A_195 = vector.extract_strided_slice %add3A_89 {offsets = [0, 6], sizes = [256, 1], strides = [1, 1]} : vector<256x32xf32> to vector<256x1xf32>
      %mul3A_196 = vector.broadcast %slice3A_195 : vector<256x1xf32> to vector<256x128xf32>
      %mul3A_197 = arith.mulf %add3A_75, %mul3A_196 : vector<256x128xf32>
      %slice3A_198 = vector.extract_strided_slice %slice3A_90 {offsets = [0, 6], sizes = [1, 1], strides = [1, 1]} : vector<1x32xf32> to vector<1x1xf32>
      %add3A_199 = vector.broadcast %slice3A_198 : vector<1x1xf32> to vector<256x128xf32>
      %add3A_200 = arith.addf %mul3A_197, %add3A_199 : vector<256x128xf32>
      %mul3A_201 = arith.constant 5.000000e-01 : f32
      %mul3A_202 = vector.broadcast %mul3A_201 : f32 to vector<256x128xf32>
      %mul3A_203 = arith.mulf %mul3A_202, %add3A_200 : vector<256x128xf32>
      %tanh3A_204 = math.tanh %mul3A_203 : vector<256x128xf32>
      %mul3A_205 = arith.mulf %mul3A_203, %tanh3A_204 : vector<256x128xf32>
      %add3A_206 = arith.addf %mul3A_203, %mul3A_205 : vector<256x128xf32>
      %slice3A_207 = vector.extract_strided_slice %slice3A_91 {offsets = [0, 6], sizes = [1, 1], strides = [1, 1]} : vector<1x32xf32> to vector<1x1xf32>
      %mul3A_208 = vector.broadcast %slice3A_207 : vector<1x1xf32> to vector<256x128xf32>
      %mul3A_209 = arith.mulf %add3A_206, %mul3A_208 : vector<256x128xf32>
      %add3A_210 = arith.addf %add3A_146, %mul3A_209 : vector<256x128xf32>
      %slice3A_211 = vector.extract_strided_slice %add3A_89 {offsets = [0, 7], sizes = [256, 1], strides = [1, 1]} : vector<256x32xf32> to vector<256x1xf32>
      %mul3A_212 = vector.broadcast %slice3A_211 : vector<256x1xf32> to vector<256x128xf32>
      %mul3A_213 = arith.mulf %add3A_75, %mul3A_212 : vector<256x128xf32>
      %slice3A_214 = vector.extract_strided_slice %slice3A_90 {offsets = [0, 7], sizes = [1, 1], strides = [1, 1]} : vector<1x32xf32> to vector<1x1xf32>
      %add3A_215 = vector.broadcast %slice3A_214 : vector<1x1xf32> to vector<256x128xf32>
      %add3A_216 = arith.addf %mul3A_213, %add3A_215 : vector<256x128xf32>
      %mul3A_217 = arith.constant 5.000000e-01 : f32
      %mul3A_218 = vector.broadcast %mul3A_217 : f32 to vector<256x128xf32>
      %mul3A_219 = arith.mulf %mul3A_218, %add3A_216 : vector<256x128xf32>
      %tanh3A_220 = math.tanh %mul3A_219 : vector<256x128xf32>
      %mul3A_221 = arith.mulf %mul3A_219, %tanh3A_220 : vector<256x128xf32>
      %add3A_222 = arith.addf %mul3A_219, %mul3A_221 : vector<256x128xf32>
      %slice3A_223 = vector.extract_strided_slice %slice3A_91 {offsets = [0, 7], sizes = [1, 1], strides = [1, 1]} : vector<1x32xf32> to vector<1x1xf32>
      %mul3A_224 = vector.broadcast %slice3A_223 : vector<1x1xf32> to vector<256x128xf32>
      %mul3A_225 = arith.mulf %add3A_222, %mul3A_224 : vector<256x128xf32>
      %add3A_226 = arith.addf %add3A_162, %mul3A_225 : vector<256x128xf32>
      %slice3A_227 = vector.extract_strided_slice %add3A_89 {offsets = [0, 8], sizes = [256, 1], strides = [1, 1]} : vector<256x32xf32> to vector<256x1xf32>
      %mul3A_228 = vector.broadcast %slice3A_227 : vector<256x1xf32> to vector<256x128xf32>
      %mul3A_229 = arith.mulf %add3A_75, %mul3A_228 : vector<256x128xf32>
      %slice3A_230 = vector.extract_strided_slice %slice3A_90 {offsets = [0, 8], sizes = [1, 1], strides = [1, 1]} : vector<1x32xf32> to vector<1x1xf32>
      %add3A_231 = vector.broadcast %slice3A_230 : vector<1x1xf32> to vector<256x128xf32>
      %add3A_232 = arith.addf %mul3A_229, %add3A_231 : vector<256x128xf32>
      %mul3A_233 = arith.constant 5.000000e-01 : f32
      %mul3A_234 = vector.broadcast %mul3A_233 : f32 to vector<256x128xf32>
      %mul3A_235 = arith.mulf %mul3A_234, %add3A_232 : vector<256x128xf32>
      %tanh3A_236 = math.tanh %mul3A_235 : vector<256x128xf32>
      %mul3A_237 = arith.mulf %mul3A_235, %tanh3A_236 : vector<256x128xf32>
      %add3A_238 = arith.addf %mul3A_235, %mul3A_237 : vector<256x128xf32>
      %slice3A_239 = vector.extract_strided_slice %slice3A_91 {offsets = [0, 8], sizes = [1, 1], strides = [1, 1]} : vector<1x32xf32> to vector<1x1xf32>
      %mul3A_240 = vector.broadcast %slice3A_239 : vector<1x1xf32> to vector<256x128xf32>
      %mul3A_241 = arith.mulf %add3A_238, %mul3A_240 : vector<256x128xf32>
      %add3A_242 = arith.addf %add3A_178, %mul3A_241 : vector<256x128xf32>
      %slice3A_243 = vector.extract_strided_slice %add3A_89 {offsets = [0, 9], sizes = [256, 1], strides = [1, 1]} : vector<256x32xf32> to vector<256x1xf32>
      %mul3A_244 = vector.broadcast %slice3A_243 : vector<256x1xf32> to vector<256x128xf32>
      %mul3A_245 = arith.mulf %add3A_75, %mul3A_244 : vector<256x128xf32>
      %slice3A_246 = vector.extract_strided_slice %slice3A_90 {offsets = [0, 9], sizes = [1, 1], strides = [1, 1]} : vector<1x32xf32> to vector<1x1xf32>
      %add3A_247 = vector.broadcast %slice3A_246 : vector<1x1xf32> to vector<256x128xf32>
      %add3A_248 = arith.addf %mul3A_245, %add3A_247 : vector<256x128xf32>
      %mul3A_249 = arith.constant 5.000000e-01 : f32
      %mul3A_250 = vector.broadcast %mul3A_249 : f32 to vector<256x128xf32>
      %mul3A_251 = arith.mulf %mul3A_250, %add3A_248 : vector<256x128xf32>
      %tanh3A_252 = math.tanh %mul3A_251 : vector<256x128xf32>
      %mul3A_253 = arith.mulf %mul3A_251, %tanh3A_252 : vector<256x128xf32>
      %add3A_254 = arith.addf %mul3A_251, %mul3A_253 : vector<256x128xf32>
      %slice3A_255 = vector.extract_strided_slice %slice3A_91 {offsets = [0, 9], sizes = [1, 1], strides = [1, 1]} : vector<1x32xf32> to vector<1x1xf32>
      %mul3A_256 = vector.broadcast %slice3A_255 : vector<1x1xf32> to vector<256x128xf32>
      %mul3A_257 = arith.mulf %add3A_254, %mul3A_256 : vector<256x128xf32>
      %add3A_258 = arith.addf %add3A_194, %mul3A_257 : vector<256x128xf32>
      %slice3A_259 = vector.extract_strided_slice %add3A_89 {offsets = [0, 10], sizes = [256, 1], strides = [1, 1]} : vector<256x32xf32> to vector<256x1xf32>
      %mul3A_260 = vector.broadcast %slice3A_259 : vector<256x1xf32> to vector<256x128xf32>
      %mul3A_261 = arith.mulf %add3A_75, %mul3A_260 : vector<256x128xf32>
      %slice3A_262 = vector.extract_strided_slice %slice3A_90 {offsets = [0, 10], sizes = [1, 1], strides = [1, 1]} : vector<1x32xf32> to vector<1x1xf32>
      %add3A_263 = vector.broadcast %slice3A_262 : vector<1x1xf32> to vector<256x128xf32>
      %add3A_264 = arith.addf %mul3A_261, %add3A_263 : vector<256x128xf32>
      %mul3A_265 = arith.constant 5.000000e-01 : f32
      %mul3A_266 = vector.broadcast %mul3A_265 : f32 to vector<256x128xf32>
      %mul3A_267 = arith.mulf %mul3A_266, %add3A_264 : vector<256x128xf32>
      %tanh3A_268 = math.tanh %mul3A_267 : vector<256x128xf32>
      %mul3A_269 = arith.mulf %mul3A_267, %tanh3A_268 : vector<256x128xf32>
      %add3A_270 = arith.addf %mul3A_267, %mul3A_269 : vector<256x128xf32>
      %slice3A_271 = vector.extract_strided_slice %slice3A_91 {offsets = [0, 10], sizes = [1, 1], strides = [1, 1]} : vector<1x32xf32> to vector<1x1xf32>
      %mul3A_272 = vector.broadcast %slice3A_271 : vector<1x1xf32> to vector<256x128xf32>
      %mul3A_273 = arith.mulf %add3A_270, %mul3A_272 : vector<256x128xf32>
      %add3A_274 = arith.addf %add3A_210, %mul3A_273 : vector<256x128xf32>
      %slice3A_275 = vector.extract_strided_slice %add3A_89 {offsets = [0, 11], sizes = [256, 1], strides = [1, 1]} : vector<256x32xf32> to vector<256x1xf32>
      %mul3A_276 = vector.broadcast %slice3A_275 : vector<256x1xf32> to vector<256x128xf32>
      %mul3A_277 = arith.mulf %add3A_75, %mul3A_276 : vector<256x128xf32>
      %slice3A_278 = vector.extract_strided_slice %slice3A_90 {offsets = [0, 11], sizes = [1, 1], strides = [1, 1]} : vector<1x32xf32> to vector<1x1xf32>
      %add3A_279 = vector.broadcast %slice3A_278 : vector<1x1xf32> to vector<256x128xf32>
      %add3A_280 = arith.addf %mul3A_277, %add3A_279 : vector<256x128xf32>
      %mul3A_281 = arith.constant 5.000000e-01 : f32
      %mul3A_282 = vector.broadcast %mul3A_281 : f32 to vector<256x128xf32>
      %mul3A_283 = arith.mulf %mul3A_282, %add3A_280 : vector<256x128xf32>
      %tanh3A_284 = math.tanh %mul3A_283 : vector<256x128xf32>
      %mul3A_285 = arith.mulf %mul3A_283, %tanh3A_284 : vector<256x128xf32>
      %add3A_286 = arith.addf %mul3A_283, %mul3A_285 : vector<256x128xf32>
      %slice3A_287 = vector.extract_strided_slice %slice3A_91 {offsets = [0, 11], sizes = [1, 1], strides = [1, 1]} : vector<1x32xf32> to vector<1x1xf32>
      %mul3A_288 = vector.broadcast %slice3A_287 : vector<1x1xf32> to vector<256x128xf32>
      %mul3A_289 = arith.mulf %add3A_286, %mul3A_288 : vector<256x128xf32>
      %add3A_290 = arith.addf %add3A_226, %mul3A_289 : vector<256x128xf32>
      %slice3A_291 = vector.extract_strided_slice %add3A_89 {offsets = [0, 12], sizes = [256, 1], strides = [1, 1]} : vector<256x32xf32> to vector<256x1xf32>
      %mul3A_292 = vector.broadcast %slice3A_291 : vector<256x1xf32> to vector<256x128xf32>
      %mul3A_293 = arith.mulf %add3A_75, %mul3A_292 : vector<256x128xf32>
      %slice3A_294 = vector.extract_strided_slice %slice3A_90 {offsets = [0, 12], sizes = [1, 1], strides = [1, 1]} : vector<1x32xf32> to vector<1x1xf32>
      %add3A_295 = vector.broadcast %slice3A_294 : vector<1x1xf32> to vector<256x128xf32>
      %add3A_296 = arith.addf %mul3A_293, %add3A_295 : vector<256x128xf32>
      %mul3A_297 = arith.constant 5.000000e-01 : f32
      %mul3A_298 = vector.broadcast %mul3A_297 : f32 to vector<256x128xf32>
      %mul3A_299 = arith.mulf %mul3A_298, %add3A_296 : vector<256x128xf32>
      %tanh3A_300 = math.tanh %mul3A_299 : vector<256x128xf32>
      %mul3A_301 = arith.mulf %mul3A_299, %tanh3A_300 : vector<256x128xf32>
      %add3A_302 = arith.addf %mul3A_299, %mul3A_301 : vector<256x128xf32>
      %slice3A_303 = vector.extract_strided_slice %slice3A_91 {offsets = [0, 12], sizes = [1, 1], strides = [1, 1]} : vector<1x32xf32> to vector<1x1xf32>
      %mul3A_304 = vector.broadcast %slice3A_303 : vector<1x1xf32> to vector<256x128xf32>
      %mul3A_305 = arith.mulf %add3A_302, %mul3A_304 : vector<256x128xf32>
      %add3A_306 = arith.addf %add3A_242, %mul3A_305 : vector<256x128xf32>
      %slice3A_307 = vector.extract_strided_slice %add3A_89 {offsets = [0, 13], sizes = [256, 1], strides = [1, 1]} : vector<256x32xf32> to vector<256x1xf32>
      %mul3A_308 = vector.broadcast %slice3A_307 : vector<256x1xf32> to vector<256x128xf32>
      %mul3A_309 = arith.mulf %add3A_75, %mul3A_308 : vector<256x128xf32>
      %slice3A_310 = vector.extract_strided_slice %slice3A_90 {offsets = [0, 13], sizes = [1, 1], strides = [1, 1]} : vector<1x32xf32> to vector<1x1xf32>
      %add3A_311 = vector.broadcast %slice3A_310 : vector<1x1xf32> to vector<256x128xf32>
      %add3A_312 = arith.addf %mul3A_309, %add3A_311 : vector<256x128xf32>
      %mul3A_313 = arith.constant 5.000000e-01 : f32
      %mul3A_314 = vector.broadcast %mul3A_313 : f32 to vector<256x128xf32>
      %mul3A_315 = arith.mulf %mul3A_314, %add3A_312 : vector<256x128xf32>
      %tanh3A_316 = math.tanh %mul3A_315 : vector<256x128xf32>
      %mul3A_317 = arith.mulf %mul3A_315, %tanh3A_316 : vector<256x128xf32>
      %add3A_318 = arith.addf %mul3A_315, %mul3A_317 : vector<256x128xf32>
      %slice3A_319 = vector.extract_strided_slice %slice3A_91 {offsets = [0, 13], sizes = [1, 1], strides = [1, 1]} : vector<1x32xf32> to vector<1x1xf32>
      %mul3A_320 = vector.broadcast %slice3A_319 : vector<1x1xf32> to vector<256x128xf32>
      %mul3A_321 = arith.mulf %add3A_318, %mul3A_320 : vector<256x128xf32>
      %add3A_322 = arith.addf %add3A_258, %mul3A_321 : vector<256x128xf32>
      %slice3A_323 = vector.extract_strided_slice %add3A_89 {offsets = [0, 14], sizes = [256, 1], strides = [1, 1]} : vector<256x32xf32> to vector<256x1xf32>
      %mul3A_324 = vector.broadcast %slice3A_323 : vector<256x1xf32> to vector<256x128xf32>
      %mul3A_325 = arith.mulf %add3A_75, %mul3A_324 : vector<256x128xf32>
      %slice3A_326 = vector.extract_strided_slice %slice3A_90 {offsets = [0, 14], sizes = [1, 1], strides = [1, 1]} : vector<1x32xf32> to vector<1x1xf32>
      %add3A_327 = vector.broadcast %slice3A_326 : vector<1x1xf32> to vector<256x128xf32>
      %add3A_328 = arith.addf %mul3A_325, %add3A_327 : vector<256x128xf32>
      %mul3A_329 = arith.constant 5.000000e-01 : f32
      %mul3A_330 = vector.broadcast %mul3A_329 : f32 to vector<256x128xf32>
      %mul3A_331 = arith.mulf %mul3A_330, %add3A_328 : vector<256x128xf32>
      %tanh3A_332 = math.tanh %mul3A_331 : vector<256x128xf32>
      %mul3A_333 = arith.mulf %mul3A_331, %tanh3A_332 : vector<256x128xf32>
      %add3A_334 = arith.addf %mul3A_331, %mul3A_333 : vector<256x128xf32>
      %slice3A_335 = vector.extract_strided_slice %slice3A_91 {offsets = [0, 14], sizes = [1, 1], strides = [1, 1]} : vector<1x32xf32> to vector<1x1xf32>
      %mul3A_336 = vector.broadcast %slice3A_335 : vector<1x1xf32> to vector<256x128xf32>
      %mul3A_337 = arith.mulf %add3A_334, %mul3A_336 : vector<256x128xf32>
      %add3A_338 = arith.addf %add3A_274, %mul3A_337 : vector<256x128xf32>
      %slice3A_339 = vector.extract_strided_slice %add3A_89 {offsets = [0, 15], sizes = [256, 1], strides = [1, 1]} : vector<256x32xf32> to vector<256x1xf32>
      %mul3A_340 = vector.broadcast %slice3A_339 : vector<256x1xf32> to vector<256x128xf32>
      %mul3A_341 = arith.mulf %add3A_75, %mul3A_340 : vector<256x128xf32>
      %slice3A_342 = vector.extract_strided_slice %slice3A_90 {offsets = [0, 15], sizes = [1, 1], strides = [1, 1]} : vector<1x32xf32> to vector<1x1xf32>
      %add3A_343 = vector.broadcast %slice3A_342 : vector<1x1xf32> to vector<256x128xf32>
      %add3A_344 = arith.addf %mul3A_341, %add3A_343 : vector<256x128xf32>
      %mul3A_345 = arith.constant 5.000000e-01 : f32
      %mul3A_346 = vector.broadcast %mul3A_345 : f32 to vector<256x128xf32>
      %mul3A_347 = arith.mulf %mul3A_346, %add3A_344 : vector<256x128xf32>
      %tanh3A_348 = math.tanh %mul3A_347 : vector<256x128xf32>
      %mul3A_349 = arith.mulf %mul3A_347, %tanh3A_348 : vector<256x128xf32>
      %add3A_350 = arith.addf %mul3A_347, %mul3A_349 : vector<256x128xf32>
      %slice3A_351 = vector.extract_strided_slice %slice3A_91 {offsets = [0, 15], sizes = [1, 1], strides = [1, 1]} : vector<1x32xf32> to vector<1x1xf32>
      %mul3A_352 = vector.broadcast %slice3A_351 : vector<1x1xf32> to vector<256x128xf32>
      %mul3A_353 = arith.mulf %add3A_350, %mul3A_352 : vector<256x128xf32>
      %add3A_354 = arith.addf %add3A_290, %mul3A_353 : vector<256x128xf32>
      %slice3A_355 = vector.extract_strided_slice %add3A_89 {offsets = [0, 16], sizes = [256, 1], strides = [1, 1]} : vector<256x32xf32> to vector<256x1xf32>
      %mul3A_356 = vector.broadcast %slice3A_355 : vector<256x1xf32> to vector<256x128xf32>
      %mul3A_357 = arith.mulf %add3A_75, %mul3A_356 : vector<256x128xf32>
      %slice3A_358 = vector.extract_strided_slice %slice3A_90 {offsets = [0, 16], sizes = [1, 1], strides = [1, 1]} : vector<1x32xf32> to vector<1x1xf32>
      %add3A_359 = vector.broadcast %slice3A_358 : vector<1x1xf32> to vector<256x128xf32>
      %add3A_360 = arith.addf %mul3A_357, %add3A_359 : vector<256x128xf32>
      %mul3A_361 = arith.constant 5.000000e-01 : f32
      %mul3A_362 = vector.broadcast %mul3A_361 : f32 to vector<256x128xf32>
      %mul3A_363 = arith.mulf %mul3A_362, %add3A_360 : vector<256x128xf32>
      %tanh3A_364 = math.tanh %mul3A_363 : vector<256x128xf32>
      %mul3A_365 = arith.mulf %mul3A_363, %tanh3A_364 : vector<256x128xf32>
      %add3A_366 = arith.addf %mul3A_363, %mul3A_365 : vector<256x128xf32>
      %slice3A_367 = vector.extract_strided_slice %slice3A_91 {offsets = [0, 16], sizes = [1, 1], strides = [1, 1]} : vector<1x32xf32> to vector<1x1xf32>
      %mul3A_368 = vector.broadcast %slice3A_367 : vector<1x1xf32> to vector<256x128xf32>
      %mul3A_369 = arith.mulf %add3A_366, %mul3A_368 : vector<256x128xf32>
      %add3A_370 = arith.addf %add3A_306, %mul3A_369 : vector<256x128xf32>
      %slice3A_371 = vector.extract_strided_slice %add3A_89 {offsets = [0, 17], sizes = [256, 1], strides = [1, 1]} : vector<256x32xf32> to vector<256x1xf32>
      %mul3A_372 = vector.broadcast %slice3A_371 : vector<256x1xf32> to vector<256x128xf32>
      %mul3A_373 = arith.mulf %add3A_75, %mul3A_372 : vector<256x128xf32>
      %slice3A_374 = vector.extract_strided_slice %slice3A_90 {offsets = [0, 17], sizes = [1, 1], strides = [1, 1]} : vector<1x32xf32> to vector<1x1xf32>
      %add3A_375 = vector.broadcast %slice3A_374 : vector<1x1xf32> to vector<256x128xf32>
      %add3A_376 = arith.addf %mul3A_373, %add3A_375 : vector<256x128xf32>
      %mul3A_377 = arith.constant 5.000000e-01 : f32
      %mul3A_378 = vector.broadcast %mul3A_377 : f32 to vector<256x128xf32>
      %mul3A_379 = arith.mulf %mul3A_378, %add3A_376 : vector<256x128xf32>
      %tanh3A_380 = math.tanh %mul3A_379 : vector<256x128xf32>
      %mul3A_381 = arith.mulf %mul3A_379, %tanh3A_380 : vector<256x128xf32>
      %add3A_382 = arith.addf %mul3A_379, %mul3A_381 : vector<256x128xf32>
      %slice3A_383 = vector.extract_strided_slice %slice3A_91 {offsets = [0, 17], sizes = [1, 1], strides = [1, 1]} : vector<1x32xf32> to vector<1x1xf32>
      %mul3A_384 = vector.broadcast %slice3A_383 : vector<1x1xf32> to vector<256x128xf32>
      %mul3A_385 = arith.mulf %add3A_382, %mul3A_384 : vector<256x128xf32>
      %add3A_386 = arith.addf %add3A_322, %mul3A_385 : vector<256x128xf32>
      %slice3A_387 = vector.extract_strided_slice %add3A_89 {offsets = [0, 18], sizes = [256, 1], strides = [1, 1]} : vector<256x32xf32> to vector<256x1xf32>
      %mul3A_388 = vector.broadcast %slice3A_387 : vector<256x1xf32> to vector<256x128xf32>
      %mul3A_389 = arith.mulf %add3A_75, %mul3A_388 : vector<256x128xf32>
      %slice3A_390 = vector.extract_strided_slice %slice3A_90 {offsets = [0, 18], sizes = [1, 1], strides = [1, 1]} : vector<1x32xf32> to vector<1x1xf32>
      %add3A_391 = vector.broadcast %slice3A_390 : vector<1x1xf32> to vector<256x128xf32>
      %add3A_392 = arith.addf %mul3A_389, %add3A_391 : vector<256x128xf32>
      %mul3A_393 = arith.constant 5.000000e-01 : f32
      %mul3A_394 = vector.broadcast %mul3A_393 : f32 to vector<256x128xf32>
      %mul3A_395 = arith.mulf %mul3A_394, %add3A_392 : vector<256x128xf32>
      %tanh3A_396 = math.tanh %mul3A_395 : vector<256x128xf32>
      %mul3A_397 = arith.mulf %mul3A_395, %tanh3A_396 : vector<256x128xf32>
      %add3A_398 = arith.addf %mul3A_395, %mul3A_397 : vector<256x128xf32>
      %slice3A_399 = vector.extract_strided_slice %slice3A_91 {offsets = [0, 18], sizes = [1, 1], strides = [1, 1]} : vector<1x32xf32> to vector<1x1xf32>
      %mul3A_400 = vector.broadcast %slice3A_399 : vector<1x1xf32> to vector<256x128xf32>
      %mul3A_401 = arith.mulf %add3A_398, %mul3A_400 : vector<256x128xf32>
      %add3A_402 = arith.addf %add3A_338, %mul3A_401 : vector<256x128xf32>
      %slice3A_403 = vector.extract_strided_slice %add3A_89 {offsets = [0, 19], sizes = [256, 1], strides = [1, 1]} : vector<256x32xf32> to vector<256x1xf32>
      %mul3A_404 = vector.broadcast %slice3A_403 : vector<256x1xf32> to vector<256x128xf32>
      %mul3A_405 = arith.mulf %add3A_75, %mul3A_404 : vector<256x128xf32>
      %slice3A_406 = vector.extract_strided_slice %slice3A_90 {offsets = [0, 19], sizes = [1, 1], strides = [1, 1]} : vector<1x32xf32> to vector<1x1xf32>
      %add3A_407 = vector.broadcast %slice3A_406 : vector<1x1xf32> to vector<256x128xf32>
      %add3A_408 = arith.addf %mul3A_405, %add3A_407 : vector<256x128xf32>
      %mul3A_409 = arith.constant 5.000000e-01 : f32
      %mul3A_410 = vector.broadcast %mul3A_409 : f32 to vector<256x128xf32>
      %mul3A_411 = arith.mulf %mul3A_410, %add3A_408 : vector<256x128xf32>
      %tanh3A_412 = math.tanh %mul3A_411 : vector<256x128xf32>
      %mul3A_413 = arith.mulf %mul3A_411, %tanh3A_412 : vector<256x128xf32>
      %add3A_414 = arith.addf %mul3A_411, %mul3A_413 : vector<256x128xf32>
      %slice3A_415 = vector.extract_strided_slice %slice3A_91 {offsets = [0, 19], sizes = [1, 1], strides = [1, 1]} : vector<1x32xf32> to vector<1x1xf32>
      %mul3A_416 = vector.broadcast %slice3A_415 : vector<1x1xf32> to vector<256x128xf32>
      %mul3A_417 = arith.mulf %add3A_414, %mul3A_416 : vector<256x128xf32>
      %add3A_418 = arith.addf %add3A_354, %mul3A_417 : vector<256x128xf32>
      %slice3A_419 = vector.extract_strided_slice %add3A_89 {offsets = [0, 20], sizes = [256, 1], strides = [1, 1]} : vector<256x32xf32> to vector<256x1xf32>
      %mul3A_420 = vector.broadcast %slice3A_419 : vector<256x1xf32> to vector<256x128xf32>
      %mul3A_421 = arith.mulf %add3A_75, %mul3A_420 : vector<256x128xf32>
      %slice3A_422 = vector.extract_strided_slice %slice3A_90 {offsets = [0, 20], sizes = [1, 1], strides = [1, 1]} : vector<1x32xf32> to vector<1x1xf32>
      %add3A_423 = vector.broadcast %slice3A_422 : vector<1x1xf32> to vector<256x128xf32>
      %add3A_424 = arith.addf %mul3A_421, %add3A_423 : vector<256x128xf32>
      %mul3A_425 = arith.constant 5.000000e-01 : f32
      %mul3A_426 = vector.broadcast %mul3A_425 : f32 to vector<256x128xf32>
      %mul3A_427 = arith.mulf %mul3A_426, %add3A_424 : vector<256x128xf32>
      %tanh3A_428 = math.tanh %mul3A_427 : vector<256x128xf32>
      %mul3A_429 = arith.mulf %mul3A_427, %tanh3A_428 : vector<256x128xf32>
      %add3A_430 = arith.addf %mul3A_427, %mul3A_429 : vector<256x128xf32>
      %slice3A_431 = vector.extract_strided_slice %slice3A_91 {offsets = [0, 20], sizes = [1, 1], strides = [1, 1]} : vector<1x32xf32> to vector<1x1xf32>
      %mul3A_432 = vector.broadcast %slice3A_431 : vector<1x1xf32> to vector<256x128xf32>
      %mul3A_433 = arith.mulf %add3A_430, %mul3A_432 : vector<256x128xf32>
      %add3A_434 = arith.addf %add3A_370, %mul3A_433 : vector<256x128xf32>
      %slice3A_435 = vector.extract_strided_slice %add3A_89 {offsets = [0, 21], sizes = [256, 1], strides = [1, 1]} : vector<256x32xf32> to vector<256x1xf32>
      %mul3A_436 = vector.broadcast %slice3A_435 : vector<256x1xf32> to vector<256x128xf32>
      %mul3A_437 = arith.mulf %add3A_75, %mul3A_436 : vector<256x128xf32>
      %slice3A_438 = vector.extract_strided_slice %slice3A_90 {offsets = [0, 21], sizes = [1, 1], strides = [1, 1]} : vector<1x32xf32> to vector<1x1xf32>
      %add3A_439 = vector.broadcast %slice3A_438 : vector<1x1xf32> to vector<256x128xf32>
      %add3A_440 = arith.addf %mul3A_437, %add3A_439 : vector<256x128xf32>
      %mul3A_441 = arith.constant 5.000000e-01 : f32
      %mul3A_442 = vector.broadcast %mul3A_441 : f32 to vector<256x128xf32>
      %mul3A_443 = arith.mulf %mul3A_442, %add3A_440 : vector<256x128xf32>
      %tanh3A_444 = math.tanh %mul3A_443 : vector<256x128xf32>
      %mul3A_445 = arith.mulf %mul3A_443, %tanh3A_444 : vector<256x128xf32>
      %add3A_446 = arith.addf %mul3A_443, %mul3A_445 : vector<256x128xf32>
      %slice3A_447 = vector.extract_strided_slice %slice3A_91 {offsets = [0, 21], sizes = [1, 1], strides = [1, 1]} : vector<1x32xf32> to vector<1x1xf32>
      %mul3A_448 = vector.broadcast %slice3A_447 : vector<1x1xf32> to vector<256x128xf32>
      %mul3A_449 = arith.mulf %add3A_446, %mul3A_448 : vector<256x128xf32>
      %add3A_450 = arith.addf %add3A_386, %mul3A_449 : vector<256x128xf32>
      %slice3A_451 = vector.extract_strided_slice %add3A_89 {offsets = [0, 22], sizes = [256, 1], strides = [1, 1]} : vector<256x32xf32> to vector<256x1xf32>
      %mul3A_452 = vector.broadcast %slice3A_451 : vector<256x1xf32> to vector<256x128xf32>
      %mul3A_453 = arith.mulf %add3A_75, %mul3A_452 : vector<256x128xf32>
      %slice3A_454 = vector.extract_strided_slice %slice3A_90 {offsets = [0, 22], sizes = [1, 1], strides = [1, 1]} : vector<1x32xf32> to vector<1x1xf32>
      %add3A_455 = vector.broadcast %slice3A_454 : vector<1x1xf32> to vector<256x128xf32>
      %add3A_456 = arith.addf %mul3A_453, %add3A_455 : vector<256x128xf32>
      %mul3A_457 = arith.constant 5.000000e-01 : f32
      %mul3A_458 = vector.broadcast %mul3A_457 : f32 to vector<256x128xf32>
      %mul3A_459 = arith.mulf %mul3A_458, %add3A_456 : vector<256x128xf32>
      %tanh3A_460 = math.tanh %mul3A_459 : vector<256x128xf32>
      %mul3A_461 = arith.mulf %mul3A_459, %tanh3A_460 : vector<256x128xf32>
      %add3A_462 = arith.addf %mul3A_459, %mul3A_461 : vector<256x128xf32>
      %slice3A_463 = vector.extract_strided_slice %slice3A_91 {offsets = [0, 22], sizes = [1, 1], strides = [1, 1]} : vector<1x32xf32> to vector<1x1xf32>
      %mul3A_464 = vector.broadcast %slice3A_463 : vector<1x1xf32> to vector<256x128xf32>
      %mul3A_465 = arith.mulf %add3A_462, %mul3A_464 : vector<256x128xf32>
      %add3A_466 = arith.addf %add3A_402, %mul3A_465 : vector<256x128xf32>
      %slice3A_467 = vector.extract_strided_slice %add3A_89 {offsets = [0, 23], sizes = [256, 1], strides = [1, 1]} : vector<256x32xf32> to vector<256x1xf32>
      %mul3A_468 = vector.broadcast %slice3A_467 : vector<256x1xf32> to vector<256x128xf32>
      %mul3A_469 = arith.mulf %add3A_75, %mul3A_468 : vector<256x128xf32>
      %slice3A_470 = vector.extract_strided_slice %slice3A_90 {offsets = [0, 23], sizes = [1, 1], strides = [1, 1]} : vector<1x32xf32> to vector<1x1xf32>
      %add3A_471 = vector.broadcast %slice3A_470 : vector<1x1xf32> to vector<256x128xf32>
      %add3A_472 = arith.addf %mul3A_469, %add3A_471 : vector<256x128xf32>
      %mul3A_473 = arith.constant 5.000000e-01 : f32
      %mul3A_474 = vector.broadcast %mul3A_473 : f32 to vector<256x128xf32>
      %mul3A_475 = arith.mulf %mul3A_474, %add3A_472 : vector<256x128xf32>
      %tanh3A_476 = math.tanh %mul3A_475 : vector<256x128xf32>
      %mul3A_477 = arith.mulf %mul3A_475, %tanh3A_476 : vector<256x128xf32>
      %add3A_478 = arith.addf %mul3A_475, %mul3A_477 : vector<256x128xf32>
      %slice3A_479 = vector.extract_strided_slice %slice3A_91 {offsets = [0, 23], sizes = [1, 1], strides = [1, 1]} : vector<1x32xf32> to vector<1x1xf32>
      %mul3A_480 = vector.broadcast %slice3A_479 : vector<1x1xf32> to vector<256x128xf32>
      %mul3A_481 = arith.mulf %add3A_478, %mul3A_480 : vector<256x128xf32>
      %add3A_482 = arith.addf %add3A_418, %mul3A_481 : vector<256x128xf32>
      %slice3A_483 = vector.extract_strided_slice %add3A_89 {offsets = [0, 24], sizes = [256, 1], strides = [1, 1]} : vector<256x32xf32> to vector<256x1xf32>
      %mul3A_484 = vector.broadcast %slice3A_483 : vector<256x1xf32> to vector<256x128xf32>
      %mul3A_485 = arith.mulf %add3A_75, %mul3A_484 : vector<256x128xf32>
      %slice3A_486 = vector.extract_strided_slice %slice3A_90 {offsets = [0, 24], sizes = [1, 1], strides = [1, 1]} : vector<1x32xf32> to vector<1x1xf32>
      %add3A_487 = vector.broadcast %slice3A_486 : vector<1x1xf32> to vector<256x128xf32>
      %add3A_488 = arith.addf %mul3A_485, %add3A_487 : vector<256x128xf32>
      %mul3A_489 = arith.constant 5.000000e-01 : f32
      %mul3A_490 = vector.broadcast %mul3A_489 : f32 to vector<256x128xf32>
      %mul3A_491 = arith.mulf %mul3A_490, %add3A_488 : vector<256x128xf32>
      %tanh3A_492 = math.tanh %mul3A_491 : vector<256x128xf32>
      %mul3A_493 = arith.mulf %mul3A_491, %tanh3A_492 : vector<256x128xf32>
      %add3A_494 = arith.addf %mul3A_491, %mul3A_493 : vector<256x128xf32>
      %slice3A_495 = vector.extract_strided_slice %slice3A_91 {offsets = [0, 24], sizes = [1, 1], strides = [1, 1]} : vector<1x32xf32> to vector<1x1xf32>
      %mul3A_496 = vector.broadcast %slice3A_495 : vector<1x1xf32> to vector<256x128xf32>
      %mul3A_497 = arith.mulf %add3A_494, %mul3A_496 : vector<256x128xf32>
      %add3A_498 = arith.addf %add3A_434, %mul3A_497 : vector<256x128xf32>
      %slice3A_499 = vector.extract_strided_slice %add3A_89 {offsets = [0, 25], sizes = [256, 1], strides = [1, 1]} : vector<256x32xf32> to vector<256x1xf32>
      %mul3A_500 = vector.broadcast %slice3A_499 : vector<256x1xf32> to vector<256x128xf32>
      %mul3A_501 = arith.mulf %add3A_75, %mul3A_500 : vector<256x128xf32>
      %slice3A_502 = vector.extract_strided_slice %slice3A_90 {offsets = [0, 25], sizes = [1, 1], strides = [1, 1]} : vector<1x32xf32> to vector<1x1xf32>
      %add3A_503 = vector.broadcast %slice3A_502 : vector<1x1xf32> to vector<256x128xf32>
      %add3A_504 = arith.addf %mul3A_501, %add3A_503 : vector<256x128xf32>
      %mul3A_505 = arith.constant 5.000000e-01 : f32
      %mul3A_506 = vector.broadcast %mul3A_505 : f32 to vector<256x128xf32>
      %mul3A_507 = arith.mulf %mul3A_506, %add3A_504 : vector<256x128xf32>
      %tanh3A_508 = math.tanh %mul3A_507 : vector<256x128xf32>
      %mul3A_509 = arith.mulf %mul3A_507, %tanh3A_508 : vector<256x128xf32>
      %add3A_510 = arith.addf %mul3A_507, %mul3A_509 : vector<256x128xf32>
      %slice3A_511 = vector.extract_strided_slice %slice3A_91 {offsets = [0, 25], sizes = [1, 1], strides = [1, 1]} : vector<1x32xf32> to vector<1x1xf32>
      %mul3A_512 = vector.broadcast %slice3A_511 : vector<1x1xf32> to vector<256x128xf32>
      %mul3A_513 = arith.mulf %add3A_510, %mul3A_512 : vector<256x128xf32>
      %add3A_514 = arith.addf %add3A_450, %mul3A_513 : vector<256x128xf32>
      %slice3A_515 = vector.extract_strided_slice %add3A_89 {offsets = [0, 26], sizes = [256, 1], strides = [1, 1]} : vector<256x32xf32> to vector<256x1xf32>
      %mul3A_516 = vector.broadcast %slice3A_515 : vector<256x1xf32> to vector<256x128xf32>
      %mul3A_517 = arith.mulf %add3A_75, %mul3A_516 : vector<256x128xf32>
      %slice3A_518 = vector.extract_strided_slice %slice3A_90 {offsets = [0, 26], sizes = [1, 1], strides = [1, 1]} : vector<1x32xf32> to vector<1x1xf32>
      %add3A_519 = vector.broadcast %slice3A_518 : vector<1x1xf32> to vector<256x128xf32>
      %add3A_520 = arith.addf %mul3A_517, %add3A_519 : vector<256x128xf32>
      %mul3A_521 = arith.constant 5.000000e-01 : f32
      %mul3A_522 = vector.broadcast %mul3A_521 : f32 to vector<256x128xf32>
      %mul3A_523 = arith.mulf %mul3A_522, %add3A_520 : vector<256x128xf32>
      %tanh3A_524 = math.tanh %mul3A_523 : vector<256x128xf32>
      %mul3A_525 = arith.mulf %mul3A_523, %tanh3A_524 : vector<256x128xf32>
      %add3A_526 = arith.addf %mul3A_523, %mul3A_525 : vector<256x128xf32>
      %slice3A_527 = vector.extract_strided_slice %slice3A_91 {offsets = [0, 26], sizes = [1, 1], strides = [1, 1]} : vector<1x32xf32> to vector<1x1xf32>
      %mul3A_528 = vector.broadcast %slice3A_527 : vector<1x1xf32> to vector<256x128xf32>
      %mul3A_529 = arith.mulf %add3A_526, %mul3A_528 : vector<256x128xf32>
      %add3A_530 = arith.addf %add3A_466, %mul3A_529 : vector<256x128xf32>
      %slice3A_531 = vector.extract_strided_slice %add3A_89 {offsets = [0, 27], sizes = [256, 1], strides = [1, 1]} : vector<256x32xf32> to vector<256x1xf32>
      %mul3A_532 = vector.broadcast %slice3A_531 : vector<256x1xf32> to vector<256x128xf32>
      %mul3A_533 = arith.mulf %add3A_75, %mul3A_532 : vector<256x128xf32>
      %slice3A_534 = vector.extract_strided_slice %slice3A_90 {offsets = [0, 27], sizes = [1, 1], strides = [1, 1]} : vector<1x32xf32> to vector<1x1xf32>
      %add3A_535 = vector.broadcast %slice3A_534 : vector<1x1xf32> to vector<256x128xf32>
      %add3A_536 = arith.addf %mul3A_533, %add3A_535 : vector<256x128xf32>
      %mul3A_537 = arith.constant 5.000000e-01 : f32
      %mul3A_538 = vector.broadcast %mul3A_537 : f32 to vector<256x128xf32>
      %mul3A_539 = arith.mulf %mul3A_538, %add3A_536 : vector<256x128xf32>
      %tanh3A_540 = math.tanh %mul3A_539 : vector<256x128xf32>
      %mul3A_541 = arith.mulf %mul3A_539, %tanh3A_540 : vector<256x128xf32>
      %add3A_542 = arith.addf %mul3A_539, %mul3A_541 : vector<256x128xf32>
      %slice3A_543 = vector.extract_strided_slice %slice3A_91 {offsets = [0, 27], sizes = [1, 1], strides = [1, 1]} : vector<1x32xf32> to vector<1x1xf32>
      %mul3A_544 = vector.broadcast %slice3A_543 : vector<1x1xf32> to vector<256x128xf32>
      %mul3A_545 = arith.mulf %add3A_542, %mul3A_544 : vector<256x128xf32>
      %add3A_546 = arith.addf %add3A_482, %mul3A_545 : vector<256x128xf32>
      %slice3A_547 = vector.extract_strided_slice %add3A_89 {offsets = [0, 28], sizes = [256, 1], strides = [1, 1]} : vector<256x32xf32> to vector<256x1xf32>
      %mul3A_548 = vector.broadcast %slice3A_547 : vector<256x1xf32> to vector<256x128xf32>
      %mul3A_549 = arith.mulf %add3A_75, %mul3A_548 : vector<256x128xf32>
      %slice3A_550 = vector.extract_strided_slice %slice3A_90 {offsets = [0, 28], sizes = [1, 1], strides = [1, 1]} : vector<1x32xf32> to vector<1x1xf32>
      %add3A_551 = vector.broadcast %slice3A_550 : vector<1x1xf32> to vector<256x128xf32>
      %add3A_552 = arith.addf %mul3A_549, %add3A_551 : vector<256x128xf32>
      %mul3A_553 = arith.constant 5.000000e-01 : f32
      %mul3A_554 = vector.broadcast %mul3A_553 : f32 to vector<256x128xf32>
      %mul3A_555 = arith.mulf %mul3A_554, %add3A_552 : vector<256x128xf32>
      %tanh3A_556 = math.tanh %mul3A_555 : vector<256x128xf32>
      %mul3A_557 = arith.mulf %mul3A_555, %tanh3A_556 : vector<256x128xf32>
      %add3A_558 = arith.addf %mul3A_555, %mul3A_557 : vector<256x128xf32>
      %slice3A_559 = vector.extract_strided_slice %slice3A_91 {offsets = [0, 28], sizes = [1, 1], strides = [1, 1]} : vector<1x32xf32> to vector<1x1xf32>
      %mul3A_560 = vector.broadcast %slice3A_559 : vector<1x1xf32> to vector<256x128xf32>
      %mul3A_561 = arith.mulf %add3A_558, %mul3A_560 : vector<256x128xf32>
      %add3A_562 = arith.addf %add3A_498, %mul3A_561 : vector<256x128xf32>
      %slice3A_563 = vector.extract_strided_slice %add3A_89 {offsets = [0, 29], sizes = [256, 1], strides = [1, 1]} : vector<256x32xf32> to vector<256x1xf32>
      %mul3A_564 = vector.broadcast %slice3A_563 : vector<256x1xf32> to vector<256x128xf32>
      %mul3A_565 = arith.mulf %add3A_75, %mul3A_564 : vector<256x128xf32>
      %slice3A_566 = vector.extract_strided_slice %slice3A_90 {offsets = [0, 29], sizes = [1, 1], strides = [1, 1]} : vector<1x32xf32> to vector<1x1xf32>
      %add3A_567 = vector.broadcast %slice3A_566 : vector<1x1xf32> to vector<256x128xf32>
      %add3A_568 = arith.addf %mul3A_565, %add3A_567 : vector<256x128xf32>
      %mul3A_569 = arith.constant 5.000000e-01 : f32
      %mul3A_570 = vector.broadcast %mul3A_569 : f32 to vector<256x128xf32>
      %mul3A_571 = arith.mulf %mul3A_570, %add3A_568 : vector<256x128xf32>
      %tanh3A_572 = math.tanh %mul3A_571 : vector<256x128xf32>
      %mul3A_573 = arith.mulf %mul3A_571, %tanh3A_572 : vector<256x128xf32>
      %add3A_574 = arith.addf %mul3A_571, %mul3A_573 : vector<256x128xf32>
      %slice3A_575 = vector.extract_strided_slice %slice3A_91 {offsets = [0, 29], sizes = [1, 1], strides = [1, 1]} : vector<1x32xf32> to vector<1x1xf32>
      %mul3A_576 = vector.broadcast %slice3A_575 : vector<1x1xf32> to vector<256x128xf32>
      %mul3A_577 = arith.mulf %add3A_574, %mul3A_576 : vector<256x128xf32>
      %add3A_578 = arith.addf %add3A_514, %mul3A_577 : vector<256x128xf32>
      %slice3A_579 = vector.extract_strided_slice %add3A_89 {offsets = [0, 30], sizes = [256, 1], strides = [1, 1]} : vector<256x32xf32> to vector<256x1xf32>
      %mul3A_580 = vector.broadcast %slice3A_579 : vector<256x1xf32> to vector<256x128xf32>
      %mul3A_581 = arith.mulf %add3A_75, %mul3A_580 : vector<256x128xf32>
      %slice3A_582 = vector.extract_strided_slice %slice3A_90 {offsets = [0, 30], sizes = [1, 1], strides = [1, 1]} : vector<1x32xf32> to vector<1x1xf32>
      %add3A_583 = vector.broadcast %slice3A_582 : vector<1x1xf32> to vector<256x128xf32>
      %add3A_584 = arith.addf %mul3A_581, %add3A_583 : vector<256x128xf32>
      %mul3A_585 = arith.constant 5.000000e-01 : f32
      %mul3A_586 = vector.broadcast %mul3A_585 : f32 to vector<256x128xf32>
      %mul3A_587 = arith.mulf %mul3A_586, %add3A_584 : vector<256x128xf32>
      %tanh3A_588 = math.tanh %mul3A_587 : vector<256x128xf32>
      %mul3A_589 = arith.mulf %mul3A_587, %tanh3A_588 : vector<256x128xf32>
      %add3A_590 = arith.addf %mul3A_587, %mul3A_589 : vector<256x128xf32>
      %slice3A_591 = vector.extract_strided_slice %slice3A_91 {offsets = [0, 30], sizes = [1, 1], strides = [1, 1]} : vector<1x32xf32> to vector<1x1xf32>
      %mul3A_592 = vector.broadcast %slice3A_591 : vector<1x1xf32> to vector<256x128xf32>
      %mul3A_593 = arith.mulf %add3A_590, %mul3A_592 : vector<256x128xf32>
      %add3A_594 = arith.addf %add3A_530, %mul3A_593 : vector<256x128xf32>
      %slice3A_595 = vector.extract_strided_slice %add3A_89 {offsets = [0, 31], sizes = [256, 1], strides = [1, 1]} : vector<256x32xf32> to vector<256x1xf32>
      %mul3A_596 = vector.broadcast %slice3A_595 : vector<256x1xf32> to vector<256x128xf32>
      %mul3A_597 = arith.mulf %add3A_75, %mul3A_596 : vector<256x128xf32>
      %slice3A_598 = vector.extract_strided_slice %slice3A_90 {offsets = [0, 31], sizes = [1, 1], strides = [1, 1]} : vector<1x32xf32> to vector<1x1xf32>
      %add3A_599 = vector.broadcast %slice3A_598 : vector<1x1xf32> to vector<256x128xf32>
      %add3A_600 = arith.addf %mul3A_597, %add3A_599 : vector<256x128xf32>
      %mul3A_601 = arith.constant 5.000000e-01 : f32
      %mul3A_602 = vector.broadcast %mul3A_601 : f32 to vector<256x128xf32>
      %mul3A_603 = arith.mulf %mul3A_602, %add3A_600 : vector<256x128xf32>
      %tanh3A_604 = math.tanh %mul3A_603 : vector<256x128xf32>
      %mul3A_605 = arith.mulf %mul3A_603, %tanh3A_604 : vector<256x128xf32>
      %add3A_606 = arith.addf %mul3A_603, %mul3A_605 : vector<256x128xf32>
      %slice3A_607 = vector.extract_strided_slice %slice3A_91 {offsets = [0, 31], sizes = [1, 1], strides = [1, 1]} : vector<1x32xf32> to vector<1x1xf32>
      %mul3A_608 = vector.broadcast %slice3A_607 : vector<1x1xf32> to vector<256x128xf32>
      %mul3A_609 = arith.mulf %add3A_606, %mul3A_608 : vector<256x128xf32>
      %add3A_610 = arith.addf %add3A_546, %mul3A_609 : vector<256x128xf32>
      %add3A_611 = arith.addf %add3A_562, %add3A_578 : vector<256x128xf32>
      %add3A_612 = arith.addf %add3A_594, %add3A_610 : vector<256x128xf32>
      %add3A_613 = arith.addf %add3A_611, %add3A_612 : vector<256x128xf32>
      %mul3A_614 = vector.broadcast %add3A_38 : vector<256x1xf32> to vector<256x128xf32>
      %mul3A_615 = arith.mulf %add3A_75, %mul3A_614 : vector<256x128xf32>
      %add3A_616 = vector.broadcast %slice3A_92 : vector<1x1xf32> to vector<256x128xf32>
      %add3A_617 = arith.addf %add3A_616, %mul3A_615 : vector<256x128xf32>
      %add3A_618 = arith.addf %add3A_613, %add3A_617 : vector<256x128xf32>
      %slice3A_619 = vector.extract_strided_slice %get3A_16 {offsets = [8, 0], sizes = [1, 32], strides = [1, 1]} : vector<16x128xf32> to vector<1x32xf32>
      %mul3A_620 = vector.broadcast %add3A_38 : vector<256x1xf32> to vector<256x32xf32>
      %mul3A_621 = vector.broadcast %slice3A_619 : vector<1x32xf32> to vector<256x32xf32>
      %mul3A_622 = arith.mulf %mul3A_620, %mul3A_621 : vector<256x32xf32>
      %slice3A_623 = vector.extract_strided_slice %get3A_16 {offsets = [9, 0], sizes = [1, 32], strides = [1, 1]} : vector<16x128xf32> to vector<1x32xf32>
      %mul3A_624 = vector.broadcast %add3A_46 : vector<256x1xf32> to vector<256x32xf32>
      %mul3A_625 = vector.broadcast %slice3A_623 : vector<1x32xf32> to vector<256x32xf32>
      %mul3A_626 = arith.mulf %mul3A_624, %mul3A_625 : vector<256x32xf32>
      %add3A_627 = arith.addf %mul3A_622, %mul3A_626 : vector<256x32xf32>
      %slice3A_628 = vector.extract_strided_slice %get3A_16 {offsets = [10, 0], sizes = [1, 32], strides = [1, 1]} : vector<16x128xf32> to vector<1x32xf32>
      %mul3A_629 = vector.broadcast %add3A_54 : vector<256x1xf32> to vector<256x32xf32>
      %mul3A_630 = vector.broadcast %slice3A_628 : vector<1x32xf32> to vector<256x32xf32>
      %mul3A_631 = arith.mulf %mul3A_629, %mul3A_630 : vector<256x32xf32>
      %add3A_632 = arith.addf %add3A_627, %mul3A_631 : vector<256x32xf32>
      %slice3A_633 = vector.extract_strided_slice %get3A_16 {offsets = [11, 0], sizes = [1, 32], strides = [1, 1]} : vector<16x128xf32> to vector<1x32xf32>
      %slice3A_634 = vector.extract_strided_slice %get3A_16 {offsets = [12, 0], sizes = [1, 32], strides = [1, 1]} : vector<16x128xf32> to vector<1x32xf32>
      %slice3A_635 = vector.extract_strided_slice %get3A_16 {offsets = [13, 0], sizes = [1, 1], strides = [1, 1]} : vector<16x128xf32> to vector<1x1xf32>
      %broadcast_in_dim3A_636 = arith.constant 0.000000e+00 : f32
      %broadcast_in_dim3A_637 = vector.broadcast %broadcast_in_dim3A_636 : f32 to vector<256x128xf32>
      %broadcast_in_dim3A_638 = arith.constant 0.000000e+00 : f32
      %broadcast_in_dim3A_639 = vector.broadcast %broadcast_in_dim3A_638 : f32 to vector<256x128xf32>
      %broadcast_in_dim3A_640 = arith.constant 0.000000e+00 : f32
      %broadcast_in_dim3A_641 = vector.broadcast %broadcast_in_dim3A_640 : f32 to vector<256x128xf32>
      %broadcast_in_dim3A_642 = arith.constant 0.000000e+00 : f32
      %broadcast_in_dim3A_643 = vector.broadcast %broadcast_in_dim3A_642 : f32 to vector<256x128xf32>
      %slice3A_644 = vector.extract_strided_slice %add3A_632 {offsets = [0, 0], sizes = [256, 1], strides = [1, 1]} : vector<256x32xf32> to vector<256x1xf32>
      %mul3A_645 = vector.broadcast %slice3A_644 : vector<256x1xf32> to vector<256x128xf32>
      %mul3A_646 = arith.mulf %add3A_75, %mul3A_645 : vector<256x128xf32>
      %slice3A_647 = vector.extract_strided_slice %slice3A_633 {offsets = [0, 0], sizes = [1, 1], strides = [1, 1]} : vector<1x32xf32> to vector<1x1xf32>
      %add3A_648 = vector.broadcast %slice3A_647 : vector<1x1xf32> to vector<256x128xf32>
      %add3A_649 = arith.addf %mul3A_646, %add3A_648 : vector<256x128xf32>
      %mul3A_650 = arith.constant 5.000000e-01 : f32
      %mul3A_651 = vector.broadcast %mul3A_650 : f32 to vector<256x128xf32>
      %mul3A_652 = arith.mulf %mul3A_651, %add3A_649 : vector<256x128xf32>
      %tanh3A_653 = math.tanh %mul3A_652 : vector<256x128xf32>
      %mul3A_654 = arith.mulf %mul3A_652, %tanh3A_653 : vector<256x128xf32>
      %add3A_655 = arith.addf %mul3A_652, %mul3A_654 : vector<256x128xf32>
      %slice3A_656 = vector.extract_strided_slice %slice3A_634 {offsets = [0, 0], sizes = [1, 1], strides = [1, 1]} : vector<1x32xf32> to vector<1x1xf32>
      %mul3A_657 = vector.broadcast %slice3A_656 : vector<1x1xf32> to vector<256x128xf32>
      %mul3A_658 = arith.mulf %add3A_655, %mul3A_657 : vector<256x128xf32>
      %add3A_659 = arith.addf %broadcast_in_dim3A_637, %mul3A_658 : vector<256x128xf32>
      %slice3A_660 = vector.extract_strided_slice %add3A_632 {offsets = [0, 1], sizes = [256, 1], strides = [1, 1]} : vector<256x32xf32> to vector<256x1xf32>
      %mul3A_661 = vector.broadcast %slice3A_660 : vector<256x1xf32> to vector<256x128xf32>
      %mul3A_662 = arith.mulf %add3A_75, %mul3A_661 : vector<256x128xf32>
      %slice3A_663 = vector.extract_strided_slice %slice3A_633 {offsets = [0, 1], sizes = [1, 1], strides = [1, 1]} : vector<1x32xf32> to vector<1x1xf32>
      %add3A_664 = vector.broadcast %slice3A_663 : vector<1x1xf32> to vector<256x128xf32>
      %add3A_665 = arith.addf %mul3A_662, %add3A_664 : vector<256x128xf32>
      %mul3A_666 = arith.constant 5.000000e-01 : f32
      %mul3A_667 = vector.broadcast %mul3A_666 : f32 to vector<256x128xf32>
      %mul3A_668 = arith.mulf %mul3A_667, %add3A_665 : vector<256x128xf32>
      %tanh3A_669 = math.tanh %mul3A_668 : vector<256x128xf32>
      %mul3A_670 = arith.mulf %mul3A_668, %tanh3A_669 : vector<256x128xf32>
      %add3A_671 = arith.addf %mul3A_668, %mul3A_670 : vector<256x128xf32>
      %slice3A_672 = vector.extract_strided_slice %slice3A_634 {offsets = [0, 1], sizes = [1, 1], strides = [1, 1]} : vector<1x32xf32> to vector<1x1xf32>
      %mul3A_673 = vector.broadcast %slice3A_672 : vector<1x1xf32> to vector<256x128xf32>
      %mul3A_674 = arith.mulf %add3A_671, %mul3A_673 : vector<256x128xf32>
      %add3A_675 = arith.addf %broadcast_in_dim3A_639, %mul3A_674 : vector<256x128xf32>
      %slice3A_676 = vector.extract_strided_slice %add3A_632 {offsets = [0, 2], sizes = [256, 1], strides = [1, 1]} : vector<256x32xf32> to vector<256x1xf32>
      %mul3A_677 = vector.broadcast %slice3A_676 : vector<256x1xf32> to vector<256x128xf32>
      %mul3A_678 = arith.mulf %add3A_75, %mul3A_677 : vector<256x128xf32>
      %slice3A_679 = vector.extract_strided_slice %slice3A_633 {offsets = [0, 2], sizes = [1, 1], strides = [1, 1]} : vector<1x32xf32> to vector<1x1xf32>
      %add3A_680 = vector.broadcast %slice3A_679 : vector<1x1xf32> to vector<256x128xf32>
      %add3A_681 = arith.addf %mul3A_678, %add3A_680 : vector<256x128xf32>
      %mul3A_682 = arith.constant 5.000000e-01 : f32
      %mul3A_683 = vector.broadcast %mul3A_682 : f32 to vector<256x128xf32>
      %mul3A_684 = arith.mulf %mul3A_683, %add3A_681 : vector<256x128xf32>
      %tanh3A_685 = math.tanh %mul3A_684 : vector<256x128xf32>
      %mul3A_686 = arith.mulf %mul3A_684, %tanh3A_685 : vector<256x128xf32>
      %add3A_687 = arith.addf %mul3A_684, %mul3A_686 : vector<256x128xf32>
      %slice3A_688 = vector.extract_strided_slice %slice3A_634 {offsets = [0, 2], sizes = [1, 1], strides = [1, 1]} : vector<1x32xf32> to vector<1x1xf32>
      %mul3A_689 = vector.broadcast %slice3A_688 : vector<1x1xf32> to vector<256x128xf32>
      %mul3A_690 = arith.mulf %add3A_687, %mul3A_689 : vector<256x128xf32>
      %add3A_691 = arith.addf %broadcast_in_dim3A_641, %mul3A_690 : vector<256x128xf32>
      %slice3A_692 = vector.extract_strided_slice %add3A_632 {offsets = [0, 3], sizes = [256, 1], strides = [1, 1]} : vector<256x32xf32> to vector<256x1xf32>
      %mul3A_693 = vector.broadcast %slice3A_692 : vector<256x1xf32> to vector<256x128xf32>
      %mul3A_694 = arith.mulf %add3A_75, %mul3A_693 : vector<256x128xf32>
      %slice3A_695 = vector.extract_strided_slice %slice3A_633 {offsets = [0, 3], sizes = [1, 1], strides = [1, 1]} : vector<1x32xf32> to vector<1x1xf32>
      %add3A_696 = vector.broadcast %slice3A_695 : vector<1x1xf32> to vector<256x128xf32>
      %add3A_697 = arith.addf %mul3A_694, %add3A_696 : vector<256x128xf32>
      %mul3A_698 = arith.constant 5.000000e-01 : f32
      %mul3A_699 = vector.broadcast %mul3A_698 : f32 to vector<256x128xf32>
      %mul3A_700 = arith.mulf %mul3A_699, %add3A_697 : vector<256x128xf32>
      %tanh3A_701 = math.tanh %mul3A_700 : vector<256x128xf32>
      %mul3A_702 = arith.mulf %mul3A_700, %tanh3A_701 : vector<256x128xf32>
      %add3A_703 = arith.addf %mul3A_700, %mul3A_702 : vector<256x128xf32>
      %slice3A_704 = vector.extract_strided_slice %slice3A_634 {offsets = [0, 3], sizes = [1, 1], strides = [1, 1]} : vector<1x32xf32> to vector<1x1xf32>
      %mul3A_705 = vector.broadcast %slice3A_704 : vector<1x1xf32> to vector<256x128xf32>
      %mul3A_706 = arith.mulf %add3A_703, %mul3A_705 : vector<256x128xf32>
      %add3A_707 = arith.addf %broadcast_in_dim3A_643, %mul3A_706 : vector<256x128xf32>
      %slice3A_708 = vector.extract_strided_slice %add3A_632 {offsets = [0, 4], sizes = [256, 1], strides = [1, 1]} : vector<256x32xf32> to vector<256x1xf32>
      %mul3A_709 = vector.broadcast %slice3A_708 : vector<256x1xf32> to vector<256x128xf32>
      %mul3A_710 = arith.mulf %add3A_75, %mul3A_709 : vector<256x128xf32>
      %slice3A_711 = vector.extract_strided_slice %slice3A_633 {offsets = [0, 4], sizes = [1, 1], strides = [1, 1]} : vector<1x32xf32> to vector<1x1xf32>
      %add3A_712 = vector.broadcast %slice3A_711 : vector<1x1xf32> to vector<256x128xf32>
      %add3A_713 = arith.addf %mul3A_710, %add3A_712 : vector<256x128xf32>
      %mul3A_714 = arith.constant 5.000000e-01 : f32
      %mul3A_715 = vector.broadcast %mul3A_714 : f32 to vector<256x128xf32>
      %mul3A_716 = arith.mulf %mul3A_715, %add3A_713 : vector<256x128xf32>
      %tanh3A_717 = math.tanh %mul3A_716 : vector<256x128xf32>
      %mul3A_718 = arith.mulf %mul3A_716, %tanh3A_717 : vector<256x128xf32>
      %add3A_719 = arith.addf %mul3A_716, %mul3A_718 : vector<256x128xf32>
      %slice3A_720 = vector.extract_strided_slice %slice3A_634 {offsets = [0, 4], sizes = [1, 1], strides = [1, 1]} : vector<1x32xf32> to vector<1x1xf32>
      %mul3A_721 = vector.broadcast %slice3A_720 : vector<1x1xf32> to vector<256x128xf32>
      %mul3A_722 = arith.mulf %add3A_719, %mul3A_721 : vector<256x128xf32>
      %add3A_723 = arith.addf %add3A_659, %mul3A_722 : vector<256x128xf32>
      %slice3A_724 = vector.extract_strided_slice %add3A_632 {offsets = [0, 5], sizes = [256, 1], strides = [1, 1]} : vector<256x32xf32> to vector<256x1xf32>
      %mul3A_725 = vector.broadcast %slice3A_724 : vector<256x1xf32> to vector<256x128xf32>
      %mul3A_726 = arith.mulf %add3A_75, %mul3A_725 : vector<256x128xf32>
      %slice3A_727 = vector.extract_strided_slice %slice3A_633 {offsets = [0, 5], sizes = [1, 1], strides = [1, 1]} : vector<1x32xf32> to vector<1x1xf32>
      %add3A_728 = vector.broadcast %slice3A_727 : vector<1x1xf32> to vector<256x128xf32>
      %add3A_729 = arith.addf %mul3A_726, %add3A_728 : vector<256x128xf32>
      %mul3A_730 = arith.constant 5.000000e-01 : f32
      %mul3A_731 = vector.broadcast %mul3A_730 : f32 to vector<256x128xf32>
      %mul3A_732 = arith.mulf %mul3A_731, %add3A_729 : vector<256x128xf32>
      %tanh3A_733 = math.tanh %mul3A_732 : vector<256x128xf32>
      %mul3A_734 = arith.mulf %mul3A_732, %tanh3A_733 : vector<256x128xf32>
      %add3A_735 = arith.addf %mul3A_732, %mul3A_734 : vector<256x128xf32>
      %slice3A_736 = vector.extract_strided_slice %slice3A_634 {offsets = [0, 5], sizes = [1, 1], strides = [1, 1]} : vector<1x32xf32> to vector<1x1xf32>
      %mul3A_737 = vector.broadcast %slice3A_736 : vector<1x1xf32> to vector<256x128xf32>
      %mul3A_738 = arith.mulf %add3A_735, %mul3A_737 : vector<256x128xf32>
      %add3A_739 = arith.addf %add3A_675, %mul3A_738 : vector<256x128xf32>
      %slice3A_740 = vector.extract_strided_slice %add3A_632 {offsets = [0, 6], sizes = [256, 1], strides = [1, 1]} : vector<256x32xf32> to vector<256x1xf32>
      %mul3A_741 = vector.broadcast %slice3A_740 : vector<256x1xf32> to vector<256x128xf32>
      %mul3A_742 = arith.mulf %add3A_75, %mul3A_741 : vector<256x128xf32>
      %slice3A_743 = vector.extract_strided_slice %slice3A_633 {offsets = [0, 6], sizes = [1, 1], strides = [1, 1]} : vector<1x32xf32> to vector<1x1xf32>
      %add3A_744 = vector.broadcast %slice3A_743 : vector<1x1xf32> to vector<256x128xf32>
      %add3A_745 = arith.addf %mul3A_742, %add3A_744 : vector<256x128xf32>
      %mul3A_746 = arith.constant 5.000000e-01 : f32
      %mul3A_747 = vector.broadcast %mul3A_746 : f32 to vector<256x128xf32>
      %mul3A_748 = arith.mulf %mul3A_747, %add3A_745 : vector<256x128xf32>
      %tanh3A_749 = math.tanh %mul3A_748 : vector<256x128xf32>
      %mul3A_750 = arith.mulf %mul3A_748, %tanh3A_749 : vector<256x128xf32>
      %add3A_751 = arith.addf %mul3A_748, %mul3A_750 : vector<256x128xf32>
      %slice3A_752 = vector.extract_strided_slice %slice3A_634 {offsets = [0, 6], sizes = [1, 1], strides = [1, 1]} : vector<1x32xf32> to vector<1x1xf32>
      %mul3A_753 = vector.broadcast %slice3A_752 : vector<1x1xf32> to vector<256x128xf32>
      %mul3A_754 = arith.mulf %add3A_751, %mul3A_753 : vector<256x128xf32>
      %add3A_755 = arith.addf %add3A_691, %mul3A_754 : vector<256x128xf32>
      %slice3A_756 = vector.extract_strided_slice %add3A_632 {offsets = [0, 7], sizes = [256, 1], strides = [1, 1]} : vector<256x32xf32> to vector<256x1xf32>
      %mul3A_757 = vector.broadcast %slice3A_756 : vector<256x1xf32> to vector<256x128xf32>
      %mul3A_758 = arith.mulf %add3A_75, %mul3A_757 : vector<256x128xf32>
      %slice3A_759 = vector.extract_strided_slice %slice3A_633 {offsets = [0, 7], sizes = [1, 1], strides = [1, 1]} : vector<1x32xf32> to vector<1x1xf32>
      %add3A_760 = vector.broadcast %slice3A_759 : vector<1x1xf32> to vector<256x128xf32>
      %add3A_761 = arith.addf %mul3A_758, %add3A_760 : vector<256x128xf32>
      %mul3A_762 = arith.constant 5.000000e-01 : f32
      %mul3A_763 = vector.broadcast %mul3A_762 : f32 to vector<256x128xf32>
      %mul3A_764 = arith.mulf %mul3A_763, %add3A_761 : vector<256x128xf32>
      %tanh3A_765 = math.tanh %mul3A_764 : vector<256x128xf32>
      %mul3A_766 = arith.mulf %mul3A_764, %tanh3A_765 : vector<256x128xf32>
      %add3A_767 = arith.addf %mul3A_764, %mul3A_766 : vector<256x128xf32>
      %slice3A_768 = vector.extract_strided_slice %slice3A_634 {offsets = [0, 7], sizes = [1, 1], strides = [1, 1]} : vector<1x32xf32> to vector<1x1xf32>
      %mul3A_769 = vector.broadcast %slice3A_768 : vector<1x1xf32> to vector<256x128xf32>
      %mul3A_770 = arith.mulf %add3A_767, %mul3A_769 : vector<256x128xf32>
      %add3A_771 = arith.addf %add3A_707, %mul3A_770 : vector<256x128xf32>
      %slice3A_772 = vector.extract_strided_slice %add3A_632 {offsets = [0, 8], sizes = [256, 1], strides = [1, 1]} : vector<256x32xf32> to vector<256x1xf32>
      %mul3A_773 = vector.broadcast %slice3A_772 : vector<256x1xf32> to vector<256x128xf32>
      %mul3A_774 = arith.mulf %add3A_75, %mul3A_773 : vector<256x128xf32>
      %slice3A_775 = vector.extract_strided_slice %slice3A_633 {offsets = [0, 8], sizes = [1, 1], strides = [1, 1]} : vector<1x32xf32> to vector<1x1xf32>
      %add3A_776 = vector.broadcast %slice3A_775 : vector<1x1xf32> to vector<256x128xf32>
      %add3A_777 = arith.addf %mul3A_774, %add3A_776 : vector<256x128xf32>
      %mul3A_778 = arith.constant 5.000000e-01 : f32
      %mul3A_779 = vector.broadcast %mul3A_778 : f32 to vector<256x128xf32>
      %mul3A_780 = arith.mulf %mul3A_779, %add3A_777 : vector<256x128xf32>
      %tanh3A_781 = math.tanh %mul3A_780 : vector<256x128xf32>
      %mul3A_782 = arith.mulf %mul3A_780, %tanh3A_781 : vector<256x128xf32>
      %add3A_783 = arith.addf %mul3A_780, %mul3A_782 : vector<256x128xf32>
      %slice3A_784 = vector.extract_strided_slice %slice3A_634 {offsets = [0, 8], sizes = [1, 1], strides = [1, 1]} : vector<1x32xf32> to vector<1x1xf32>
      %mul3A_785 = vector.broadcast %slice3A_784 : vector<1x1xf32> to vector<256x128xf32>
      %mul3A_786 = arith.mulf %add3A_783, %mul3A_785 : vector<256x128xf32>
      %add3A_787 = arith.addf %add3A_723, %mul3A_786 : vector<256x128xf32>
      %slice3A_788 = vector.extract_strided_slice %add3A_632 {offsets = [0, 9], sizes = [256, 1], strides = [1, 1]} : vector<256x32xf32> to vector<256x1xf32>
      %mul3A_789 = vector.broadcast %slice3A_788 : vector<256x1xf32> to vector<256x128xf32>
      %mul3A_790 = arith.mulf %add3A_75, %mul3A_789 : vector<256x128xf32>
      %slice3A_791 = vector.extract_strided_slice %slice3A_633 {offsets = [0, 9], sizes = [1, 1], strides = [1, 1]} : vector<1x32xf32> to vector<1x1xf32>
      %add3A_792 = vector.broadcast %slice3A_791 : vector<1x1xf32> to vector<256x128xf32>
      %add3A_793 = arith.addf %mul3A_790, %add3A_792 : vector<256x128xf32>
      %mul3A_794 = arith.constant 5.000000e-01 : f32
      %mul3A_795 = vector.broadcast %mul3A_794 : f32 to vector<256x128xf32>
      %mul3A_796 = arith.mulf %mul3A_795, %add3A_793 : vector<256x128xf32>
      %tanh3A_797 = math.tanh %mul3A_796 : vector<256x128xf32>
      %mul3A_798 = arith.mulf %mul3A_796, %tanh3A_797 : vector<256x128xf32>
      %add3A_799 = arith.addf %mul3A_796, %mul3A_798 : vector<256x128xf32>
      %slice3A_800 = vector.extract_strided_slice %slice3A_634 {offsets = [0, 9], sizes = [1, 1], strides = [1, 1]} : vector<1x32xf32> to vector<1x1xf32>
      %mul3A_801 = vector.broadcast %slice3A_800 : vector<1x1xf32> to vector<256x128xf32>
      %mul3A_802 = arith.mulf %add3A_799, %mul3A_801 : vector<256x128xf32>
      %add3A_803 = arith.addf %add3A_739, %mul3A_802 : vector<256x128xf32>
      %slice3A_804 = vector.extract_strided_slice %add3A_632 {offsets = [0, 10], sizes = [256, 1], strides = [1, 1]} : vector<256x32xf32> to vector<256x1xf32>
      %mul3A_805 = vector.broadcast %slice3A_804 : vector<256x1xf32> to vector<256x128xf32>
      %mul3A_806 = arith.mulf %add3A_75, %mul3A_805 : vector<256x128xf32>
      %slice3A_807 = vector.extract_strided_slice %slice3A_633 {offsets = [0, 10], sizes = [1, 1], strides = [1, 1]} : vector<1x32xf32> to vector<1x1xf32>
      %add3A_808 = vector.broadcast %slice3A_807 : vector<1x1xf32> to vector<256x128xf32>
      %add3A_809 = arith.addf %mul3A_806, %add3A_808 : vector<256x128xf32>
      %mul3A_810 = arith.constant 5.000000e-01 : f32
      %mul3A_811 = vector.broadcast %mul3A_810 : f32 to vector<256x128xf32>
      %mul3A_812 = arith.mulf %mul3A_811, %add3A_809 : vector<256x128xf32>
      %tanh3A_813 = math.tanh %mul3A_812 : vector<256x128xf32>
      %mul3A_814 = arith.mulf %mul3A_812, %tanh3A_813 : vector<256x128xf32>
      %add3A_815 = arith.addf %mul3A_812, %mul3A_814 : vector<256x128xf32>
      %slice3A_816 = vector.extract_strided_slice %slice3A_634 {offsets = [0, 10], sizes = [1, 1], strides = [1, 1]} : vector<1x32xf32> to vector<1x1xf32>
      %mul3A_817 = vector.broadcast %slice3A_816 : vector<1x1xf32> to vector<256x128xf32>
      %mul3A_818 = arith.mulf %add3A_815, %mul3A_817 : vector<256x128xf32>
      %add3A_819 = arith.addf %add3A_755, %mul3A_818 : vector<256x128xf32>
      %slice3A_820 = vector.extract_strided_slice %add3A_632 {offsets = [0, 11], sizes = [256, 1], strides = [1, 1]} : vector<256x32xf32> to vector<256x1xf32>
      %mul3A_821 = vector.broadcast %slice3A_820 : vector<256x1xf32> to vector<256x128xf32>
      %mul3A_822 = arith.mulf %add3A_75, %mul3A_821 : vector<256x128xf32>
      %slice3A_823 = vector.extract_strided_slice %slice3A_633 {offsets = [0, 11], sizes = [1, 1], strides = [1, 1]} : vector<1x32xf32> to vector<1x1xf32>
      %add3A_824 = vector.broadcast %slice3A_823 : vector<1x1xf32> to vector<256x128xf32>
      %add3A_825 = arith.addf %mul3A_822, %add3A_824 : vector<256x128xf32>
      %mul3A_826 = arith.constant 5.000000e-01 : f32
      %mul3A_827 = vector.broadcast %mul3A_826 : f32 to vector<256x128xf32>
      %mul3A_828 = arith.mulf %mul3A_827, %add3A_825 : vector<256x128xf32>
      %tanh3A_829 = math.tanh %mul3A_828 : vector<256x128xf32>
      %mul3A_830 = arith.mulf %mul3A_828, %tanh3A_829 : vector<256x128xf32>
      %add3A_831 = arith.addf %mul3A_828, %mul3A_830 : vector<256x128xf32>
      %slice3A_832 = vector.extract_strided_slice %slice3A_634 {offsets = [0, 11], sizes = [1, 1], strides = [1, 1]} : vector<1x32xf32> to vector<1x1xf32>
      %mul3A_833 = vector.broadcast %slice3A_832 : vector<1x1xf32> to vector<256x128xf32>
      %mul3A_834 = arith.mulf %add3A_831, %mul3A_833 : vector<256x128xf32>
      %add3A_835 = arith.addf %add3A_771, %mul3A_834 : vector<256x128xf32>
      %slice3A_836 = vector.extract_strided_slice %add3A_632 {offsets = [0, 12], sizes = [256, 1], strides = [1, 1]} : vector<256x32xf32> to vector<256x1xf32>
      %mul3A_837 = vector.broadcast %slice3A_836 : vector<256x1xf32> to vector<256x128xf32>
      %mul3A_838 = arith.mulf %add3A_75, %mul3A_837 : vector<256x128xf32>
      %slice3A_839 = vector.extract_strided_slice %slice3A_633 {offsets = [0, 12], sizes = [1, 1], strides = [1, 1]} : vector<1x32xf32> to vector<1x1xf32>
      %add3A_840 = vector.broadcast %slice3A_839 : vector<1x1xf32> to vector<256x128xf32>
      %add3A_841 = arith.addf %mul3A_838, %add3A_840 : vector<256x128xf32>
      %mul3A_842 = arith.constant 5.000000e-01 : f32
      %mul3A_843 = vector.broadcast %mul3A_842 : f32 to vector<256x128xf32>
      %mul3A_844 = arith.mulf %mul3A_843, %add3A_841 : vector<256x128xf32>
      %tanh3A_845 = math.tanh %mul3A_844 : vector<256x128xf32>
      %mul3A_846 = arith.mulf %mul3A_844, %tanh3A_845 : vector<256x128xf32>
      %add3A_847 = arith.addf %mul3A_844, %mul3A_846 : vector<256x128xf32>
      %slice3A_848 = vector.extract_strided_slice %slice3A_634 {offsets = [0, 12], sizes = [1, 1], strides = [1, 1]} : vector<1x32xf32> to vector<1x1xf32>
      %mul3A_849 = vector.broadcast %slice3A_848 : vector<1x1xf32> to vector<256x128xf32>
      %mul3A_850 = arith.mulf %add3A_847, %mul3A_849 : vector<256x128xf32>
      %add3A_851 = arith.addf %add3A_787, %mul3A_850 : vector<256x128xf32>
      %slice3A_852 = vector.extract_strided_slice %add3A_632 {offsets = [0, 13], sizes = [256, 1], strides = [1, 1]} : vector<256x32xf32> to vector<256x1xf32>
      %mul3A_853 = vector.broadcast %slice3A_852 : vector<256x1xf32> to vector<256x128xf32>
      %mul3A_854 = arith.mulf %add3A_75, %mul3A_853 : vector<256x128xf32>
      %slice3A_855 = vector.extract_strided_slice %slice3A_633 {offsets = [0, 13], sizes = [1, 1], strides = [1, 1]} : vector<1x32xf32> to vector<1x1xf32>
      %add3A_856 = vector.broadcast %slice3A_855 : vector<1x1xf32> to vector<256x128xf32>
      %add3A_857 = arith.addf %mul3A_854, %add3A_856 : vector<256x128xf32>
      %mul3A_858 = arith.constant 5.000000e-01 : f32
      %mul3A_859 = vector.broadcast %mul3A_858 : f32 to vector<256x128xf32>
      %mul3A_860 = arith.mulf %mul3A_859, %add3A_857 : vector<256x128xf32>
      %tanh3A_861 = math.tanh %mul3A_860 : vector<256x128xf32>
      %mul3A_862 = arith.mulf %mul3A_860, %tanh3A_861 : vector<256x128xf32>
      %add3A_863 = arith.addf %mul3A_860, %mul3A_862 : vector<256x128xf32>
      %slice3A_864 = vector.extract_strided_slice %slice3A_634 {offsets = [0, 13], sizes = [1, 1], strides = [1, 1]} : vector<1x32xf32> to vector<1x1xf32>
      %mul3A_865 = vector.broadcast %slice3A_864 : vector<1x1xf32> to vector<256x128xf32>
      %mul3A_866 = arith.mulf %add3A_863, %mul3A_865 : vector<256x128xf32>
      %add3A_867 = arith.addf %add3A_803, %mul3A_866 : vector<256x128xf32>
      %slice3A_868 = vector.extract_strided_slice %add3A_632 {offsets = [0, 14], sizes = [256, 1], strides = [1, 1]} : vector<256x32xf32> to vector<256x1xf32>
      %mul3A_869 = vector.broadcast %slice3A_868 : vector<256x1xf32> to vector<256x128xf32>
      %mul3A_870 = arith.mulf %add3A_75, %mul3A_869 : vector<256x128xf32>
      %slice3A_871 = vector.extract_strided_slice %slice3A_633 {offsets = [0, 14], sizes = [1, 1], strides = [1, 1]} : vector<1x32xf32> to vector<1x1xf32>
      %add3A_872 = vector.broadcast %slice3A_871 : vector<1x1xf32> to vector<256x128xf32>
      %add3A_873 = arith.addf %mul3A_870, %add3A_872 : vector<256x128xf32>
      %mul3A_874 = arith.constant 5.000000e-01 : f32
      %mul3A_875 = vector.broadcast %mul3A_874 : f32 to vector<256x128xf32>
      %mul3A_876 = arith.mulf %mul3A_875, %add3A_873 : vector<256x128xf32>
      %tanh3A_877 = math.tanh %mul3A_876 : vector<256x128xf32>
      %mul3A_878 = arith.mulf %mul3A_876, %tanh3A_877 : vector<256x128xf32>
      %add3A_879 = arith.addf %mul3A_876, %mul3A_878 : vector<256x128xf32>
      %slice3A_880 = vector.extract_strided_slice %slice3A_634 {offsets = [0, 14], sizes = [1, 1], strides = [1, 1]} : vector<1x32xf32> to vector<1x1xf32>
      %mul3A_881 = vector.broadcast %slice3A_880 : vector<1x1xf32> to vector<256x128xf32>
      %mul3A_882 = arith.mulf %add3A_879, %mul3A_881 : vector<256x128xf32>
      %add3A_883 = arith.addf %add3A_819, %mul3A_882 : vector<256x128xf32>
      %slice3A_884 = vector.extract_strided_slice %add3A_632 {offsets = [0, 15], sizes = [256, 1], strides = [1, 1]} : vector<256x32xf32> to vector<256x1xf32>
      %mul3A_885 = vector.broadcast %slice3A_884 : vector<256x1xf32> to vector<256x128xf32>
      %mul3A_886 = arith.mulf %add3A_75, %mul3A_885 : vector<256x128xf32>
      %slice3A_887 = vector.extract_strided_slice %slice3A_633 {offsets = [0, 15], sizes = [1, 1], strides = [1, 1]} : vector<1x32xf32> to vector<1x1xf32>
      %add3A_888 = vector.broadcast %slice3A_887 : vector<1x1xf32> to vector<256x128xf32>
      %add3A_889 = arith.addf %mul3A_886, %add3A_888 : vector<256x128xf32>
      %mul3A_890 = arith.constant 5.000000e-01 : f32
      %mul3A_891 = vector.broadcast %mul3A_890 : f32 to vector<256x128xf32>
      %mul3A_892 = arith.mulf %mul3A_891, %add3A_889 : vector<256x128xf32>
      %tanh3A_893 = math.tanh %mul3A_892 : vector<256x128xf32>
      %mul3A_894 = arith.mulf %mul3A_892, %tanh3A_893 : vector<256x128xf32>
      %add3A_895 = arith.addf %mul3A_892, %mul3A_894 : vector<256x128xf32>
      %slice3A_896 = vector.extract_strided_slice %slice3A_634 {offsets = [0, 15], sizes = [1, 1], strides = [1, 1]} : vector<1x32xf32> to vector<1x1xf32>
      %mul3A_897 = vector.broadcast %slice3A_896 : vector<1x1xf32> to vector<256x128xf32>
      %mul3A_898 = arith.mulf %add3A_895, %mul3A_897 : vector<256x128xf32>
      %add3A_899 = arith.addf %add3A_835, %mul3A_898 : vector<256x128xf32>
      %slice3A_900 = vector.extract_strided_slice %add3A_632 {offsets = [0, 16], sizes = [256, 1], strides = [1, 1]} : vector<256x32xf32> to vector<256x1xf32>
      %mul3A_901 = vector.broadcast %slice3A_900 : vector<256x1xf32> to vector<256x128xf32>
      %mul3A_902 = arith.mulf %add3A_75, %mul3A_901 : vector<256x128xf32>
      %slice3A_903 = vector.extract_strided_slice %slice3A_633 {offsets = [0, 16], sizes = [1, 1], strides = [1, 1]} : vector<1x32xf32> to vector<1x1xf32>
      %add3A_904 = vector.broadcast %slice3A_903 : vector<1x1xf32> to vector<256x128xf32>
      %add3A_905 = arith.addf %mul3A_902, %add3A_904 : vector<256x128xf32>
      %mul3A_906 = arith.constant 5.000000e-01 : f32
      %mul3A_907 = vector.broadcast %mul3A_906 : f32 to vector<256x128xf32>
      %mul3A_908 = arith.mulf %mul3A_907, %add3A_905 : vector<256x128xf32>
      %tanh3A_909 = math.tanh %mul3A_908 : vector<256x128xf32>
      %mul3A_910 = arith.mulf %mul3A_908, %tanh3A_909 : vector<256x128xf32>
      %add3A_911 = arith.addf %mul3A_908, %mul3A_910 : vector<256x128xf32>
      %slice3A_912 = vector.extract_strided_slice %slice3A_634 {offsets = [0, 16], sizes = [1, 1], strides = [1, 1]} : vector<1x32xf32> to vector<1x1xf32>
      %mul3A_913 = vector.broadcast %slice3A_912 : vector<1x1xf32> to vector<256x128xf32>
      %mul3A_914 = arith.mulf %add3A_911, %mul3A_913 : vector<256x128xf32>
      %add3A_915 = arith.addf %add3A_851, %mul3A_914 : vector<256x128xf32>
      %slice3A_916 = vector.extract_strided_slice %add3A_632 {offsets = [0, 17], sizes = [256, 1], strides = [1, 1]} : vector<256x32xf32> to vector<256x1xf32>
      %mul3A_917 = vector.broadcast %slice3A_916 : vector<256x1xf32> to vector<256x128xf32>
      %mul3A_918 = arith.mulf %add3A_75, %mul3A_917 : vector<256x128xf32>
      %slice3A_919 = vector.extract_strided_slice %slice3A_633 {offsets = [0, 17], sizes = [1, 1], strides = [1, 1]} : vector<1x32xf32> to vector<1x1xf32>
      %add3A_920 = vector.broadcast %slice3A_919 : vector<1x1xf32> to vector<256x128xf32>
      %add3A_921 = arith.addf %mul3A_918, %add3A_920 : vector<256x128xf32>
      %mul3A_922 = arith.constant 5.000000e-01 : f32
      %mul3A_923 = vector.broadcast %mul3A_922 : f32 to vector<256x128xf32>
      %mul3A_924 = arith.mulf %mul3A_923, %add3A_921 : vector<256x128xf32>
      %tanh3A_925 = math.tanh %mul3A_924 : vector<256x128xf32>
      %mul3A_926 = arith.mulf %mul3A_924, %tanh3A_925 : vector<256x128xf32>
      %add3A_927 = arith.addf %mul3A_924, %mul3A_926 : vector<256x128xf32>
      %slice3A_928 = vector.extract_strided_slice %slice3A_634 {offsets = [0, 17], sizes = [1, 1], strides = [1, 1]} : vector<1x32xf32> to vector<1x1xf32>
      %mul3A_929 = vector.broadcast %slice3A_928 : vector<1x1xf32> to vector<256x128xf32>
      %mul3A_930 = arith.mulf %add3A_927, %mul3A_929 : vector<256x128xf32>
      %add3A_931 = arith.addf %add3A_867, %mul3A_930 : vector<256x128xf32>
      %slice3A_932 = vector.extract_strided_slice %add3A_632 {offsets = [0, 18], sizes = [256, 1], strides = [1, 1]} : vector<256x32xf32> to vector<256x1xf32>
      %mul3A_933 = vector.broadcast %slice3A_932 : vector<256x1xf32> to vector<256x128xf32>
      %mul3A_934 = arith.mulf %add3A_75, %mul3A_933 : vector<256x128xf32>
      %slice3A_935 = vector.extract_strided_slice %slice3A_633 {offsets = [0, 18], sizes = [1, 1], strides = [1, 1]} : vector<1x32xf32> to vector<1x1xf32>
      %add3A_936 = vector.broadcast %slice3A_935 : vector<1x1xf32> to vector<256x128xf32>
      %add3A_937 = arith.addf %mul3A_934, %add3A_936 : vector<256x128xf32>
      %mul3A_938 = arith.constant 5.000000e-01 : f32
      %mul3A_939 = vector.broadcast %mul3A_938 : f32 to vector<256x128xf32>
      %mul3A_940 = arith.mulf %mul3A_939, %add3A_937 : vector<256x128xf32>
      %tanh3A_941 = math.tanh %mul3A_940 : vector<256x128xf32>
      %mul3A_942 = arith.mulf %mul3A_940, %tanh3A_941 : vector<256x128xf32>
      %add3A_943 = arith.addf %mul3A_940, %mul3A_942 : vector<256x128xf32>
      %slice3A_944 = vector.extract_strided_slice %slice3A_634 {offsets = [0, 18], sizes = [1, 1], strides = [1, 1]} : vector<1x32xf32> to vector<1x1xf32>
      %mul3A_945 = vector.broadcast %slice3A_944 : vector<1x1xf32> to vector<256x128xf32>
      %mul3A_946 = arith.mulf %add3A_943, %mul3A_945 : vector<256x128xf32>
      %add3A_947 = arith.addf %add3A_883, %mul3A_946 : vector<256x128xf32>
      %slice3A_948 = vector.extract_strided_slice %add3A_632 {offsets = [0, 19], sizes = [256, 1], strides = [1, 1]} : vector<256x32xf32> to vector<256x1xf32>
      %mul3A_949 = vector.broadcast %slice3A_948 : vector<256x1xf32> to vector<256x128xf32>
      %mul3A_950 = arith.mulf %add3A_75, %mul3A_949 : vector<256x128xf32>
      %slice3A_951 = vector.extract_strided_slice %slice3A_633 {offsets = [0, 19], sizes = [1, 1], strides = [1, 1]} : vector<1x32xf32> to vector<1x1xf32>
      %add3A_952 = vector.broadcast %slice3A_951 : vector<1x1xf32> to vector<256x128xf32>
      %add3A_953 = arith.addf %mul3A_950, %add3A_952 : vector<256x128xf32>
      %mul3A_954 = arith.constant 5.000000e-01 : f32
      %mul3A_955 = vector.broadcast %mul3A_954 : f32 to vector<256x128xf32>
      %mul3A_956 = arith.mulf %mul3A_955, %add3A_953 : vector<256x128xf32>
      %tanh3A_957 = math.tanh %mul3A_956 : vector<256x128xf32>
      %mul3A_958 = arith.mulf %mul3A_956, %tanh3A_957 : vector<256x128xf32>
      %add3A_959 = arith.addf %mul3A_956, %mul3A_958 : vector<256x128xf32>
      %slice3A_960 = vector.extract_strided_slice %slice3A_634 {offsets = [0, 19], sizes = [1, 1], strides = [1, 1]} : vector<1x32xf32> to vector<1x1xf32>
      %mul3A_961 = vector.broadcast %slice3A_960 : vector<1x1xf32> to vector<256x128xf32>
      %mul3A_962 = arith.mulf %add3A_959, %mul3A_961 : vector<256x128xf32>
      %add3A_963 = arith.addf %add3A_899, %mul3A_962 : vector<256x128xf32>
      %slice3A_964 = vector.extract_strided_slice %add3A_632 {offsets = [0, 20], sizes = [256, 1], strides = [1, 1]} : vector<256x32xf32> to vector<256x1xf32>
      %mul3A_965 = vector.broadcast %slice3A_964 : vector<256x1xf32> to vector<256x128xf32>
      %mul3A_966 = arith.mulf %add3A_75, %mul3A_965 : vector<256x128xf32>
      %slice3A_967 = vector.extract_strided_slice %slice3A_633 {offsets = [0, 20], sizes = [1, 1], strides = [1, 1]} : vector<1x32xf32> to vector<1x1xf32>
      %add3A_968 = vector.broadcast %slice3A_967 : vector<1x1xf32> to vector<256x128xf32>
      %add3A_969 = arith.addf %mul3A_966, %add3A_968 : vector<256x128xf32>
      %mul3A_970 = arith.constant 5.000000e-01 : f32
      %mul3A_971 = vector.broadcast %mul3A_970 : f32 to vector<256x128xf32>
      %mul3A_972 = arith.mulf %mul3A_971, %add3A_969 : vector<256x128xf32>
      %tanh3A_973 = math.tanh %mul3A_972 : vector<256x128xf32>
      %mul3A_974 = arith.mulf %mul3A_972, %tanh3A_973 : vector<256x128xf32>
      %add3A_975 = arith.addf %mul3A_972, %mul3A_974 : vector<256x128xf32>
      %slice3A_976 = vector.extract_strided_slice %slice3A_634 {offsets = [0, 20], sizes = [1, 1], strides = [1, 1]} : vector<1x32xf32> to vector<1x1xf32>
      %mul3A_977 = vector.broadcast %slice3A_976 : vector<1x1xf32> to vector<256x128xf32>
      %mul3A_978 = arith.mulf %add3A_975, %mul3A_977 : vector<256x128xf32>
      %add3A_979 = arith.addf %add3A_915, %mul3A_978 : vector<256x128xf32>
      %slice3A_980 = vector.extract_strided_slice %add3A_632 {offsets = [0, 21], sizes = [256, 1], strides = [1, 1]} : vector<256x32xf32> to vector<256x1xf32>
      %mul3A_981 = vector.broadcast %slice3A_980 : vector<256x1xf32> to vector<256x128xf32>
      %mul3A_982 = arith.mulf %add3A_75, %mul3A_981 : vector<256x128xf32>
      %slice3A_983 = vector.extract_strided_slice %slice3A_633 {offsets = [0, 21], sizes = [1, 1], strides = [1, 1]} : vector<1x32xf32> to vector<1x1xf32>
      %add3A_984 = vector.broadcast %slice3A_983 : vector<1x1xf32> to vector<256x128xf32>
      %add3A_985 = arith.addf %mul3A_982, %add3A_984 : vector<256x128xf32>
      %mul3A_986 = arith.constant 5.000000e-01 : f32
      %mul3A_987 = vector.broadcast %mul3A_986 : f32 to vector<256x128xf32>
      %mul3A_988 = arith.mulf %mul3A_987, %add3A_985 : vector<256x128xf32>
      %tanh3A_989 = math.tanh %mul3A_988 : vector<256x128xf32>
      %mul3A_990 = arith.mulf %mul3A_988, %tanh3A_989 : vector<256x128xf32>
      %add3A_991 = arith.addf %mul3A_988, %mul3A_990 : vector<256x128xf32>
      %slice3A_992 = vector.extract_strided_slice %slice3A_634 {offsets = [0, 21], sizes = [1, 1], strides = [1, 1]} : vector<1x32xf32> to vector<1x1xf32>
      %mul3A_993 = vector.broadcast %slice3A_992 : vector<1x1xf32> to vector<256x128xf32>
      %mul3A_994 = arith.mulf %add3A_991, %mul3A_993 : vector<256x128xf32>
      %add3A_995 = arith.addf %add3A_931, %mul3A_994 : vector<256x128xf32>
      %slice3A_996 = vector.extract_strided_slice %add3A_632 {offsets = [0, 22], sizes = [256, 1], strides = [1, 1]} : vector<256x32xf32> to vector<256x1xf32>
      %mul3A_997 = vector.broadcast %slice3A_996 : vector<256x1xf32> to vector<256x128xf32>
      %mul3A_998 = arith.mulf %add3A_75, %mul3A_997 : vector<256x128xf32>
      %slice3A_999 = vector.extract_strided_slice %slice3A_633 {offsets = [0, 22], sizes = [1, 1], strides = [1, 1]} : vector<1x32xf32> to vector<1x1xf32>
      %add3A_1000 = vector.broadcast %slice3A_999 : vector<1x1xf32> to vector<256x128xf32>
      %add3A_1001 = arith.addf %mul3A_998, %add3A_1000 : vector<256x128xf32>
      %mul3A_1002 = arith.constant 5.000000e-01 : f32
      %mul3A_1003 = vector.broadcast %mul3A_1002 : f32 to vector<256x128xf32>
      %mul3A_1004 = arith.mulf %mul3A_1003, %add3A_1001 : vector<256x128xf32>
      %tanh3A_1005 = math.tanh %mul3A_1004 : vector<256x128xf32>
      %mul3A_1006 = arith.mulf %mul3A_1004, %tanh3A_1005 : vector<256x128xf32>
      %add3A_1007 = arith.addf %mul3A_1004, %mul3A_1006 : vector<256x128xf32>
      %slice3A_1008 = vector.extract_strided_slice %slice3A_634 {offsets = [0, 22], sizes = [1, 1], strides = [1, 1]} : vector<1x32xf32> to vector<1x1xf32>
      %mul3A_1009 = vector.broadcast %slice3A_1008 : vector<1x1xf32> to vector<256x128xf32>
      %mul3A_1010 = arith.mulf %add3A_1007, %mul3A_1009 : vector<256x128xf32>
      %add3A_1011 = arith.addf %add3A_947, %mul3A_1010 : vector<256x128xf32>
      %slice3A_1012 = vector.extract_strided_slice %add3A_632 {offsets = [0, 23], sizes = [256, 1], strides = [1, 1]} : vector<256x32xf32> to vector<256x1xf32>
      %mul3A_1013 = vector.broadcast %slice3A_1012 : vector<256x1xf32> to vector<256x128xf32>
      %mul3A_1014 = arith.mulf %add3A_75, %mul3A_1013 : vector<256x128xf32>
      %slice3A_1015 = vector.extract_strided_slice %slice3A_633 {offsets = [0, 23], sizes = [1, 1], strides = [1, 1]} : vector<1x32xf32> to vector<1x1xf32>
      %add3A_1016 = vector.broadcast %slice3A_1015 : vector<1x1xf32> to vector<256x128xf32>
      %add3A_1017 = arith.addf %mul3A_1014, %add3A_1016 : vector<256x128xf32>
      %mul3A_1018 = arith.constant 5.000000e-01 : f32
      %mul3A_1019 = vector.broadcast %mul3A_1018 : f32 to vector<256x128xf32>
      %mul3A_1020 = arith.mulf %mul3A_1019, %add3A_1017 : vector<256x128xf32>
      %tanh3A_1021 = math.tanh %mul3A_1020 : vector<256x128xf32>
      %mul3A_1022 = arith.mulf %mul3A_1020, %tanh3A_1021 : vector<256x128xf32>
      %add3A_1023 = arith.addf %mul3A_1020, %mul3A_1022 : vector<256x128xf32>
      %slice3A_1024 = vector.extract_strided_slice %slice3A_634 {offsets = [0, 23], sizes = [1, 1], strides = [1, 1]} : vector<1x32xf32> to vector<1x1xf32>
      %mul3A_1025 = vector.broadcast %slice3A_1024 : vector<1x1xf32> to vector<256x128xf32>
      %mul3A_1026 = arith.mulf %add3A_1023, %mul3A_1025 : vector<256x128xf32>
      %add3A_1027 = arith.addf %add3A_963, %mul3A_1026 : vector<256x128xf32>
      %slice3A_1028 = vector.extract_strided_slice %add3A_632 {offsets = [0, 24], sizes = [256, 1], strides = [1, 1]} : vector<256x32xf32> to vector<256x1xf32>
      %mul3A_1029 = vector.broadcast %slice3A_1028 : vector<256x1xf32> to vector<256x128xf32>
      %mul3A_1030 = arith.mulf %add3A_75, %mul3A_1029 : vector<256x128xf32>
      %slice3A_1031 = vector.extract_strided_slice %slice3A_633 {offsets = [0, 24], sizes = [1, 1], strides = [1, 1]} : vector<1x32xf32> to vector<1x1xf32>
      %add3A_1032 = vector.broadcast %slice3A_1031 : vector<1x1xf32> to vector<256x128xf32>
      %add3A_1033 = arith.addf %mul3A_1030, %add3A_1032 : vector<256x128xf32>
      %mul3A_1034 = arith.constant 5.000000e-01 : f32
      %mul3A_1035 = vector.broadcast %mul3A_1034 : f32 to vector<256x128xf32>
      %mul3A_1036 = arith.mulf %mul3A_1035, %add3A_1033 : vector<256x128xf32>
      %tanh3A_1037 = math.tanh %mul3A_1036 : vector<256x128xf32>
      %mul3A_1038 = arith.mulf %mul3A_1036, %tanh3A_1037 : vector<256x128xf32>
      %add3A_1039 = arith.addf %mul3A_1036, %mul3A_1038 : vector<256x128xf32>
      %slice3A_1040 = vector.extract_strided_slice %slice3A_634 {offsets = [0, 24], sizes = [1, 1], strides = [1, 1]} : vector<1x32xf32> to vector<1x1xf32>
      %mul3A_1041 = vector.broadcast %slice3A_1040 : vector<1x1xf32> to vector<256x128xf32>
      %mul3A_1042 = arith.mulf %add3A_1039, %mul3A_1041 : vector<256x128xf32>
      %add3A_1043 = arith.addf %add3A_979, %mul3A_1042 : vector<256x128xf32>
      %slice3A_1044 = vector.extract_strided_slice %add3A_632 {offsets = [0, 25], sizes = [256, 1], strides = [1, 1]} : vector<256x32xf32> to vector<256x1xf32>
      %mul3A_1045 = vector.broadcast %slice3A_1044 : vector<256x1xf32> to vector<256x128xf32>
      %mul3A_1046 = arith.mulf %add3A_75, %mul3A_1045 : vector<256x128xf32>
      %slice3A_1047 = vector.extract_strided_slice %slice3A_633 {offsets = [0, 25], sizes = [1, 1], strides = [1, 1]} : vector<1x32xf32> to vector<1x1xf32>
      %add3A_1048 = vector.broadcast %slice3A_1047 : vector<1x1xf32> to vector<256x128xf32>
      %add3A_1049 = arith.addf %mul3A_1046, %add3A_1048 : vector<256x128xf32>
      %mul3A_1050 = arith.constant 5.000000e-01 : f32
      %mul3A_1051 = vector.broadcast %mul3A_1050 : f32 to vector<256x128xf32>
      %mul3A_1052 = arith.mulf %mul3A_1051, %add3A_1049 : vector<256x128xf32>
      %tanh3A_1053 = math.tanh %mul3A_1052 : vector<256x128xf32>
      %mul3A_1054 = arith.mulf %mul3A_1052, %tanh3A_1053 : vector<256x128xf32>
      %add3A_1055 = arith.addf %mul3A_1052, %mul3A_1054 : vector<256x128xf32>
      %slice3A_1056 = vector.extract_strided_slice %slice3A_634 {offsets = [0, 25], sizes = [1, 1], strides = [1, 1]} : vector<1x32xf32> to vector<1x1xf32>
      %mul3A_1057 = vector.broadcast %slice3A_1056 : vector<1x1xf32> to vector<256x128xf32>
      %mul3A_1058 = arith.mulf %add3A_1055, %mul3A_1057 : vector<256x128xf32>
      %add3A_1059 = arith.addf %add3A_995, %mul3A_1058 : vector<256x128xf32>
      %slice3A_1060 = vector.extract_strided_slice %add3A_632 {offsets = [0, 26], sizes = [256, 1], strides = [1, 1]} : vector<256x32xf32> to vector<256x1xf32>
      %mul3A_1061 = vector.broadcast %slice3A_1060 : vector<256x1xf32> to vector<256x128xf32>
      %mul3A_1062 = arith.mulf %add3A_75, %mul3A_1061 : vector<256x128xf32>
      %slice3A_1063 = vector.extract_strided_slice %slice3A_633 {offsets = [0, 26], sizes = [1, 1], strides = [1, 1]} : vector<1x32xf32> to vector<1x1xf32>
      %add3A_1064 = vector.broadcast %slice3A_1063 : vector<1x1xf32> to vector<256x128xf32>
      %add3A_1065 = arith.addf %mul3A_1062, %add3A_1064 : vector<256x128xf32>
      %mul3A_1066 = arith.constant 5.000000e-01 : f32
      %mul3A_1067 = vector.broadcast %mul3A_1066 : f32 to vector<256x128xf32>
      %mul3A_1068 = arith.mulf %mul3A_1067, %add3A_1065 : vector<256x128xf32>
      %tanh3A_1069 = math.tanh %mul3A_1068 : vector<256x128xf32>
      %mul3A_1070 = arith.mulf %mul3A_1068, %tanh3A_1069 : vector<256x128xf32>
      %add3A_1071 = arith.addf %mul3A_1068, %mul3A_1070 : vector<256x128xf32>
      %slice3A_1072 = vector.extract_strided_slice %slice3A_634 {offsets = [0, 26], sizes = [1, 1], strides = [1, 1]} : vector<1x32xf32> to vector<1x1xf32>
      %mul3A_1073 = vector.broadcast %slice3A_1072 : vector<1x1xf32> to vector<256x128xf32>
      %mul3A_1074 = arith.mulf %add3A_1071, %mul3A_1073 : vector<256x128xf32>
      %add3A_1075 = arith.addf %add3A_1011, %mul3A_1074 : vector<256x128xf32>
      %slice3A_1076 = vector.extract_strided_slice %add3A_632 {offsets = [0, 27], sizes = [256, 1], strides = [1, 1]} : vector<256x32xf32> to vector<256x1xf32>
      %mul3A_1077 = vector.broadcast %slice3A_1076 : vector<256x1xf32> to vector<256x128xf32>
      %mul3A_1078 = arith.mulf %add3A_75, %mul3A_1077 : vector<256x128xf32>
      %slice3A_1079 = vector.extract_strided_slice %slice3A_633 {offsets = [0, 27], sizes = [1, 1], strides = [1, 1]} : vector<1x32xf32> to vector<1x1xf32>
      %add3A_1080 = vector.broadcast %slice3A_1079 : vector<1x1xf32> to vector<256x128xf32>
      %add3A_1081 = arith.addf %mul3A_1078, %add3A_1080 : vector<256x128xf32>
      %mul3A_1082 = arith.constant 5.000000e-01 : f32
      %mul3A_1083 = vector.broadcast %mul3A_1082 : f32 to vector<256x128xf32>
      %mul3A_1084 = arith.mulf %mul3A_1083, %add3A_1081 : vector<256x128xf32>
      %tanh3A_1085 = math.tanh %mul3A_1084 : vector<256x128xf32>
      %mul3A_1086 = arith.mulf %mul3A_1084, %tanh3A_1085 : vector<256x128xf32>
      %add3A_1087 = arith.addf %mul3A_1084, %mul3A_1086 : vector<256x128xf32>
      %slice3A_1088 = vector.extract_strided_slice %slice3A_634 {offsets = [0, 27], sizes = [1, 1], strides = [1, 1]} : vector<1x32xf32> to vector<1x1xf32>
      %mul3A_1089 = vector.broadcast %slice3A_1088 : vector<1x1xf32> to vector<256x128xf32>
      %mul3A_1090 = arith.mulf %add3A_1087, %mul3A_1089 : vector<256x128xf32>
      %add3A_1091 = arith.addf %add3A_1027, %mul3A_1090 : vector<256x128xf32>
      %slice3A_1092 = vector.extract_strided_slice %add3A_632 {offsets = [0, 28], sizes = [256, 1], strides = [1, 1]} : vector<256x32xf32> to vector<256x1xf32>
      %mul3A_1093 = vector.broadcast %slice3A_1092 : vector<256x1xf32> to vector<256x128xf32>
      %mul3A_1094 = arith.mulf %add3A_75, %mul3A_1093 : vector<256x128xf32>
      %slice3A_1095 = vector.extract_strided_slice %slice3A_633 {offsets = [0, 28], sizes = [1, 1], strides = [1, 1]} : vector<1x32xf32> to vector<1x1xf32>
      %add3A_1096 = vector.broadcast %slice3A_1095 : vector<1x1xf32> to vector<256x128xf32>
      %add3A_1097 = arith.addf %mul3A_1094, %add3A_1096 : vector<256x128xf32>
      %mul3A_1098 = arith.constant 5.000000e-01 : f32
      %mul3A_1099 = vector.broadcast %mul3A_1098 : f32 to vector<256x128xf32>
      %mul3A_1100 = arith.mulf %mul3A_1099, %add3A_1097 : vector<256x128xf32>
      %tanh3A_1101 = math.tanh %mul3A_1100 : vector<256x128xf32>
      %mul3A_1102 = arith.mulf %mul3A_1100, %tanh3A_1101 : vector<256x128xf32>
      %add3A_1103 = arith.addf %mul3A_1100, %mul3A_1102 : vector<256x128xf32>
      %slice3A_1104 = vector.extract_strided_slice %slice3A_634 {offsets = [0, 28], sizes = [1, 1], strides = [1, 1]} : vector<1x32xf32> to vector<1x1xf32>
      %mul3A_1105 = vector.broadcast %slice3A_1104 : vector<1x1xf32> to vector<256x128xf32>
      %mul3A_1106 = arith.mulf %add3A_1103, %mul3A_1105 : vector<256x128xf32>
      %add3A_1107 = arith.addf %add3A_1043, %mul3A_1106 : vector<256x128xf32>
      %slice3A_1108 = vector.extract_strided_slice %add3A_632 {offsets = [0, 29], sizes = [256, 1], strides = [1, 1]} : vector<256x32xf32> to vector<256x1xf32>
      %mul3A_1109 = vector.broadcast %slice3A_1108 : vector<256x1xf32> to vector<256x128xf32>
      %mul3A_1110 = arith.mulf %add3A_75, %mul3A_1109 : vector<256x128xf32>
      %slice3A_1111 = vector.extract_strided_slice %slice3A_633 {offsets = [0, 29], sizes = [1, 1], strides = [1, 1]} : vector<1x32xf32> to vector<1x1xf32>
      %add3A_1112 = vector.broadcast %slice3A_1111 : vector<1x1xf32> to vector<256x128xf32>
      %add3A_1113 = arith.addf %mul3A_1110, %add3A_1112 : vector<256x128xf32>
      %mul3A_1114 = arith.constant 5.000000e-01 : f32
      %mul3A_1115 = vector.broadcast %mul3A_1114 : f32 to vector<256x128xf32>
      %mul3A_1116 = arith.mulf %mul3A_1115, %add3A_1113 : vector<256x128xf32>
      %tanh3A_1117 = math.tanh %mul3A_1116 : vector<256x128xf32>
      %mul3A_1118 = arith.mulf %mul3A_1116, %tanh3A_1117 : vector<256x128xf32>
      %add3A_1119 = arith.addf %mul3A_1116, %mul3A_1118 : vector<256x128xf32>
      %slice3A_1120 = vector.extract_strided_slice %slice3A_634 {offsets = [0, 29], sizes = [1, 1], strides = [1, 1]} : vector<1x32xf32> to vector<1x1xf32>
      %mul3A_1121 = vector.broadcast %slice3A_1120 : vector<1x1xf32> to vector<256x128xf32>
      %mul3A_1122 = arith.mulf %add3A_1119, %mul3A_1121 : vector<256x128xf32>
      %add3A_1123 = arith.addf %add3A_1059, %mul3A_1122 : vector<256x128xf32>
      %slice3A_1124 = vector.extract_strided_slice %add3A_632 {offsets = [0, 30], sizes = [256, 1], strides = [1, 1]} : vector<256x32xf32> to vector<256x1xf32>
      %mul3A_1125 = vector.broadcast %slice3A_1124 : vector<256x1xf32> to vector<256x128xf32>
      %mul3A_1126 = arith.mulf %add3A_75, %mul3A_1125 : vector<256x128xf32>
      %slice3A_1127 = vector.extract_strided_slice %slice3A_633 {offsets = [0, 30], sizes = [1, 1], strides = [1, 1]} : vector<1x32xf32> to vector<1x1xf32>
      %add3A_1128 = vector.broadcast %slice3A_1127 : vector<1x1xf32> to vector<256x128xf32>
      %add3A_1129 = arith.addf %mul3A_1126, %add3A_1128 : vector<256x128xf32>
      %mul3A_1130 = arith.constant 5.000000e-01 : f32
      %mul3A_1131 = vector.broadcast %mul3A_1130 : f32 to vector<256x128xf32>
      %mul3A_1132 = arith.mulf %mul3A_1131, %add3A_1129 : vector<256x128xf32>
      %tanh3A_1133 = math.tanh %mul3A_1132 : vector<256x128xf32>
      %mul3A_1134 = arith.mulf %mul3A_1132, %tanh3A_1133 : vector<256x128xf32>
      %add3A_1135 = arith.addf %mul3A_1132, %mul3A_1134 : vector<256x128xf32>
      %slice3A_1136 = vector.extract_strided_slice %slice3A_634 {offsets = [0, 30], sizes = [1, 1], strides = [1, 1]} : vector<1x32xf32> to vector<1x1xf32>
      %mul3A_1137 = vector.broadcast %slice3A_1136 : vector<1x1xf32> to vector<256x128xf32>
      %mul3A_1138 = arith.mulf %add3A_1135, %mul3A_1137 : vector<256x128xf32>
      %add3A_1139 = arith.addf %add3A_1075, %mul3A_1138 : vector<256x128xf32>
      %slice3A_1140 = vector.extract_strided_slice %add3A_632 {offsets = [0, 31], sizes = [256, 1], strides = [1, 1]} : vector<256x32xf32> to vector<256x1xf32>
      %mul3A_1141 = vector.broadcast %slice3A_1140 : vector<256x1xf32> to vector<256x128xf32>
      %mul3A_1142 = arith.mulf %add3A_75, %mul3A_1141 : vector<256x128xf32>
      %slice3A_1143 = vector.extract_strided_slice %slice3A_633 {offsets = [0, 31], sizes = [1, 1], strides = [1, 1]} : vector<1x32xf32> to vector<1x1xf32>
      %add3A_1144 = vector.broadcast %slice3A_1143 : vector<1x1xf32> to vector<256x128xf32>
      %add3A_1145 = arith.addf %mul3A_1142, %add3A_1144 : vector<256x128xf32>
      %mul3A_1146 = arith.constant 5.000000e-01 : f32
      %mul3A_1147 = vector.broadcast %mul3A_1146 : f32 to vector<256x128xf32>
      %mul3A_1148 = arith.mulf %mul3A_1147, %add3A_1145 : vector<256x128xf32>
      %tanh3A_1149 = math.tanh %mul3A_1148 : vector<256x128xf32>
      %mul3A_1150 = arith.mulf %mul3A_1148, %tanh3A_1149 : vector<256x128xf32>
      %add3A_1151 = arith.addf %mul3A_1148, %mul3A_1150 : vector<256x128xf32>
      %slice3A_1152 = vector.extract_strided_slice %slice3A_634 {offsets = [0, 31], sizes = [1, 1], strides = [1, 1]} : vector<1x32xf32> to vector<1x1xf32>
      %mul3A_1153 = vector.broadcast %slice3A_1152 : vector<1x1xf32> to vector<256x128xf32>
      %mul3A_1154 = arith.mulf %add3A_1151, %mul3A_1153 : vector<256x128xf32>
      %add3A_1155 = arith.addf %add3A_1091, %mul3A_1154 : vector<256x128xf32>
      %add3A_1156 = arith.addf %add3A_1107, %add3A_1123 : vector<256x128xf32>
      %add3A_1157 = arith.addf %add3A_1139, %add3A_1155 : vector<256x128xf32>
      %add3A_1158 = arith.addf %add3A_1156, %add3A_1157 : vector<256x128xf32>
      %mul3A_1159 = vector.broadcast %add3A_38 : vector<256x1xf32> to vector<256x128xf32>
      %mul3A_1160 = arith.mulf %add3A_75, %mul3A_1159 : vector<256x128xf32>
      %add3A_1161 = vector.broadcast %slice3A_635 : vector<1x1xf32> to vector<256x128xf32>
      %add3A_1162 = arith.addf %add3A_1161, %mul3A_1160 : vector<256x128xf32>
      %add3A_1163 = arith.addf %add3A_1158, %add3A_1162 : vector<256x128xf32>
      %mul3A_1164 = vector.broadcast %slice3A_19 : vector<256x1xf32> to vector<256x128xf32>
      %mul3A_1165 = arith.mulf %add3A_618, %mul3A_1164 : vector<256x128xf32>
      %swap3A = arith.constant 0 : index
      %swap3A_1166 = arith.constant 0 : index
      %swap3A_1167 = vector.load %arg7[%swap3A, %swap3A_1166] : memref<256x128xf32, #tpu.memory_space<vmem>>, vector<256x128xf32>
      tpu.vector_store %arg7[%swap3A, %swap3A_1166], %mul3A_1165 {strides = array<i32>} : memref<256x128xf32, #tpu.memory_space<vmem>>, vector<256x128xf32>,
      %mul3A_1168 = vector.broadcast %slice3A_19 : vector<256x1xf32> to vector<256x128xf32>
      %mul3A_1169 = arith.mulf %add3A_1163, %mul3A_1168 : vector<256x128xf32>
      %swap3A_1170 = arith.constant 0 : index
      %swap3A_1171 = arith.constant 0 : index
      %swap3A_1172 = vector.load %arg8[%swap3A_1170, %swap3A_1171] : memref<256x128xf32, #tpu.memory_space<vmem>>, vector<256x128xf32>
      tpu.vector_store %arg8[%swap3A_1170, %swap3A_1171], %mul3A_1169 {strides = array<i32>} : memref<256x128xf32, #tpu.memory_space<vmem>>, vector<256x128xf32>,
    } else {
    }
    return
  }
  func.func @transform_0(%arg0: i32) -> (i32, i32) {
    %c0_i32 = arith.constant 0 : i32
    %c0_i32_0 = arith.constant 0 : i32
    %c0_i32_1 = arith.constant 0 : i32
    return %c0_i32, %c0_i32_0 : i32, i32
  }
  func.func @transform_1(%arg0: i32) -> (i32, i32) {
    %c0_i32 = arith.constant 0 : i32
    %c0_i32_0 = arith.constant 0 : i32
    return %arg0, %c0_i32 : i32, i32
  }
  func.func @transform_2(%arg0: i32) -> (i32, i32) {
    %c0_i32 = arith.constant 0 : i32
    %c0_i32_0 = arith.constant 0 : i32
    return %arg0, %c0_i32 : i32, i32
  }
  func.func @transform_3(%arg0: i32) -> (i32, i32) {
    %c0_i32 = arith.constant 0 : i32
    %c0_i32_0 = arith.constant 0 : i32
    %c0_i32_1 = arith.constant 0 : i32
    return %c0_i32, %c0_i32_0 : i32, i32
  }
  func.func @transform_4(%arg0: i32) -> (i32, i32) {
    %c0_i32 = arith.constant 0 : i32
    %c0_i32_0 = arith.constant 0 : i32
    %c0_i32_1 = arith.constant 0 : i32
    return %c0_i32, %c0_i32_0 : i32, i32
  }
  func.func @transform_5(%arg0: i32) -> (i32, i32) {
    %c0_i32 = arith.constant 0 : i32
    %c0_i32_0 = arith.constant 0 : i32
    %c0_i32_1 = arith.constant 0 : i32
    return %c0_i32, %c0_i32_0 : i32, i32
  }
  func.func @transform_6(%arg0: i32) -> (i32, i32) {
    %c0_i32 = arith.constant 0 : i32
    %c0_i32_0 = arith.constant 0 : i32
    return %arg0, %c0_i32 : i32, i32
  }
  func.func @transform_7(%arg0: i32) -> (i32, i32) {
    %c0_i32 = arith.constant 0 : i32
    %c0_i32_0 = arith.constant 0 : i32
    return %arg0, %c0_i32 : i32, i32
  }
}

module attributes {stable_mosaic.version = 14 : i64} {
  func.func @_final_body(%arg0: i32, %arg1: memref<1000x128xf32, #tpu.memory_space<vmem>>, %arg2: memref<128x128xf32, #tpu.memory_space<vmem>>, %arg3: memref<8x128xf32, #tpu.memory_space<vmem>>, %arg4: memref<1000x128xf32, #tpu.memory_space<vmem>>) attributes {dimension_semantics = [#tpu.dimension_semantics<arbitrary>], iteration_bounds = array<i64: 30>, scalar_prefetch = 0 : i64, scratch_operands = 0 : i64, tpu.core_type = #tpu.core_type<tc>, window_params = [{transform_indices = @transform_0, window_bounds = array<i64: 1000, 128>}, {pipeline_mode = #tpu.pipeline_mode<synchronous>, transform_indices = @transform_1, window_bounds = array<i64: 128, 128>}, {pipeline_mode = #tpu.pipeline_mode<synchronous>, transform_indices = @transform_2, window_bounds = array<i64: 8, 128>}, {transform_indices = @transform_3, window_bounds = array<i64: 1000, 128>}]} {
    %get3A = arith.constant 0 : index
    %get3A_0 = arith.constant 0 : index
    %get3A_1 = vector.load %arg3[%get3A, %get3A_0] : memref<8x128xf32, #tpu.memory_space<vmem>>, vector<8x128xf32>
    %get3A_2 = arith.constant 0 : index
    %get3A_3 = arith.constant 0 : index
    %get3A_4 = vector.load %arg1[%get3A_2, %get3A_3] : memref<1000x128xf32, #tpu.memory_space<vmem>>, vector<1000x128xf32>
    %get3A_5 = arith.constant 0 : index
    %get3A_6 = arith.constant 0 : index
    %get3A_7 = vector.load %arg2[%get3A_5, %get3A_6] : memref<128x128xf32, #tpu.memory_space<vmem>>, vector<128x128xf32>
    %dot_general3A = arith.constant dense<0.000000e+00> : vector<1000x128xf32>
    %dot_general3A_8 = tpu.matmul %get3A_4, %get3A_7, %dot_general3A {dimension_numbers = #tpu.dot_dimension_numbers<[1], [0], [0], [1], [0, 0, 1, 1], [], []>, transpose_lhs_hint = false} : vector<1000x128xf32>, vector<128x128xf32>, vector<1000x128xf32> -> vector<1000x128xf32>
    %slice3A = vector.extract_strided_slice %get3A_1 {offsets = [0, 0], sizes = [1, 128], strides = [1, 1]} : vector<8x128xf32> to vector<1x128xf32>
    %add3A = vector.broadcast %slice3A : vector<1x128xf32> to vector<1000x128xf32>
    %add3A_9 = arith.addf %dot_general3A_8, %add3A : vector<1000x128xf32>
    %logistic3A = arith.negf %add3A_9 : vector<1000x128xf32>
    %logistic3A_10 = math.exp %logistic3A : vector<1000x128xf32>
    %logistic3A_11 = arith.constant 1.000000e+00 : f32
    %logistic3A_12 = vector.broadcast %logistic3A_11 : f32 to vector<1000x128xf32>
    %logistic3A_13 = arith.addf %logistic3A_12, %logistic3A_10 : vector<1000x128xf32>
    %logistic3A_14 = arith.divf %logistic3A_12, %logistic3A_13 : vector<1000x128xf32>
    %mul3A = arith.mulf %add3A_9, %logistic3A_14 : vector<1000x128xf32>
    %slice3A_15 = vector.extract_strided_slice %get3A_1 {offsets = [1, 0], sizes = [1, 128], strides = [1, 1]} : vector<8x128xf32> to vector<1x128xf32>
    %mul3A_16 = vector.broadcast %slice3A_15 : vector<1x128xf32> to vector<1000x128xf32>
    %mul3A_17 = arith.mulf %mul3A, %mul3A_16 : vector<1000x128xf32>
    %reduce_sum3A = arith.constant dense<0.000000e+00> : vector<1000xf32>
    %reduce_sum3A_18 = vector.multi_reduction <add>, %mul3A_17, %reduce_sum3A [1] : vector<1000x128xf32> to vector<1000xf32>
    %broadcast_in_dim3A = vector.shape_cast %reduce_sum3A_18 : vector<1000xf32> to vector<1000x1xf32>
    %slice3A_19 = vector.extract_strided_slice %get3A_1 {offsets = [2, 0], sizes = [1, 1], strides = [1, 1]} : vector<8x128xf32> to vector<1x1xf32>
    %add3A_20 = vector.broadcast %slice3A_19 : vector<1x1xf32> to vector<1000x1xf32>
    %add3A_21 = arith.addf %broadcast_in_dim3A, %add3A_20 : vector<1000x1xf32>
    %broadcast_in_dim3A_22 = vector.shape_cast %add3A_21 : vector<1000x1xf32> to vector<1000x1xf32>
    %broadcast_in_dim3A_23 = vector.broadcast %broadcast_in_dim3A_22 : vector<1000x1xf32> to vector<1000x128xf32>
    %swap3A = arith.constant 0 : index
    %swap3A_24 = arith.constant 0 : index
    %swap3A_25 = vector.load %arg4[%swap3A, %swap3A_24] : memref<1000x128xf32, #tpu.memory_space<vmem>>, vector<1000x128xf32>
    tpu.vector_store %arg4[%swap3A, %swap3A_24], %broadcast_in_dim3A_23 {strides = array<i32>} : memref<1000x128xf32, #tpu.memory_space<vmem>>, vector<1000x128xf32>,
    return
  }
  func.func @transform_0(%arg0: i32) -> (i32, i32) {
    %c0_i32 = arith.constant 0 : i32
    %c0_i32_0 = arith.constant 0 : i32
    return %arg0, %c0_i32 : i32, i32
  }
  func.func @transform_1(%arg0: i32) -> (i32, i32) {
    %c0_i32 = arith.constant 0 : i32
    %c0_i32_0 = arith.constant 0 : i32
    %c0_i32_1 = arith.constant 0 : i32
    return %c0_i32, %c0_i32_0 : i32, i32
  }
  func.func @transform_2(%arg0: i32) -> (i32, i32) {
    %c0_i32 = arith.constant 0 : i32
    %c0_i32_0 = arith.constant 0 : i32
    %c0_i32_1 = arith.constant 0 : i32
    return %c0_i32, %c0_i32_0 : i32, i32
  }
  func.func @transform_3(%arg0: i32) -> (i32, i32) {
    %c0_i32 = arith.constant 0 : i32
    %c0_i32_0 = arith.constant 0 : i32
    return %arg0, %c0_i32 : i32, i32
  }
}

</mosaic_0001>

<sc_bundles>
// kernel: gather_offload_async_start.1
scs
__scs_entry_jumppad:
0x0: {  	(pc) =	sbr.rel $0x88, $3  }
0x1: {  	(tag) =	ssettag $0x0;
	lr =	simm.s32 $0x1  }
0x2: {  	[smem:$0x3F80] =	sst lr;
	_ =	strace $0xD0000000  }
0x3: {  	_ = 	snop  }
0x4: {  	_ = 	snop  }
0x5: {  	_ = 	snop  }
0x6: {  	_ = 	snop  }
0x7: {  	_ = 	snop  }
__scs_overlays_trampoline_lowered:
0x8: {  	[smem:$0x3F8F] =	sst s0  }
0x9: {  	[smem:$0x3F90] =	sst s1  }
0xa: {  	[smem:$0x3F91] =	sst s2  }
0xb: {  	[smem:$0x3F92] =	sst s3  }
0xc: {  	[smem:$0x3F93] =	sst s4  }
0xd: {  	[smem:$0x3F94] =	sst s5  }
0xe: {  	[smem:$0x3F95] =	sst s6  }
0xf: {  	[smem:$0x3F96] =	sst s7  }
0x10: {  	[smem:$0x3F97] =	sst s8  }
0x11: {  	[smem:$0x3F98] =	sst s9;
	s0 =	simm.s32 @!p0 $0x0  }
0x12: {  	s1 =	sld [smem:$0x3F7E];
	s0 =	simm.s32 @p0 $0x1  }
0x13: {  	[smem:$0x3F99] =	sst s0;
	s0 =	simm.s32 @!p1 $0x0  }
0x14: {  	s2 =	sld [smem:$0x3F7D];
	s0 =	simm.s32 @p1 $0x1  }
0x15: {  	[smem:$0x3F9A] =	sst s0;
	s0 =	simm.s32 @!p2 $0x0  }
0x16: {  	s3 =	sld [smem:$0x3FDB];
	s0 =	simm.s32 @p2 $0x1  }
0x17: {  	s4 =	simm.s32 $0x1BF5;
	[smem:$0x3F9C] =	sst s0  }
0x18: {  	s0 =	sld [smem:$0x3F7F];
	_ =	swait.ge [sflag:s4], $0x0  }
0x19: {  	s7 =	sld [smem:$0x3F80]  }
0x1a: {  	s8 =	sadd.s32 $0xFFFFE003, lr  }
0x1b: {  	s9 =	sadd.s32 $0xFFFFFEF7, lr;
	s5 =	simm.s32 $0xFFFFFFFF;
	p2 =	slt.u32 s8, $0xFFFFF086  }
0x1c: {  	p1 =	slt.u32 s9, $0xF7A;
	s5 =	simm.s32 @!p2 $0x0  }
0x1d: {  	s5 =	simm.s32 @p1 $0x1;
	p0 =	seq.s32 s7, s2  }
0x1e: {  	s7 =	smul.u32 @!p0 $0xF7A, s2;
	p2 =	seq.s32 @!p0 s5, $0x0  }
0x1f: {  	s9 =	smul.u32 $0xF7A, s1;
	s8 =	simm.s32 @!p0 $0x1BF5;
	p2 =	por !p2, p0  }
0x20: {  	[sflag:s8] =	ssyncset.s32 @!p0 $0xFFFFF086;
	s6 =	sadd.s32 @!p0 s3, s7;
	s7 =	simm.s32 @!p0 $0x108  }
0x21: {  	s3 =	sadd.s32 s3, s9;
	s6 =	sadd.s32 @!p0 $0x88, s6;
	s7 =	simm.s32 @p2 $0x1082  }
0x22: {  	[simem:s7], [sflag:s8] =	dma.local @!p0 [hbm:s6], $0xF7A  }
0x23: {  	s9 =	sor.u32 $0xD0000000, s2;
	s6 =	simm.s32 $0x108;
	_ =	swait.ge @!p0 [sflag:s8], $0x0  }
0x24: {  	s3 =	sadd.s32 $0x88, s3;
	s6 =	simm.s32 @!p1 $0x1082;
	[sflag:s4] =	ssyncset.s32 $0xFFFFF086  }
0x25: {  	[simem:s6], [sflag:s4] =	dma.local [hbm:s3], $0xF7A  }
0x26: {  	[smem:$0x3F80] =	sst s1;
	(tag) =	ssettag s2;
	_ =	strace s9  }
0x27: {  	s1 =	sld [smem:$0x3F90]  }
0x28: {  	s2 =	sld [smem:$0x3F91]  }
0x29: {  	s4 =	sld [smem:$0x3F93]  }
0x2a: {  	p0 =	seq.s32 s5, $0x0;
	s5 =	sld [smem:$0x3F94]  }
0x2b: {  	s6 =	sld [smem:$0x3F95]  }
0x2c: {  	s7 =	sld [smem:$0x3F96]  }
0x2d: {  	s3 =	simm.s32 $0x108;
	s8 =	sld [smem:$0x3F97]  }
0x2e: {  	s3 =	simm.s32 @!p0 $0x1082;
	s9 =	sld [smem:$0x3F98]  }
0x2f: {  	lr =	sadd.s32 s0, s3;
	s0 =	sld [smem:$0x3F8F]  }
0x30: {  	s3 =	sld [smem:$0x3F92]  }
0x31: {  	[smem:$0x3F9B] =	sst s10  }
0x32: {  	s10 =	sld [smem:$0x3F99];
	_ =	sdelay $0x3  }
0x33: {  	p0 =	seq.s32 s10, $0x1;
	s10 =	sld [smem:$0x3F9B];
	_ =	sdelay $0x3  }
0x34: {  	[smem:$0x3F9B] =	sst s10  }
0x35: {  	s10 =	sld [smem:$0x3F9A];
	_ =	sdelay $0x3  }
0x36: {  	p1 =	seq.s32 s10, $0x1;
	s10 =	sld [smem:$0x3F9B];
	_ =	sdelay $0x3  }
0x37: {  	[smem:$0x3F9B] =	sst s10  }
0x38: {  	s10 =	sld [smem:$0x3F9C]  }
0x39: {  	_ = 	snop;
	(pc) =	sbr.ind lr, $3  }
0x3a: {  	_ = 	snop  }
0x3b: {  	_ = 	snop  }
0x3c: {  	p2 =	seq.s32 s10, $0x1;
	s10 =	sld [smem:$0x3F9B]  }
0x3d: {  	_ =	shalt  }
0x3e: {  	_ =	shalt  }
0x3f: {  	_ =	shalt  }
0x40: {  	_ =	shalt  }
0x41: {  	_ =	shalt  }
0x42: {  	_ =	shalt  }
0x43: {  	_ =	shalt  }
0x44: {  	_ =	shalt  }
0x45: {  	_ =	shalt  }
0x46: {  	_ =	shalt  }
0x47: {  	_ =	shalt  }
0x48: {  	_ =	shalt  }
0x49: {  	_ =	shalt  }
0x4a: {  	_ =	shalt  }
0x4b: {  	_ =	shalt  }
0x4c: {  	_ =	shalt  }
0x4d: {  	_ =	shalt  }
0x4e: {  	_ =	shalt  }
0x4f: {  	_ =	shalt  }
0x50: {  	_ =	shalt  }
0x51: {  	_ =	shalt  }
0x52: {  	_ =	shalt  }
0x53: {  	_ =	shalt  }
0x54: {  	_ =	shalt  }
0x55: {  	_ =	shalt  }
0x56: {  	_ =	shalt  }
0x57: {  	_ =	shalt  }
0x58: {  	_ =	shalt  }
0x59: {  	_ =	shalt  }
0x5a: {  	_ =	shalt  }
0x5b: {  	_ =	shalt  }
0x5c: {  	_ =	shalt  }
0x5d: {  	_ =	shalt  }
0x5e: {  	_ =	shalt  }
0x5f: {  	_ =	shalt  }
0x60: {  	_ =	shalt  }
0x61: {  	_ =	shalt  }
0x62: {  	_ =	shalt  }
0x63: {  	_ =	shalt  }
0x64: {  	_ =	shalt  }
0x65: {  	_ =	shalt  }
0x66: {  	_ =	shalt  }
0x67: {  	_ =	shalt  }
0x68: {  	_ =	shalt  }
0x69: {  	_ =	shalt  }
0x6a: {  	_ =	shalt  }
0x6b: {  	_ =	shalt  }
0x6c: {  	_ =	shalt  }
0x6d: {  	_ =	shalt  }
0x6e: {  	_ =	shalt  }
0x6f: {  	_ =	shalt  }
0x70: {  	_ =	shalt  }
0x71: {  	_ =	shalt  }
0x72: {  	_ =	shalt  }
0x73: {  	_ =	shalt  }
0x74: {  	_ =	shalt  }
0x75: {  	_ =	shalt  }
0x76: {  	_ =	shalt  }
0x77: {  	_ =	shalt  }
0x78: {  	_ =	shalt  }
0x79: {  	_ =	shalt  }
0x7a: {  	_ =	shalt  }
0x7b: {  	_ =	shalt  }
0x7c: {  	_ =	shalt  }
0x7d: {  	_ =	shalt  }
0x7e: {  	_ =	shalt  }
0x7f: {  	_ =	shalt  }
0x80: {  	_ =	shalt  }
0x81: {  	_ =	shalt  }
0x82: {  	_ =	shalt  }
0x83: {  	_ =	shalt  }
0x84: {  	_ =	shalt  }
0x85: {  	_ =	shalt  }
0x86: {  	_ =	shalt  }
0x87: {  	_ =	shalt  }
.Lfunc_end0:
.L_simem_size_0:
called_computation.3_lowered:
.L_overlay_start_0:
0x88: {  	s2 =	sld [smem:$0x3FD9]  }
0x89: {  	s3 =	sld [smem:$0x3FFE];
	_ =	sdelay $0x1  }
0x8a: {  	s1 =	srdreg.scid  }
0x8b: {  	s0 =	sand.u32 $0x1, s1  }
0x8c: {  	s16 =	sshll.u32 s0, $0xA;
	s2 =	sadd.s32 s3, s2  }
0x8d: {  	s2 =	sadd.s32 s2, s16  }
0x8e: {  	[smem:$0x3FA7] =	sst s2  }
0x8f: {  	_ = 	snop  }
0x90: {  	(tm) =	ssettm $0x1  }
0x91: {  	s17 =	sld [smem:$0x3FFB];
	_ =	sdelay $0x3  }
0x92: {  	_ =	strace s17  }
0x93: {  	s2 =	sld [smem:$0x3FFC];
	_ =	sdelay $0x3  }
0x94: {  	_ =	strace s2  }
0x95: {  	s2 =	sld [smem:$0x3FFD];
	_ =	sdelay $0x3  }
0x96: {  	_ =	strace s2  }
0x97: {  	_ =	strace $0x8FFFFFFF  }
0x98: {  	s18 =	sld [smem:$0x3FDB];
	_ =	sdelay $0x1  }
0x99: {  	s19 =	simm.s32 $_scs_section_size  }
0x9a: {  	s4 =	simm.s32 $_size__tile_overlayer_lowered;
	s5 =	simm.s32 $_tile_overlayer_lowered  }
0x9b: {  	s22 =	simm.s32 $0x1BFF;
	s21 =	sshll.u32 s5, $0x1;
	s2 =	sadd.s32 s19, s18  }
0x9c: {  	s6 =	simm.s32 $0x0;
	s20 =	sshll.u32 s4, $0x1;
	s4 =	sadd.s32 s21, s2  }
0x9d: {  	[timem:s6], [sflag:s22] =	dma.local [hbm:s4], s20  }
0x9e: {  	_ =	swait.ge [sflag:s22], s20  }
0x9f: {  	s3 =	ssub.s32 $0x0, s20;
	[sflag:s22] =	ssyncset.done $0x0  }
0xa0: {  	[sflag:s22] =	ssyncadd.s32 s3;
	_ =	sdelay $0x1  }
0xa1: {  	s23 =	simm.s32 $0x1B8B  }
0xa2: {  	_ =	swait.ge [sflag:s23], $0x1  }
0xa3: {  	[sflag:s23] =	ssyncset.done $0x0  }
0xa4: {  	s25 =	simm.s32 $0x1B8E;
	s24 =	sld [smem:$0x3FFE];
	[sflag:s23] =	ssyncadd.s32 $0xFFFFFFFF  }
0xa5: {  	s26 =	simm.s32 $execute0_lowered;
	[smem:$0x3FD2] =	sst s25  }
0xa6: {  	s4 =	sshll.u32 s26, $0x1;
	_ =	strace $0x80000049;
	[dreg:$0x1] =	wrdreg $0xFFFFFFFF  }
0xa7: {  	s28 =	simm.s32 $_size_execute0_lowered;
	s2 =	sadd.s32 s2, s4;
	[dreg:$0x0] =	wrdreg $0x0  }
0xa8: {  	s4 =	sshll.u32 s28, $0x1;
	[dreg:$0x2] =	wrdreg s2  }
0xa9: {  	[dreg:$0x3] =	wrdreg s4  }
0xaa: {  	[dreg:$0x4] =	wrdreg $0xC0  }
0xab: {  	_ =	task [dreg:s6], $0x5FFFF  }
0xac: {  	[dreg:$0x1] =	wrdreg $0xFFFFFFFF  }
0xad: {  	[dreg:$0x0] =	wrdreg $0x60  }
0xae: {  	[dreg:$0x2] =	wrdreg s24  }
0xaf: {  	[dreg:$0x3] =	wrdreg $0x9  }
0xb0: {  	_ =	task.clear_ibuf [dreg:s6], $0x4FFFF;
	_ =	strace $0x90000049  }
0xb1: {  	s29 =	simm.s32 $0x9;
	_ =	strace $0x8000004B  }
0xb2: {  	_ =	swait.ge [sflag:s29], $0x1  }
0xb3: {  	[sflag:s29] =	ssyncadd.s32 $0xFFFFFFFF  }
0xb4: {  	_ =	strace $0x9000004B  }
0xb5: {  	_ =	sfence  }
0xb6: {  	s30 =	sld [smem:$0x0];
	_ =	sdelay $0x2  }
0xb7: {  	s31 =	sshll.u32 s1, $0xD;
	s1 =	sshrl.u32 s1, $0x2  }
0xb8: {  	s3 =	sand.u32 $0x4000, s31;
	s1 =	sadd.s32 s1, s30  }
0xb9: {  	s0 =	sor.u32 s3, s0;
	s1 =	sshll.u32 s1, $0x11  }
0xba: {  	s0 =	sor.u32 s1, s0  }
0xbb: {  	s0 =	sadd.s32 $0x8F2B, s0  }
0xbc: {  	[sflag:s0] =	ssyncadd.remote.s32 $0x1  }
0xbd: {  	_ =	sfence.sel $0xFFFF  }
0xbe: {  	[dreg:$0x0] =	wrdreg $0xFFFFFFFF;
	(pc) =	sbr.abs _section_cstart, $3  }
0xbf: {  	[dreg:$0x1] =	wrdreg $0xFFFFFFFF  }
0xc0: {  	_ =	task.clear_ibuf [dreg:s6], $0x2FFFF;
	_ =	strace $0x9FFFFFFF  }
0xc1: {  	(tm) =	ssettm $0x7FFFFFFF  }
tec
execute0_lowered:
.L_overlay_start_1:
0x0: {  	(tag) =	ssettag $0x1  }
0x1: {  	s8 =	rddreg [dreg:$0x0]  }
0x2: {  	s0 =	rddreg [dreg:$0x1];
	_ =	strace $0x8000004A;
	s1 =	stileid.u32  }
0x3: {  	s3 =	srdreg.scid;
	s4 =	simm.s32 $0x1;
	s7 =	simm.s32 $0x1  }
0x4: {  	s9 =	simm.s32 $0x1;
	s10 =	simm.s32 $0x3;
	s13 =	simm.s32 $0x0  }
0x5: {  	s12 =	simm.s32 $0x0;
	s5 =	sand.u32 $0x1, s3;
	s6 =	sshll.u32 s1, $0x1  }
0x6: {  	s2 =	sadd.s32 $0x4FE00, s8;
	s3 =	sadd.s32 $0x83600, s8;
	s5 =	sor.u32 s6, s5  }
.Ltmp0:
0x7: {  	[sflag:s4] =	ssyncpa.u1 $0x0;
	p0 =	slt.u32 s5, $0x9;
	(pc) =	sbr.rel .LBB2_1-.Ltmp0, $4  }
0x8: {  	s6 =	simm.s32 $0x2;
	s7 =	simm.s32 @!p0 $0x0;
	p0 =	sne.s32 s5, $0x8  }
0x9: {  	[sflag:s6] =	ssyncpa.u1 $0x0;
	s5 =	smul.u32 $0x1F40, s5;
	s9 =	simm.s32 @!p0 $0x0  }
0xa: {  	s8 =	sadd.s32 $0x97200, s8;
	[sflag:s10] =	ssyncpa.u1 $0x0;
	s7 =	sadd.s32 s9, s7  }
0xb: {  	vm0 =	vmmov $0xffff;
	s10 =	simm.s32 $0x0;
	s11 =	smov.u32 s5;
	s9 =	sadd.s32 $0x1, s7  }
.LBB2_4:
0xc: {  	v2 =	vnsel vm1, $0x0, v2  }
0xd: {  	vm1 =	vgt.s32 v0, $0x0;
	v2 =	vmin.u32 v2, $0x4E1FF  }
0xe: {  	v0 =	vnsel vm1, $0x0, v0  }
0xf: {  	v0 =	vmin.u32 v0, $0x4E1FF  }
0x10: {  	[tilespmem:s18], [sflag:$0x1] =	stream.indirect_vreg.gather [hbm4b:s2+s10], $0x1, v1, vm0, $0x4038;
	[tilespmem:$0x7D00] =	vst v63  }
0x11: {  	(ifvalue) =	ssetifvalue $0x7FFFFFFF  }
0x12: {  	[tilespmem:s15], [sflag:$0x1] =	stream.indirect_vreg.gather [hbm4b:s2+s10], $0x1, v2, vm0, $0x4038;
	[tilespmem:$0x7D00] =	vst v63  }
0x13: {  	s29 =	sadd.s32 $0x10, s15;
	(ifvalue) =	ssetifvalue $0x7FFFFFFF  }
0x14: {  	[tilespmem:s29], [sflag:$0x1] =	stream.indirect_vreg.gather [hbm4b:s2+s10], $0x1, v0, vm0, $0x4038;
	[tilespmem:$0x7D00] =	vst v63  }
0x15: {  	_ =	swait.ge [sflag:s4], $0x1F40  }
0x16: {  	s30 =	sshrl.u32 s13, $0x3;
	[sflag:s4] =	ssyncset.done $0x0  }
0x17: {  	s31 =	sand.u32 $0x7, s13;
	s15 =	sadd.s32 s8, s30;
	[sflag:s4] =	ssyncadd.s32 $0xFFFFE0C0  }
0x18: {  	[hbm4b:s15+s31] =	stream.linear.scatter [tilespmem:s14], [sflag:$0x3], $0x1F40, $0x38;
	[tilespmem:$0x7D00] =	vst v63  }
.LBB2_5:
0x19: {  	s15 =	sadd.s32 $0x3E800, s11  }
0x1a: {  	p1 =	sgt.s32 s15, $0x4E1FF  }
0x1b: {  	s15 =	smov.u32 @p1 s5;
	p1 =	sne.s32 s12, s9  }
.Ltmp1:
0x1c: {  	p0 =	slt.u32 s12, $0x2;
	(pc) =	sbr.rel @!p1 .LBB2_6-.Ltmp1, $4  }
0x1d: {  	s14 =	simm.s32 @!p0 $0x3  }
0x1e: {  	_ =	swait.ge @!p0 [sflag:s14], $0x1F40  }
0x1f: {  	s16 =	sadd.s32 $0x1, s12;
	s13 =	smov.u32 s11;
	[sflag:s14] =	ssyncset.done @!p0 $0x0  }
0x20: {  	s12 =	smov.u32 s16;
	s11 =	smov.u32 s15;
	[sflag:s14] =	ssyncadd.s32 @!p0 $0xFFFFE0C0  }
.LBB2_1:
0x21: {  	p0 =	sge.u32 s12, s7  }
0x22: {  	s14 =	sxor.u32 @!p0 $0x1, s12  }
0x23: {  	s14 =	smul.u32 @!p0 $0x7D00, s14  }
0x24: {  	s31 =	sadd.s32 $0xFFFFFFFF, s12;
	s15 =	sshrl.u32 @!p0 s11, $0x3  }
0x25: {  	s16 =	sand.u32 @!p0 $0x7, s11;
	s15 =	sadd.s32 @!p0 s3, s15;
	s14 =	sshra.s32 @!p0 s14, $0x2  }
0x26: {  	[tilespmem:s14], [sflag:$0x2] =	stream.linear.gather @!p0 [hbm4b:s15+s16], $0x1F40, $0x38;
	[tilespmem:$0x7D00] =	vst v63  }
0x27: {  	p0 =	sge.u32 s31, s7  }
.Ltmp2:
0x28: {  	_ = 	snop;
	(pc) =	sbr.rel @p0 .LBB2_5-.Ltmp2, $1  }
0x29: {  	_ =	sdelay $0x3  }
0x2a: {  	s14 =	sand.u32 $0x1, s12  }
0x2b: {  	_ =	swait.ge [sflag:s6], $0x1F40;
	p0 =	seq.s32 s14, $0x1;
	s14 =	simm.s32 $0x1F40  }
0x2c: {  	[sflag:s6] =	ssyncset.done $0x0;
	s14 =	simm.s32 @!p0 $0x0  }
0x2d: {  	[sflag:s6] =	ssyncadd.s32 $0xFFFFE0C0;
	(ifvalue) =	ssetifvalue $0x7FFFFFFF;
	v0 =	vld.msk [tilespmem:s14+$0x0 ss:$0x1], $0xffff;
	_ =	sdelay $0x4  }
0x2e: {  	s15 =	sadd.s32 $0x10, s14;
	vm1 =	vgt.s32 v0, $0x0  }
0x2f: {  	v2 =	vld.msk [tilespmem:s15+$0x0 ss:$0x1], $0xffff;
	v1 =	vnsel vm1, $0x0, v0  }
0x30: {  	v1 =	vmin.u32 v1, $0x4E1FF;
	_ =	sdelay $0x2  }
0x31: {  	s17 =	simm.s32 $0x20;
	s14 =	sadd.s32 $0x3E80, s14;
	s16 =	sadd.s32 $0x10, s15  }
0x32: {  	s15 =	sadd.s32 $0x10, s14;
	s18 =	smov.u32 s14;
	v0 =	vld.msk [tilespmem:s16+$0x0 ss:$0x1], $0xffff;
	vm1 =	vgt.s32 v2, $0x0;
	(ifvalue) =	ssetifvalue $0x7FFFFFFF  }
.LBB2_3:
0x33: {  	[tilespmem:s18], [sflag:$0x1] =	stream.indirect_vreg.gather [hbm4b:s2+s10], $0x1, v1, vm0, $0x4038;
	[tilespmem:$0x7D00] =	vst v63  }
0x34: {  	s17 =	sadd.s32 $0x10, s17  }
0x35: {  	v2 =	vnsel vm1, $0x0, v2;
	p0 =	slt.u32 s17, $0x1F30  }
.Ltmp3:
0x36: {  	s18 =	smov.u32 s15;
	v1 =	vmin.u32 v2, $0x4E1FF;
	(pc) =	sbr.rel @p0 .LBB2_3-.Ltmp3, $3  }
0x37: {  	_ =	sdelay $0x1  }
0x38: {  	s16 =	sadd.s32 $0x10, s16  }
0x39: {  	vm1 =	vgt.s32 v0, $0x0;
	s15 =	sadd.s32 $0x10, s15;
	v2 =	vmov v0;
	(ifvalue) =	ssetifvalue $0x7FFFFFFF;
	v0 =	vld.msk [tilespmem:s16+$0x0 ss:$0x1], $0xffff  }
.Ltmp4:
0x3a: {  	_ = 	snop;
	(pc) =	sbr.rel .LBB2_4-.Ltmp4, $1  }
0x3b: {  	_ =	sdelay $0x3  }
.LBB2_6:
0x3c: {  	_ =	sfence.sel $0x180000  }
0x3d: {  	s2 =	simm.s32 $0x2;
	[bflag:$0x0] =	sbarrier.arrive $0xFFFF  }
0x3e: {  	s30 =	simm.s32 $0x3;
	[sflag:s2] =	ssyncpa.u1 $0x1  }
0x3f: {  	s31 =	simm.s32 $0x1;
	[sflag:s30] =	ssyncpa.u1 $0x1  }
0x40: {  	[sflag:s31] =	ssyncpa.u1 $0x1  }
0x41: {  	p0 =	sne.s32 s1, $0x0;
	_ =	strace $0x9000004A  }
0x42: {  	s0 =	sadd.s32 @!p0 $0x100000, s0;
	[bflag:$0x2] =	sbarrier.arrive $0xFFFF  }
0x43: {  	[sflag:s0] =	ssyncadd.tile.s32 @!p0 $0x1;
	_ =	shalt  }
.Lfunc_end2:
_tile_overlayer_lowered:
.L_overlay_start_2:
0x44: {  	(tag) =	ssettag $0x2  }
0x45: {  	s0 =	rddreg [dreg:$0x0];
	s2 =	stileid.u32  }
0x46: {  	s1 =	rddreg [dreg:$0x1];
	p0 =	sne.s32 s2, $0x0  }
0x47: {  	s3 =	rddreg [dreg:$0x2];
	[bflag:$0x3] =	sbarrier.arrive $0xFFFF;
	s2 =	simm.s32 @!p0 $0x1C01  }
0x48: {  	[timem:s3], [sflag:s2] =	dma.local @!p0 [hbm:s0], s1  }
0x49: {  	s0 =	simm.s32 @!p0 $0x1  }
0x4a: {  	_ =	swait.ge @!p0 [sflag:s0], s1  }
0x4b: {  	s1 =	ssub.s32 @!p0 $0x0, s1;
	[sflag:s0] =	ssyncset.done @!p0 $0x0  }
0x4c: {  	[sflag:s0] =	ssyncadd.s32 @!p0 s1  }
0x4d: {  	[bflag:$0x3] =	sbarrier.arrive $0xFFFF  }
0x4e: {  	_ =	shalt  }

// kernel: gather_offload_async_start.2
scs
__scs_entry_jumppad:
0x0: {  	(pc) =	sbr.rel $0x88, $3  }
0x1: {  	(tag) =	ssettag $0x0;
	lr =	simm.s32 $0x1  }
0x2: {  	[smem:$0x3F80] =	sst lr;
	_ =	strace $0xD0000000  }
0x3: {  	_ = 	snop  }
0x4: {  	_ = 	snop  }
0x5: {  	_ = 	snop  }
0x6: {  	_ = 	snop  }
0x7: {  	_ = 	snop  }
__scs_overlays_trampoline_lowered:
0x8: {  	[smem:$0x3F8F] =	sst s0  }
0x9: {  	[smem:$0x3F90] =	sst s1  }
0xa: {  	[smem:$0x3F91] =	sst s2  }
0xb: {  	[smem:$0x3F92] =	sst s3  }
0xc: {  	[smem:$0x3F93] =	sst s4  }
0xd: {  	[smem:$0x3F94] =	sst s5  }
0xe: {  	[smem:$0x3F95] =	sst s6  }
0xf: {  	[smem:$0x3F96] =	sst s7  }
0x10: {  	[smem:$0x3F97] =	sst s8  }
0x11: {  	[smem:$0x3F98] =	sst s9;
	s0 =	simm.s32 @!p0 $0x0  }
0x12: {  	s1 =	sld [smem:$0x3F7E];
	s0 =	simm.s32 @p0 $0x1  }
0x13: {  	[smem:$0x3F99] =	sst s0;
	s0 =	simm.s32 @!p1 $0x0  }
0x14: {  	s2 =	sld [smem:$0x3F7D];
	s0 =	simm.s32 @p1 $0x1  }
0x15: {  	[smem:$0x3F9A] =	sst s0;
	s0 =	simm.s32 @!p2 $0x0  }
0x16: {  	s3 =	sld [smem:$0x3FDB];
	s0 =	simm.s32 @p2 $0x1  }
0x17: {  	s4 =	simm.s32 $0x1BF5;
	[smem:$0x3F9C] =	sst s0  }
0x18: {  	s0 =	sld [smem:$0x3F7F];
	_ =	swait.ge [sflag:s4], $0x0  }
0x19: {  	s7 =	sld [smem:$0x3F80]  }
0x1a: {  	s8 =	sadd.s32 $0xFFFFE003, lr  }
0x1b: {  	s9 =	sadd.s32 $0xFFFFFEF7, lr;
	s5 =	simm.s32 $0xFFFFFFFF;
	p2 =	slt.u32 s8, $0xFFFFF086  }
0x1c: {  	p1 =	slt.u32 s9, $0xF7A;
	s5 =	simm.s32 @!p2 $0x0  }
0x1d: {  	s5 =	simm.s32 @p1 $0x1;
	p0 =	seq.s32 s7, s2  }
0x1e: {  	s7 =	smul.u32 @!p0 $0xF7A, s2;
	p2 =	seq.s32 @!p0 s5, $0x0  }
0x1f: {  	s9 =	smul.u32 $0xF7A, s1;
	s8 =	simm.s32 @!p0 $0x1BF5;
	p2 =	por !p2, p0  }
0x20: {  	[sflag:s8] =	ssyncset.s32 @!p0 $0xFFFFF086;
	s6 =	sadd.s32 @!p0 s3, s7;
	s7 =	simm.s32 @!p0 $0x108  }
0x21: {  	s3 =	sadd.s32 s3, s9;
	s6 =	sadd.s32 @!p0 $0x88, s6;
	s7 =	simm.s32 @p2 $0x1082  }
0x22: {  	[simem:s7], [sflag:s8] =	dma.local @!p0 [hbm:s6], $0xF7A  }
0x23: {  	s9 =	sor.u32 $0xD0000000, s2;
	s6 =	simm.s32 $0x108;
	_ =	swait.ge @!p0 [sflag:s8], $0x0  }
0x24: {  	s3 =	sadd.s32 $0x88, s3;
	s6 =	simm.s32 @!p1 $0x1082;
	[sflag:s4] =	ssyncset.s32 $0xFFFFF086  }
0x25: {  	[simem:s6], [sflag:s4] =	dma.local [hbm:s3], $0xF7A  }
0x26: {  	[smem:$0x3F80] =	sst s1;
	(tag) =	ssettag s2;
	_ =	strace s9  }
0x27: {  	s1 =	sld [smem:$0x3F90]  }
0x28: {  	s2 =	sld [smem:$0x3F91]  }
0x29: {  	s4 =	sld [smem:$0x3F93]  }
0x2a: {  	p0 =	seq.s32 s5, $0x0;
	s5 =	sld [smem:$0x3F94]  }
0x2b: {  	s6 =	sld [smem:$0x3F95]  }
0x2c: {  	s7 =	sld [smem:$0x3F96]  }
0x2d: {  	s3 =	simm.s32 $0x108;
	s8 =	sld [smem:$0x3F97]  }
0x2e: {  	s3 =	simm.s32 @!p0 $0x1082;
	s9 =	sld [smem:$0x3F98]  }
0x2f: {  	lr =	sadd.s32 s0, s3;
	s0 =	sld [smem:$0x3F8F]  }
0x30: {  	s3 =	sld [smem:$0x3F92]  }
0x31: {  	[smem:$0x3F9B] =	sst s10  }
0x32: {  	s10 =	sld [smem:$0x3F99];
	_ =	sdelay $0x3  }
0x33: {  	p0 =	seq.s32 s10, $0x1;
	s10 =	sld [smem:$0x3F9B];
	_ =	sdelay $0x3  }
0x34: {  	[smem:$0x3F9B] =	sst s10  }
0x35: {  	s10 =	sld [smem:$0x3F9A];
	_ =	sdelay $0x3  }
0x36: {  	p1 =	seq.s32 s10, $0x1;
	s10 =	sld [smem:$0x3F9B];
	_ =	sdelay $0x3  }
0x37: {  	[smem:$0x3F9B] =	sst s10  }
0x38: {  	s10 =	sld [smem:$0x3F9C]  }
0x39: {  	_ = 	snop;
	(pc) =	sbr.ind lr, $3  }
0x3a: {  	_ = 	snop  }
0x3b: {  	_ = 	snop  }
0x3c: {  	p2 =	seq.s32 s10, $0x1;
	s10 =	sld [smem:$0x3F9B]  }
0x3d: {  	_ =	shalt  }
0x3e: {  	_ =	shalt  }
0x3f: {  	_ =	shalt  }
0x40: {  	_ =	shalt  }
0x41: {  	_ =	shalt  }
0x42: {  	_ =	shalt  }
0x43: {  	_ =	shalt  }
0x44: {  	_ =	shalt  }
0x45: {  	_ =	shalt  }
0x46: {  	_ =	shalt  }
0x47: {  	_ =	shalt  }
0x48: {  	_ =	shalt  }
0x49: {  	_ =	shalt  }
0x4a: {  	_ =	shalt  }
0x4b: {  	_ =	shalt  }
0x4c: {  	_ =	shalt  }
0x4d: {  	_ =	shalt  }
0x4e: {  	_ =	shalt  }
0x4f: {  	_ =	shalt  }
0x50: {  	_ =	shalt  }
0x51: {  	_ =	shalt  }
0x52: {  	_ =	shalt  }
0x53: {  	_ =	shalt  }
0x54: {  	_ =	shalt  }
0x55: {  	_ =	shalt  }
0x56: {  	_ =	shalt  }
0x57: {  	_ =	shalt  }
0x58: {  	_ =	shalt  }
0x59: {  	_ =	shalt  }
0x5a: {  	_ =	shalt  }
0x5b: {  	_ =	shalt  }
0x5c: {  	_ =	shalt  }
0x5d: {  	_ =	shalt  }
0x5e: {  	_ =	shalt  }
0x5f: {  	_ =	shalt  }
0x60: {  	_ =	shalt  }
0x61: {  	_ =	shalt  }
0x62: {  	_ =	shalt  }
0x63: {  	_ =	shalt  }
0x64: {  	_ =	shalt  }
0x65: {  	_ =	shalt  }
0x66: {  	_ =	shalt  }
0x67: {  	_ =	shalt  }
0x68: {  	_ =	shalt  }
0x69: {  	_ =	shalt  }
0x6a: {  	_ =	shalt  }
0x6b: {  	_ =	shalt  }
0x6c: {  	_ =	shalt  }
0x6d: {  	_ =	shalt  }
0x6e: {  	_ =	shalt  }
0x6f: {  	_ =	shalt  }
0x70: {  	_ =	shalt  }
0x71: {  	_ =	shalt  }
0x72: {  	_ =	shalt  }
0x73: {  	_ =	shalt  }
0x74: {  	_ =	shalt  }
0x75: {  	_ =	shalt  }
0x76: {  	_ =	shalt  }
0x77: {  	_ =	shalt  }
0x78: {  	_ =	shalt  }
0x79: {  	_ =	shalt  }
0x7a: {  	_ =	shalt  }
0x7b: {  	_ =	shalt  }
0x7c: {  	_ =	shalt  }
0x7d: {  	_ =	shalt  }
0x7e: {  	_ =	shalt  }
0x7f: {  	_ =	shalt  }
0x80: {  	_ =	shalt  }
0x81: {  	_ =	shalt  }
0x82: {  	_ =	shalt  }
0x83: {  	_ =	shalt  }
0x84: {  	_ =	shalt  }
0x85: {  	_ =	shalt  }
0x86: {  	_ =	shalt  }
0x87: {  	_ =	shalt  }
.Lfunc_end0:
.L_simem_size_0:
called_computation.4_lowered:
.L_overlay_start_0:
0x88: {  	s0 =	sld [smem:$0x3FD9]  }
0x89: {  	s1 =	sld [smem:$0x3FFE];
	_ =	sdelay $0x3  }
0x8a: {  	s0 =	sadd.s32 s1, s0  }
0x8b: {  	[smem:$0x3FA7] =	sst s0  }
0x8c: {  	_ = 	snop  }
0x8d: {  	(tm) =	ssettm $0x1  }
0x8e: {  	s15 =	sld [smem:$0x3FFB];
	_ =	sdelay $0x3  }
0x8f: {  	_ =	strace s15  }
0x90: {  	s0 =	sld [smem:$0x3FFC];
	_ =	sdelay $0x3  }
0x91: {  	_ =	strace s0  }
0x92: {  	s0 =	sld [smem:$0x3FFD];
	_ =	sdelay $0x3  }
0x93: {  	_ =	strace s0  }
0x94: {  	_ =	strace $0x8FFFFFFF  }
0x95: {  	s16 =	sld [smem:$0x3FDB];
	_ =	sdelay $0x1  }
0x96: {  	s17 =	simm.s32 $_scs_section_size  }
0x97: {  	s2 =	simm.s32 $_size__tile_overlayer_lowered;
	s3 =	simm.s32 $_tile_overlayer_lowered  }
0x98: {  	s20 =	simm.s32 $0x1BFF;
	s19 =	sshll.u32 s3, $0x1;
	s0 =	sadd.s32 s17, s16  }
0x99: {  	s4 =	simm.s32 $0x0;
	s18 =	sshll.u32 s2, $0x1;
	s2 =	sadd.s32 s19, s0  }
0x9a: {  	[timem:s4], [sflag:s20] =	dma.local [hbm:s2], s18  }
0x9b: {  	_ =	swait.ge [sflag:s20], s18  }
0x9c: {  	s1 =	ssub.s32 $0x0, s18;
	[sflag:s20] =	ssyncset.done $0x0  }
0x9d: {  	[sflag:s20] =	ssyncadd.s32 s1;
	_ =	sdelay $0x1  }
0x9e: {  	s21 =	simm.s32 $0x1B8B  }
0x9f: {  	_ =	swait.ge [sflag:s21], $0x1  }
0xa0: {  	[sflag:s21] =	ssyncset.done $0x0  }
0xa1: {  	s23 =	simm.s32 $0x1B8E;
	s22 =	sld [smem:$0x3FFE];
	[sflag:s21] =	ssyncadd.s32 $0xFFFFFFFF  }
0xa2: {  	s24 =	simm.s32 $execute0_lowered;
	[smem:$0x3FD2] =	sst s23  }
0xa3: {  	s2 =	sshll.u32 s24, $0x1;
	_ =	strace $0x8000004C;
	[dreg:$0x1] =	wrdreg $0xFFFFFFFF  }
0xa4: {  	s25 =	simm.s32 $_size_execute0_lowered;
	s0 =	sadd.s32 s0, s2;
	[dreg:$0x0] =	wrdreg $0x0  }
0xa5: {  	s2 =	sshll.u32 s25, $0x1;
	[dreg:$0x2] =	wrdreg s0  }
0xa6: {  	[dreg:$0x3] =	wrdreg s2  }
0xa7: {  	[dreg:$0x4] =	wrdreg $0xC0  }
0xa8: {  	_ =	task [dreg:s4], $0x5FFFF  }
0xa9: {  	[dreg:$0x1] =	wrdreg $0xFFFFFFFF  }
0xaa: {  	[dreg:$0x0] =	wrdreg $0x60  }
0xab: {  	[dreg:$0x2] =	wrdreg s22  }
0xac: {  	[dreg:$0x3] =	wrdreg $0x9  }
0xad: {  	_ =	task.clear_ibuf [dreg:s4], $0x4FFFF;
	_ =	strace $0x9000004C  }
0xae: {  	s26 =	simm.s32 $0x9;
	_ =	strace $0x8000004E  }
0xaf: {  	_ =	swait.ge [sflag:s26], $0x1  }
0xb0: {  	[sflag:s26] =	ssyncadd.s32 $0xFFFFFFFF  }
0xb1: {  	_ =	strace $0x9000004E  }
0xb2: {  	_ =	sfence  }
0xb3: {  	s28 =	sld [smem:$0x0];
	_ =	sdelay $0x1  }
0xb4: {  	s29 =	srdreg.scid  }
0xb5: {  	s30 =	sshll.u32 s29, $0xD;
	s31 =	sshrl.u32 s29, $0x2  }
0xb6: {  	s1 =	sand.u32 $0x1, s29;
	s2 =	sand.u32 $0x4000, s30;
	s0 =	sadd.s32 s31, s28  }
0xb7: {  	s1 =	sor.u32 s2, s1;
	s0 =	sshll.u32 s0, $0x11  }
0xb8: {  	s0 =	sor.u32 s0, s1  }
0xb9: {  	s0 =	sadd.s32 $0x8F2B, s0  }
0xba: {  	[sflag:s0] =	ssyncadd.remote.s32 $0x1  }
0xbb: {  	_ =	sfence.sel $0xFFFF  }
0xbc: {  	[dreg:$0x0] =	wrdreg $0xFFFFFFFF;
	(pc) =	sbr.abs _section_cstart, $3  }
0xbd: {  	[dreg:$0x1] =	wrdreg $0xFFFFFFFF  }
0xbe: {  	_ =	task.clear_ibuf [dreg:s4], $0x2FFFF;
	_ =	strace $0x9FFFFFFF  }
0xbf: {  	(tm) =	ssettm $0x7FFFFFFF  }
tec
execute0_lowered:
.L_overlay_start_1:
0x0: {  	(tag) =	ssettag $0x1  }
0x1: {  	s1 =	stileid.u32  }
0x2: {  	s0 =	smin.u32 s1, $0x9  }
0x3: {  	s0 =	sadd.s32 s1, s0  }
0x4: {  	p0 =	slt.u32 s1, $0x9;
	s2 =	smul.u32 $0x3200, s0;
	s0 =	simm.s32 $0x6400  }
0x5: {  	s0 =	simm.s32 @!p0 $0x3200  }
0x6: {  	s0 =	sadd.s32 s0, s2  }
0x7: {  	s3 =	smin.u32 s0, $0x4E200  }
0x8: {  	s0 =	ssub.s32 s3, s2  }
0x9: {  	s6 =	rddreg [dreg:$0x0];
	p0 =	sgt.s32 s0, $0x0  }
0xa: {  	_ =	strace $0x8000004D;
	s8 =	simm.s32 $0x1;
	s0 =	simm.s32 @!p0 $0x0  }
0xb: {  	s28 =	simm.s32 $0x2;
	s29 =	simm.s32 $0x3;
	s26 =	smulhi.u32 $0x51EB851F, s0  }
0xc: {  	s30 =	simm.s32 $0x4;
	s11 =	simm.s32 $0x0;
	s12 =	simm.s32 $0xFFFFCE00  }
0xd: {  	s13 =	simm.s32 $0xFFFFFFFF;
	s17 =	simm.s32 $0x0;
	s1 =	sshrl.u32 s26, $0xC  }
0xe: {  	s14 =	simm.s32 $0x0;
	s16 =	simm.s32 $0x0;
	s7 =	smul.u32 $0x3200, s1  }
.Ltmp0:
0xf: {  	s4 =	sadd.s32 $0x59C00, s6;
	s5 =	sadd.s32 $0x83600, s6;
	(pc) =	sbr.rel .LBB2_1-.Ltmp0, $4  }
0x10: {  	[sflag:s8] =	ssyncpa.u1 $0x0;
	s31 =	sadd.s32 $0x5C400, s6;
	p0 =	sne.s32 s0, s7  }
0x11: {  	[dreg:$0x2] =	wrdreg s5;
	[sflag:s28] =	ssyncpa.u1 $0x0;
	s8 =	simm.s32 @!p0 $0x0  }
0x12: {  	[dreg:$0x3] =	wrdreg s31;
	[sflag:s29] =	ssyncpa.u1 $0x0;
	s8 =	sadd.s32 s8, s1  }
0x13: {  	v0 =	vlaneseq.u32;
	vm0 =	vmmov $0xffff;
	[sflag:s30] =	ssyncpa.u1 $0x0;
	s15 =	smov.u32 s2;
	s10 =	sadd.s32 $0x2, s8  }
.LBB2_9:
0x14: {  	s0 =	sadd.s32 $0x3200, s15  }
0x15: {  	s5 =	smov.u32 s2;
	p1 =	slt.s32 s0, s3  }
0x16: {  	s5 =	smov.u32 @p1 s0;
	p1 =	sne.s32 s16, s10  }
.Ltmp1:
0x17: {  	p0 =	slt.u32 s16, $0x3;
	(pc) =	sbr.rel @!p1 .LBB2_10-.Ltmp1, $4  }
0x18: {  	s1 =	simm.s32 @!p0 $0x4  }
0x19: {  	s17 =	smov.u32 s14;
	s14 =	smov.u32 s15;
	_ =	swait.ge @!p0 [sflag:s1], $0xC80  }
0x1a: {  	s12 =	sadd.s32 $0x3200, s12;
	s13 =	sadd.s32 $0x1, s13;
	[sflag:s1] =	ssyncset.done @!p0 $0x0  }
0x1b: {  	s16 =	sadd.s32 $0x1, s16;
	s15 =	smov.u32 s5;
	[sflag:s1] =	ssyncadd.s32 @!p0 $0xFFFFF380  }
.LBB2_1:
0x1c: {  	p0 =	sge.u32 s16, s8  }
0x1d: {  	s0 =	smulhi.u32 @!p0 $0xAAAAAAAB, s16;
	_ =	sdelay $0x1  }
0x1e: {  	s0 =	sshrl.u32 @!p0 s0, $0x1  }
0x1f: {  	s0 =	smul.u32 @!p0 $0x3, s0;
	_ =	sdelay $0x1  }
0x20: {  	s0 =	ssub.s32 @!p0 s16, s0  }
0x21: {  	s0 =	smul.u32 @!p0 $0xC800, s0  }
0x22: {  	s5 =	rddreg [dreg:$0x2];
	s1 =	sshrl.u32 @!p0 s15, $0x3  }
0x23: {  	s6 =	sand.u32 @!p0 $0x7, s15;
	s1 =	sadd.s32 @!p0 s5, s1;
	s0 =	sshrl.u32 @!p0 s0, $0x2  }
0x24: {  	[tilespmem:s0], [sflag:$0x2] =	stream.linear.gather @!p0 [hbm4b:s1+s6], $0x3200, $0x38;
	[tilespmem:$0x11300] =	vst v63  }
0x25: {  	s0 =	sadd.s32 $0xFFFFFFFF, s16  }
0x26: {  	p0 =	sge.u32 s0, s8  }
.Ltmp2:
0x27: {  	_ = 	snop;
	(pc) =	sbr.rel @p0 .LBB2_5-.Ltmp2, $1  }
0x28: {  	_ =	sdelay $0x3  }
0x29: {  	s1 =	smulhi.u32 $0xAAAAAAAB, s13;
	_ =	sdelay $0x1  }
0x2a: {  	s1 =	sshrl.u32 s1, $0x1  }
0x2b: {  	s1 =	smul.u32 $0xFFFDA800, s1  }
0x2c: {  	s5 =	simm.s32 $0x2  }
0x2d: {  	_ =	swait.ge [sflag:s5], $0x3200;
	s1 =	sshra.s32 s1, $0x2  }
0x2e: {  	[sflag:s5] =	ssyncset.done $0x0;
	s1 =	sadd.s32 s1, s12  }
0x2f: {  	[sflag:s5] =	ssyncadd.s32 $0xFFFFCE00;
	(ifvalue) =	ssetifvalue $0x7FFFFFFF;
	v1 =	vld.msk [tilespmem:s1+$0x0 ss:$0x1], $0xffff  }
0x30: {  	s6 =	sadd.s32 $0x10, s1  }
0x31: {  	v2 =	vld.msk [tilespmem:s6+$0x0 ss:$0x1], $0xffff;
	_ =	sdelay $0x1  }
0x32: {  	s9 =	ssub.s32 $0x4E200, s14  }
0x33: {  	p0 =	slt.s32 s9, $0x3200;
	vm1 =	vgt.s32 v1, $0x0  }
0x34: {  	s9 =	simm.s32 @!p0 $0x3200;
	v1 =	vnsel vm1, $0x0, v1  }
0x35: {  	p0 =	sgt.s32 s9, $0x0;
	s19 =	smov.u32 s9;
	vm1 =	vgt.s32 v2, $0x0;
	v1 =	vmin.u32 v1, $0x4E1FF  }
0x36: {  	s19 =	simm.s32 @!p0 $0x0;
	v2 =	vnsel vm1, $0x0, v2;
	v4 =	vshll.u32 v1, $0x2  }
0x37: {  	s31 =	smin.u32 s19, $0x10;
	v3 =	vshrl.u32 v1, $0x7;
	v1 =	vand.u32 $0x7FE00, v1;
	v4 =	vand.u32 $0x1FC, v4  }
0x38: {  	v5 =	vmin.u32 v2, $0x4E1FF;
	v2 =	vmov s31;
	v1 =	vor.u32 v1, v4  }
0x39: {  	s18 =	sadd.s32 $0xFFFFFFF0, s9;
	vm1 =	vgt.u32 v2, v0;
	v1 =	vshrl.u32 v1, $0x2  }
0x3a: {  	s0 =	sand.u32 $0x1, s0;
	p0 =	sgt.s32 s18, $0x0;
	s20 =	smov.u32 s18;
	v1 =	vnsel vm1, $0x7FFFFFFF, v1  }
0x3b: {  	s20 =	simm.s32 @!p0 $0x0;
	p0 =	seq.s32 s0, $0x1;
	s0 =	sadd.s32 $0x10, s6;
	v3 =	vand.u32 $0x3, v3  }
0x3c: {  	s9 =	simm.s32 $0xC800;
	v2 =	vld.msk [tilespmem:s0+$0x0 ss:$0x1], $0xffff;
	v4 =	vshrl.u32 v5, $0x7;
	[tilespmem:s1+$0x0] =	vst v3;
	v3 =	vshll.u32 v5, $0x2  }
0x3d: {  	s19 =	simm.s32 $0x30;
	s9 =	simm.s32 @!p0 $0x9600;
	s20 =	smin.u32 s20, $0x10;
	v5 =	vand.u32 $0x7FE00, v5;
	v4 =	vand.u32 $0x3, v4;
	v6 =	vand.u32 $0x1FC, v3  }
0x3e: {  	s1 =	sadd.s32 $0x10, s0;
	v3 =	vmov s20;
	[tilespmem:s6+$0x0] =	vst v4;
	v4 =	vor.u32 v5, v6;
	(ifvalue) =	ssetifvalue $0x7FFFFFFF;
	s6 =	sadd.s32 $0x10, s9  }
.LBB2_3:
0x3f: {  	[tilespmem:s9], [sflag:$0x3] =	stream.indirect_vreg.gather [hbm4b:s4+s11], $0x1, v1, vm0, $0x4038;
	[tilespmem:$0x11300] =	vst v63  }
0x40: {  	s19 =	sadd.s32 $0x10, s19  }
0x41: {  	vm1 =	vgt.s32 v2, $0x0;
	vm2 =	vgt.u32 v3, v0;
	v3 =	vshrl.u32 v4, $0x2;
	v1 =	vmovc v2;
	v2 =	vld.msk [tilespmem:s1+$0x0 ss:$0x1], $0xffff;
	p0 =	slt.u32 s19, $0x31F0  }
.Ltmp3:
0x42: {  	s18 =	sadd.s32 $0xFFFFFFF0, s18;
	v4 =	vnsel vm1, $0x0, v1;
	v1 =	vnsel vm2, $0x7FFFFFFF, v3;
	(pc) =	sbr.rel @p0 .LBB2_3-.Ltmp3, $4  }
0x43: {  	s20 =	smov.u32 s0;
	p1 =	sgt.s32 s18, $0x0;
	s21 =	smov.u32 s18;
	v3 =	vmin.u32 v4, $0x4E1FF  }
0x44: {  	s0 =	smov.u32 s1;
	s9 =	smov.u32 s6;
	s21 =	simm.s32 @!p1 $0x0;
	v4 =	vshrl.u32 v3, $0x7;
	v5 =	vshll.u32 v3, $0x2  }
0x45: {  	s21 =	smin.u32 s21, $0x10;
	v6 =	vand.u32 $0x3, v4;
	v4 =	vand.u32 $0x7FE00, v3;
	v5 =	vand.u32 $0x1FC, v5  }
0x46: {  	s1 =	sadd.s32 $0x10, s1;
	s6 =	sadd.s32 $0x10, s6;
	v3 =	vmov s21;
	v4 =	vor.u32 v4, v5;
	[tilespmem:s20+$0x0] =	vst v6;
	(ifvalue) =	ssetifvalue $0x7FFFFFFF  }
0x47: {  	v5 =	vld.msk [tilespmem:s1+$0x0 ss:$0x1], $0xffff;
	_ =	sdelay $0x1  }
0x48: {  	s18 =	sadd.s32 $0xFFFFFFF0, s18;
	vm1 =	vgt.s32 v2, $0x0  }
0x49: {  	p0 =	sgt.s32 s18, $0x0;
	s19 =	smov.u32 s18;
	v2 =	vnsel vm1, $0x0, v2;
	vm1 =	vgt.u32 v3, v0;
	v3 =	vshrl.u32 v4, $0x2  }
0x4a: {  	s19 =	simm.s32 @!p0 $0x0;
	v2 =	vmin.u32 v2, $0x4E1FF;
	v3 =	vnsel vm1, $0x7FFFFFFF, v3  }
0x4b: {  	s19 =	smin.u32 s19, $0x10;
	v60 =	vshll.u32 v2, $0x2;
	v7 =	vand.u32 $0x7FE00, v2;
	vm1 =	vgt.s32 v5, $0x0  }
0x4c: {  	s18 =	sadd.s32 $0xFFFFFFF0, s18;
	v2 =	vshrl.u32 v2, $0x7;
	v6 =	vmov s19;
	v5 =	vnsel vm1, $0x0, v5  }
0x4d: {  	p0 =	sgt.s32 s18, $0x0;
	v4 =	vand.u32 $0x1FC, v60;
	v2 =	vand.u32 $0x3, v2;
	v5 =	vmin.u32 v5, $0x4E1FF  }
0x4e: {  	s18 =	simm.s32 @!p0 $0x0;
	v4 =	vor.u32 v7, v4;
	vm1 =	vgt.u32 v6, v0;
	v61 =	vshll.u32 v5, $0x2  }
0x4f: {  	s18 =	smin.u32 s18, $0x10;
	v4 =	vshrl.u32 v4, $0x2;
	v62 =	vand.u32 $0x7FE00, v5;
	v6 =	vand.u32 $0x1FC, v61  }
0x50: {  	v63 =	vmov s18;
	v4 =	vnsel vm1, $0x7FFFFFFF, v4;
	v6 =	vor.u32 v62, v6  }
0x51: {  	[tilespmem:s9], [sflag:$0x3] =	stream.indirect_vreg.gather [hbm4b:s4+s11], $0x1, v1, vm0, $0x4038;
	[tilespmem:s0+$0x0] =	vst v2;
	vm1 =	vgt.u32 v63, v0;
	v2 =	vshrl.u32 v6, $0x2  }
0x52: {  	(ifvalue) =	ssetifvalue $0x7FFFFFFF;
	v1 =	vshrl.u32 v5, $0x7;
	v2 =	vnsel vm1, $0x7FFFFFFF, v2  }
0x53: {  	[tilespmem:s6], [sflag:$0x3] =	stream.indirect_vreg.gather [hbm4b:s4+s11], $0x1, v3, vm0, $0x4038;
	v1 =	vand.u32 $0x3, v1;
	[tilespmem:$0x11300] =	vst v63  }
0x54: {  	s31 =	sadd.s32 $0x10, s6;
	[tilespmem:s1+$0x0] =	vst v1;
	(ifvalue) =	ssetifvalue $0x7FFFFFFF  }
0x55: {  	[tilespmem:s31], [sflag:$0x3] =	stream.indirect_vreg.gather [hbm4b:s4+s11], $0x1, v4, vm0, $0x4038;
	[tilespmem:$0x11300] =	vst v63  }
0x56: {  	s0 =	sadd.s32 $0x10, s31;
	(ifvalue) =	ssetifvalue $0x7FFFFFFF  }
0x57: {  	[tilespmem:s0], [sflag:$0x3] =	stream.indirect_vreg.gather [hbm4b:s4+s11], $0x1, v2, vm0, $0x4038;
	[tilespmem:$0x11300] =	vst v63  }
.LBB2_5:
0x58: {  	p0 =	slt.u32 s16, $0x2  }
0x59: {  	p1 =	sge.u32 @!p0 s16, s10  }
0x5a: {  	p0 =	por p0, p1  }
.Ltmp4:
0x5b: {  	_ = 	snop;
	(pc) =	sbr.rel @p0 .LBB2_9-.Ltmp4, $1  }
0x5c: {  	_ =	sdelay $0x3  }
0x5d: {  	s0 =	sadd.s32 $0xFFFFFFFE, s16  }
0x5e: {  	s1 =	smulhi.u32 $0xAAAAAAAB, s0;
	_ =	sdelay $0x1  }
0x5f: {  	s1 =	sshrl.u32 s1, $0x1  }
0x60: {  	s1 =	smul.u32 $0x3, s1  }
0x61: {  	s6 =	sand.u32 $0x1, s16  }
0x62: {  	s31 =	smul.u32 $0xC800, s6;
	s0 =	ssub.s32 s0, s1  }
0x63: {  	s0 =	smul.u32 $0xC800, s0;
	_ =	sdelay $0x1  }
0x64: {  	s9 =	smul.u32 $0x3200, s6;
	s20 =	sshrl.u32 s31, $0x2;
	s21 =	sshrl.u32 s0, $0x2  }
0x65: {  	s5 =	simm.s32 $0x3;
	s1 =	sadd.s32 $0x9600, s20;
	v2 =	vmov s21  }
0x66: {  	_ =	swait.ge [sflag:s5], $0x3200;
	s18 =	sshrl.u32 s9, $0x2;
	v1 =	vmov s1  }
0x67: {  	[sflag:s5] =	ssyncset.done $0x0;
	s19 =	sadd.s32 $0xFA00, s18  }
0x68: {  	s22 =	simm.s32 $0x0;
	[sflag:s5] =	ssyncadd.s32 $0xFFFFCE00;
	v3 =	vmov s19  }
.LBB2_7:
0x69: {  	s23 =	sshll.u32 s22, $0x9  }
0x6a: {  	s0 =	sand.u32 $0x3FFFFE00, s23;
	v5 =	vld.idx.msk [tilespmem:v2+s23+$0x0 ss:$0x1], $0xffff  }
0x6b: {  	s9 =	sor.u32 $0x80, s23;
	v4 =	vld.idx.msk [tilespmem:v1+s0+$0x0 ss:$0x1], $0xffff  }
0x6c: {  	v6 =	vld.idx.msk [tilespmem:v1+s9+$0x0 ss:$0x1], $0xffff  }
0x6d: {  	s25 =	sor.u32 $0x100, s23;
	v7 =	vld.idx.msk [tilespmem:v2+s9+$0x0 ss:$0x1], $0xffff  }
0x6e: {  	v8 =	vld.idx.msk [tilespmem:v2+s25+$0x0 ss:$0x1], $0xffff  }
0x6f: {  	s28 =	sor.u32 $0x180, s23;
	v9 =	vld.idx.msk [tilespmem:v1+s25+$0x0 ss:$0x1], $0xffff  }
0x70: {  	v10 =	vld.idx.msk [tilespmem:v2+s28+$0x0 ss:$0x1], $0xffff;
	_ =	sdelay $0x1  }
0x71: {  	v11 =	vld.idx.msk [tilespmem:v1+s28+$0x0 ss:$0x1], $0xffff  }
0x72: {  	v5 =	vshll.u32 v5, $0x3;
	v7 =	vshll.u32 v7, $0x3  }
0x73: {  	v4 =	vshrl.u32 v4, v5;
	v30 =	vshll.u32 v8, $0x3;
	v5 =	vshrl.u32 v6, v7  }
0x74: {  	v31 =	vshll.u32 v10, $0x3;
	v6 =	vshrl.u32 v9, v30;
	v5 =	vshll.u32 v5, $0x8  }
0x75: {  	v4 =	vand.u32 $0xFF, v4;
	v6 =	vshll.u32 v6, $0x10;
	v5 =	vand.u32 $0xFF00, v5  }
0x76: {  	v32 =	vshrl.u32 v11, v31;
	v4 =	vor.u32 v4, v5;
	v5 =	vand.u32 $0xFF0000, v6  }
0x77: {  	v4 =	vor.u32 v5, v4;
	v5 =	vshll.u32 v32, $0x18  }
0x78: {  	s24 =	sshra.s32 s23, $0x2;
	v4 =	vor.u32 v5, v4  }
0x79: {  	s26 =	sor.u32 $0x10, s23;
	[tilespmem:v3+s24+$0x0 ss:$0x1] =	vst.idx.msk $0xffff, v4  }
0x7a: {  	v4 =	vld.idx.msk [tilespmem:v1+s26+$0x0 ss:$0x1], $0xffff  }
0x7b: {  	s29 =	sor.u32 $0x90, s23;
	v5 =	vld.idx.msk [tilespmem:v2+s26+$0x0 ss:$0x1], $0xffff  }
0x7c: {  	v33 =	vld.idx.msk [tilespmem:v1+s29+$0x0 ss:$0x1], $0xffff  }
0x7d: {  	s30 =	sor.u32 $0x110, s23;
	v34 =	vld.idx.msk [tilespmem:v2+s29+$0x0 ss:$0x1], $0xffff  }
0x7e: {  	v35 =	vld.idx.msk [tilespmem:v2+s30+$0x0 ss:$0x1], $0xffff  }
0x7f: {  	s31 =	sor.u32 $0x190, s23;
	v36 =	vld.idx.msk [tilespmem:v1+s30+$0x0 ss:$0x1], $0xffff  }
0x80: {  	v37 =	vld.idx.msk [tilespmem:v2+s31+$0x0 ss:$0x1], $0xffff;
	_ =	sdelay $0x1  }
0x81: {  	v38 =	vld.idx.msk [tilespmem:v1+s31+$0x0 ss:$0x1], $0xffff  }
0x82: {  	v5 =	vshll.u32 v5, $0x3;
	v7 =	vshll.u32 v34, $0x3  }
0x83: {  	v39 =	vshll.u32 v35, $0x3;
	v4 =	vshrl.u32 v4, v5;
	v5 =	vshrl.u32 v33, v7  }
0x84: {  	v40 =	vshll.u32 v37, $0x3;
	v6 =	vshrl.u32 v36, v39;
	v5 =	vshll.u32 v5, $0x8  }
0x85: {  	v4 =	vand.u32 $0xFF, v4;
	v6 =	vshll.u32 v6, $0x10;
	v5 =	vand.u32 $0xFF00, v5  }
0x86: {  	v41 =	vshrl.u32 v38, v40;
	v4 =	vor.u32 v4, v5;
	v5 =	vand.u32 $0xFF0000, v6  }
0x87: {  	s6 =	sor.u32 $0x40, s23;
	v4 =	vor.u32 v5, v4;
	v5 =	vshll.u32 v41, $0x18  }
0x88: {  	s1 =	sshra.s32 s6, $0x2;
	v4 =	vor.u32 v5, v4  }
0x89: {  	s5 =	sor.u32 $0x20, s23;
	[tilespmem:v3+s1+$0x0 ss:$0x1] =	vst.idx.msk $0xffff, v4  }
0x8a: {  	v4 =	vld.idx.msk [tilespmem:v1+s5+$0x0 ss:$0x1], $0xffff  }
0x8b: {  	s7 =	sor.u32 $0xA0, s23;
	v5 =	vld.idx.msk [tilespmem:v2+s5+$0x0 ss:$0x1], $0xffff  }
0x8c: {  	v42 =	vld.idx.msk [tilespmem:v1+s7+$0x0 ss:$0x1], $0xffff  }
0x8d: {  	s24 =	sor.u32 $0x120, s23;
	v43 =	vld.idx.msk [tilespmem:v2+s7+$0x0 ss:$0x1], $0xffff  }
0x8e: {  	v44 =	vld.idx.msk [tilespmem:v2+s24+$0x0 ss:$0x1], $0xffff  }
0x8f: {  	s26 =	sor.u32 $0x1A0, s23;
	v45 =	vld.idx.msk [tilespmem:v1+s24+$0x0 ss:$0x1], $0xffff  }
0x90: {  	v46 =	vld.idx.msk [tilespmem:v2+s26+$0x0 ss:$0x1], $0xffff;
	_ =	sdelay $0x1  }
0x91: {  	s0 =	sor.u32 $0x280, s23;
	v47 =	vld.idx.msk [tilespmem:v1+s26+$0x0 ss:$0x1], $0xffff  }
0x92: {  	v50 =	vld.idx.msk [tilespmem:v1+s0+$0x0 ss:$0x1], $0xffff;
	v5 =	vshll.u32 v5, $0x3;
	v7 =	vshll.u32 v43, $0x3  }
0x93: {  	v52 =	vld.idx.msk [tilespmem:v2+s0+$0x0 ss:$0x1], $0xffff;
	s1 =	sor.u32 $0x300, s23;
	v48 =	vshll.u32 v44, $0x3;
	v4 =	vshrl.u32 v4, v5;
	v5 =	vshrl.u32 v42, v7  }
0x94: {  	v54 =	vld.idx.msk [tilespmem:v2+s1+$0x0 ss:$0x1], $0xffff;
	v51 =	vshll.u32 v46, $0x3;
	v6 =	vshrl.u32 v45, v48;
	v5 =	vshll.u32 v5, $0x8  }
0x95: {  	s24 =	sor.u32 $0x200, s23;
	v55 =	vld.idx.msk [tilespmem:v1+s1+$0x0 ss:$0x1], $0xffff;
	v4 =	vand.u32 $0xFF, v4;
	v6 =	vshll.u32 v6, $0x10;
	v5 =	vand.u32 $0xFF00, v5  }
0x96: {  	s29 =	sand.u32 $0x3FFFFE00, s24;
	v49 =	vld.idx.msk [tilespmem:v2+s24+$0x0 ss:$0x1], $0xffff;
	v53 =	vshrl.u32 v47, v51;
	v4 =	vor.u32 v4, v5;
	v5 =	vand.u32 $0xFF0000, v6  }
0x97: {  	s26 =	sor.u32 $0x380, s23;
	v12 =	vld.idx.msk [tilespmem:v1+s29+$0x0 ss:$0x1], $0xffff;
	v4 =	vor.u32 v5, v4;
	v5 =	vshll.u32 v53, $0x18  }
0x98: {  	s9 =	sshra.s32 s9, $0x2;
	v4 =	vor.u32 v5, v4;
	v5 =	vld.idx.msk [tilespmem:v2+s26+$0x0 ss:$0x1], $0xffff  }
0x99: {  	s30 =	sor.u32 $0x30, s23;
	[tilespmem:v3+s9+$0x0 ss:$0x1] =	vst.idx.msk $0xffff, v4;
	v4 =	vld.idx.msk [tilespmem:v1+s26+$0x0 ss:$0x1], $0xffff  }
0x9a: {  	v10 =	vshll.u32 v52, $0x3;
	v56 =	vld.idx.msk [tilespmem:v1+s30+$0x0 ss:$0x1], $0xffff  }
0x9b: {  	v8 =	vshrl.u32 v50, v10;
	s31 =	sor.u32 $0xB0, s23;
	v13 =	vld.idx.msk [tilespmem:v2+s30+$0x0 ss:$0x1], $0xffff  }
0x9c: {  	v8 =	vshll.u32 v8, $0x8;
	v9 =	vshll.u32 v54, $0x3;
	v7 =	vshll.u32 v49, $0x3;
	v57 =	vld.idx.msk [tilespmem:v1+s31+$0x0 ss:$0x1], $0xffff  }
0x9d: {  	v8 =	vand.u32 $0xFF00, v8;
	s5 =	sor.u32 $0x130, s23;
	v7 =	vshrl.u32 v12, v7;
	v6 =	vshrl.u32 v55, v9;
	v58 =	vld.idx.msk [tilespmem:v2+s31+$0x0 ss:$0x1], $0xffff  }
0x9e: {  	s7 =	sor.u32 $0x1B0, s23;
	v7 =	vand.u32 $0xFF, v7;
	v6 =	vshll.u32 v6, $0x10;
	v59 =	vld.idx.msk [tilespmem:v2+s5+$0x0 ss:$0x1], $0xffff;
	v5 =	vshll.u32 v5, $0x3  }
0x9f: {  	v7 =	vor.u32 v7, v8;
	v6 =	vand.u32 $0xFF0000, v6;
	v60 =	vld.idx.msk [tilespmem:v2+s7+$0x0 ss:$0x1], $0xffff;
	v4 =	vshrl.u32 v4, v5  }
0xa0: {  	v6 =	vor.u32 v6, v7;
	v5 =	vld.idx.msk [tilespmem:v1+s5+$0x0 ss:$0x1], $0xffff;
	v4 =	vshll.u32 v4, $0x18  }
0xa1: {  	s24 =	sshrl.u32 s24, $0x2;
	v4 =	vor.u32 v4, v6  }
0xa2: {  	v61 =	vld.idx.msk [tilespmem:v1+s7+$0x0 ss:$0x1], $0xffff;
	[tilespmem:v3+s24+$0x0 ss:$0x1] =	vst.idx.msk $0xffff, v4;
	s24 =	sor.u32 $0x210, s23  }
0xa3: {  	v62 =	vshll.u32 v58, $0x3;
	v15 =	vshll.u32 v59, $0x3;
	v63 =	vld.idx.msk [tilespmem:v1+s24+$0x0 ss:$0x1], $0xffff  }
0xa4: {  	s29 =	sor.u32 $0x290, s23;
	v7 =	vshll.u32 v60, $0x3;
	v8 =	vshrl.u32 v57, v62;
	v4 =	vshll.u32 v13, $0x3;
	v16 =	vld.idx.msk [tilespmem:v2+s24+$0x0 ss:$0x1], $0xffff  }
0xa5: {  	v8 =	vshll.u32 v8, $0x8;
	v4 =	vshrl.u32 v56, v4;
	v17 =	vld.idx.msk [tilespmem:v1+s29+$0x0 ss:$0x1], $0xffff;
	v5 =	vshrl.u32 v5, v15  }
0xa6: {  	s30 =	sor.u32 $0x310, s23;
	v8 =	vand.u32 $0xFF00, v8;
	v18 =	vld.idx.msk [tilespmem:v2+s29+$0x0 ss:$0x1], $0xffff;
	v4 =	vand.u32 $0xFF, v4;
	v5 =	vshll.u32 v5, $0x10  }
0xa7: {  	v6 =	vshrl.u32 v61, v7;
	v19 =	vld.idx.msk [tilespmem:v2+s30+$0x0 ss:$0x1], $0xffff;
	v4 =	vor.u32 v4, v8;
	v5 =	vand.u32 $0xFF0000, v5  }
0xa8: {  	s31 =	sor.u32 $0xC0, s23;
	s5 =	sor.u32 $0x390, s23;
	v20 =	vld.idx.msk [tilespmem:v1+s30+$0x0 ss:$0x1], $0xffff;
	v4 =	vor.u32 v5, v4;
	v5 =	vshll.u32 v6, $0x18  }
0xa9: {  	s29 =	sshra.s32 s31, $0x2;
	v4 =	vor.u32 v5, v4;
	v5 =	vld.idx.msk [tilespmem:v2+s5+$0x0 ss:$0x1], $0xffff  }
0xaa: {  	[tilespmem:v3+s29+$0x0 ss:$0x1] =	vst.idx.msk $0xffff, v4;
	v4 =	vld.idx.msk [tilespmem:v1+s5+$0x0 ss:$0x1], $0xffff  }
0xab: {  	v21 =	vld.idx.msk [tilespmem:v1+s6+$0x0 ss:$0x1], $0xffff  }
0xac: {  	v11 =	vshll.u32 v16, $0x3;
	v12 =	vshll.u32 v18, $0x3;
	v22 =	vld.idx.msk [tilespmem:v2+s6+$0x0 ss:$0x1], $0xffff  }
0xad: {  	v7 =	vshll.u32 v19, $0x3;
	v9 =	vshrl.u32 v63, v11;
	v10 =	vshrl.u32 v17, v12;
	v23 =	vld.idx.msk [tilespmem:v1+s31+$0x0 ss:$0x1], $0xffff  }
0xae: {  	s9 =	sor.u32 $0x140, s23;
	v6 =	vshrl.u32 v20, v7;
	v9 =	vand.u32 $0xFF, v9;
	v10 =	vshll.u32 v10, $0x8;
	v24 =	vld.idx.msk [tilespmem:v2+s31+$0x0 ss:$0x1], $0xffff  }
0xaf: {  	s24 =	sor.u32 $0x1C0, s23;
	v6 =	vshll.u32 v6, $0x10;
	v25 =	vld.idx.msk [tilespmem:v2+s9+$0x0 ss:$0x1], $0xffff;
	v10 =	vand.u32 $0xFF00, v10;
	v5 =	vshll.u32 v5, $0x3  }
0xb0: {  	v26 =	vld.idx.msk [tilespmem:v2+s24+$0x0 ss:$0x1], $0xffff;
	v6 =	vand.u32 $0xFF0000, v6;
	v9 =	vor.u32 v9, v10;
	v4 =	vshrl.u32 v4, v5  }
0xb1: {  	s6 =	sor.u32 $0x240, s23;
	v6 =	vor.u32 v6, v9;
	v5 =	vld.idx.msk [tilespmem:v1+s9+$0x0 ss:$0x1], $0xffff;
	v4 =	vshll.u32 v4, $0x18  }
0xb2: {  	s7 =	sshrl.u32 s6, $0x2;
	v4 =	vor.u32 v4, v6  }
0xb3: {  	s30 =	sor.u32 $0x220, s23;
	v27 =	vld.idx.msk [tilespmem:v1+s24+$0x0 ss:$0x1], $0xffff;
	[tilespmem:v3+s7+$0x0 ss:$0x1] =	vst.idx.msk $0xffff, v4  }
0xb4: {  	v7 =	vshll.u32 v24, $0x3;
	v29 =	vshll.u32 v25, $0x3;
	v28 =	vld.idx.msk [tilespmem:v1+s30+$0x0 ss:$0x1], $0xffff  }
0xb5: {  	s31 =	sor.u32 $0x2A0, s23;
	v9 =	vshll.u32 v26, $0x3;
	v7 =	vshrl.u32 v23, v7;
	v4 =	vshll.u32 v22, $0x3;
	v30 =	vld.idx.msk [tilespmem:v2+s30+$0x0 ss:$0x1], $0xffff  }
0xb6: {  	v7 =	vshll.u32 v7, $0x8;
	v4 =	vshrl.u32 v21, v4;
	v31 =	vld.idx.msk [tilespmem:v1+s31+$0x0 ss:$0x1], $0xffff;
	v5 =	vshrl.u32 v5, v29  }
0xb7: {  	s5 =	sor.u32 $0x320, s23;
	v7 =	vand.u32 $0xFF00, v7;
	v32 =	vld.idx.msk [tilespmem:v2+s31+$0x0 ss:$0x1], $0xffff;
	v4 =	vand.u32 $0xFF, v4;
	v5 =	vshll.u32 v5, $0x10  }
0xb8: {  	v6 =	vshrl.u32 v27, v9;
	v33 =	vld.idx.msk [tilespmem:v2+s5+$0x0 ss:$0x1], $0xffff;
	v4 =	vor.u32 v4, v7;
	v5 =	vand.u32 $0xFF0000, v5  }
0xb9: {  	s7 =	sor.u32 $0x3A0, s23;
	v34 =	vld.idx.msk [tilespmem:v1+s5+$0x0 ss:$0x1], $0xffff;
	v4 =	vor.u32 v5, v4;
	v5 =	vshll.u32 v6, $0x18  }
0xba: {  	s25 =	sshra.s32 s25, $0x2;
	v4 =	vor.u32 v5, v4;
	v5 =	vld.idx.msk [tilespmem:v2+s7+$0x0 ss:$0x1], $0xffff  }
0xbb: {  	s30 =	sor.u32 $0x50, s23;
	[tilespmem:v3+s25+$0x0 ss:$0x1] =	vst.idx.msk $0xffff, v4;
	v4 =	vld.idx.msk [tilespmem:v1+s7+$0x0 ss:$0x1], $0xffff  }
0xbc: {  	v35 =	vld.idx.msk [tilespmem:v1+s30+$0x0 ss:$0x1], $0xffff  }
0xbd: {  	s31 =	sor.u32 $0xD0, s23;
	v11 =	vshll.u32 v30, $0x3;
	v12 =	vshll.u32 v32, $0x3;
	v36 =	vld.idx.msk [tilespmem:v2+s30+$0x0 ss:$0x1], $0xffff  }
0xbe: {  	v7 =	vshll.u32 v33, $0x3;
	v10 =	vshrl.u32 v28, v11;
	v8 =	vshrl.u32 v31, v12;
	v37 =	vld.idx.msk [tilespmem:v1+s31+$0x0 ss:$0x1], $0xffff  }
0xbf: {  	s5 =	sor.u32 $0x150, s23;
	v6 =	vshrl.u32 v34, v7;
	v10 =	vand.u32 $0xFF, v10;
	v8 =	vshll.u32 v8, $0x8;
	v38 =	vld.idx.msk [tilespmem:v2+s31+$0x0 ss:$0x1], $0xffff  }
0xc0: {  	s7 =	sor.u32 $0x1D0, s23;
	v6 =	vshll.u32 v6, $0x10;
	v39 =	vld.idx.msk [tilespmem:v2+s5+$0x0 ss:$0x1], $0xffff;
	v8 =	vand.u32 $0xFF00, v8;
	v5 =	vshll.u32 v5, $0x3  }
0xc1: {  	v40 =	vld.idx.msk [tilespmem:v2+s7+$0x0 ss:$0x1], $0xffff;
	v6 =	vand.u32 $0xFF0000, v6;
	v8 =	vor.u32 v10, v8;
	v4 =	vshrl.u32 v4, v5  }
0xc2: {  	v6 =	vor.u32 v6, v8;
	v5 =	vld.idx.msk [tilespmem:v1+s5+$0x0 ss:$0x1], $0xffff;
	v4 =	vshll.u32 v4, $0x18  }
0xc3: {  	s0 =	sshrl.u32 s0, $0x2;
	v4 =	vor.u32 v4, v6  }
0xc4: {  	s29 =	sor.u32 $0x230, s23;
	v41 =	vld.idx.msk [tilespmem:v1+s7+$0x0 ss:$0x1], $0xffff;
	[tilespmem:v3+s0+$0x0 ss:$0x1] =	vst.idx.msk $0xffff, v4  }
0xc5: {  	v7 =	vshll.u32 v38, $0x3;
	v43 =	vshll.u32 v39, $0x3;
	v42 =	vld.idx.msk [tilespmem:v1+s29+$0x0 ss:$0x1], $0xffff  }
0xc6: {  	s30 =	sor.u32 $0x2B0, s23;
	v8 =	vshll.u32 v40, $0x3;
	v7 =	vshrl.u32 v37, v7;
	v4 =	vshll.u32 v36, $0x3;
	v44 =	vld.idx.msk [tilespmem:v2+s29+$0x0 ss:$0x1], $0xffff  }
0xc7: {  	v7 =	vshll.u32 v7, $0x8;
	v4 =	vshrl.u32 v35, v4;
	v45 =	vld.idx.msk [tilespmem:v1+s30+$0x0 ss:$0x1], $0xffff;
	v5 =	vshrl.u32 v5, v43  }
0xc8: {  	s31 =	sor.u32 $0x330, s23;
	v7 =	vand.u32 $0xFF00, v7;
	v46 =	vld.idx.msk [tilespmem:v2+s30+$0x0 ss:$0x1], $0xffff;
	v4 =	vand.u32 $0xFF, v4;
	v5 =	vshll.u32 v5, $0x10  }
0xc9: {  	v6 =	vshrl.u32 v41, v8;
	v47 =	vld.idx.msk [tilespmem:v2+s31+$0x0 ss:$0x1], $0xffff;
	v4 =	vor.u32 v4, v7;
	v5 =	vand.u32 $0xFF0000, v5  }
0xca: {  	s5 =	sor.u32 $0x3B0, s23;
	v48 =	vld.idx.msk [tilespmem:v1+s31+$0x0 ss:$0x1], $0xffff;
	v4 =	vor.u32 v5, v4;
	v5 =	vshll.u32 v6, $0x18  }
0xcb: {  	s9 =	sshra.s32 s9, $0x2;
	v4 =	vor.u32 v5, v4;
	v5 =	vld.idx.msk [tilespmem:v2+s5+$0x0 ss:$0x1], $0xffff  }
0xcc: {  	s7 =	sor.u32 $0x60, s23;
	[tilespmem:v3+s9+$0x0 ss:$0x1] =	vst.idx.msk $0xffff, v4;
	v4 =	vld.idx.msk [tilespmem:v1+s5+$0x0 ss:$0x1], $0xffff  }
0xcd: {  	v49 =	vld.idx.msk [tilespmem:v1+s7+$0x0 ss:$0x1], $0xffff  }
0xce: {  	v11 =	vshll.u32 v44, $0x3;
	v12 =	vshll.u32 v46, $0x3;
	s9 =	sor.u32 $0xE0, s23;
	v50 =	vld.idx.msk [tilespmem:v2+s7+$0x0 ss:$0x1], $0xffff  }
0xcf: {  	v7 =	vshll.u32 v47, $0x3;
	v10 =	vshrl.u32 v42, v11;
	v9 =	vshrl.u32 v45, v12;
	v51 =	vld.idx.msk [tilespmem:v1+s9+$0x0 ss:$0x1], $0xffff  }
0xd0: {  	s25 =	sor.u32 $0x160, s23;
	v6 =	vshrl.u32 v48, v7;
	v10 =	vand.u32 $0xFF, v10;
	v9 =	vshll.u32 v9, $0x8;
	v52 =	vld.idx.msk [tilespmem:v2+s9+$0x0 ss:$0x1], $0xffff  }
0xd1: {  	s29 =	sor.u32 $0x1E0, s23;
	v6 =	vshll.u32 v6, $0x10;
	v53 =	vld.idx.msk [tilespmem:v2+s25+$0x0 ss:$0x1], $0xffff;
	v9 =	vand.u32 $0xFF00, v9;
	v5 =	vshll.u32 v5, $0x3  }
0xd2: {  	v54 =	vld.idx.msk [tilespmem:v2+s29+$0x0 ss:$0x1], $0xffff;
	v6 =	vand.u32 $0xFF0000, v6;
	v9 =	vor.u32 v10, v9;
	v4 =	vshrl.u32 v4, v5  }
0xd3: {  	s30 =	sor.u32 $0x2C0, s23;
	v6 =	vor.u32 v6, v9;
	v5 =	vld.idx.msk [tilespmem:v1+s25+$0x0 ss:$0x1], $0xffff;
	v4 =	vshll.u32 v4, $0x18  }
0xd4: {  	s31 =	sshrl.u32 s30, $0x2;
	v4 =	vor.u32 v4, v6  }
0xd5: {  	v55 =	vld.idx.msk [tilespmem:v1+s29+$0x0 ss:$0x1], $0xffff;
	[tilespmem:v3+s31+$0x0 ss:$0x1] =	vst.idx.msk $0xffff, v4  }
0xd6: {  	v7 =	vshll.u32 v52, $0x3;
	v57 =	vshll.u32 v53, $0x3;
	v56 =	vld.idx.msk [tilespmem:v1+s6+$0x0 ss:$0x1], $0xffff  }
0xd7: {  	v60 =	vshll.u32 v54, $0x3;
	v7 =	vshrl.u32 v51, v7;
	v4 =	vshll.u32 v50, $0x3;
	v58 =	vld.idx.msk [tilespmem:v2+s6+$0x0 ss:$0x1], $0xffff  }
0xd8: {  	v7 =	vshll.u32 v7, $0x8;
	v4 =	vshrl.u32 v49, v4;
	v59 =	vld.idx.msk [tilespmem:v1+s30+$0x0 ss:$0x1], $0xffff;
	v5 =	vshrl.u32 v5, v57  }
0xd9: {  	s0 =	sor.u32 $0x340, s23;
	v7 =	vand.u32 $0xFF00, v7;
	v61 =	vld.idx.msk [tilespmem:v2+s30+$0x0 ss:$0x1], $0xffff;
	v4 =	vand.u32 $0xFF, v4;
	v5 =	vshll.u32 v5, $0x10  }
0xda: {  	v6 =	vshrl.u32 v55, v60;
	v62 =	vld.idx.msk [tilespmem:v2+s0+$0x0 ss:$0x1], $0xffff;
	v4 =	vor.u32 v4, v7;
	v5 =	vand.u32 $0xFF0000, v5  }
0xdb: {  	s25 =	sor.u32 $0x3C0, s23;
	v63 =	vld.idx.msk [tilespmem:v1+s0+$0x0 ss:$0x1], $0xffff;
	v4 =	vor.u32 v5, v4;
	v5 =	vshll.u32 v6, $0x18  }
0xdc: {  	v4 =	vor.u32 v5, v4;
	v5 =	vld.idx.msk [tilespmem:v2+s25+$0x0 ss:$0x1], $0xffff  }
0xdd: {  	s5 =	sshra.s32 s28, $0x2;
	v16 =	vld.idx.msk [tilespmem:v1+s25+$0x0 ss:$0x1], $0xffff  }
0xde: {  	s7 =	sor.u32 $0x70, s23;
	v17 =	vshll.u32 v61, $0x3;
	[tilespmem:v3+s5+$0x0 ss:$0x1] =	vst.idx.msk $0xffff, v4;
	v4 =	vshll.u32 v58, $0x3  }
0xdf: {  	v7 =	vshll.u32 v62, $0x3;
	v11 =	vshrl.u32 v59, v17;
	v8 =	vld.idx.msk [tilespmem:v1+s7+$0x0 ss:$0x1], $0xffff;
	v4 =	vshrl.u32 v56, v4  }
0xe0: {  	s9 =	sor.u32 $0xF0, s23;
	v6 =	vshrl.u32 v63, v7;
	v9 =	vld.idx.msk [tilespmem:v2+s7+$0x0 ss:$0x1], $0xffff;
	v18 =	vand.u32 $0xFF, v4;
	v4 =	vshll.u32 v11, $0x8  }
0xe1: {  	v10 =	vld.idx.msk [tilespmem:v1+s9+$0x0 ss:$0x1], $0xffff;
	v6 =	vshll.u32 v6, $0x10;
	v19 =	vand.u32 $0xFF00, v4;
	v5 =	vshll.u32 v5, $0x3  }
0xe2: {  	s28 =	sor.u32 $0x170, s23;
	v11 =	vld.idx.msk [tilespmem:v2+s9+$0x0 ss:$0x1], $0xffff;
	v20 =	vand.u32 $0xFF0000, v6;
	v7 =	vor.u32 v18, v19;
	v5 =	vshrl.u32 v16, v5  }
0xe3: {  	s7 =	sor.u32 $0x400, s23;
	v6 =	vld.idx.msk [tilespmem:v2+s28+$0x0 ss:$0x1], $0xffff;
	v7 =	vor.u32 v20, v7;
	v21 =	vshll.u32 v5, $0x18  }
0xe4: {  	s1 =	sshrl.u32 s1, $0x2;
	v25 =	vld.idx.msk [tilespmem:v2+s7+$0x0 ss:$0x1], $0xffff;
	v12 =	vor.u32 v21, v7  }
0xe5: {  	s30 =	sor.u32 $0x250, s23;
	v4 =	vld.idx.msk [tilespmem:v1+s28+$0x0 ss:$0x1], $0xffff;
	[tilespmem:v3+s1+$0x0 ss:$0x1] =	vst.idx.msk $0xffff, v12  }
0xe6: {  	v12 =	vld.idx.msk [tilespmem:v1+s30+$0x0 ss:$0x1], $0xffff  }
0xe7: {  	s31 =	sor.u32 $0x2D0, s23;
	v22 =	vld.idx.msk [tilespmem:v2+s30+$0x0 ss:$0x1], $0xffff  }
0xe8: {  	v14 =	vld.idx.msk [tilespmem:v1+s31+$0x0 ss:$0x1], $0xffff  }
0xe9: {  	s5 =	sor.u32 $0x350, s23;
	v15 =	vld.idx.msk [tilespmem:v2+s31+$0x0 ss:$0x1], $0xffff  }
0xea: {  	s6 =	sor.u32 $0x3D0, s23;
	v16 =	vld.idx.msk [tilespmem:v2+s5+$0x0 ss:$0x1], $0xffff  }
0xeb: {  	v18 =	vld.idx.msk [tilespmem:v2+s6+$0x0 ss:$0x1], $0xffff  }
0xec: {  	s9 =	sor.u32 $0x480, s23;
	v17 =	vld.idx.msk [tilespmem:v1+s5+$0x0 ss:$0x1], $0xffff  }
0xed: {  	v26 =	vld.idx.msk [tilespmem:v1+s9+$0x0 ss:$0x1], $0xffff  }
0xee: {  	v19 =	vld.idx.msk [tilespmem:v1+s6+$0x0 ss:$0x1], $0xffff  }
0xef: {  	s28 =	sand.u32 $0x3FFFFE00, s7;
	v28 =	vld.idx.msk [tilespmem:v2+s9+$0x0 ss:$0x1], $0xffff;
	v13 =	vshll.u32 v22, $0x3;
	v15 =	vshll.u32 v15, $0x3  }
0xf0: {  	v20 =	vld.idx.msk [tilespmem:v1+s28+$0x0 ss:$0x1], $0xffff;
	s28 =	sor.u32 $0x580, s23;
	v24 =	vshll.u32 v16, $0x3;
	v27 =	vshll.u32 v18, $0x3;
	v23 =	vshrl.u32 v14, v15  }
0xf1: {  	v33 =	vld.idx.msk [tilespmem:v2+s28+$0x0 ss:$0x1], $0xffff;
	s31 =	sor.u32 $0x500, s23;
	v12 =	vshrl.u32 v12, v13;
	v14 =	vshrl.u32 v17, v24;
	v13 =	vshll.u32 v23, $0x8  }
0xf2: {  	v21 =	vld.idx.msk [tilespmem:v2+s31+$0x0 ss:$0x1], $0xffff;
	v12 =	vand.u32 $0xFF, v12;
	v14 =	vshll.u32 v14, $0x10;
	v13 =	vand.u32 $0xFF00, v13  }
0xf3: {  	s29 =	sor.u32 $0x1F0, s23;
	v32 =	vld.idx.msk [tilespmem:v1+s31+$0x0 ss:$0x1], $0xffff;
	v30 =	vshrl.u32 v19, v27;
	v29 =	vand.u32 $0xFF0000, v14;
	v12 =	vor.u32 v12, v13  }
0xf4: {  	v5 =	vld.idx.msk [tilespmem:v1+s29+$0x0 ss:$0x1], $0xffff;
	v31 =	vshll.u32 v30, $0x18;
	v12 =	vor.u32 v29, v12  }
0xf5: {  	s0 =	sshrl.u32 s0, $0x2;
	v34 =	vld.idx.msk [tilespmem:v1+s28+$0x0 ss:$0x1], $0xffff;
	v12 =	vor.u32 v31, v12  }
0xf6: {  	v7 =	vld.idx.msk [tilespmem:v2+s29+$0x0 ss:$0x1], $0xffff;
	s29 =	sor.u32 $0x260, s23;
	v38 =	vshll.u32 v33, $0x3;
	v18 =	vshll.u32 v28, $0x3;
	[tilespmem:v3+s0+$0x0 ss:$0x1] =	vst.idx.msk $0xffff, v12  }
0xf7: {  	v15 =	vshll.u32 v25, $0x3;
	v18 =	vshrl.u32 v26, v18;
	v35 =	vshll.u32 v21, $0x3;
	v16 =	vld.idx.msk [tilespmem:v1+s29+$0x0 ss:$0x1], $0xffff  }
0xf8: {  	s30 =	sor.u32 $0x2E0, s23;
	v15 =	vshrl.u32 v20, v15;
	v36 =	vshll.u32 v18, $0x8;
	v14 =	vshrl.u32 v32, v35;
	v19 =	vld.idx.msk [tilespmem:v2+s29+$0x0 ss:$0x1], $0xffff  }
0xf9: {  	v15 =	vand.u32 $0xFF, v15;
	v37 =	vand.u32 $0xFF00, v36;
	v14 =	vshll.u32 v14, $0x10;
	v17 =	vld.idx.msk [tilespmem:v1+s30+$0x0 ss:$0x1], $0xffff  }
0xfa: {  	s1 =	sor.u32 $0x360, s23;
	v20 =	vor.u32 v15, v37;
	v14 =	vand.u32 $0xFF0000, v14;
	v12 =	vshrl.u32 v34, v38;
	v18 =	vld.idx.msk [tilespmem:v2+s30+$0x0 ss:$0x1], $0xffff  }
0xfb: {  	v14 =	vor.u32 v14, v20;
	v13 =	vld.idx.msk [tilespmem:v1+s1+$0x0 ss:$0x1], $0xffff;
	v39 =	vshll.u32 v12, $0x18  }
0xfc: {  	s5 =	sor.u32 $0x3E0, s23;
	s6 =	sshrl.u32 s7, $0x2;
	v15 =	vld.idx.msk [tilespmem:v2+s1+$0x0 ss:$0x1], $0xffff;
	v20 =	vor.u32 v39, v14  }
0xfd: {  	s7 =	sor.u32 $0x410, s23;
	v12 =	vld.idx.msk [tilespmem:v1+s5+$0x0 ss:$0x1], $0xffff;
	[tilespmem:v3+s6+$0x0 ss:$0x1] =	vst.idx.msk $0xffff, v20  }
0xfe: {  	v20 =	vld.idx.msk [tilespmem:v1+s7+$0x0 ss:$0x1], $0xffff  }
0xff: {  	s29 =	sor.u32 $0x490, s23;
	v40 =	vld.idx.msk [tilespmem:v2+s7+$0x0 ss:$0x1], $0xffff  }
0x100: {  	v22 =	vld.idx.msk [tilespmem:v1+s29+$0x0 ss:$0x1], $0xffff  }
0x101: {  	s30 =	sor.u32 $0x510, s23;
	v23 =	vld.idx.msk [tilespmem:v2+s29+$0x0 ss:$0x1], $0xffff  }
0x102: {  	s1 =	sor.u32 $0x590, s23;
	v24 =	vld.idx.msk [tilespmem:v2+s30+$0x0 ss:$0x1], $0xffff  }
0x103: {  	v26 =	vld.idx.msk [tilespmem:v2+s1+$0x0 ss:$0x1], $0xffff  }
0x104: {  	s0 =	sor.u32 $0x680, s23;
	v25 =	vld.idx.msk [tilespmem:v1+s30+$0x0 ss:$0x1], $0xffff  }
0x105: {  	v44 =	vld.idx.msk [tilespmem:v1+s0+$0x0 ss:$0x1], $0xffff  }
0x106: {  	v27 =	vld.idx.msk [tilespmem:v1+s1+$0x0 ss:$0x1], $0xffff  }
0x107: {  	v46 =	vld.idx.msk [tilespmem:v2+s0+$0x0 ss:$0x1], $0xffff;
	v21 =	vshll.u32 v40, $0x3;
	v23 =	vshll.u32 v23, $0x3  }
0x108: {  	v14 =	vld.idx.msk [tilespmem:v2+s5+$0x0 ss:$0x1], $0xffff;
	s6 =	sor.u32 $0x600, s23;
	v42 =	vshll.u32 v24, $0x3;
	v45 =	vshll.u32 v26, $0x3;
	v41 =	vshrl.u32 v22, v23  }
0x109: {  	s5 =	sand.u32 $0x3FFFFE00, s6;
	v43 =	vld.idx.msk [tilespmem:v2+s6+$0x0 ss:$0x1], $0xffff;
	v20 =	vshrl.u32 v20, v21;
	v22 =	vshrl.u32 v25, v42;
	v21 =	vshll.u32 v41, $0x8  }
0x10a: {  	s1 =	sor.u32 $0x700, s23;
	v28 =	vld.idx.msk [tilespmem:v1+s5+$0x0 ss:$0x1], $0xffff;
	v20 =	vand.u32 $0xFF, v20;
	v22 =	vshll.u32 v22, $0x10;
	v21 =	vand.u32 $0xFF00, v21  }
0x10b: {  	v49 =	vld.idx.msk [tilespmem:v2+s1+$0x0 ss:$0x1], $0xffff;
	v48 =	vshrl.u32 v27, v45;
	v47 =	vand.u32 $0xFF0000, v22;
	v20 =	vor.u32 v20, v21  }
0x10c: {  	s30 =	sor.u32 $0x440, s23;
	s29 =	sor.u32 $0x780, s23;
	v51 =	vld.idx.msk [tilespmem:v1+s1+$0x0 ss:$0x1], $0xffff;
	v50 =	vshll.u32 v48, $0x18;
	v20 =	vor.u32 v47, v20  }
0x10d: {  	s5 =	sshrl.u32 s30, $0x2;
	v52 =	vld.idx.msk [tilespmem:v2+s29+$0x0 ss:$0x1], $0xffff;
	v20 =	vor.u32 v50, v20  }
0x10e: {  	s7 =	sor.u32 $0x420, s23;
	v53 =	vld.idx.msk [tilespmem:v1+s29+$0x0 ss:$0x1], $0xffff;
	[tilespmem:v3+s5+$0x0 ss:$0x1] =	vst.idx.msk $0xffff, v20  }
0x10f: {  	v26 =	vshll.u32 v46, $0x3;
	v23 =	vshll.u32 v43, $0x3;
	v54 =	vld.idx.msk [tilespmem:v1+s7+$0x0 ss:$0x1], $0xffff  }
0x110: {  	v24 =	vshrl.u32 v44, v26;
	v25 =	vshll.u32 v49, $0x3;
	v23 =	vshrl.u32 v28, v23;
	v55 =	vld.idx.msk [tilespmem:v2+s7+$0x0 ss:$0x1], $0xffff;
	s7 =	sor.u32 $0x4A0, s23  }
0x111: {  	v24 =	vshll.u32 v24, $0x8;
	v23 =	vand.u32 $0xFF, v23;
	v22 =	vshrl.u32 v51, v25;
	v56 =	vld.idx.msk [tilespmem:v1+s7+$0x0 ss:$0x1], $0xffff  }
0x112: {  	v24 =	vand.u32 $0xFF00, v24;
	v22 =	vshll.u32 v22, $0x10;
	v21 =	vshll.u32 v52, $0x3;
	v57 =	vld.idx.msk [tilespmem:v2+s7+$0x0 ss:$0x1], $0xffff;
	s7 =	sor.u32 $0x520, s23  }
0x113: {  	v23 =	vor.u32 v23, v24;
	v22 =	vand.u32 $0xFF0000, v22;
	v20 =	vshrl.u32 v53, v21;
	v58 =	vld.idx.msk [tilespmem:v2+s7+$0x0 ss:$0x1], $0xffff  }
0x114: {  	v22 =	vor.u32 v22, v23;
	v20 =	vshll.u32 v20, $0x18;
	v59 =	vld.idx.msk [tilespmem:v1+s7+$0x0 ss:$0x1], $0xffff;
	s7 =	sor.u32 $0x5A0, s23  }
0x115: {  	s6 =	sshrl.u32 s6, $0x2;
	v20 =	vor.u32 v20, v22;
	v60 =	vld.idx.msk [tilespmem:v2+s7+$0x0 ss:$0x1], $0xffff  }
0x116: {  	[tilespmem:v3+s6+$0x0 ss:$0x1] =	vst.idx.msk $0xffff, v20;
	s6 =	sor.u32 $0x610, s23;
	v61 =	vld.idx.msk [tilespmem:v1+s7+$0x0 ss:$0x1], $0xffff  }
0x117: {  	v63 =	vld.idx.msk [tilespmem:v1+s6+$0x0 ss:$0x1], $0xffff;
	v62 =	vshll.u32 v55, $0x3;
	v25 =	vshll.u32 v57, $0x3  }
0x118: {  	s5 =	sor.u32 $0x790, s23;
	v31 =	vld.idx.msk [tilespmem:v2+s6+$0x0 ss:$0x1], $0xffff;
	v20 =	vshrl.u32 v54, v62;
	v25 =	vshrl.u32 v56, v25;
	v24 =	vshll.u32 v58, $0x3  }
0x119: {  	s7 =	sor.u32 $0x690, s23;
	v37 =	vld.idx.msk [tilespmem:v2+s5+$0x0 ss:$0x1], $0xffff;
	v20 =	vand.u32 $0xFF, v20;
	v25 =	vshll.u32 v25, $0x8;
	v21 =	vshrl.u32 v59, v24  }
0x11a: {  	v32 =	vld.idx.msk [tilespmem:v1+s7+$0x0 ss:$0x1], $0xffff;
	v23 =	vshll.u32 v60, $0x3;
	v25 =	vand.u32 $0xFF00, v25;
	v21 =	vshll.u32 v21, $0x10  }
0x11b: {  	s6 =	sor.u32 $0x710, s23;
	v33 =	vld.idx.msk [tilespmem:v2+s7+$0x0 ss:$0x1], $0xffff;
	v22 =	vshrl.u32 v61, v23;
	v20 =	vor.u32 v20, v25;
	v21 =	vand.u32 $0xFF0000, v21  }
0x11c: {  	v34 =	vld.idx.msk [tilespmem:v2+s6+$0x0 ss:$0x1], $0xffff;
	v35 =	vshll.u32 v22, $0x18;
	v20 =	vor.u32 v21, v20  }
0x11d: {  	v36 =	vld.idx.msk [tilespmem:v1+s6+$0x0 ss:$0x1], $0xffff;
	s7 =	sshrl.u32 s9, $0x2;
	v20 =	vor.u32 v35, v20  }
0x11e: {  	v38 =	vld.idx.msk [tilespmem:v1+s5+$0x0 ss:$0x1], $0xffff;
	s9 =	sor.u32 $0x430, s23;
	[tilespmem:v3+s7+$0x0 ss:$0x1] =	vst.idx.msk $0xffff, v20  }
0x11f: {  	v39 =	vld.idx.msk [tilespmem:v1+s9+$0x0 ss:$0x1], $0xffff  }
0x120: {  	s6 =	sor.u32 $0x4B0, s23;
	v26 =	vshll.u32 v31, $0x3;
	v27 =	vshll.u32 v33, $0x3;
	v40 =	vld.idx.msk [tilespmem:v2+s9+$0x0 ss:$0x1], $0xffff  }
0x121: {  	v26 =	vshrl.u32 v63, v26;
	v23 =	vshll.u32 v34, $0x3;
	v24 =	vshrl.u32 v32, v27;
	v41 =	vld.idx.msk [tilespmem:v1+s6+$0x0 ss:$0x1], $0xffff  }
0x122: {  	v26 =	vand.u32 $0xFF, v26;
	v22 =	vshrl.u32 v36, v23;
	v24 =	vshll.u32 v24, $0x8;
	s7 =	sor.u32 $0x530, s23;
	v42 =	vld.idx.msk [tilespmem:v2+s6+$0x0 ss:$0x1], $0xffff  }
0x123: {  	v22 =	vshll.u32 v22, $0x10;
	v21 =	vshll.u32 v37, $0x3;
	v24 =	vand.u32 $0xFF00, v24;
	v43 =	vld.idx.msk [tilespmem:v2+s7+$0x0 ss:$0x1], $0xffff  }
0x124: {  	v22 =	vand.u32 $0xFF0000, v22;
	v24 =	vor.u32 v26, v24;
	v20 =	vshrl.u32 v38, v21;
	v44 =	vld.idx.msk [tilespmem:v1+s7+$0x0 ss:$0x1], $0xffff;
	s9 =	sor.u32 $0x5B0, s23  }
0x125: {  	v22 =	vor.u32 v22, v24;
	v20 =	vshll.u32 v20, $0x18;
	s6 =	sor.u32 $0x640, s23;
	v45 =	vld.idx.msk [tilespmem:v2+s9+$0x0 ss:$0x1], $0xffff  }
0x126: {  	v20 =	vor.u32 v20, v22;
	s7 =	sshrl.u32 s6, $0x2  }
0x127: {  	v46 =	vld.idx.msk [tilespmem:v1+s9+$0x0 ss:$0x1], $0xffff;
	[tilespmem:v3+s7+$0x0 ss:$0x1] =	vst.idx.msk $0xffff, v20;
	s7 =	sor.u32 $0x620, s23  }
0x128: {  	v48 =	vld.idx.msk [tilespmem:v1+s7+$0x0 ss:$0x1], $0xffff;
	v47 =	vshll.u32 v40, $0x3;
	v23 =	vshll.u32 v42, $0x3  }
0x129: {  	s9 =	sor.u32 $0x6A0, s23;
	v50 =	vld.idx.msk [tilespmem:v2+s7+$0x0 ss:$0x1], $0xffff;
	v49 =	vshll.u32 v43, $0x3;
	v20 =	vshrl.u32 v39, v47;
	v23 =	vshrl.u32 v41, v23  }
0x12a: {  	v51 =	vld.idx.msk [tilespmem:v1+s9+$0x0 ss:$0x1], $0xffff;
	v21 =	vshrl.u32 v44, v49;
	v24 =	vshll.u32 v45, $0x3;
	v23 =	vshll.u32 v23, $0x8  }
0x12b: {  	v52 =	vld.idx.msk [tilespmem:v2+s9+$0x0 ss:$0x1], $0xffff;
	s7 =	sor.u32 $0x720, s23;
	v20 =	vand.u32 $0xFF, v20;
	v21 =	vshll.u32 v21, $0x10;
	v23 =	vand.u32 $0xFF00, v23  }
0x12c: {  	v53 =	vld.idx.msk [tilespmem:v2+s7+$0x0 ss:$0x1], $0xffff;
	v22 =	vshrl.u32 v46, v24;
	v21 =	vand.u32 $0xFF0000, v21;
	v20 =	vor.u32 v20, v23  }
0x12d: {  	s5 =	sor.u32 $0x7A0, s23;
	s9 =	sor.u32 $0x4C0, s23;
	v55 =	vld.idx.msk [tilespmem:v1+s7+$0x0 ss:$0x1], $0xffff;
	v54 =	vshll.u32 v22, $0x18;
	v20 =	vor.u32 v21, v20  }
0x12e: {  	v57 =	vld.idx.msk [tilespmem:v2+s5+$0x0 ss:$0x1], $0xffff;
	s7 =	sshrl.u32 s9, $0x2;
	v56 =	vor.u32 v54, v20  }
0x12f: {  	v19 =	vshll.u32 v19, $0x3;
	v58 =	vld.idx.msk [tilespmem:v1+s5+$0x0 ss:$0x1], $0xffff;
	[tilespmem:v3+s7+$0x0 ss:$0x1] =	vst.idx.msk $0xffff, v56  }
0x130: {  	v16 =	vshrl.u32 v16, v19;
	v60 =	vshll.u32 v50, $0x3;
	v61 =	vshll.u32 v52, $0x3;
	v59 =	vld.idx.msk [tilespmem:v1+s30+$0x0 ss:$0x1], $0xffff  }
0x131: {  	v24 =	vshrl.u32 v51, v61;
	v23 =	vshll.u32 v53, $0x3;
	v21 =	vshrl.u32 v48, v60;
	v62 =	vld.idx.msk [tilespmem:v2+s30+$0x0 ss:$0x1], $0xffff  }
0x132: {  	v24 =	vshll.u32 v24, $0x8;
	v22 =	vshrl.u32 v55, v23;
	v21 =	vand.u32 $0xFF, v21;
	v63 =	vld.idx.msk [tilespmem:v1+s9+$0x0 ss:$0x1], $0xffff  }
0x133: {  	v24 =	vand.u32 $0xFF00, v24;
	v22 =	vshll.u32 v22, $0x10;
	v20 =	vshll.u32 v57, $0x3;
	v30 =	vld.idx.msk [tilespmem:v2+s9+$0x0 ss:$0x1], $0xffff;
	s9 =	sor.u32 $0x540, s23  }
0x134: {  	v21 =	vor.u32 v21, v24;
	v22 =	vand.u32 $0xFF0000, v22;
	v19 =	vshrl.u32 v58, v20;
	v31 =	vld.idx.msk [tilespmem:v1+s9+$0x0 ss:$0x1], $0xffff  }
0x135: {  	s30 =	sor.u32 $0x5C0, s23;
	v21 =	vor.u32 v22, v21;
	v19 =	vshll.u32 v19, $0x18;
	v32 =	vld.idx.msk [tilespmem:v2+s9+$0x0 ss:$0x1], $0xffff  }
0x136: {  	s0 =	sshrl.u32 s0, $0x2;
	v18 =	vshll.u32 v18, $0x3;
	v15 =	vshll.u32 v15, $0x3;
	v33 =	vld.idx.msk [tilespmem:v1+s30+$0x0 ss:$0x1], $0xffff;
	v19 =	vor.u32 v19, v21  }
0x137: {  	v17 =	vshrl.u32 v17, v18;
	v13 =	vshrl.u32 v13, v15;
	s5 =	sor.u32 $0x630, s23;
	v34 =	vld.idx.msk [tilespmem:v2+s30+$0x0 ss:$0x1], $0xffff;
	[tilespmem:v3+s0+$0x0 ss:$0x1] =	vst.idx.msk $0xffff, v19  }
0x138: {  	v14 =	vshll.u32 v14, $0x3;
	v16 =	vand.u32 $0xFF, v16;
	v17 =	vshll.u32 v17, $0x8;
	v35 =	vld.idx.msk [tilespmem:v1+s5+$0x0 ss:$0x1], $0xffff  }
0x139: {  	v13 =	vshll.u32 v13, $0x10;
	v12 =	vshrl.u32 v12, v14;
	v17 =	vand.u32 $0xFF00, v17;
	s7 =	sor.u32 $0x6B0, s23;
	v36 =	vld.idx.msk [tilespmem:v2+s5+$0x0 ss:$0x1], $0xffff  }
0x13a: {  	v13 =	vand.u32 $0xFF0000, v13;
	v12 =	vshll.u32 v12, $0x18;
	v16 =	vor.u32 v16, v17;
	v19 =	vld.idx.msk [tilespmem:v1+s7+$0x0 ss:$0x1], $0xffff  }
0x13b: {  	v13 =	vor.u32 v13, v16;
	v40 =	vld.idx.msk [tilespmem:v2+s7+$0x0 ss:$0x1], $0xffff;
	s5 =	sor.u32 $0x730, s23;
	v37 =	vshll.u32 v62, $0x3;
	v38 =	vshll.u32 v30, $0x3  }
0x13c: {  	v12 =	vor.u32 v12, v13;
	s0 =	sor.u32 $0x7B0, s23;
	v41 =	vld.idx.msk [tilespmem:v2+s5+$0x0 ss:$0x1], $0xffff;
	v13 =	vshrl.u32 v59, v37;
	v16 =	vshrl.u32 v63, v38  }
0x13d: {  	v44 =	vld.idx.msk [tilespmem:v2+s0+$0x0 ss:$0x1], $0xffff;
	v39 =	vshll.u32 v32, $0x3;
	v21 =	vshll.u32 v34, $0x3;
	v13 =	vand.u32 $0xFF, v13  }
0x13e: {  	v42 =	vld.idx.msk [tilespmem:v1+s5+$0x0 ss:$0x1], $0xffff;
	v16 =	vshll.u32 v16, $0x8;
	v18 =	vshrl.u32 v31, v39;
	v15 =	vshrl.u32 v33, v21  }
0x13f: {  	v47 =	vld.idx.msk [tilespmem:v1+s0+$0x0 ss:$0x1], $0xffff;
	v16 =	vand.u32 $0xFF00, v16;
	v18 =	vshll.u32 v18, $0x10;
	v46 =	vshll.u32 v15, $0x18  }
0x140: {  	s7 =	sshrl.u32 s26, $0x2;
	v49 =	vshll.u32 v36, $0x3;
	v50 =	vshll.u32 v40, $0x3;
	v13 =	vor.u32 v13, v16  }
0x141: {  	s26 =	sor.u32 $0x270, s23;
	[tilespmem:v3+s7+$0x0 ss:$0x1] =	vst.idx.msk $0xffff, v12;
	v43 =	vand.u32 $0xFF0000, v18;
	v14 =	vshrl.u32 v35, v49;
	v51 =	vshll.u32 v41, $0x3  }
0x142: {  	s7 =	sor.u32 $0x2F0, s23;
	v17 =	vld.idx.msk [tilespmem:v2+s26+$0x0 ss:$0x1], $0xffff;
	v18 =	vshll.u32 v44, $0x3;
	v45 =	vor.u32 v43, v13;
	v13 =	vshrl.u32 v19, v50  }
0x143: {  	v12 =	vld.idx.msk [tilespmem:v1+s7+$0x0 ss:$0x1], $0xffff;
	v52 =	vand.u32 $0xFF, v14;
	v19 =	vshrl.u32 v42, v51;
	v13 =	vshll.u32 v13, $0x8  }
0x144: {  	v16 =	vld.idx.msk [tilespmem:v1+s26+$0x0 ss:$0x1], $0xffff;
	v18 =	vshrl.u32 v47, v18;
	v19 =	vshll.u32 v19, $0x10;
	v53 =	vand.u32 $0xFF00, v13  }
0x145: {  	s31 =	sshrl.u32 s31, $0x2;
	s26 =	sor.u32 $0x370, s23;
	v14 =	vld.idx.msk [tilespmem:v2+s7+$0x0 ss:$0x1], $0xffff;
	v48 =	vor.u32 v46, v45;
	v19 =	vand.u32 $0xFF0000, v19;
	v20 =	vor.u32 v52, v53  }
0x146: {  	v15 =	vld.idx.msk [tilespmem:v2+s26+$0x0 ss:$0x1], $0xffff;
	v18 =	vshll.u32 v18, $0x18;
	[tilespmem:v3+s31+$0x0 ss:$0x1] =	vst.idx.msk $0xffff, v48;
	s31 =	sor.u32 $0x6C0, s23;
	v19 =	vor.u32 v19, v20  }
0x147: {  	s7 =	sor.u32 $0x450, s23;
	v13 =	vld.idx.msk [tilespmem:v1+s26+$0x0 ss:$0x1], $0xffff;
	s26 =	sshrl.u32 s31, $0x2;
	v18 =	vor.u32 v18, v19  }
0x148: {  	v54 =	vld.idx.msk [tilespmem:v1+s7+$0x0 ss:$0x1], $0xffff;
	[tilespmem:v3+s26+$0x0 ss:$0x1] =	vst.idx.msk $0xffff, v18  }
0x149: {  	v18 =	vld.idx.msk [tilespmem:v1+s6+$0x0 ss:$0x1], $0xffff  }
0x14a: {  	v55 =	vld.idx.msk [tilespmem:v2+s6+$0x0 ss:$0x1], $0xffff  }
0x14b: {  	v56 =	vld.idx.msk [tilespmem:v1+s31+$0x0 ss:$0x1], $0xffff  }
0x14c: {  	s0 =	sor.u32 $0x740, s23;
	v57 =	vld.idx.msk [tilespmem:v2+s31+$0x0 ss:$0x1], $0xffff  }
0x14d: {  	s26 =	sor.u32 $0x7C0, s23;
	v58 =	vld.idx.msk [tilespmem:v2+s0+$0x0 ss:$0x1], $0xffff  }
0x14e: {  	v60 =	vld.idx.msk [tilespmem:v2+s26+$0x0 ss:$0x1], $0xffff  }
0x14f: {  	v59 =	vld.idx.msk [tilespmem:v1+s0+$0x0 ss:$0x1], $0xffff  }
0x150: {  	v21 =	vld.idx.msk [tilespmem:v2+s7+$0x0 ss:$0x1], $0xffff  }
0x151: {  	s7 =	sor.u32 $0x5D0, s23;
	v61 =	vld.idx.msk [tilespmem:v1+s26+$0x0 ss:$0x1], $0xffff  }
0x152: {  	v35 =	vld.idx.msk [tilespmem:v1+s7+$0x0 ss:$0x1], $0xffff;
	v19 =	vshll.u32 v55, $0x3;
	v23 =	vshll.u32 v57, $0x3  }
0x153: {  	v36 =	vld.idx.msk [tilespmem:v2+s7+$0x0 ss:$0x1], $0xffff;
	s31 =	sor.u32 $0x4D0, s23;
	v30 =	vshll.u32 v58, $0x3;
	v33 =	vshll.u32 v60, $0x3;
	v63 =	vshrl.u32 v56, v23  }
0x154: {  	v62 =	vld.idx.msk [tilespmem:v1+s31+$0x0 ss:$0x1], $0xffff;
	v18 =	vshrl.u32 v18, v19;
	v22 =	vshrl.u32 v59, v30;
	v19 =	vshll.u32 v63, $0x8  }
0x155: {  	s6 =	sor.u32 $0x550, s23;
	v29 =	vld.idx.msk [tilespmem:v2+s31+$0x0 ss:$0x1], $0xffff;
	v18 =	vand.u32 $0xFF, v18;
	v22 =	vshll.u32 v22, $0x10;
	v19 =	vand.u32 $0xFF00, v19  }
0x156: {  	v31 =	vld.idx.msk [tilespmem:v1+s6+$0x0 ss:$0x1], $0xffff;
	v34 =	vshrl.u32 v61, v33;
	v22 =	vand.u32 $0xFF0000, v22;
	v18 =	vor.u32 v18, v19  }
0x157: {  	v32 =	vld.idx.msk [tilespmem:v2+s6+$0x0 ss:$0x1], $0xffff;
	s31 =	sor.u32 $0x3F0, s23;
	v19 =	vshll.u32 v34, $0x18;
	v18 =	vor.u32 v22, v18  }
0x158: {  	s1 =	sshrl.u32 s1, $0x2;
	v19 =	vor.u32 v19, v18;
	v18 =	vld.idx.msk [tilespmem:v1+s31+$0x0 ss:$0x1], $0xffff  }
0x159: {  	s5 =	sor.u32 $0x650, s23;
	[tilespmem:v3+s1+$0x0 ss:$0x1] =	vst.idx.msk $0xffff, v19;
	v19 =	vld.idx.msk [tilespmem:v2+s31+$0x0 ss:$0x1], $0xffff  }
0x15a: {  	v39 =	vld.idx.msk [tilespmem:v1+s5+$0x0 ss:$0x1], $0xffff  }
0x15b: {  	v21 =	vshll.u32 v21, $0x3;
	s6 =	sor.u32 $0x6D0, s23;
	v37 =	vshll.u32 v29, $0x3;
	v40 =	vld.idx.msk [tilespmem:v2+s5+$0x0 ss:$0x1], $0xffff  }
0x15c: {  	v20 =	vshrl.u32 v54, v21;
	v24 =	vshll.u32 v32, $0x3;
	v38 =	vshrl.u32 v62, v37;
	v41 =	vld.idx.msk [tilespmem:v2+s6+$0x0 ss:$0x1], $0xffff  }
0x15d: {  	s7 =	sor.u32 $0x750, s23;
	v20 =	vand.u32 $0xFF, v20;
	v23 =	vshrl.u32 v31, v24;
	v21 =	vshll.u32 v38, $0x8;
	v43 =	vld.idx.msk [tilespmem:v1+s6+$0x0 ss:$0x1], $0xffff  }
0x15e: {  	v23 =	vshll.u32 v23, $0x10;
	v21 =	vand.u32 $0xFF00, v21;
	v22 =	vshll.u32 v36, $0x3;
	s31 =	sor.u32 $0x7D0, s23;
	v45 =	vld.idx.msk [tilespmem:v2+s7+$0x0 ss:$0x1], $0xffff  }
0x15f: {  	v42 =	vand.u32 $0xFF0000, v23;
	v20 =	vor.u32 v20, v21;
	v22 =	vshrl.u32 v35, v22;
	v47 =	vld.idx.msk [tilespmem:v2+s31+$0x0 ss:$0x1], $0xffff  }
0x160: {  	v20 =	vor.u32 v42, v20;
	v44 =	vshll.u32 v22, $0x18;
	v46 =	vld.idx.msk [tilespmem:v1+s7+$0x0 ss:$0x1], $0xffff  }
0x161: {  	v9 =	vshll.u32 v9, $0x3;
	s9 =	sshrl.u32 s9, $0x2;
	v20 =	vor.u32 v44, v20  }
0x162: {  	v11 =	vshll.u32 v11, $0x3;
	v8 =	vshrl.u32 v8, v9;
	v49 =	vld.idx.msk [tilespmem:v1+s31+$0x0 ss:$0x1], $0xffff;
	s5 =	sor.u32 $0x460, s23;
	[tilespmem:v3+s9+$0x0 ss:$0x1] =	vst.idx.msk $0xffff, v20  }
0x163: {  	v48 =	vshrl.u32 v10, v11;
	v51 =	vld.idx.msk [tilespmem:v1+s5+$0x0 ss:$0x1], $0xffff;
	v50 =	vshll.u32 v41, $0x3;
	v24 =	vshll.u32 v40, $0x3  }
0x164: {  	s6 =	sor.u32 $0x4E0, s23;
	v52 =	vld.idx.msk [tilespmem:v2+s5+$0x0 ss:$0x1], $0xffff;
	v22 =	vshll.u32 v45, $0x3;
	v20 =	vshll.u32 v47, $0x3;
	v11 =	vshrl.u32 v43, v50  }
0x165: {  	v53 =	vld.idx.msk [tilespmem:v2+s6+$0x0 ss:$0x1], $0xffff;
	v24 =	vshrl.u32 v39, v24;
	v21 =	vshrl.u32 v46, v22;
	v11 =	vshll.u32 v11, $0x8  }
0x166: {  	s7 =	sor.u32 $0x560, s23;
	v54 =	vld.idx.msk [tilespmem:v1+s6+$0x0 ss:$0x1], $0xffff;
	v24 =	vand.u32 $0xFF, v24;
	v21 =	vshll.u32 v21, $0x10;
	v11 =	vand.u32 $0xFF00, v11  }
0x167: {  	v55 =	vld.idx.msk [tilespmem:v2+s7+$0x0 ss:$0x1], $0xffff;
	v10 =	vshrl.u32 v49, v20;
	v21 =	vand.u32 $0xFF0000, v21;
	v11 =	vor.u32 v24, v11  }
0x168: {  	v6 =	vshll.u32 v6, $0x3;
	s9 =	sor.u32 $0x5E0, s23;
	v56 =	vld.idx.msk [tilespmem:v1+s7+$0x0 ss:$0x1], $0xffff;
	v10 =	vshll.u32 v10, $0x18;
	v11 =	vor.u32 v21, v11  }
0x169: {  	v4 =	vshrl.u32 v4, v6;
	v9 =	vshll.u32 v48, $0x8;
	s0 =	sshrl.u32 s0, $0x2;
	v58 =	vld.idx.msk [tilespmem:v2+s9+$0x0 ss:$0x1], $0xffff;
	v57 =	vor.u32 v10, v11  }
0x16a: {  	v8 =	vand.u32 $0xFF, v8;
	v4 =	vshll.u32 v4, $0x10;
	v9 =	vand.u32 $0xFF00, v9;
	s31 =	sor.u32 $0x660, s23;
	v61 =	vld.idx.msk [tilespmem:v1+s9+$0x0 ss:$0x1], $0xffff;
	[tilespmem:v3+s0+$0x0 ss:$0x1] =	vst.idx.msk $0xffff, v57  }
0x16b: {  	v4 =	vand.u32 $0xFF0000, v4;
	v8 =	vor.u32 v8, v9;
	v63 =	vld.idx.msk [tilespmem:v1+s31+$0x0 ss:$0x1], $0xffff  }
0x16c: {  	v59 =	vshll.u32 v7, $0x3;
	s1 =	sor.u32 $0x6E0, s23;
	v60 =	vshll.u32 v53, $0x3;
	v62 =	vshll.u32 v52, $0x3;
	v24 =	vld.idx.msk [tilespmem:v2+s31+$0x0 ss:$0x1], $0xffff  }
0x16d: {  	v20 =	vshll.u32 v55, $0x3;
	v7 =	vshrl.u32 v54, v60;
	v6 =	vshrl.u32 v51, v62;
	v25 =	vld.idx.msk [tilespmem:v1+s1+$0x0 ss:$0x1], $0xffff  }
0x16e: {  	s5 =	sor.u32 $0x760, s23;
	v20 =	vshrl.u32 v56, v20;
	v7 =	vshll.u32 v7, $0x8;
	v6 =	vand.u32 $0xFF, v6;
	v27 =	vld.idx.msk [tilespmem:v2+s1+$0x0 ss:$0x1], $0xffff  }
0x16f: {  	s6 =	sor.u32 $0x7E0, s23;
	v26 =	vshll.u32 v20, $0x10;
	v7 =	vand.u32 $0xFF00, v7;
	v10 =	vshll.u32 v58, $0x3;
	v28 =	vld.idx.msk [tilespmem:v2+s5+$0x0 ss:$0x1], $0xffff  }
0x170: {  	v6 =	vor.u32 v6, v7;
	v7 =	vand.u32 $0xFF0000, v26;
	v9 =	vshrl.u32 v61, v10;
	v31 =	vld.idx.msk [tilespmem:v2+s6+$0x0 ss:$0x1], $0xffff  }
0x171: {  	v5 =	vshrl.u32 v5, v59;
	v6 =	vor.u32 v7, v6;
	v29 =	vshll.u32 v9, $0x18;
	v30 =	vld.idx.msk [tilespmem:v1+s5+$0x0 ss:$0x1], $0xffff  }
0x172: {  	v4 =	vor.u32 v4, v8;
	v5 =	vshll.u32 v5, $0x18;
	s7 =	sshrl.u32 s28, $0x2;
	v6 =	vor.u32 v29, v6  }
0x173: {  	v4 =	vor.u32 v5, v4;
	s9 =	sor.u32 $0x470, s23;
	v32 =	vld.idx.msk [tilespmem:v1+s6+$0x0 ss:$0x1], $0xffff;
	[tilespmem:v3+s7+$0x0 ss:$0x1] =	vst.idx.msk $0xffff, v6  }
0x174: {  	v5 =	vshll.u32 v17, $0x3;
	v33 =	vld.idx.msk [tilespmem:v1+s9+$0x0 ss:$0x1], $0xffff;
	v34 =	vshll.u32 v24, $0x3;
	v35 =	vshll.u32 v27, $0x3  }
0x175: {  	s28 =	sor.u32 $0x4F0, s23;
	v36 =	vld.idx.msk [tilespmem:v2+s9+$0x0 ss:$0x1], $0xffff;
	v10 =	vshll.u32 v28, $0x3;
	v7 =	vshll.u32 v31, $0x3;
	v17 =	vshrl.u32 v25, v35  }
0x176: {  	v37 =	vld.idx.msk [tilespmem:v1+s28+$0x0 ss:$0x1], $0xffff;
	v11 =	vshrl.u32 v63, v34;
	v9 =	vshrl.u32 v30, v10;
	v17 =	vshll.u32 v17, $0x8  }
0x177: {  	s31 =	sor.u32 $0x570, s23;
	v38 =	vld.idx.msk [tilespmem:v2+s28+$0x0 ss:$0x1], $0xffff;
	v11 =	vand.u32 $0xFF, v11;
	v9 =	vshll.u32 v9, $0x10;
	v17 =	vand.u32 $0xFF00, v17  }
0x178: {  	v39 =	vld.idx.msk [tilespmem:v1+s31+$0x0 ss:$0x1], $0xffff;
	v6 =	vshrl.u32 v32, v7;
	v9 =	vand.u32 $0xFF0000, v9;
	v11 =	vor.u32 v11, v17  }
0x179: {  	v14 =	vshll.u32 v14, $0x3;
	s1 =	sor.u32 $0x5F0, s23;
	v40 =	vld.idx.msk [tilespmem:v2+s31+$0x0 ss:$0x1], $0xffff;
	v6 =	vshll.u32 v6, $0x18;
	v9 =	vor.u32 v9, v11  }
0x17a: {  	v12 =	vshrl.u32 v12, v14;
	s5 =	sshrl.u32 s29, $0x2;
	v42 =	vld.idx.msk [tilespmem:v1+s1+$0x0 ss:$0x1], $0xffff;
	v6 =	vor.u32 v6, v9  }
0x17b: {  	v5 =	vshrl.u32 v16, v5;
	v41 =	vshll.u32 v15, $0x3;
	s6 =	sor.u32 $0x670, s23;
	v43 =	vld.idx.msk [tilespmem:v2+s1+$0x0 ss:$0x1], $0xffff;
	[tilespmem:v3+s5+$0x0 ss:$0x1] =	vst.idx.msk $0xffff, v6  }
0x17c: {  	v12 =	vshll.u32 v12, $0x8;
	v5 =	vand.u32 $0xFF, v5;
	v13 =	vshrl.u32 v13, v41;
	v47 =	vld.idx.msk [tilespmem:v1+s6+$0x0 ss:$0x1], $0xffff  }
0x17d: {  	v44 =	vand.u32 $0xFF00, v12;
	v46 =	vshll.u32 v19, $0x3;
	v45 =	vshll.u32 v13, $0x10;
	s7 =	sor.u32 $0x6F0, s23;
	v50 =	vld.idx.msk [tilespmem:v2+s6+$0x0 ss:$0x1], $0xffff  }
0x17e: {  	v5 =	vor.u32 v5, v44;
	v49 =	vshrl.u32 v18, v46;
	v48 =	vand.u32 $0xFF0000, v45;
	v52 =	vld.idx.msk [tilespmem:v2+s7+$0x0 ss:$0x1], $0xffff  }
0x17f: {  	v51 =	vshll.u32 v49, $0x18;
	v5 =	vor.u32 v48, v5;
	s9 =	sor.u32 $0x770, s23;
	v10 =	vshll.u32 v38, $0x3;
	v53 =	vld.idx.msk [tilespmem:v1+s7+$0x0 ss:$0x1], $0xffff  }
0x180: {  	s23 =	sor.u32 $0x7F0, s23;
	v16 =	vshll.u32 v36, $0x3;
	v10 =	vshrl.u32 v37, v10;
	v11 =	vshll.u32 v40, $0x3;
	v54 =	vld.idx.msk [tilespmem:v2+s9+$0x0 ss:$0x1], $0xffff  }
0x181: {  	v8 =	vshrl.u32 v33, v16;
	v10 =	vshll.u32 v10, $0x8;
	v7 =	vshrl.u32 v39, v11;
	v57 =	vld.idx.msk [tilespmem:v2+s23+$0x0 ss:$0x1], $0xffff  }
0x182: {  	v8 =	vand.u32 $0xFF, v8;
	v10 =	vand.u32 $0xFF00, v10;
	v7 =	vshll.u32 v7, $0x10;
	v55 =	vld.idx.msk [tilespmem:v1+s9+$0x0 ss:$0x1], $0xffff  }
0x183: {  	v58 =	vshll.u32 v43, $0x3;
	v56 =	vor.u32 v8, v10;
	v7 =	vand.u32 $0xFF0000, v7  }
0x184: {  	v5 =	vor.u32 v51, v5;
	v60 =	vld.idx.msk [tilespmem:v1+s23+$0x0 ss:$0x1], $0xffff;
	v6 =	vor.u32 v7, v56;
	v7 =	vshrl.u32 v42, v58  }
0x185: {  	v7 =	vshll.u32 v7, $0x18;
	v59 =	vshll.u32 v52, $0x3;
	v61 =	vshll.u32 v50, $0x3  }
0x186: {  	v11 =	vshll.u32 v54, $0x3;
	v8 =	vshll.u32 v57, $0x3;
	v9 =	vshrl.u32 v53, v59  }
0x187: {  	p0 =	slt.u32 s22, $0x14;
	v12 =	vshrl.u32 v47, v61;
	v11 =	vshrl.u32 v55, v11;
	v9 =	vshll.u32 v9, $0x8  }
.Ltmp5:
0x188: {  	s24 =	sshra.s32 s24, $0x2;
	v12 =	vand.u32 $0xFF, v12;
	v11 =	vshll.u32 v11, $0x10;
	v9 =	vand.u32 $0xFF00, v9;
	(pc) =	sbr.rel @p0 .LBB2_7-.Ltmp5, $4  }
0x189: {  	[tilespmem:v3+s24+$0x0 ss:$0x1] =	vst.idx.msk $0xffff, v4;
	s28 =	sshrl.u32 s25, $0x2;
	v4 =	vshrl.u32 v60, v8;
	v62 =	vand.u32 $0xFF0000, v11;
	v9 =	vor.u32 v12, v9  }
0x18a: {  	s29 =	sshrl.u32 s30, $0x2;
	[tilespmem:v3+s28+$0x0 ss:$0x1] =	vst.idx.msk $0xffff, v5;
	v5 =	vor.u32 v7, v6;
	v4 =	vshll.u32 v4, $0x18;
	v63 =	vor.u32 v62, v9  }
0x18b: {  	s30 =	sshrl.u32 s26, $0x2;
	s31 =	sadd.s32 $0x4, s22;
	[tilespmem:v3+s29+$0x0 ss:$0x1] =	vst.idx.msk $0xffff, v5;
	v4 =	vor.u32 v4, v63  }
0x18c: {  	s22 =	smov.u32 s31;
	[tilespmem:v3+s30+$0x0 ss:$0x1] =	vst.idx.msk $0xffff, v4  }
0x18d: {  	v1 =	vld [tilespmem:s20+$0xC600]  }
0x18e: {  	v2 =	vld [tilespmem:s21+$0x3000]  }
0x18f: {  	v3 =	vld [tilespmem:s20+$0xC680]  }
0x190: {  	v4 =	vld [tilespmem:s21+$0x3080]  }
0x191: {  	v5 =	vld [tilespmem:s21+$0x3100]  }
0x192: {  	v6 =	vld [tilespmem:s20+$0xC700]  }
0x193: {  	v7 =	vld [tilespmem:s21+$0x3180];
	_ =	sdelay $0x1  }
0x194: {  	v8 =	vld [tilespmem:s20+$0xC780]  }
0x195: {  	v2 =	vshll.u32 v2, $0x3;
	v4 =	vshll.u32 v4, $0x3  }
0x196: {  	v1 =	vshrl.u32 v1, v2;
	v2 =	vshrl.u32 v3, v4;
	v3 =	vshll.u32 v5, $0x3  }
0x197: {  	v21 =	vshll.u32 v7, $0x3;
	v2 =	vshll.u32 v2, $0x8;
	v3 =	vshrl.u32 v6, v3  }
0x198: {  	v1 =	vand.u32 $0xFF, v1;
	v2 =	vand.u32 $0xFF00, v2;
	v3 =	vshll.u32 v3, $0x10  }
0x199: {  	v1 =	vor.u32 v1, v2;
	v2 =	vand.u32 $0xFF0000, v3;
	v3 =	vshrl.u32 v8, v21  }
0x19a: {  	v1 =	vor.u32 v2, v1;
	v2 =	vshll.u32 v3, $0x18  }
0x19b: {  	v1 =	vor.u32 v2, v1  }
0x19c: {  	[tilespmem:s18+$0x10600] =	vst v1  }
0x19d: {  	v1 =	vld [tilespmem:s20+$0xC610]  }
0x19e: {  	v2 =	vld [tilespmem:s21+$0x3010]  }
0x19f: {  	v3 =	vld [tilespmem:s20+$0xC690]  }
0x1a0: {  	v22 =	vld [tilespmem:s21+$0x3090]  }
0x1a1: {  	v23 =	vld [tilespmem:s21+$0x3110]  }
0x1a2: {  	v24 =	vld [tilespmem:s20+$0xC710]  }
0x1a3: {  	v25 =	vld [tilespmem:s21+$0x3190];
	_ =	sdelay $0x1  }
0x1a4: {  	v26 =	vld [tilespmem:s20+$0xC790]  }
0x1a5: {  	v2 =	vshll.u32 v2, $0x3;
	v4 =	vshll.u32 v22, $0x3  }
0x1a6: {  	v1 =	vshrl.u32 v1, v2;
	v2 =	vshrl.u32 v3, v4;
	v3 =	vshll.u32 v23, $0x3  }
0x1a7: {  	v27 =	vshll.u32 v25, $0x3;
	v2 =	vshll.u32 v2, $0x8;
	v3 =	vshrl.u32 v24, v3  }
0x1a8: {  	v1 =	vand.u32 $0xFF, v1;
	v2 =	vand.u32 $0xFF00, v2;
	v3 =	vshll.u32 v3, $0x10  }
0x1a9: {  	v1 =	vor.u32 v1, v2;
	v2 =	vand.u32 $0xFF0000, v3;
	v3 =	vshrl.u32 v26, v27  }
0x1aa: {  	v1 =	vor.u32 v2, v1;
	v2 =	vshll.u32 v3, $0x18  }
0x1ab: {  	v1 =	vor.u32 v2, v1  }
0x1ac: {  	[tilespmem:s18+$0x10610] =	vst v1  }
0x1ad: {  	v1 =	vld [tilespmem:s20+$0xC620]  }
0x1ae: {  	v2 =	vld [tilespmem:s21+$0x3020]  }
0x1af: {  	v3 =	vld [tilespmem:s20+$0xC6A0]  }
0x1b0: {  	v28 =	vld [tilespmem:s21+$0x30A0]  }
0x1b1: {  	v29 =	vld [tilespmem:s21+$0x3120]  }
0x1b2: {  	v30 =	vld [tilespmem:s20+$0xC720]  }
0x1b3: {  	v31 =	vld [tilespmem:s21+$0x31A0];
	_ =	sdelay $0x1  }
0x1b4: {  	v32 =	vld [tilespmem:s20+$0xC7A0]  }
0x1b5: {  	v2 =	vshll.u32 v2, $0x3;
	v4 =	vshll.u32 v28, $0x3  }
0x1b6: {  	v1 =	vshrl.u32 v1, v2;
	v2 =	vshrl.u32 v3, v4;
	v3 =	vshll.u32 v29, $0x3  }
0x1b7: {  	v33 =	vshll.u32 v31, $0x3;
	v2 =	vshll.u32 v2, $0x8;
	v3 =	vshrl.u32 v30, v3  }
0x1b8: {  	v1 =	vand.u32 $0xFF, v1;
	v2 =	vand.u32 $0xFF00, v2;
	v3 =	vshll.u32 v3, $0x10  }
0x1b9: {  	v1 =	vor.u32 v1, v2;
	v2 =	vand.u32 $0xFF0000, v3;
	v3 =	vshrl.u32 v32, v33  }
0x1ba: {  	v1 =	vor.u32 v2, v1;
	v2 =	vshll.u32 v3, $0x18  }
0x1bb: {  	v1 =	vor.u32 v2, v1  }
0x1bc: {  	[tilespmem:s18+$0x10620] =	vst v1  }
0x1bd: {  	v1 =	vld [tilespmem:s20+$0xC630]  }
0x1be: {  	v2 =	vld [tilespmem:s21+$0x3030]  }
0x1bf: {  	v3 =	vld [tilespmem:s20+$0xC6B0]  }
0x1c0: {  	v34 =	vld [tilespmem:s21+$0x30B0]  }
0x1c1: {  	v35 =	vld [tilespmem:s21+$0x3130]  }
0x1c2: {  	v36 =	vld [tilespmem:s20+$0xC730]  }
0x1c3: {  	v37 =	vld [tilespmem:s21+$0x31B0];
	_ =	sdelay $0x1  }
0x1c4: {  	v38 =	vld [tilespmem:s20+$0xC7B0]  }
0x1c5: {  	v2 =	vshll.u32 v2, $0x3;
	v4 =	vshll.u32 v34, $0x3  }
0x1c6: {  	v1 =	vshrl.u32 v1, v2;
	v2 =	vshrl.u32 v3, v4;
	v3 =	vshll.u32 v35, $0x3  }
0x1c7: {  	v39 =	vshll.u32 v37, $0x3;
	v2 =	vshll.u32 v2, $0x8;
	v3 =	vshrl.u32 v36, v3  }
0x1c8: {  	v1 =	vand.u32 $0xFF, v1;
	v2 =	vand.u32 $0xFF00, v2;
	v3 =	vshll.u32 v3, $0x10  }
0x1c9: {  	v1 =	vor.u32 v1, v2;
	v2 =	vand.u32 $0xFF0000, v3;
	v3 =	vshrl.u32 v38, v39  }
0x1ca: {  	v1 =	vor.u32 v2, v1;
	v2 =	vshll.u32 v3, $0x18  }
0x1cb: {  	v1 =	vor.u32 v2, v1  }
0x1cc: {  	[tilespmem:s18+$0x10630] =	vst v1  }
0x1cd: {  	v1 =	vld [tilespmem:s20+$0xC640]  }
0x1ce: {  	v2 =	vld [tilespmem:s21+$0x3040]  }
0x1cf: {  	v3 =	vld [tilespmem:s20+$0xC6C0]  }
0x1d0: {  	v40 =	vld [tilespmem:s21+$0x30C0]  }
0x1d1: {  	v41 =	vld [tilespmem:s21+$0x3140]  }
0x1d2: {  	v42 =	vld [tilespmem:s20+$0xC740]  }
0x1d3: {  	v43 =	vld [tilespmem:s21+$0x31C0];
	_ =	sdelay $0x1  }
0x1d4: {  	v44 =	vld [tilespmem:s20+$0xC7C0]  }
0x1d5: {  	v2 =	vshll.u32 v2, $0x3;
	v4 =	vshll.u32 v40, $0x3  }
0x1d6: {  	v1 =	vshrl.u32 v1, v2;
	v2 =	vshrl.u32 v3, v4;
	v3 =	vshll.u32 v41, $0x3  }
0x1d7: {  	v45 =	vshll.u32 v43, $0x3;
	v2 =	vshll.u32 v2, $0x8;
	v3 =	vshrl.u32 v42, v3  }
0x1d8: {  	v1 =	vand.u32 $0xFF, v1;
	v2 =	vand.u32 $0xFF00, v2;
	v3 =	vshll.u32 v3, $0x10  }
0x1d9: {  	v1 =	vor.u32 v1, v2;
	v2 =	vand.u32 $0xFF0000, v3;
	v3 =	vshrl.u32 v44, v45  }
0x1da: {  	v1 =	vor.u32 v2, v1;
	v2 =	vshll.u32 v3, $0x18  }
0x1db: {  	v1 =	vor.u32 v2, v1  }
0x1dc: {  	[tilespmem:s18+$0x10640] =	vst v1  }
0x1dd: {  	v1 =	vld [tilespmem:s20+$0xC650]  }
0x1de: {  	v2 =	vld [tilespmem:s21+$0x3050]  }
0x1df: {  	v3 =	vld [tilespmem:s20+$0xC6D0]  }
0x1e0: {  	v46 =	vld [tilespmem:s21+$0x30D0]  }
0x1e1: {  	v47 =	vld [tilespmem:s21+$0x3150]  }
0x1e2: {  	v48 =	vld [tilespmem:s20+$0xC750]  }
0x1e3: {  	v49 =	vld [tilespmem:s21+$0x31D0];
	_ =	sdelay $0x1  }
0x1e4: {  	v50 =	vld [tilespmem:s20+$0xC7D0]  }
0x1e5: {  	v2 =	vshll.u32 v2, $0x3;
	v4 =	vshll.u32 v46, $0x3  }
0x1e6: {  	v1 =	vshrl.u32 v1, v2;
	v2 =	vshrl.u32 v3, v4;
	v3 =	vshll.u32 v47, $0x3  }
0x1e7: {  	v51 =	vshll.u32 v49, $0x3;
	v2 =	vshll.u32 v2, $0x8;
	v3 =	vshrl.u32 v48, v3  }
0x1e8: {  	v1 =	vand.u32 $0xFF, v1;
	v2 =	vand.u32 $0xFF00, v2;
	v3 =	vshll.u32 v3, $0x10  }
0x1e9: {  	v1 =	vor.u32 v1, v2;
	v2 =	vand.u32 $0xFF0000, v3;
	v3 =	vshrl.u32 v50, v51  }
0x1ea: {  	v1 =	vor.u32 v2, v1;
	v2 =	vshll.u32 v3, $0x18  }
0x1eb: {  	v1 =	vor.u32 v2, v1  }
0x1ec: {  	[tilespmem:s18+$0x10650] =	vst v1  }
0x1ed: {  	v1 =	vld [tilespmem:s20+$0xC660]  }
0x1ee: {  	v2 =	vld [tilespmem:s21+$0x3060]  }
0x1ef: {  	v3 =	vld [tilespmem:s20+$0xC6E0]  }
0x1f0: {  	v52 =	vld [tilespmem:s21+$0x30E0]  }
0x1f1: {  	v53 =	vld [tilespmem:s21+$0x3160]  }
0x1f2: {  	v54 =	vld [tilespmem:s20+$0xC760]  }
0x1f3: {  	v55 =	vld [tilespmem:s21+$0x31E0];
	_ =	sdelay $0x1  }
0x1f4: {  	v56 =	vld [tilespmem:s20+$0xC7E0]  }
0x1f5: {  	v2 =	vshll.u32 v2, $0x3;
	v4 =	vshll.u32 v52, $0x3  }
0x1f6: {  	v1 =	vshrl.u32 v1, v2;
	v2 =	vshrl.u32 v3, v4;
	v3 =	vshll.u32 v53, $0x3  }
0x1f7: {  	v57 =	vshll.u32 v55, $0x3;
	v2 =	vshll.u32 v2, $0x8;
	v3 =	vshrl.u32 v54, v3  }
0x1f8: {  	v1 =	vand.u32 $0xFF, v1;
	v2 =	vand.u32 $0xFF00, v2;
	v3 =	vshll.u32 v3, $0x10  }
0x1f9: {  	v1 =	vor.u32 v1, v2;
	v2 =	vand.u32 $0xFF0000, v3;
	v3 =	vshrl.u32 v56, v57  }
0x1fa: {  	v1 =	vor.u32 v2, v1;
	v2 =	vshll.u32 v3, $0x18  }
0x1fb: {  	v1 =	vor.u32 v2, v1  }
0x1fc: {  	[tilespmem:s18+$0x10660] =	vst v1  }
0x1fd: {  	v1 =	vld [tilespmem:s20+$0xC670]  }
0x1fe: {  	v2 =	vld [tilespmem:s21+$0x3070]  }
0x1ff: {  	v3 =	vld [tilespmem:s20+$0xC6F0]  }
0x200: {  	v58 =	vld [tilespmem:s21+$0x30F0]  }
0x201: {  	v59 =	vld [tilespmem:s21+$0x3170]  }
0x202: {  	v60 =	vld [tilespmem:s20+$0xC770]  }
0x203: {  	v61 =	vld [tilespmem:s21+$0x31F0];
	_ =	sdelay $0x1  }
0x204: {  	v62 =	vld [tilespmem:s20+$0xC7F0]  }
0x205: {  	v2 =	vshll.u32 v2, $0x3;
	v4 =	vshll.u32 v58, $0x3  }
0x206: {  	v1 =	vshrl.u32 v1, v2;
	v2 =	vshrl.u32 v3, v4;
	v3 =	vshll.u32 v59, $0x3  }
0x207: {  	v63 =	vshll.u32 v61, $0x3;
	v3 =	vshrl.u32 v60, v3;
	v2 =	vshll.u32 v2, $0x8  }
0x208: {  	v1 =	vand.u32 $0xFF, v1;
	v2 =	vand.u32 $0xFF00, v2;
	v3 =	vshll.u32 v3, $0x10  }
.Ltmp6:
0x209: {  	v1 =	vor.u32 v1, v2;
	v2 =	vshrl.u32 v62, v63;
	v3 =	vand.u32 $0xFF0000, v3;
	(pc) =	sbr.rel .LBB2_9-.Ltmp6, $4  }
0x20a: {  	v1 =	vor.u32 v3, v1;
	v2 =	vshll.u32 v2, $0x18  }
0x20b: {  	s0 =	sshrl.u32 s17, $0x2;
	s1 =	sshrl.u32 s17, $0x5;
	s5 =	rddreg [dreg:$0x3];
	v1 =	vor.u32 v2, v1  }
0x20c: {  	s1 =	sadd.s32 s1, s5;
	s0 =	sand.u32 $0x7, s0;
	[tilespmem:s18+$0x10670] =	vst v1  }
0x20d: {  	[hbm4b:s1+s0] =	stream.linear.scatter [tilespmem:s19], [sflag:$0x4], $0xC80, $0x38;
	[tilespmem:$0x11300] =	vst v63  }
.LBB2_10:
0x20e: {  	_ =	sfence.sel $0x180000  }
0x20f: {  	s0 =	simm.s32 $0x2;
	[bflag:$0x0] =	sbarrier.arrive $0xFFFF  }
0x210: {  	s28 =	simm.s32 $0x3;
	[sflag:s0] =	ssyncpa.u1 $0x1  }
0x211: {  	s29 =	simm.s32 $0x4;
	[sflag:s28] =	ssyncpa.u1 $0x1  }
0x212: {  	s30 =	simm.s32 $0x1;
	[sflag:s29] =	ssyncpa.u1 $0x1  }
0x213: {  	[sflag:s30] =	ssyncpa.u1 $0x1  }
0x214: {  	_ =	strace $0x9000004D  }
0x215: {  	s31 =	stileid.u32;
	[bflag:$0x2] =	sbarrier.arrive $0xFFFF  }
0x216: {  	p0 =	sne.s32 s31, $0x0;
	s0 =	rddreg [dreg:$0x1]  }
0x217: {  	s0 =	sadd.s32 @!p0 $0x100000, s0  }
0x218: {  	[sflag:s0] =	ssyncadd.tile.s32 @!p0 $0x1;
	_ =	shalt  }
.Lfunc_end2:
_tile_overlayer_lowered:
.L_overlay_start_2:
0x219: {  	(tag) =	ssettag $0x2  }
0x21a: {  	s0 =	rddreg [dreg:$0x0];
	s2 =	stileid.u32  }
0x21b: {  	s1 =	rddreg [dreg:$0x1];
	p0 =	sne.s32 s2, $0x0  }
0x21c: {  	s3 =	rddreg [dreg:$0x2];
	[bflag:$0x3] =	sbarrier.arrive $0xFFFF;
	s2 =	simm.s32 @!p0 $0x1C01  }
0x21d: {  	[timem:s3], [sflag:s2] =	dma.local @!p0 [hbm:s0], s1  }
0x21e: {  	s0 =	simm.s32 @!p0 $0x1  }
0x21f: {  	_ =	swait.ge @!p0 [sflag:s0], s1  }
0x220: {  	s1 =	ssub.s32 @!p0 $0x0, s1;
	[sflag:s0] =	ssyncset.done @!p0 $0x0  }
0x221: {  	[sflag:s0] =	ssyncadd.s32 @!p0 s1  }
0x222: {  	[bflag:$0x3] =	sbarrier.arrive $0xFFFF  }
0x223: {  	_ =	shalt  }

// kernel: gather_offload_async_start
scs
__scs_entry_jumppad:
0x0: {  	(pc) =	sbr.rel $0x88, $3  }
0x1: {  	(tag) =	ssettag $0x0;
	lr =	simm.s32 $0x1  }
0x2: {  	[smem:$0x3F80] =	sst lr;
	_ =	strace $0xD0000000  }
0x3: {  	_ = 	snop  }
0x4: {  	_ = 	snop  }
0x5: {  	_ = 	snop  }
0x6: {  	_ = 	snop  }
0x7: {  	_ = 	snop  }
__scs_overlays_trampoline_lowered:
0x8: {  	[smem:$0x3F8F] =	sst s0  }
0x9: {  	[smem:$0x3F90] =	sst s1  }
0xa: {  	[smem:$0x3F91] =	sst s2  }
0xb: {  	[smem:$0x3F92] =	sst s3  }
0xc: {  	[smem:$0x3F93] =	sst s4  }
0xd: {  	[smem:$0x3F94] =	sst s5  }
0xe: {  	[smem:$0x3F95] =	sst s6  }
0xf: {  	[smem:$0x3F96] =	sst s7  }
0x10: {  	[smem:$0x3F97] =	sst s8  }
0x11: {  	[smem:$0x3F98] =	sst s9;
	s0 =	simm.s32 @!p0 $0x0  }
0x12: {  	s1 =	sld [smem:$0x3F7E];
	s0 =	simm.s32 @p0 $0x1  }
0x13: {  	[smem:$0x3F99] =	sst s0;
	s0 =	simm.s32 @!p1 $0x0  }
0x14: {  	s2 =	sld [smem:$0x3F7D];
	s0 =	simm.s32 @p1 $0x1  }
0x15: {  	[smem:$0x3F9A] =	sst s0;
	s0 =	simm.s32 @!p2 $0x0  }
0x16: {  	s3 =	sld [smem:$0x3FDB];
	s0 =	simm.s32 @p2 $0x1  }
0x17: {  	s4 =	simm.s32 $0x1BF5;
	[smem:$0x3F9C] =	sst s0  }
0x18: {  	s0 =	sld [smem:$0x3F7F];
	_ =	swait.ge [sflag:s4], $0x0  }
0x19: {  	s7 =	sld [smem:$0x3F80]  }
0x1a: {  	s8 =	sadd.s32 $0xFFFFE003, lr  }
0x1b: {  	s9 =	sadd.s32 $0xFFFFFEF7, lr;
	s5 =	simm.s32 $0xFFFFFFFF;
	p2 =	slt.u32 s8, $0xFFFFF086  }
0x1c: {  	p1 =	slt.u32 s9, $0xF7A;
	s5 =	simm.s32 @!p2 $0x0  }
0x1d: {  	s5 =	simm.s32 @p1 $0x1;
	p0 =	seq.s32 s7, s2  }
0x1e: {  	s7 =	smul.u32 @!p0 $0xF7A, s2;
	p2 =	seq.s32 @!p0 s5, $0x0  }
0x1f: {  	s9 =	smul.u32 $0xF7A, s1;
	s8 =	simm.s32 @!p0 $0x1BF5;
	p2 =	por !p2, p0  }
0x20: {  	[sflag:s8] =	ssyncset.s32 @!p0 $0xFFFFF086;
	s6 =	sadd.s32 @!p0 s3, s7;
	s7 =	simm.s32 @!p0 $0x108  }
0x21: {  	s3 =	sadd.s32 s3, s9;
	s6 =	sadd.s32 @!p0 $0x88, s6;
	s7 =	simm.s32 @p2 $0x1082  }
0x22: {  	[simem:s7], [sflag:s8] =	dma.local @!p0 [hbm:s6], $0xF7A  }
0x23: {  	s9 =	sor.u32 $0xD0000000, s2;
	s6 =	simm.s32 $0x108;
	_ =	swait.ge @!p0 [sflag:s8], $0x0  }
0x24: {  	s3 =	sadd.s32 $0x88, s3;
	s6 =	simm.s32 @!p1 $0x1082;
	[sflag:s4] =	ssyncset.s32 $0xFFFFF086  }
0x25: {  	[simem:s6], [sflag:s4] =	dma.local [hbm:s3], $0xF7A  }
0x26: {  	[smem:$0x3F80] =	sst s1;
	(tag) =	ssettag s2;
	_ =	strace s9  }
0x27: {  	s1 =	sld [smem:$0x3F90]  }
0x28: {  	s2 =	sld [smem:$0x3F91]  }
0x29: {  	s4 =	sld [smem:$0x3F93]  }
0x2a: {  	p0 =	seq.s32 s5, $0x0;
	s5 =	sld [smem:$0x3F94]  }
0x2b: {  	s6 =	sld [smem:$0x3F95]  }
0x2c: {  	s7 =	sld [smem:$0x3F96]  }
0x2d: {  	s3 =	simm.s32 $0x108;
	s8 =	sld [smem:$0x3F97]  }
0x2e: {  	s3 =	simm.s32 @!p0 $0x1082;
	s9 =	sld [smem:$0x3F98]  }
0x2f: {  	lr =	sadd.s32 s0, s3;
	s0 =	sld [smem:$0x3F8F]  }
0x30: {  	s3 =	sld [smem:$0x3F92]  }
0x31: {  	[smem:$0x3F9B] =	sst s10  }
0x32: {  	s10 =	sld [smem:$0x3F99];
	_ =	sdelay $0x3  }
0x33: {  	p0 =	seq.s32 s10, $0x1;
	s10 =	sld [smem:$0x3F9B];
	_ =	sdelay $0x3  }
0x34: {  	[smem:$0x3F9B] =	sst s10  }
0x35: {  	s10 =	sld [smem:$0x3F9A];
	_ =	sdelay $0x3  }
0x36: {  	p1 =	seq.s32 s10, $0x1;
	s10 =	sld [smem:$0x3F9B];
	_ =	sdelay $0x3  }
0x37: {  	[smem:$0x3F9B] =	sst s10  }
0x38: {  	s10 =	sld [smem:$0x3F9C]  }
0x39: {  	_ = 	snop;
	(pc) =	sbr.ind lr, $3  }
0x3a: {  	_ = 	snop  }
0x3b: {  	_ = 	snop  }
0x3c: {  	p2 =	seq.s32 s10, $0x1;
	s10 =	sld [smem:$0x3F9B]  }
0x3d: {  	_ =	shalt  }
0x3e: {  	_ =	shalt  }
0x3f: {  	_ =	shalt  }
0x40: {  	_ =	shalt  }
0x41: {  	_ =	shalt  }
0x42: {  	_ =	shalt  }
0x43: {  	_ =	shalt  }
0x44: {  	_ =	shalt  }
0x45: {  	_ =	shalt  }
0x46: {  	_ =	shalt  }
0x47: {  	_ =	shalt  }
0x48: {  	_ =	shalt  }
0x49: {  	_ =	shalt  }
0x4a: {  	_ =	shalt  }
0x4b: {  	_ =	shalt  }
0x4c: {  	_ =	shalt  }
0x4d: {  	_ =	shalt  }
0x4e: {  	_ =	shalt  }
0x4f: {  	_ =	shalt  }
0x50: {  	_ =	shalt  }
0x51: {  	_ =	shalt  }
0x52: {  	_ =	shalt  }
0x53: {  	_ =	shalt  }
0x54: {  	_ =	shalt  }
0x55: {  	_ =	shalt  }
0x56: {  	_ =	shalt  }
0x57: {  	_ =	shalt  }
0x58: {  	_ =	shalt  }
0x59: {  	_ =	shalt  }
0x5a: {  	_ =	shalt  }
0x5b: {  	_ =	shalt  }
0x5c: {  	_ =	shalt  }
0x5d: {  	_ =	shalt  }
0x5e: {  	_ =	shalt  }
0x5f: {  	_ =	shalt  }
0x60: {  	_ =	shalt  }
0x61: {  	_ =	shalt  }
0x62: {  	_ =	shalt  }
0x63: {  	_ =	shalt  }
0x64: {  	_ =	shalt  }
0x65: {  	_ =	shalt  }
0x66: {  	_ =	shalt  }
0x67: {  	_ =	shalt  }
0x68: {  	_ =	shalt  }
0x69: {  	_ =	shalt  }
0x6a: {  	_ =	shalt  }
0x6b: {  	_ =	shalt  }
0x6c: {  	_ =	shalt  }
0x6d: {  	_ =	shalt  }
0x6e: {  	_ =	shalt  }
0x6f: {  	_ =	shalt  }
0x70: {  	_ =	shalt  }
0x71: {  	_ =	shalt  }
0x72: {  	_ =	shalt  }
0x73: {  	_ =	shalt  }
0x74: {  	_ =	shalt  }
0x75: {  	_ =	shalt  }
0x76: {  	_ =	shalt  }
0x77: {  	_ =	shalt  }
0x78: {  	_ =	shalt  }
0x79: {  	_ =	shalt  }
0x7a: {  	_ =	shalt  }
0x7b: {  	_ =	shalt  }
0x7c: {  	_ =	shalt  }
0x7d: {  	_ =	shalt  }
0x7e: {  	_ =	shalt  }
0x7f: {  	_ =	shalt  }
0x80: {  	_ =	shalt  }
0x81: {  	_ =	shalt  }
0x82: {  	_ =	shalt  }
0x83: {  	_ =	shalt  }
0x84: {  	_ =	shalt  }
0x85: {  	_ =	shalt  }
0x86: {  	_ =	shalt  }
0x87: {  	_ =	shalt  }
.Lfunc_end0:
.L_simem_size_0:
called_computation.2_lowered:
.L_overlay_start_0:
0x88: {  	s2 =	sld [smem:$0x3FD9]  }
0x89: {  	s3 =	sld [smem:$0x3FFE];
	_ =	sdelay $0x1  }
0x8a: {  	s1 =	srdreg.scid  }
0x8b: {  	s0 =	sand.u32 $0x1, s1  }
0x8c: {  	s16 =	sshll.u32 s0, $0xA;
	s2 =	sadd.s32 s3, s2  }
0x8d: {  	s2 =	sadd.s32 s2, s16  }
0x8e: {  	[smem:$0x3FA7] =	sst s2  }
0x8f: {  	_ = 	snop  }
0x90: {  	(tm) =	ssettm $0x1  }
0x91: {  	s17 =	sld [smem:$0x3FFB];
	_ =	sdelay $0x3  }
0x92: {  	_ =	strace s17  }
0x93: {  	s2 =	sld [smem:$0x3FFC];
	_ =	sdelay $0x3  }
0x94: {  	_ =	strace s2  }
0x95: {  	s2 =	sld [smem:$0x3FFD];
	_ =	sdelay $0x3  }
0x96: {  	_ =	strace s2  }
0x97: {  	_ =	strace $0x8FFFFFFF  }
0x98: {  	s18 =	sld [smem:$0x3FDB];
	_ =	sdelay $0x1  }
0x99: {  	s19 =	simm.s32 $_scs_section_size  }
0x9a: {  	s4 =	simm.s32 $_size__tile_overlayer_lowered;
	s5 =	simm.s32 $_tile_overlayer_lowered  }
0x9b: {  	s22 =	simm.s32 $0x1BFF;
	s21 =	sshll.u32 s5, $0x1;
	s2 =	sadd.s32 s19, s18  }
0x9c: {  	s6 =	simm.s32 $0x0;
	s20 =	sshll.u32 s4, $0x1;
	s4 =	sadd.s32 s21, s2  }
0x9d: {  	[timem:s6], [sflag:s22] =	dma.local [hbm:s4], s20  }
0x9e: {  	_ =	swait.ge [sflag:s22], s20  }
0x9f: {  	s3 =	ssub.s32 $0x0, s20;
	[sflag:s22] =	ssyncset.done $0x0  }
0xa0: {  	[sflag:s22] =	ssyncadd.s32 s3;
	_ =	sdelay $0x1  }
0xa1: {  	s23 =	simm.s32 $0x1B8B  }
0xa2: {  	_ =	swait.ge [sflag:s23], $0x1  }
0xa3: {  	[sflag:s23] =	ssyncset.done $0x0  }
0xa4: {  	s25 =	simm.s32 $0x1B8E;
	s24 =	sld [smem:$0x3FFE];
	[sflag:s23] =	ssyncadd.s32 $0xFFFFFFFF  }
0xa5: {  	s26 =	simm.s32 $execute0_lowered;
	[smem:$0x3FD2] =	sst s25  }
0xa6: {  	s4 =	sshll.u32 s26, $0x1;
	_ =	strace $0x80000046;
	[dreg:$0x1] =	wrdreg $0xFFFFFFFF  }
0xa7: {  	s28 =	simm.s32 $_size_execute0_lowered;
	s2 =	sadd.s32 s2, s4;
	[dreg:$0x0] =	wrdreg $0x0  }
0xa8: {  	s4 =	sshll.u32 s28, $0x1;
	[dreg:$0x2] =	wrdreg s2  }
0xa9: {  	[dreg:$0x3] =	wrdreg s4  }
0xaa: {  	[dreg:$0x4] =	wrdreg $0xC0  }
0xab: {  	_ =	task [dreg:s6], $0x5FFFF  }
0xac: {  	[dreg:$0x1] =	wrdreg $0xFFFFFFFF  }
0xad: {  	[dreg:$0x0] =	wrdreg $0x60  }
0xae: {  	[dreg:$0x2] =	wrdreg s24  }
0xaf: {  	[dreg:$0x3] =	wrdreg $0x9  }
0xb0: {  	_ =	task.clear_ibuf [dreg:s6], $0x4FFFF;
	_ =	strace $0x90000046  }
0xb1: {  	s29 =	simm.s32 $0x9;
	_ =	strace $0x80000048  }
0xb2: {  	_ =	swait.ge [sflag:s29], $0x1  }
0xb3: {  	[sflag:s29] =	ssyncadd.s32 $0xFFFFFFFF  }
0xb4: {  	_ =	strace $0x90000048  }
0xb5: {  	_ =	sfence  }
0xb6: {  	s30 =	sld [smem:$0x0];
	_ =	sdelay $0x2  }
0xb7: {  	s31 =	sshll.u32 s1, $0xD;
	s1 =	sshrl.u32 s1, $0x2  }
0xb8: {  	s3 =	sand.u32 $0x4000, s31;
	s1 =	sadd.s32 s1, s30  }
0xb9: {  	s0 =	sor.u32 s3, s0;
	s1 =	sshll.u32 s1, $0x11  }
0xba: {  	s0 =	sor.u32 s1, s0  }
0xbb: {  	s0 =	sadd.s32 $0x8F2B, s0  }
0xbc: {  	[sflag:s0] =	ssyncadd.remote.s32 $0x1  }
0xbd: {  	_ =	sfence.sel $0xFFFF  }
0xbe: {  	[dreg:$0x0] =	wrdreg $0xFFFFFFFF;
	(pc) =	sbr.abs _section_cstart, $3  }
0xbf: {  	[dreg:$0x1] =	wrdreg $0xFFFFFFFF  }
0xc0: {  	_ =	task.clear_ibuf [dreg:s6], $0x2FFFF;
	_ =	strace $0x9FFFFFFF  }
0xc1: {  	(tm) =	ssettm $0x7FFFFFFF  }
tec
execute0_lowered:
.L_overlay_start_1:
0x0: {  	(tag) =	ssettag $0x1  }
0x1: {  	s8 =	rddreg [dreg:$0x0]  }
0x2: {  	s0 =	rddreg [dreg:$0x1];
	_ =	strace $0x80000047;
	s1 =	stileid.u32  }
0x3: {  	s3 =	srdreg.scid;
	s4 =	simm.s32 $0x1;
	s7 =	simm.s32 $0x1  }
0x4: {  	s9 =	simm.s32 $0x1;
	s10 =	simm.s32 $0x3;
	s13 =	simm.s32 $0x0  }
0x5: {  	s12 =	simm.s32 $0x0;
	s5 =	sand.u32 $0x1, s3;
	s6 =	sshll.u32 s1, $0x1  }
0x6: {  	s2 =	sadd.s32 $0x8D400, s8;
	s3 =	sadd.s32 $0x83600, s8;
	s5 =	sor.u32 s6, s5  }
.Ltmp0:
0x7: {  	[sflag:s4] =	ssyncpa.u1 $0x0;
	p0 =	slt.u32 s5, $0x9;
	(pc) =	sbr.rel .LBB2_1-.Ltmp0, $4  }
0x8: {  	s6 =	simm.s32 $0x2;
	s7 =	simm.s32 @!p0 $0x0;
	p0 =	sne.s32 s5, $0x8  }
0x9: {  	[sflag:s6] =	ssyncpa.u1 $0x0;
	s5 =	smul.u32 $0x1F40, s5;
	s9 =	simm.s32 @!p0 $0x0  }
0xa: {  	s8 =	sadd.s32 $0x97200, s8;
	[sflag:s10] =	ssyncpa.u1 $0x0;
	s7 =	sadd.s32 s9, s7  }
0xb: {  	vm0 =	vmmov $0xffff;
	s10 =	simm.s32 $0x0;
	s11 =	smov.u32 s5;
	s9 =	sadd.s32 $0x1, s7  }
.LBB2_4:
0xc: {  	v2 =	vnsel vm1, $0x0, v2  }
0xd: {  	vm1 =	vgt.s32 v0, $0x0;
	v2 =	vmin.u32 v2, $0x4E1FF  }
0xe: {  	v0 =	vnsel vm1, $0x0, v0  }
0xf: {  	v0 =	vmin.u32 v0, $0x4E1FF  }
0x10: {  	[tilespmem:s18], [sflag:$0x1] =	stream.indirect_vreg.gather [hbm4b:s2+s10], $0x1, v1, vm0, $0x4038;
	[tilespmem:$0x7D00] =	vst v63  }
0x11: {  	(ifvalue) =	ssetifvalue $0x7FFFFFFF  }
0x12: {  	[tilespmem:s15], [sflag:$0x1] =	stream.indirect_vreg.gather [hbm4b:s2+s10], $0x1, v2, vm0, $0x4038;
	[tilespmem:$0x7D00] =	vst v63  }
0x13: {  	s29 =	sadd.s32 $0x10, s15;
	(ifvalue) =	ssetifvalue $0x7FFFFFFF  }
0x14: {  	[tilespmem:s29], [sflag:$0x1] =	stream.indirect_vreg.gather [hbm4b:s2+s10], $0x1, v0, vm0, $0x4038;
	[tilespmem:$0x7D00] =	vst v63  }
0x15: {  	_ =	swait.ge [sflag:s4], $0x1F40  }
0x16: {  	s30 =	sshrl.u32 s13, $0x3;
	[sflag:s4] =	ssyncset.done $0x0  }
0x17: {  	s31 =	sand.u32 $0x7, s13;
	s15 =	sadd.s32 s8, s30;
	[sflag:s4] =	ssyncadd.s32 $0xFFFFE0C0  }
0x18: {  	[hbm4b:s15+s31] =	stream.linear.scatter [tilespmem:s14], [sflag:$0x3], $0x1F40, $0x38;
	[tilespmem:$0x7D00] =	vst v63  }
.LBB2_5:
0x19: {  	s15 =	sadd.s32 $0x3E800, s11  }
0x1a: {  	p1 =	sgt.s32 s15, $0x4E1FF  }
0x1b: {  	s15 =	smov.u32 @p1 s5;
	p1 =	sne.s32 s12, s9  }
.Ltmp1:
0x1c: {  	p0 =	slt.u32 s12, $0x2;
	(pc) =	sbr.rel @!p1 .LBB2_6-.Ltmp1, $4  }
0x1d: {  	s14 =	simm.s32 @!p0 $0x3  }
0x1e: {  	_ =	swait.ge @!p0 [sflag:s14], $0x1F40  }
0x1f: {  	s16 =	sadd.s32 $0x1, s12;
	s13 =	smov.u32 s11;
	[sflag:s14] =	ssyncset.done @!p0 $0x0  }
0x20: {  	s12 =	smov.u32 s16;
	s11 =	smov.u32 s15;
	[sflag:s14] =	ssyncadd.s32 @!p0 $0xFFFFE0C0  }
.LBB2_1:
0x21: {  	p0 =	sge.u32 s12, s7  }
0x22: {  	s14 =	sxor.u32 @!p0 $0x1, s12  }
0x23: {  	s14 =	smul.u32 @!p0 $0x7D00, s14  }
0x24: {  	s31 =	sadd.s32 $0xFFFFFFFF, s12;
	s15 =	sshrl.u32 @!p0 s11, $0x3  }
0x25: {  	s16 =	sand.u32 @!p0 $0x7, s11;
	s15 =	sadd.s32 @!p0 s3, s15;
	s14 =	sshra.s32 @!p0 s14, $0x2  }
0x26: {  	[tilespmem:s14], [sflag:$0x2] =	stream.linear.gather @!p0 [hbm4b:s15+s16], $0x1F40, $0x38;
	[tilespmem:$0x7D00] =	vst v63  }
0x27: {  	p0 =	sge.u32 s31, s7  }
.Ltmp2:
0x28: {  	_ = 	snop;
	(pc) =	sbr.rel @p0 .LBB2_5-.Ltmp2, $1  }
0x29: {  	_ =	sdelay $0x3  }
0x2a: {  	s14 =	sand.u32 $0x1, s12  }
0x2b: {  	_ =	swait.ge [sflag:s6], $0x1F40;
	p0 =	seq.s32 s14, $0x1;
	s14 =	simm.s32 $0x1F40  }
0x2c: {  	[sflag:s6] =	ssyncset.done $0x0;
	s14 =	simm.s32 @!p0 $0x0  }
0x2d: {  	[sflag:s6] =	ssyncadd.s32 $0xFFFFE0C0;
	(ifvalue) =	ssetifvalue $0x7FFFFFFF;
	v0 =	vld.msk [tilespmem:s14+$0x0 ss:$0x1], $0xffff;
	_ =	sdelay $0x4  }
0x2e: {  	s15 =	sadd.s32 $0x10, s14;
	vm1 =	vgt.s32 v0, $0x0  }
0x2f: {  	v2 =	vld.msk [tilespmem:s15+$0x0 ss:$0x1], $0xffff;
	v1 =	vnsel vm1, $0x0, v0  }
0x30: {  	v1 =	vmin.u32 v1, $0x4E1FF;
	_ =	sdelay $0x2  }
0x31: {  	s17 =	simm.s32 $0x20;
	s14 =	sadd.s32 $0x3E80, s14;
	s16 =	sadd.s32 $0x10, s15  }
0x32: {  	s15 =	sadd.s32 $0x10, s14;
	s18 =	smov.u32 s14;
	v0 =	vld.msk [tilespmem:s16+$0x0 ss:$0x1], $0xffff;
	vm1 =	vgt.s32 v2, $0x0;
	(ifvalue) =	ssetifvalue $0x7FFFFFFF  }
.LBB2_3:
0x33: {  	[tilespmem:s18], [sflag:$0x1] =	stream.indirect_vreg.gather [hbm4b:s2+s10], $0x1, v1, vm0, $0x4038;
	[tilespmem:$0x7D00] =	vst v63  }
0x34: {  	s17 =	sadd.s32 $0x10, s17  }
0x35: {  	v2 =	vnsel vm1, $0x0, v2;
	p0 =	slt.u32 s17, $0x1F30  }
.Ltmp3:
0x36: {  	s18 =	smov.u32 s15;
	v1 =	vmin.u32 v2, $0x4E1FF;
	(pc) =	sbr.rel @p0 .LBB2_3-.Ltmp3, $3  }
0x37: {  	_ =	sdelay $0x1  }
0x38: {  	s16 =	sadd.s32 $0x10, s16  }
0x39: {  	vm1 =	vgt.s32 v0, $0x0;
	s15 =	sadd.s32 $0x10, s15;
	v2 =	vmov v0;
	(ifvalue) =	ssetifvalue $0x7FFFFFFF;
	v0 =	vld.msk [tilespmem:s16+$0x0 ss:$0x1], $0xffff  }
.Ltmp4:
0x3a: {  	_ = 	snop;
	(pc) =	sbr.rel .LBB2_4-.Ltmp4, $1  }
0x3b: {  	_ =	sdelay $0x3  }
.LBB2_6:
0x3c: {  	_ =	sfence.sel $0x180000  }
0x3d: {  	s2 =	simm.s32 $0x2;
	[bflag:$0x0] =	sbarrier.arrive $0xFFFF  }
0x3e: {  	s30 =	simm.s32 $0x3;
	[sflag:s2] =	ssyncpa.u1 $0x1  }
0x3f: {  	s31 =	simm.s32 $0x1;
	[sflag:s30] =	ssyncpa.u1 $0x1  }
0x40: {  	[sflag:s31] =	ssyncpa.u1 $0x1  }
0x41: {  	p0 =	sne.s32 s1, $0x0;
	_ =	strace $0x90000047  }
0x42: {  	s0 =	sadd.s32 @!p0 $0x100000, s0;
	[bflag:$0x2] =	sbarrier.arrive $0xFFFF  }
0x43: {  	[sflag:s0] =	ssyncadd.tile.s32 @!p0 $0x1;
	_ =	shalt  }
.Lfunc_end2:
_tile_overlayer_lowered:
.L_overlay_start_2:
0x44: {  	(tag) =	ssettag $0x2  }
0x45: {  	s0 =	rddreg [dreg:$0x0];
	s2 =	stileid.u32  }
0x46: {  	s1 =	rddreg [dreg:$0x1];
	p0 =	sne.s32 s2, $0x0  }
0x47: {  	s3 =	rddreg [dreg:$0x2];
	[bflag:$0x3] =	sbarrier.arrive $0xFFFF;
	s2 =	simm.s32 @!p0 $0x1C01  }
0x48: {  	[timem:s3], [sflag:s2] =	dma.local @!p0 [hbm:s0], s1  }
0x49: {  	s0 =	simm.s32 @!p0 $0x1  }
0x4a: {  	_ =	swait.ge @!p0 [sflag:s0], s1  }
0x4b: {  	s1 =	ssub.s32 @!p0 $0x0, s1;
	[sflag:s0] =	ssyncset.done @!p0 $0x0  }
0x4c: {  	[sflag:s0] =	ssyncadd.s32 @!p0 s1  }
0x4d: {  	[bflag:$0x3] =	sbarrier.arrive $0xFFFF  }
0x4e: {  	_ =	shalt  }

// kernel: scatter_offload_async_start.1
scs
__scs_entry_jumppad:
0x0: {  	(pc) =	sbr.rel $0x88, $3  }
0x1: {  	(tag) =	ssettag $0x0;
	lr =	simm.s32 $0x1  }
0x2: {  	[smem:$0x3F80] =	sst lr;
	_ =	strace $0xD0000000  }
0x3: {  	_ = 	snop  }
0x4: {  	_ = 	snop  }
0x5: {  	_ = 	snop  }
0x6: {  	_ = 	snop  }
0x7: {  	_ = 	snop  }
__scs_overlays_trampoline_lowered:
0x8: {  	[smem:$0x3F8F] =	sst s0  }
0x9: {  	[smem:$0x3F90] =	sst s1  }
0xa: {  	[smem:$0x3F91] =	sst s2  }
0xb: {  	[smem:$0x3F92] =	sst s3  }
0xc: {  	[smem:$0x3F93] =	sst s4  }
0xd: {  	[smem:$0x3F94] =	sst s5  }
0xe: {  	[smem:$0x3F95] =	sst s6  }
0xf: {  	[smem:$0x3F96] =	sst s7  }
0x10: {  	[smem:$0x3F97] =	sst s8  }
0x11: {  	[smem:$0x3F98] =	sst s9;
	s0 =	simm.s32 @!p0 $0x0  }
0x12: {  	s1 =	sld [smem:$0x3F7E];
	s0 =	simm.s32 @p0 $0x1  }
0x13: {  	[smem:$0x3F99] =	sst s0;
	s0 =	simm.s32 @!p1 $0x0  }
0x14: {  	s2 =	sld [smem:$0x3F7D];
	s0 =	simm.s32 @p1 $0x1  }
0x15: {  	[smem:$0x3F9A] =	sst s0;
	s0 =	simm.s32 @!p2 $0x0  }
0x16: {  	s3 =	sld [smem:$0x3FDB];
	s0 =	simm.s32 @p2 $0x1  }
0x17: {  	s4 =	simm.s32 $0x1BF5;
	[smem:$0x3F9C] =	sst s0  }
0x18: {  	s0 =	sld [smem:$0x3F7F];
	_ =	swait.ge [sflag:s4], $0x0  }
0x19: {  	s7 =	sld [smem:$0x3F80]  }
0x1a: {  	s8 =	sadd.s32 $0xFFFFE003, lr  }
0x1b: {  	s9 =	sadd.s32 $0xFFFFFEF7, lr;
	s5 =	simm.s32 $0xFFFFFFFF;
	p2 =	slt.u32 s8, $0xFFFFF086  }
0x1c: {  	p1 =	slt.u32 s9, $0xF7A;
	s5 =	simm.s32 @!p2 $0x0  }
0x1d: {  	s5 =	simm.s32 @p1 $0x1;
	p0 =	seq.s32 s7, s2  }
0x1e: {  	s7 =	smul.u32 @!p0 $0xF7A, s2;
	p2 =	seq.s32 @!p0 s5, $0x0  }
0x1f: {  	s9 =	smul.u32 $0xF7A, s1;
	s8 =	simm.s32 @!p0 $0x1BF5;
	p2 =	por !p2, p0  }
0x20: {  	[sflag:s8] =	ssyncset.s32 @!p0 $0xFFFFF086;
	s6 =	sadd.s32 @!p0 s3, s7;
	s7 =	simm.s32 @!p0 $0x108  }
0x21: {  	s3 =	sadd.s32 s3, s9;
	s6 =	sadd.s32 @!p0 $0x88, s6;
	s7 =	simm.s32 @p2 $0x1082  }
0x22: {  	[simem:s7], [sflag:s8] =	dma.local @!p0 [hbm:s6], $0xF7A  }
0x23: {  	s9 =	sor.u32 $0xD0000000, s2;
	s6 =	simm.s32 $0x108;
	_ =	swait.ge @!p0 [sflag:s8], $0x0  }
0x24: {  	s3 =	sadd.s32 $0x88, s3;
	s6 =	simm.s32 @!p1 $0x1082;
	[sflag:s4] =	ssyncset.s32 $0xFFFFF086  }
0x25: {  	[simem:s6], [sflag:s4] =	dma.local [hbm:s3], $0xF7A  }
0x26: {  	[smem:$0x3F80] =	sst s1;
	(tag) =	ssettag s2;
	_ =	strace s9  }
0x27: {  	s1 =	sld [smem:$0x3F90]  }
0x28: {  	s2 =	sld [smem:$0x3F91]  }
0x29: {  	s4 =	sld [smem:$0x3F93]  }
0x2a: {  	p0 =	seq.s32 s5, $0x0;
	s5 =	sld [smem:$0x3F94]  }
0x2b: {  	s6 =	sld [smem:$0x3F95]  }
0x2c: {  	s7 =	sld [smem:$0x3F96]  }
0x2d: {  	s3 =	simm.s32 $0x108;
	s8 =	sld [smem:$0x3F97]  }
0x2e: {  	s3 =	simm.s32 @!p0 $0x1082;
	s9 =	sld [smem:$0x3F98]  }
0x2f: {  	lr =	sadd.s32 s0, s3;
	s0 =	sld [smem:$0x3F8F]  }
0x30: {  	s3 =	sld [smem:$0x3F92]  }
0x31: {  	[smem:$0x3F9B] =	sst s10  }
0x32: {  	s10 =	sld [smem:$0x3F99];
	_ =	sdelay $0x3  }
0x33: {  	p0 =	seq.s32 s10, $0x1;
	s10 =	sld [smem:$0x3F9B];
	_ =	sdelay $0x3  }
0x34: {  	[smem:$0x3F9B] =	sst s10  }
0x35: {  	s10 =	sld [smem:$0x3F9A];
	_ =	sdelay $0x3  }
0x36: {  	p1 =	seq.s32 s10, $0x1;
	s10 =	sld [smem:$0x3F9B];
	_ =	sdelay $0x3  }
0x37: {  	[smem:$0x3F9B] =	sst s10  }
0x38: {  	s10 =	sld [smem:$0x3F9C]  }
0x39: {  	_ = 	snop;
	(pc) =	sbr.ind lr, $3  }
0x3a: {  	_ = 	snop  }
0x3b: {  	_ = 	snop  }
0x3c: {  	p2 =	seq.s32 s10, $0x1;
	s10 =	sld [smem:$0x3F9B]  }
0x3d: {  	_ =	shalt  }
0x3e: {  	_ =	shalt  }
0x3f: {  	_ =	shalt  }
0x40: {  	_ =	shalt  }
0x41: {  	_ =	shalt  }
0x42: {  	_ =	shalt  }
0x43: {  	_ =	shalt  }
0x44: {  	_ =	shalt  }
0x45: {  	_ =	shalt  }
0x46: {  	_ =	shalt  }
0x47: {  	_ =	shalt  }
0x48: {  	_ =	shalt  }
0x49: {  	_ =	shalt  }
0x4a: {  	_ =	shalt  }
0x4b: {  	_ =	shalt  }
0x4c: {  	_ =	shalt  }
0x4d: {  	_ =	shalt  }
0x4e: {  	_ =	shalt  }
0x4f: {  	_ =	shalt  }
0x50: {  	_ =	shalt  }
0x51: {  	_ =	shalt  }
0x52: {  	_ =	shalt  }
0x53: {  	_ =	shalt  }
0x54: {  	_ =	shalt  }
0x55: {  	_ =	shalt  }
0x56: {  	_ =	shalt  }
0x57: {  	_ =	shalt  }
0x58: {  	_ =	shalt  }
0x59: {  	_ =	shalt  }
0x5a: {  	_ =	shalt  }
0x5b: {  	_ =	shalt  }
0x5c: {  	_ =	shalt  }
0x5d: {  	_ =	shalt  }
0x5e: {  	_ =	shalt  }
0x5f: {  	_ =	shalt  }
0x60: {  	_ =	shalt  }
0x61: {  	_ =	shalt  }
0x62: {  	_ =	shalt  }
0x63: {  	_ =	shalt  }
0x64: {  	_ =	shalt  }
0x65: {  	_ =	shalt  }
0x66: {  	_ =	shalt  }
0x67: {  	_ =	shalt  }
0x68: {  	_ =	shalt  }
0x69: {  	_ =	shalt  }
0x6a: {  	_ =	shalt  }
0x6b: {  	_ =	shalt  }
0x6c: {  	_ =	shalt  }
0x6d: {  	_ =	shalt  }
0x6e: {  	_ =	shalt  }
0x6f: {  	_ =	shalt  }
0x70: {  	_ =	shalt  }
0x71: {  	_ =	shalt  }
0x72: {  	_ =	shalt  }
0x73: {  	_ =	shalt  }
0x74: {  	_ =	shalt  }
0x75: {  	_ =	shalt  }
0x76: {  	_ =	shalt  }
0x77: {  	_ =	shalt  }
0x78: {  	_ =	shalt  }
0x79: {  	_ =	shalt  }
0x7a: {  	_ =	shalt  }
0x7b: {  	_ =	shalt  }
0x7c: {  	_ =	shalt  }
0x7d: {  	_ =	shalt  }
0x7e: {  	_ =	shalt  }
0x7f: {  	_ =	shalt  }
0x80: {  	_ =	shalt  }
0x81: {  	_ =	shalt  }
0x82: {  	_ =	shalt  }
0x83: {  	_ =	shalt  }
0x84: {  	_ =	shalt  }
0x85: {  	_ =	shalt  }
0x86: {  	_ =	shalt  }
0x87: {  	_ =	shalt  }
.Lfunc_end0:
.L_simem_size_0:
called_computation.1_lowered:
.L_overlay_start_0:
0x88: {  	s2 =	sld [smem:$0x3FD9]  }
0x89: {  	s3 =	sld [smem:$0x3FFE];
	_ =	sdelay $0x1  }
0x8a: {  	s1 =	srdreg.scid  }
0x8b: {  	s0 =	sand.u32 $0x1, s1  }
0x8c: {  	s15 =	sshll.u32 s0, $0xA;
	s2 =	sadd.s32 s3, s2  }
0x8d: {  	s2 =	sadd.s32 s2, s15  }
0x8e: {  	[smem:$0x3FA7] =	sst s2  }
0x8f: {  	_ = 	snop  }
0x90: {  	(tm) =	ssettm $0x1  }
0x91: {  	s16 =	sld [smem:$0x3FFB];
	_ =	sdelay $0x3  }
0x92: {  	_ =	strace s16  }
0x93: {  	s2 =	sld [smem:$0x3FFC];
	_ =	sdelay $0x3  }
0x94: {  	_ =	strace s2  }
0x95: {  	s2 =	sld [smem:$0x3FFD];
	_ =	sdelay $0x3  }
0x96: {  	_ =	strace s2  }
0x97: {  	_ =	strace $0x8FFFFFFF  }
0x98: {  	s17 =	sld [smem:$0x3FDB];
	_ =	sdelay $0x1  }
0x99: {  	s18 =	simm.s32 $_scs_section_size  }
0x9a: {  	s4 =	simm.s32 $_size__tile_overlayer_lowered;
	s5 =	simm.s32 $_tile_overlayer_lowered  }
0x9b: {  	s21 =	simm.s32 $0x1BFF;
	s20 =	sshll.u32 s5, $0x1;
	s2 =	sadd.s32 s18, s17  }
0x9c: {  	s6 =	simm.s32 $0x0;
	s19 =	sshll.u32 s4, $0x1;
	s4 =	sadd.s32 s20, s2  }
0x9d: {  	[timem:s6], [sflag:s21] =	dma.local [hbm:s4], s19  }
0x9e: {  	_ =	swait.ge [sflag:s21], s19  }
0x9f: {  	s3 =	ssub.s32 $0x0, s19;
	[sflag:s21] =	ssyncset.done $0x0  }
0xa0: {  	[sflag:s21] =	ssyncadd.s32 s3;
	_ =	sdelay $0x1  }
0xa1: {  	s22 =	simm.s32 $0x1B8B  }
0xa2: {  	_ =	swait.ge [sflag:s22], $0x1  }
0xa3: {  	[sflag:s22] =	ssyncset.done $0x0  }
0xa4: {  	s23 =	sld [smem:$0x3FFE];
	[sflag:s22] =	ssyncadd.s32 $0xFFFFFFFF  }
0xa5: {  	s25 =	simm.s32 $0x1B8E;
	s24 =	sld [smem:$0x0]  }
0xa6: {  	s26 =	simm.s32 $execute0_lowered;
	[smem:$0x3FD2] =	sst s25  }
0xa7: {  	s5 =	sshll.u32 s26, $0x1;
	_ =	strace $0x80000052;
	[dreg:$0x1] =	wrdreg $0xFFFFFFFF  }
0xa8: {  	s28 =	simm.s32 $_size_execute0_lowered;
	s2 =	sadd.s32 s2, s5;
	[dreg:$0x0] =	wrdreg $0x0  }
0xa9: {  	s5 =	sshll.u32 s28, $0x1;
	[dreg:$0x2] =	wrdreg s2  }
0xaa: {  	[dreg:$0x3] =	wrdreg s5  }
0xab: {  	[dreg:$0x4] =	wrdreg $0xC0  }
0xac: {  	_ =	task [dreg:s6], $0x5FFFF  }
0xad: {  	[dreg:$0x1] =	wrdreg $0xFFFFFFFF  }
0xae: {  	[dreg:$0x0] =	wrdreg $0x60  }
0xaf: {  	[dreg:$0x2] =	wrdreg s23  }
0xb0: {  	[dreg:$0x3] =	wrdreg s1  }
0xb1: {  	[dreg:$0x4] =	wrdreg s24  }
0xb2: {  	[dreg:$0x5] =	wrdreg $0x9  }
0xb3: {  	_ =	task.clear_ibuf [dreg:s6], $0x6FFFF;
	_ =	strace $0x90000052  }
0xb4: {  	s29 =	simm.s32 $0x9;
	_ =	strace $0x80000054  }
0xb5: {  	_ =	swait.ge [sflag:s29], $0x1  }
0xb6: {  	[sflag:s29] =	ssyncadd.s32 $0xFFFFFFFF  }
0xb7: {  	_ =	strace $0x90000054  }
0xb8: {  	_ =	sfence  }
0xb9: {  	s30 =	sld [smem:$0x0];
	_ =	sdelay $0x2  }
0xba: {  	s31 =	sshll.u32 s1, $0xD;
	s1 =	sshrl.u32 s1, $0x2  }
0xbb: {  	s3 =	sand.u32 $0x4000, s31;
	s1 =	sadd.s32 s1, s30  }
0xbc: {  	s0 =	sor.u32 s3, s0;
	s1 =	sshll.u32 s1, $0x11  }
0xbd: {  	s0 =	sor.u32 s1, s0  }
0xbe: {  	s0 =	sadd.s32 $0x8F2B, s0  }
0xbf: {  	[sflag:s0] =	ssyncadd.remote.s32 $0x1  }
0xc0: {  	_ =	sfence.sel $0xFFFF  }
0xc1: {  	[dreg:$0x0] =	wrdreg $0xFFFFFFFF;
	(pc) =	sbr.abs _section_cstart, $3  }
0xc2: {  	[dreg:$0x1] =	wrdreg $0xFFFFFFFF  }
0xc3: {  	_ =	task.clear_ibuf [dreg:s6], $0x2FFFF;
	_ =	strace $0x9FFFFFFF  }
0xc4: {  	(tm) =	ssettm $0x7FFFFFFF  }
0xc5: {  	_ =	shalt  }
tec
execute0_lowered:
.L_overlay_start_1:
0x0: {  	(tag) =	ssettag $0x1  }
0x1: {  	s2 =	rddreg [dreg:$0x0]  }
0x2: {  	s4 =	rddreg [dreg:$0x1];
	_ =	strace $0x80000053;
	s0 =	simm.s32 $0x1  }
0x3: {  	s3 =	simm.s32 $0x308;
	v0 =	vimm.s32 $0x0;
	[sflag:s0] =	ssyncpa.u1 $0x0  }
0x4: {  	[tilespmem:s3+$0x70] =	vst v0  }
0x5: {  	[tilespmem:s3+$0x60] =	vst v0  }
0x6: {  	[tilespmem:s3+$0x50] =	vst v0  }
0x7: {  	[tilespmem:s3+$0x40] =	vst v0  }
0x8: {  	[tilespmem:s3+$0x30] =	vst v0  }
0x9: {  	s1 =	sadd.s32 $0xA1000, s2;
	s0 =	sadd.s32 $0x77600, s2;
	s6 =	sadd.s32 $0x190B000, s2;
	[tilespmem:s3+$0x20] =	vst v0  }
0xa: {  	s2 =	sadd.s32 $0x81400, s2;
	s7 =	sand.u32 $0x1, s4;
	s4 =	simm.s32 $0x40;
	[tilespmem:s3+$0x10] =	vst v0  }
.LBB2_1:
0xb: {  	s4 =	sadd.s32 $0x40, s4;
	[tilespmem:s3+$0x0] =	vst v0;
	s3 =	sadd.s32 $0x80, s3  }
0xc: {  	p0 =	slt.u32 s4, $0x30C0;
	[tilespmem:s3+$0x70] =	vst v0  }
0xd: {  	[tilespmem:s3+$0x60] =	vst v0  }
.Ltmp0:
0xe: {  	[tilespmem:s3+$0x50] =	vst v0;
	(pc) =	sbr.rel @p0 .LBB2_1-.Ltmp0, $4  }
0xf: {  	[tilespmem:s3+$0x40] =	vst v0  }
0x10: {  	[tilespmem:s3+$0x30] =	vst v0  }
0x11: {  	[tilespmem:s3+$0x20] =	vst v0  }
0x12: {  	[tilespmem:s3+$0x10] =	vst v0  }
0x13: {  	s8 =	stileid.u32;
	s24 =	simm.s32 $0x2  }
0x14: {  	s26 =	simm.s32 $0x9;
	s28 =	simm.s32 $0xA;
	s29 =	smul.u32 $0x4E20, s7  }
0x15: {  	[dreg:$0x4] =	wrdreg s7;
	s30 =	simm.s32 $0xB;
	s4 =	smul.u32 $0x9C, s8  }
0x16: {  	p1 =	por $0x0, $0x0;
	s19 =	simm.s32 $0x80;
	s5 =	smin.u32 s8, $0x4  }
0x17: {  	p0 =	slt.u32 s8, $0x4;
	s4 =	sadd.s32 s5, s4;
	s5 =	simm.s32 $0x2740  }
0x18: {  	s20 =	simm.s32 $0x400;
	s21 =	sshll.u32 s4, $0x6;
	s5 =	simm.s32 @!p0 $0x2700  }
0x19: {  	s17 =	simm.s32 $0xC;
	s22 =	simm.s32 $0x0;
	s25 =	sadd.s32 s5, s21  }
0x1a: {  	[tilespmem:s3+$0x0] =	vst v0;
	v0 =	vimm.s32 $0xFFFFFFFF;
	[sflag:s24] =	ssyncpa.u1 $0x0;
	s31 =	smul.u32 $0xC00, s8;
	s9 =	smin.u32 s25, $0x27100  }
0x1b: {  	s24 =	simm.s32 $0x0;
	[tilespmem:$0xC608] =	vst v0;
	[sflag:s26] =	ssyncpa.u1 $0x0;
	s3 =	ssub.s32 s9, s21  }
.Ltmp1:
0x1c: {  	s12 =	sadd.s32 s29, s2;
	p0 =	sgt.s32 s3, $0x0;
	(pc) =	sbr.rel .LBB2_3-.Ltmp1, $4  }
0x1d: {  	s0 =	sadd.s32 s29, s0;
	[sflag:s28] =	ssyncpa.u1 $0x0;
	s3 =	simm.s32 @!p0 $0x0  }
0x1e: {  	[dreg:$0x5] =	wrdreg s0;
	s18 =	sshrl.u32 s31, $0x2;
	s13 =	sshrl.u32 s3, $0x6  }
0x1f: {  	[sflag:s30] =	ssyncpa.u1 $0x0;
	s23 =	smov.u32 s21;
	s16 =	sadd.s32 $0x1, s13  }
0x20: {  	v0 =	vlaneseq.u32;
	s25 =	simm.s32 $0x0;
	p0 =	por $0x1, $0x1;
	[dreg:$0x6] =	wrdreg s16  }
.LBB2_28:
0x21: {  	s2 =	sshrl.u32 s4, $0x2  }
.LBB2_30:
0x22: {  	_ =	swait.ge [sflag:s17], s2  }
0x23: {  	s0 =	ssub.s32 $0x0, s2;
	v1 =	vmov s28;
	vm0 =	veq.s32 v0, $0x0;
	[sflag:s17] =	ssyncset.done $0x0  }
0x24: {  	vm15 =	veq.s32 v0, $0x2;
	v1 =	vsel vm0, s5, v1;
	[sflag:s17] =	ssyncadd.s32 s0  }
0x25: {  	v1 =	vsel vm15, s25, v1;
	[sflag:s17] =	ssyncpa.u1 $0x1  }
0x26: {  	[tilespmem:$0xC608] =	vst v1  }
.LBB2_31:
0x27: {  	s0 =	sadd.s32 $0x40, s23  }
0x28: {  	s2 =	smov.u32 s21;
	p2 =	slt.s32 s0, s9  }
0x29: {  	s2 =	smov.u32 @p2 s0;
	p2 =	sne.s32 s24, s16  }
.Ltmp2:
0x2a: {  	_ = 	snop;
	(pc) =	sbr.rel @!p2 .LBB2_32-.Ltmp2, $4  }
0x2b: {  	_ = 	snop  }
0x2c: {  	s25 =	smov.u32 s22  }
0x2d: {  	s31 =	sadd.s32 $0x1, s24;
	s22 =	smov.u32 s23;
	p0 =	por !p0, !p0  }
0x2e: {  	p1 =	por !p1, !p1;
	s24 =	smov.u32 s31;
	s23 =	smov.u32 s2  }
.LBB2_3:
0x2f: {  	p2 =	sge.u32 s24, s13  }
0x30: {  	s0 =	smov.u32 s23;
	p3 =	sgt.s32 @!p2 s23, $0x270C0  }
0x31: {  	s2 =	sshra.s32 @!p2 s23, $0x1F;
	s3 =	smulhi.u32 @!p2 $0xAAAAAAAB, s24;
	p3 =	por !p3, p2  }
0x32: {  	s2 =	sand.u32 @!p2 s2, s23;
	s0 =	simm.s32 @p3 $0x270C0  }
0x33: {  	s0 =	ssub.s32 @!p2 s0, s2;
	s2 =	sshrl.u32 @!p2 s3, $0x1  }
0x34: {  	s0 =	sadd.s32 @!p2 $0xFFFD8F40, s0;
	s2 =	smul.u32 @!p2 $0x3, s2  }
0x35: {  	s4 =	sand.u32 @!p2 $0x7, s23;
	s3 =	sshll.u32 @!p2 s0, $0x2;
	p3 =	sgt.s32 @!p2 s0, $0x3F  }
0x36: {  	s0 =	ssub.s32 @!p2 $0x100, s3;
	s2 =	ssub.s32 @!p2 s24, s2;
	p3 =	por !p3, p2  }
0x37: {  	s3 =	sshrl.u32 @!p2 s23, $0x3;
	s0 =	sshrl.u32 @!p2 s0, $0x2;
	s2 =	sshll.u32 @!p2 s2, $0x6  }
0x38: {  	s3 =	sadd.s32 @!p2 s3, s12;
	s0 =	simm.s32 @!p3 $0x0;
	s2 =	sadd.s32 @!p2 $0xF648, s2  }
0x39: {  	[tilespmem:s2], [sflag:$0xA] =	stream.linear.gather @!p2 [hbm4b:s3+s4], s0, $0x38;
	[tilespmem:$0x1B788] =	vst v63  }
0x3a: {  	s0 =	sadd.s32 $0xFFFFFFFF, s24  }
0x3b: {  	p2 =	sge.u32 s0, s13  }
.Ltmp3:
0x3c: {  	_ = 	snop;
	(pc) =	sbr.rel @p2 .LBB2_13-.Ltmp3, $1  }
0x3d: {  	_ =	sdelay $0x3  }
0x3e: {  	p2 =	sgt.s32 s22, $0x270C0;
	s2 =	smov.u32 s22;
	s3 =	sshra.s32 s22, $0x1F  }
0x3f: {  	s2 =	simm.s32 @!p2 $0x270C0;
	s3 =	sand.u32 s3, s22  }
0x40: {  	s2 =	ssub.s32 s2, s3  }
0x41: {  	s4 =	smulhi.u32 $0xAAAAAAAB, s0;
	s2 =	sadd.s32 $0xFFFD8F40, s2  }
0x42: {  	s5 =	sshll.u32 s2, $0x2  }
0x43: {  	s4 =	sshrl.u32 s4, $0x1;
	s5 =	ssub.s32 $0x100, s5  }
0x44: {  	s4 =	smul.u32 $0x3, s4;
	p2 =	sgt.s32 s2, $0x3F;
	s2 =	sshrl.u32 s5, $0x2  }
0x45: {  	s30 =	sand.u32 $0x1, s0;
	s7 =	simm.s32 $0xA;
	s2 =	simm.s32 @p2 $0x0  }
0x46: {  	s10 =	sand.u32 $0x7, s22;
	s4 =	ssub.s32 s0, s4;
	_ =	swait.ge [sflag:s7], s2  }
0x47: {  	s5 =	sshll.u32 s30, $0x6;
	s31 =	ssub.s32 $0x0, s2;
	[sflag:s7] =	ssyncset.done $0x0  }
0x48: {  	s8 =	rddreg [dreg:$0x5];
	[sflag:s7] =	ssyncadd.s32 s31;
	s7 =	sshrl.u32 s22, $0x3  }
0x49: {  	s28 =	sshll.u32 s4, $0x6;
	s5 =	sor.u32 $0xF708, s5;
	s0 =	sadd.s32 s7, s8  }
0x4a: {  	[tilespmem:s5], [sflag:$0xB] =	stream.linear.gather [hbm4b:s0+s10], s2, $0x38;
	[tilespmem:$0x1B788] =	vst v63  }
0x4b: {  	v1 =	vld.msk [tilespmem:s28+$0xF648], $0xffff;
	_ =	sdelay $0x3  }
0x4c: {  	s11 =	simm.s32 $0x0  }
0x4d: {  	(v2sf) =	vpush v1, s11;
	_ =	sdelay $0x5  }
0x4e: {  	s14 =	simm.s32 $0x1  }
0x4f: {  	(v2sf) =	vpush v1, s14;
	_ =	sdelay $0x3  }
0x50: {  	s3 =	simm.s32 $0x1  }
0x51: {  	s3 =	simm.s32 @!p0 $0x0;
	s30 =	simm.s32 $0x2  }
0x52: {  	s3 =	smul.u32 $0x18000, s3;
	(v2sf) =	vpush v1, s30  }
0x53: {  	s31 =	simm.s32 $0x3  }
0x54: {  	s3 =	sshrl.u32 s3, $0x2;
	s15 =	spop (v2sf);
	(v2sf) =	vpush v1, s31  }
0x55: {  	s26 =	sadd.s32 $0x13F88, s3  }
0x56: {  	s4 =	sor.u32 $0x10F88, s3;
	s0 =	sadd.s32 $0x12788, s3;
	s29 =	sshrl.u32 s15, $0x3  }
0x57: {  	s2 =	sadd.s32 $0xF788, s3;
	s3 =	sshll.u32 s15, $0x7;
	s5 =	smul.u32 $0xC00, s29  }
0x58: {  	s3 =	sand.u32 $0x380, s3  }
0x59: {  	s3 =	sor.u32 s3, s5  }
0x5a: {  	s3 =	sshrl.u32 s3, $0x3  }
0x5b: {  	s5 =	spop (v2sf);
	s3 =	sadd.s32 s6, s3  }
0x5c: {  	[tilespmem:s2], [sflag:$0x9] =	stream.strided.gather [hbm4b:s3+s19], $0x180, s20, s19, $0x38;
	[tilespmem:$0x1B788] =	vst v63  }
0x5d: {  	s7 =	sshrl.u32 s5, $0x3;
	s3 =	simm.s32 $0x4  }
.LBB2_5:
0x5e: {  	(v2sf) =	vpush v1, s3;
	s7 =	smul.u32 $0xC00, s7;
	s5 =	sshll.u32 s5, $0x7;
	p2 =	seq.s32 s3, $0xF  }
.Ltmp4:
0x5f: {  	s3 =	sadd.s32 $0x1, s3;
	s5 =	sand.u32 $0x380, s5;
	(pc) =	sbr.rel @!p2 .LBB2_5-.Ltmp4, $4  }
0x60: {  	s7 =	sor.u32 s5, s7  }
0x61: {  	s5 =	spop (v2sf);
	s10 =	sshrl.u32 s7, $0x3  }
0x62: {  	s2 =	sadd.s32 $0x180, s2;
	s7 =	sshrl.u32 s5, $0x3;
	s10 =	sadd.s32 s6, s10  }
0x63: {  	[tilespmem:s2], [sflag:$0x9] =	stream.strided.gather [hbm4b:s10+s19], $0x180, s20, s19, $0x38;
	[tilespmem:$0x1B788] =	vst v63  }
0x64: {  	s3 =	smul.u32 $0xC00, s7;
	s5 =	sshll.u32 s5, $0x7  }
0x65: {  	s5 =	sand.u32 $0x380, s5  }
0x66: {  	s15 =	spop (v2sf);
	s2 =	sadd.s32 $0x180, s2;
	s3 =	sor.u32 s5, s3  }
0x67: {  	s29 =	sshrl.u32 s15, $0x3;
	s5 =	sshll.u32 s15, $0x7;
	s3 =	sshrl.u32 s3, $0x3  }
0x68: {  	s30 =	smul.u32 $0xC00, s29;
	s5 =	sand.u32 $0x380, s5;
	s3 =	sadd.s32 s6, s3  }
0x69: {  	[tilespmem:s2], [sflag:$0x9] =	stream.strided.gather [hbm4b:s3+s19], $0x180, s20, s19, $0x38;
	[tilespmem:$0x1B788] =	vst v63  }
0x6a: {  	s3 =	sor.u32 s5, s30  }
0x6b: {  	s3 =	sshrl.u32 s3, $0x3  }
0x6c: {  	s2 =	sadd.s32 $0x180, s2;
	s3 =	sadd.s32 s6, s3  }
0x6d: {  	[tilespmem:s2], [sflag:$0x9] =	stream.strided.gather [hbm4b:s3+s19], $0x180, s20, s19, $0x38;
	[tilespmem:$0x1B788] =	vst v63  }
0x6e: {  	s31 =	spop (v2sf)  }
0x6f: {  	s8 =	sshrl.u32 s31, $0x3  }
0x70: {  	s5 =	sshll.u32 s31, $0x7;
	s10 =	smul.u32 $0xC00, s8  }
0x71: {  	s5 =	sand.u32 $0x380, s5  }
0x72: {  	s3 =	sor.u32 s5, s10  }
0x73: {  	s3 =	sshrl.u32 s3, $0x3  }
0x74: {  	s2 =	sadd.s32 $0x180, s2;
	s3 =	sadd.s32 s6, s3  }
0x75: {  	[tilespmem:s2], [sflag:$0x9] =	stream.strided.gather [hbm4b:s3+s19], $0x180, s20, s19, $0x38;
	[tilespmem:$0x1B788] =	vst v63  }
0x76: {  	v1 =	vld.msk [tilespmem:s28+$0xF658], $0xffff;
	_ =	sdelay $0x3  }
0x77: {  	s11 =	simm.s32 $0x0  }
0x78: {  	(v2sf) =	vpush v1, s11;
	_ =	sdelay $0x7  }
0x79: {  	s14 =	simm.s32 $0x1  }
0x7a: {  	(v2sf) =	vpush v1, s14;
	_ =	sdelay $0x4  }
0x7b: {  	s30 =	simm.s32 $0x2  }
0x7c: {  	s15 =	spop (v2sf);
	(v2sf) =	vpush v1, s30  }
0x7d: {  	s31 =	simm.s32 $0x3  }
0x7e: {  	(v2sf) =	vpush v1, s31;
	_ =	sdelay $0x1  }
0x7f: {  	s29 =	sshrl.u32 s15, $0x3  }
0x80: {  	s2 =	sshll.u32 s15, $0x7;
	s3 =	smul.u32 $0xC00, s29  }
0x81: {  	s2 =	sand.u32 $0x380, s2  }
0x82: {  	s2 =	sor.u32 s2, s3  }
0x83: {  	s2 =	sshrl.u32 s2, $0x3  }
0x84: {  	s3 =	spop (v2sf);
	s2 =	sadd.s32 s6, s2  }
0x85: {  	[tilespmem:s4], [sflag:$0x9] =	stream.strided.gather [hbm4b:s2+s19], $0x180, s20, s19, $0x38;
	[tilespmem:$0x1B788] =	vst v63  }
0x86: {  	s5 =	sshrl.u32 s3, $0x3;
	s2 =	simm.s32 $0x4  }
.LBB2_7:
0x87: {  	(v2sf) =	vpush v1, s2;
	s5 =	smul.u32 $0xC00, s5;
	s3 =	sshll.u32 s3, $0x7;
	p2 =	sne.s32 s2, $0xF  }
.Ltmp5:
0x88: {  	s2 =	sadd.s32 $0x1, s2;
	s3 =	sand.u32 $0x380, s3;
	(pc) =	sbr.rel @p2 .LBB2_7-.Ltmp5, $4  }
0x89: {  	s5 =	sor.u32 s3, s5  }
0x8a: {  	s3 =	spop (v2sf);
	s7 =	sshrl.u32 s5, $0x3  }
0x8b: {  	s4 =	sadd.s32 $0x180, s4;
	s5 =	sshrl.u32 s3, $0x3;
	s7 =	sadd.s32 s6, s7  }
0x8c: {  	[tilespmem:s4], [sflag:$0x9] =	stream.strided.gather [hbm4b:s7+s19], $0x180, s20, s19, $0x38;
	[tilespmem:$0x1B788] =	vst v63  }
0x8d: {  	s2 =	smul.u32 $0xC00, s5;
	s3 =	sshll.u32 s3, $0x7  }
0x8e: {  	s3 =	sand.u32 $0x380, s3  }
0x8f: {  	s15 =	spop (v2sf);
	s4 =	sadd.s32 $0x180, s4;
	s2 =	sor.u32 s3, s2  }
0x90: {  	s29 =	sshrl.u32 s15, $0x3;
	s3 =	sshll.u32 s15, $0x7;
	s2 =	sshrl.u32 s2, $0x3  }
0x91: {  	s30 =	smul.u32 $0xC00, s29;
	s3 =	sand.u32 $0x380, s3;
	s2 =	sadd.s32 s6, s2  }
0x92: {  	[tilespmem:s4], [sflag:$0x9] =	stream.strided.gather [hbm4b:s2+s19], $0x180, s20, s19, $0x38;
	[tilespmem:$0x1B788] =	vst v63  }
0x93: {  	s2 =	sor.u32 s3, s30  }
0x94: {  	s2 =	sshrl.u32 s2, $0x3  }
0x95: {  	s4 =	sadd.s32 $0x180, s4;
	s2 =	sadd.s32 s6, s2  }
0x96: {  	[tilespmem:s4], [sflag:$0x9] =	stream.strided.gather [hbm4b:s2+s19], $0x180, s20, s19, $0x38;
	[tilespmem:$0x1B788] =	vst v63  }
0x97: {  	s31 =	spop (v2sf)  }
0x98: {  	s7 =	sshrl.u32 s31, $0x3  }
0x99: {  	s3 =	sshll.u32 s31, $0x7;
	s8 =	smul.u32 $0xC00, s7  }
0x9a: {  	s3 =	sand.u32 $0x380, s3  }
0x9b: {  	s2 =	sor.u32 s3, s8  }
0x9c: {  	s2 =	sshrl.u32 s2, $0x3  }
0x9d: {  	s10 =	sadd.s32 $0x180, s4;
	s2 =	sadd.s32 s6, s2  }
0x9e: {  	[tilespmem:s10], [sflag:$0x9] =	stream.strided.gather [hbm4b:s2+s19], $0x180, s20, s19, $0x38;
	[tilespmem:$0x1B788] =	vst v63  }
0x9f: {  	v1 =	vld.msk [tilespmem:s28+$0xF668], $0xffff;
	_ =	sdelay $0x3  }
0xa0: {  	s11 =	simm.s32 $0x0  }
0xa1: {  	(v2sf) =	vpush v1, s11;
	_ =	sdelay $0x7  }
0xa2: {  	s14 =	simm.s32 $0x1  }
0xa3: {  	(v2sf) =	vpush v1, s14;
	_ =	sdelay $0x4  }
0xa4: {  	s30 =	simm.s32 $0x2  }
0xa5: {  	s15 =	spop (v2sf);
	(v2sf) =	vpush v1, s30  }
0xa6: {  	s31 =	simm.s32 $0x3  }
0xa7: {  	(v2sf) =	vpush v1, s31;
	_ =	sdelay $0x1  }
0xa8: {  	s29 =	sshrl.u32 s15, $0x3  }
0xa9: {  	s2 =	sshll.u32 s15, $0x7;
	s3 =	smul.u32 $0xC00, s29  }
0xaa: {  	s2 =	sand.u32 $0x380, s2  }
0xab: {  	s2 =	sor.u32 s2, s3  }
0xac: {  	s2 =	sshrl.u32 s2, $0x3  }
0xad: {  	s3 =	spop (v2sf);
	s2 =	sadd.s32 s6, s2  }
0xae: {  	[tilespmem:s0], [sflag:$0x9] =	stream.strided.gather [hbm4b:s2+s19], $0x180, s20, s19, $0x38;
	[tilespmem:$0x1B788] =	vst v63  }
0xaf: {  	s4 =	sshrl.u32 s3, $0x3;
	s2 =	simm.s32 $0x4  }
.LBB2_9:
0xb0: {  	(v2sf) =	vpush v1, s2;
	s4 =	smul.u32 $0xC00, s4;
	s3 =	sshll.u32 s3, $0x7;
	p2 =	sne.s32 s2, $0xF  }
.Ltmp6:
0xb1: {  	s2 =	sadd.s32 $0x1, s2;
	s3 =	sand.u32 $0x380, s3;
	(pc) =	sbr.rel @p2 .LBB2_9-.Ltmp6, $4  }
0xb2: {  	s4 =	sor.u32 s3, s4  }
0xb3: {  	s3 =	spop (v2sf);
	s5 =	sshrl.u32 s4, $0x3  }
0xb4: {  	s0 =	sadd.s32 $0x180, s0;
	s4 =	sshrl.u32 s3, $0x3;
	s5 =	sadd.s32 s6, s5  }
0xb5: {  	[tilespmem:s0], [sflag:$0x9] =	stream.strided.gather [hbm4b:s5+s19], $0x180, s20, s19, $0x38;
	[tilespmem:$0x1B788] =	vst v63  }
0xb6: {  	s2 =	smul.u32 $0xC00, s4;
	s3 =	sshll.u32 s3, $0x7  }
0xb7: {  	s3 =	sand.u32 $0x380, s3  }
0xb8: {  	s31 =	spop (v2sf);
	s0 =	sadd.s32 $0x180, s0;
	s2 =	sor.u32 s3, s2  }
0xb9: {  	s5 =	sshrl.u32 s31, $0x3;
	s3 =	sshll.u32 s31, $0x7;
	s2 =	sshrl.u32 s2, $0x3  }
0xba: {  	s7 =	smul.u32 $0xC00, s5;
	s3 =	sand.u32 $0x380, s3;
	s2 =	sadd.s32 s6, s2  }
0xbb: {  	[tilespmem:s0], [sflag:$0x9] =	stream.strided.gather [hbm4b:s2+s19], $0x180, s20, s19, $0x38;
	[tilespmem:$0x1B788] =	vst v63  }
0xbc: {  	s2 =	sor.u32 s3, s7  }
0xbd: {  	s2 =	sshrl.u32 s2, $0x3  }
0xbe: {  	s0 =	sadd.s32 $0x180, s0;
	s2 =	sadd.s32 s6, s2  }
0xbf: {  	[tilespmem:s0], [sflag:$0x9] =	stream.strided.gather [hbm4b:s2+s19], $0x180, s20, s19, $0x38;
	[tilespmem:$0x1B788] =	vst v63  }
0xc0: {  	s8 =	spop (v2sf)  }
0xc1: {  	s10 =	sshrl.u32 s8, $0x3  }
0xc2: {  	s3 =	sshll.u32 s8, $0x7;
	s11 =	smul.u32 $0xC00, s10  }
0xc3: {  	s3 =	sand.u32 $0x380, s3  }
0xc4: {  	s2 =	sor.u32 s3, s11  }
0xc5: {  	s2 =	sshrl.u32 s2, $0x3  }
0xc6: {  	s0 =	sadd.s32 $0x180, s0;
	s2 =	sadd.s32 s6, s2  }
0xc7: {  	[tilespmem:s0], [sflag:$0x9] =	stream.strided.gather [hbm4b:s2+s19], $0x180, s20, s19, $0x38;
	[tilespmem:$0x1B788] =	vst v63  }
0xc8: {  	v1 =	vld.msk [tilespmem:s28+$0xF678], $0xffff;
	_ =	sdelay $0x3  }
0xc9: {  	s14 =	simm.s32 $0x0  }
0xca: {  	(v2sf) =	vpush v1, s14;
	_ =	sdelay $0x7  }
0xcb: {  	s15 =	simm.s32 $0x1  }
0xcc: {  	(v2sf) =	vpush v1, s15;
	_ =	sdelay $0x4  }
0xcd: {  	s30 =	simm.s32 $0x2  }
0xce: {  	s28 =	spop (v2sf);
	(v2sf) =	vpush v1, s30  }
0xcf: {  	s31 =	simm.s32 $0x3  }
0xd0: {  	(v2sf) =	vpush v1, s31;
	_ =	sdelay $0x1  }
0xd1: {  	s29 =	sshrl.u32 s28, $0x3  }
0xd2: {  	s0 =	sshll.u32 s28, $0x7;
	s2 =	smul.u32 $0xC00, s29  }
0xd3: {  	s0 =	sand.u32 $0x380, s0  }
0xd4: {  	s0 =	sor.u32 s0, s2  }
0xd5: {  	s0 =	sshrl.u32 s0, $0x3  }
0xd6: {  	s2 =	spop (v2sf);
	s0 =	sadd.s32 s6, s0  }
0xd7: {  	[tilespmem:s26], [sflag:$0x9] =	stream.strided.gather [hbm4b:s0+s19], $0x180, s20, s19, $0x38;
	[tilespmem:$0x1B788] =	vst v63  }
0xd8: {  	s3 =	sshrl.u32 s2, $0x3;
	s0 =	simm.s32 $0x4  }
.LBB2_11:
0xd9: {  	(v2sf) =	vpush v1, s0;
	s3 =	smul.u32 $0xC00, s3;
	s2 =	sshll.u32 s2, $0x7;
	p2 =	seq.s32 s0, $0xF  }
.Ltmp7:
0xda: {  	s0 =	sadd.s32 $0x1, s0;
	s2 =	sand.u32 $0x380, s2;
	(pc) =	sbr.rel @!p2 .LBB2_11-.Ltmp7, $4  }
0xdb: {  	s3 =	sor.u32 s2, s3  }
0xdc: {  	s2 =	spop (v2sf);
	s4 =	sshrl.u32 s3, $0x3  }
0xdd: {  	s26 =	sadd.s32 $0x180, s26;
	s3 =	sshrl.u32 s2, $0x3;
	s4 =	sadd.s32 s6, s4  }
0xde: {  	[tilespmem:s26], [sflag:$0x9] =	stream.strided.gather [hbm4b:s4+s19], $0x180, s20, s19, $0x38;
	[tilespmem:$0x1B788] =	vst v63  }
0xdf: {  	s0 =	smul.u32 $0xC00, s3;
	s2 =	sshll.u32 s2, $0x7  }
0xe0: {  	s2 =	sand.u32 $0x380, s2  }
0xe1: {  	s14 =	spop (v2sf);
	s4 =	sadd.s32 $0x180, s26;
	s0 =	sor.u32 s2, s0  }
0xe2: {  	s15 =	sshrl.u32 s14, $0x3;
	s2 =	sshll.u32 s14, $0x7;
	s0 =	sshrl.u32 s0, $0x3  }
0xe3: {  	s26 =	smul.u32 $0xC00, s15;
	s2 =	sand.u32 $0x380, s2;
	s0 =	sadd.s32 s6, s0  }
0xe4: {  	[tilespmem:s4], [sflag:$0x9] =	stream.strided.gather [hbm4b:s0+s19], $0x180, s20, s19, $0x38;
	[tilespmem:$0x1B788] =	vst v63  }
0xe5: {  	s0 =	sor.u32 s2, s26  }
0xe6: {  	s0 =	sshrl.u32 s0, $0x3  }
0xe7: {  	s4 =	sadd.s32 $0x180, s4;
	s0 =	sadd.s32 s6, s0  }
0xe8: {  	[tilespmem:s4], [sflag:$0x9] =	stream.strided.gather [hbm4b:s0+s19], $0x180, s20, s19, $0x38;
	[tilespmem:$0x1B788] =	vst v63  }
0xe9: {  	s28 =	spop (v2sf)  }
0xea: {  	s29 =	sshrl.u32 s28, $0x3  }
0xeb: {  	s2 =	sshll.u32 s28, $0x7;
	s30 =	smul.u32 $0xC00, s29  }
0xec: {  	s2 =	sand.u32 $0x380, s2  }
0xed: {  	s0 =	sor.u32 s2, s30  }
0xee: {  	s0 =	sshrl.u32 s0, $0x3  }
0xef: {  	s31 =	sadd.s32 $0x180, s4;
	s0 =	sadd.s32 s6, s0  }
0xf0: {  	[tilespmem:s31], [sflag:$0x9] =	stream.strided.gather [hbm4b:s0+s19], $0x180, s20, s19, $0x38;
	[tilespmem:$0x1B788] =	vst v63  }
.LBB2_13:
0xf1: {  	p2 =	slt.u32 s24, $0x2  }
.Ltmp8:
0xf2: {  	_ = 	snop;
	(pc) =	sbr.rel @p2 .LBB2_31-.Ltmp8, $1  }
0xf3: {  	_ =	sdelay $0x3  }
0xf4: {  	p2 =	sgt.s32 s25, $0x270C0;
	s0 =	smov.u32 s25;
	s2 =	sshra.s32 s25, $0x1F  }
0xf5: {  	s0 =	simm.s32 @!p2 $0x270C0;
	s2 =	sand.u32 s2, s25  }
0xf6: {  	s0 =	ssub.s32 s0, s2  }
0xf7: {  	s0 =	sadd.s32 $0xFFFD8F40, s0  }
0xf8: {  	s3 =	simm.s32 $0x9;
	s28 =	sshll.u32 s0, $0x2  }
0xf9: {  	_ =	swait.ge [sflag:s3], $0x6000;
	s2 =	ssub.s32 $0x100, s28  }
0xfa: {  	[sflag:s3] =	ssyncset.done $0x0;
	p2 =	sgt.s32 s0, $0x3F;
	s0 =	sshrl.u32 s2, $0x2  }
0xfb: {  	s30 =	simm.s32 $0xB;
	[sflag:s3] =	ssyncadd.s32 $0xFFFFA000;
	s0 =	simm.s32 @p2 $0x0  }
0xfc: {  	_ =	swait.ge [sflag:s30], s0  }
0xfd: {  	s0 =	ssub.s32 $0x0, s0;
	[sflag:s30] =	ssyncset.done $0x0  }
0xfe: {  	[sflag:s30] =	ssyncadd.s32 s0  }
0xff: {  	v1 =	vld [tilespmem:$0xC608];
	_ =	sdelay $0x4  }
0x100: {  	(v2sf) =	vpush v1, $0x0  }
0x101: {  	(v2sf) =	vpush v1, $0x1  }
0x102: {  	(v2sf) =	vpush v1, $0x2;
	_ =	sdelay $0x3  }
0x103: {  	s0 =	sadd.s32 $0x40, s25  }
0x104: {  	s3 =	ssub.s32 $0x4E200, s25;
	p2 =	slt.s32 s9, s0  }
0x105: {  	s0 =	smov.u32 @p2 s9;
	p2 =	sgt.s32 s3, $0x0  }
0x106: {  	s2 =	ssub.s32 s0, s25;
	s3 =	simm.s32 @!p2 $0x0  }
0x107: {  	p2 =	slt.s32 s3, s2  }
0x108: {  	s2 =	smov.u32 @p2 s3  }
0x109: {  	p2 =	slt.s32 s2, $0x1  }
.Ltmp9:
0x10a: {  	_ = 	snop;
	(pc) =	sbr.rel @p2 .LBB2_18-.Ltmp9, $4  }
0x10b: {  	s4 =	simm.s32 $0x1  }
0x10c: {  	s4 =	simm.s32 @!p1 $0x0;
	s5 =	spop (v2sf)  }
0x10d: {  	s31 =	sshll.u32 s4, $0x6;
	s29 =	spop (v2sf)  }
0x10e: {  	s26 =	sor.u32 $0xF708, s31;
	s25 =	spop (v2sf)  }
0x10f: {  	s0 =	smin.u32 s2, $0x10  }
0x110: {  	v1 =	vmov s0  }
0x111: {  	vm1 =	vgt.u32 v1, v0;
	_ =	sdelay $0x1  }
0x112: {  	p3 =	sgt.s32 s2, $0x10  }
.Ltmp10:
0x113: {  	_ = 	snop;
	(pc) =	sbr.rel @!p3 .LBB2_17-.Ltmp10, $3  }
0x114: {  	_ =	sdelay $0x1  }
0x115: {  	v1 =	vld.msk [tilespmem:s26+$0x0 ss:$0x1], vm1  }
0x116: {  	s3 =	simm.s32 $0x10;
	s15 =	sadd.s32 $0xFFFFFFF0, s2;
	s0 =	smov.u32 s26;
	vm0 =	vmmov vm1  }
.LBB2_16:
0x117: {  	s7 =	smin.u32 s15, $0x10;
	s3 =	sadd.s32 $0x10, s3  }
0x118: {  	v2 =	vmov s7;
	p3 =	slt.s32 s3, s2  }
0x119: {  	vm1 =	vgt.u32 v2, v0  }
0x11a: {  	v2 =	vshrl.u32 v1, $0x3  }
0x11b: {  	v1 =	vshll.u32 v1, $0x4;
	v2 =	vmul.u32 $0x180, v2  }
0x11c: {  	v1 =	vand.u32 $0x70, v1  }
.Ltmp11:
0x11d: {  	v1 =	vor.u32 v1, v2;
	(pc) =	sbr.rel @p3 .LBB2_16-.Ltmp11, $3  }
0x11e: {  	[tilespmem:s0+$0x0] =	vst.msk vm0, v1;
	s0 =	sadd.s32 $0x10, s0;
	vm0 =	vmmov vm1  }
0x11f: {  	v1 =	vld.msk [tilespmem:s0+$0x0 ss:$0x1], vm1;
	_ =	sdelay $0x1  }
0x120: {  	s15 =	sadd.s32 $0xFFFFFFF0, s15  }
.LBB2_17:
0x121: {  	_ =	sdelay $0x2  }
0x122: {  	v2 =	vshrl.u32 v1, $0x3  }
0x123: {  	v1 =	vshll.u32 v1, $0x4;
	v2 =	vmul.u32 $0x180, v2  }
0x124: {  	v1 =	vand.u32 $0x70, v1  }
0x125: {  	v1 =	vor.u32 v1, v2  }
0x126: {  	[tilespmem:s0+$0x0] =	vst.msk vm0, v1  }
.LBB2_18:
0x127: {  	s0 =	sand.u32 $0x1, s24  }
0x128: {  	p3 =	sne.s32 s29, $0xFFFFFFFF;
	s0 =	sshll.u32 s0, $0x6  }
0x129: {  	v1 =	vld.msk @!p3 [tilespmem:s0+$0xF708], $0x1;
	_ =	sdelay $0x4  }
0x12a: {  	(v2sf) =	vpush @!p3 v1, $0x0;
	_ =	sdelay $0xc  }
.Ltmp12:
0x12b: {  	_ = 	snop;
	(pc) =	sbr.rel @p2 .LBB2_29-.Ltmp12, $4  }
0x12c: {  	_ = 	snop  }
0x12d: {  	s0 =	spop @!p3 (v2sf)  }
0x12e: {  	s25 =	simm.s32 @!p3 $0x0;
	s28 =	smov.u32 s0  }
0x12f: {  	[sflag:s17] =	ssyncpa.u1 $0x0;
	s0 =	smov.u32 @p3 s5;
	s28 =	smov.u32 @p3 s29  }
0x130: {  	v1 =	vld.msk [tilespmem:s26+$0x0], $0x1;
	_ =	sdelay $0x4  }
0x131: {  	(v2sf) =	vpush v1, $0x0;
	_ =	sdelay $0xe  }
0x132: {  	s16 =	smov.u32 s13;
	s3 =	smul.u32 $0x18000, s4;
	s4 =	spop (v2sf)  }
0x133: {  	s13 =	smov.u32 s9;
	s9 =	smov.u32 s12;
	p2 =	seq.s32 s0, s4  }
0x134: {  	s29 =	simm.s32 $0x0;
	s30 =	ssub.s32 $0x0, s2;
	p3 =	sgt.s32 @!p2 s0, $0x0  }
0x135: {  	s7 =	smov.u32 s0;
	s5 =	smul.u32 @!p2 $0x600, s29;
	p3 =	por !p3, p2  }
0x136: {  	s2 =	sadd.s32 $0x1, s30;
	s3 =	sshrl.u32 s3, $0x2;
	s7 =	simm.s32 @p3 $0x0  }
0x137: {  	s31 =	sadd.s32 $0xF848, s3;
	s5 =	sshra.s32 @!p2 s5, $0x2;
	s7 =	smin.u32 @!p2 s7, $0x751F0  }
0x138: {  	p3 =	seq.s32 s2, $0x0;
	s10 =	sadd.s32 @!p2 $0x6488, s5;
	s15 =	sand.u32 @!p2 $0x7FFF8, s7  }
0x139: {  	s11 =	sadd.s32 @!p2 $0x80, s7;
	s12 =	sadd.s32 @!p2 s1, s15;
	s15 =	sand.u32 @!p2 $0x7, s7  }
0x13a: {  	[tilespmem:s10], [sflag:$0x2] =	stream.linear.gather @!p2 [hbm4b:s12+s15], $0x80, $0x38;
	[tilespmem:$0x1B788] =	vst v63  }
.Ltmp13:
0x13b: {  	s3 =	simm.s32 @!p2 $0x1;
	s11 =	sand.u32 @!p2 $0xFFFF8, s11;
	(pc) =	sbr.rel @p3 .LBB2_21-.Ltmp13, $4  }
0x13c: {  	s7 =	sadd.s32 @!p2 $0x100, s7;
	s10 =	sadd.s32 @!p2 $0x6508, s5;
	s11 =	sadd.s32 @!p2 s1, s11  }
0x13d: {  	[tilespmem:s10], [sflag:$0x2] =	stream.linear.gather @!p2 [hbm4b:s11+s15], $0x80, $0x38;
	[tilespmem:$0x1B788] =	vst v63  }
0x13e: {  	s3 =	smov.u32 @p2 s29;
	s10 =	sand.u32 @!p2 $0xFFFF8, s7  }
0x13f: {  	s7 =	sadd.s32 @!p2 $0x6588, s5;
	s5 =	sadd.s32 $0x1, s26;
	s10 =	sadd.s32 @!p2 s1, s10  }
.LBB2_20:
0x140: {  	s11 =	smov.u32 s3  }
0x141: {  	[tilespmem:s7], [sflag:$0x2] =	stream.linear.gather @!p2 [hbm4b:s10+s15], $0x80, $0x38;
	[tilespmem:$0x1B788] =	vst v63  }
0x142: {  	s2 =	sadd.s32 $0x1, s2;
	s7 =	smov.u32 s4  }
0x143: {  	p3 =	seq.s32 s2, $0x0;
	v1 =	vld.msk [tilespmem:s5+$0x0], $0x1;
	_ =	sdelay $0x4  }
0x144: {  	(v2sf) =	vpush v1, $0x0;
	_ =	sdelay $0xe  }
0x145: {  	s4 =	spop (v2sf)  }
0x146: {  	p2 =	seq.s32 s7, s4  }
0x147: {  	p4 =	sgt.s32 @!p2 s7, $0x0  }
0x148: {  	s10 =	smul.u32 @!p2 $0x600, s3;
	s3 =	sadd.s32 @!p2 $0x1, s3;
	p4 =	por !p4, p2  }
0x149: {  	s3 =	smov.u32 @p2 s11;
	s7 =	simm.s32 @p4 $0x0  }
0x14a: {  	s10 =	sshra.s32 @!p2 s10, $0x2;
	s7 =	smin.u32 @!p2 s7, $0x751F0  }
0x14b: {  	s11 =	sadd.s32 @!p2 $0x6488, s10;
	s12 =	sadd.s32 @!p2 $0x6508, s10;
	s15 =	sand.u32 @!p2 $0x7FFF8, s7  }
0x14c: {  	s14 =	sadd.s32 @!p2 $0x80, s7;
	s17 =	sadd.s32 @!p2 $0x100, s7;
	s8 =	sadd.s32 @!p2 s1, s15  }
.Ltmp14:
0x14d: {  	s15 =	sand.u32 @!p2 $0x7, s7;
	s7 =	sand.u32 @!p2 $0xFFFF8, s14;
	(pc) =	sbr.rel @!p3 .LBB2_20-.Ltmp14, $4  }
0x14e: {  	[tilespmem:s11], [sflag:$0x2] =	stream.linear.gather @!p2 [hbm4b:s8+s15], $0x80, $0x38;
	[tilespmem:$0x1B788] =	vst v63  }
0x14f: {  	s8 =	sadd.s32 @!p2 s1, s7;
	s11 =	sand.u32 @!p2 $0xFFFF8, s17;
	s7 =	sadd.s32 @!p2 $0x6588, s10  }
0x150: {  	[tilespmem:s12], [sflag:$0x2] =	stream.linear.gather @!p2 [hbm4b:s8+s15], $0x80, $0x38;
	[tilespmem:$0x1B788] =	vst v63  }
0x151: {  	s5 =	sadd.s32 $0x1, s5;
	s10 =	sadd.s32 @!p2 s1, s11  }
.LBB2_21:
0x152: {  	s2 =	smul.u32 $0x600, s3  }
0x153: {  	[tilespmem:s7], [sflag:$0x2] =	stream.linear.gather @!p2 [hbm4b:s10+s15], $0x80, $0x38;
	[tilespmem:$0x1B788] =	vst v63  }
.Ltmp15:
0x154: {  	s17 =	simm.s32 $0x2;
	(pc) =	sbr.rel .LBB2_22-.Ltmp15, $4  }
0x155: {  	s4 =	simm.s32 $0x0;
	s12 =	smov.u32 s9;
	s2 =	sshrl.u32 s2, $0x2  }
0x156: {  	s9 =	smov.u32 s13;
	s13 =	smov.u32 s16;
	_ =	swait.ge [sflag:s17], s2  }
0x157: {  	s10 =	simm.s32 $0x1;
	s2 =	ssub.s32 $0x0, s2;
	[sflag:s17] =	ssyncset.done $0x0  }
0x158: {  	s16 =	rddreg [dreg:$0x6];
	[sflag:s17] =	ssyncadd.s32 s2;
	s17 =	simm.s32 $0xC  }
.LBB2_23:
0x159: {  	v1 =	vld [tilespmem:s31+$0xFFFFFF40];
	_ =	sdelay $0x4  }
0x15a: {  	[tilespmem:s2+$0x308] =	vst.add.f32.msk $0xffff, v1  }
0x15b: {  	v1 =	vld [tilespmem:s31+$0xFFFFFF50];
	_ =	sdelay $0x4  }
0x15c: {  	[tilespmem:s2+$0x318] =	vst.add.f32.msk $0xffff, v1  }
0x15d: {  	v1 =	vld [tilespmem:s31+$0xFFFFFF60];
	_ =	sdelay $0x4  }
0x15e: {  	[tilespmem:s2+$0x328] =	vst.add.f32.msk $0xffff, v1  }
0x15f: {  	v1 =	vld [tilespmem:s31+$0xFFFFFF70];
	_ =	sdelay $0x4  }
0x160: {  	[tilespmem:s2+$0x338] =	vst.add.f32.msk $0xffff, v1  }
0x161: {  	v1 =	vld [tilespmem:s31+$0xFFFFFF80];
	_ =	sdelay $0x4  }
0x162: {  	[tilespmem:s2+$0x348] =	vst.add.f32.msk $0xffff, v1  }
0x163: {  	v1 =	vld [tilespmem:s31+$0xFFFFFF90];
	_ =	sdelay $0x4  }
0x164: {  	[tilespmem:s2+$0x358] =	vst.add.f32.msk $0xffff, v1  }
0x165: {  	v1 =	vld [tilespmem:s31+$0xFFFFFFA0];
	_ =	sdelay $0x4  }
0x166: {  	[tilespmem:s2+$0x368] =	vst.add.f32.msk $0xffff, v1  }
0x167: {  	v1 =	vld [tilespmem:s31+$0xFFFFFFB0];
	_ =	sdelay $0x4  }
0x168: {  	[tilespmem:s2+$0x378] =	vst.add.f32.msk $0xffff, v1  }
0x169: {  	v1 =	vld [tilespmem:s31+$0xFFFFFFC0];
	_ =	sdelay $0x4  }
0x16a: {  	[tilespmem:s2+$0x388] =	vst.add.f32.msk $0xffff, v1  }
0x16b: {  	v1 =	vld [tilespmem:s31+$0xFFFFFFD0];
	_ =	sdelay $0x4  }
0x16c: {  	[tilespmem:s2+$0x398] =	vst.add.f32.msk $0xffff, v1  }
0x16d: {  	v1 =	vld [tilespmem:s31+$0xFFFFFFE0];
	_ =	sdelay $0x4  }
0x16e: {  	[tilespmem:s2+$0x3A8] =	vst.add.f32.msk $0xffff, v1  }
0x16f: {  	v1 =	vld [tilespmem:s31+$0xFFFFFFF0];
	_ =	sdelay $0x4  }
0x170: {  	[tilespmem:s2+$0x3B8] =	vst.add.f32.msk $0xffff, v1  }
0x171: {  	v1 =	vld [tilespmem:s31+$0x0];
	_ =	sdelay $0x4  }
0x172: {  	[tilespmem:s2+$0x3C8] =	vst.add.f32.msk $0xffff, v1  }
0x173: {  	v1 =	vld [tilespmem:s31+$0x10];
	_ =	sdelay $0x4  }
0x174: {  	[tilespmem:s2+$0x3D8] =	vst.add.f32.msk $0xffff, v1  }
0x175: {  	v1 =	vld [tilespmem:s31+$0x20];
	_ =	sdelay $0x4  }
0x176: {  	[tilespmem:s2+$0x3E8] =	vst.add.f32.msk $0xffff, v1  }
0x177: {  	v1 =	vld [tilespmem:s31+$0x30];
	_ =	sdelay $0x4  }
0x178: {  	[tilespmem:s2+$0x3F8] =	vst.add.f32.msk $0xffff, v1  }
0x179: {  	v1 =	vld [tilespmem:s31+$0x40];
	_ =	sdelay $0x4  }
0x17a: {  	[tilespmem:s2+$0x408] =	vst.add.f32.msk $0xffff, v1  }
0x17b: {  	v1 =	vld [tilespmem:s31+$0x50];
	_ =	sdelay $0x4  }
0x17c: {  	[tilespmem:s2+$0x418] =	vst.add.f32.msk $0xffff, v1  }
0x17d: {  	v1 =	vld [tilespmem:s31+$0x60];
	_ =	sdelay $0x4  }
0x17e: {  	[tilespmem:s2+$0x428] =	vst.add.f32.msk $0xffff, v1  }
0x17f: {  	v1 =	vld [tilespmem:s31+$0x70];
	_ =	sdelay $0x4  }
0x180: {  	[tilespmem:s2+$0x438] =	vst.add.f32.msk $0xffff, v1  }
0x181: {  	v1 =	vld [tilespmem:s31+$0x80];
	_ =	sdelay $0x4  }
0x182: {  	[tilespmem:s2+$0x448] =	vst.add.f32.msk $0xffff, v1  }
0x183: {  	v1 =	vld [tilespmem:s31+$0x90];
	_ =	sdelay $0x4  }
0x184: {  	[tilespmem:s2+$0x458] =	vst.add.f32.msk $0xffff, v1  }
0x185: {  	v1 =	vld [tilespmem:s31+$0xA0];
	_ =	sdelay $0x4  }
0x186: {  	[tilespmem:s2+$0x468] =	vst.add.f32.msk $0xffff, v1  }
0x187: {  	v1 =	vld [tilespmem:s31+$0xB0];
	_ =	sdelay $0x4  }
0x188: {  	[tilespmem:s2+$0x478] =	vst.add.f32.msk $0xffff, v1  }
.LBB2_27:
0x189: {  	s30 =	sadd.s32 $0x1, s30  }
0x18a: {  	p2 =	seq.s32 s30, $0x0  }
.Ltmp16:
0x18b: {  	_ = 	snop;
	(pc) =	sbr.rel @p2 .LBB2_28-.Ltmp16, $2  }
0x18c: {  	_ =	sdelay $0x2  }
0x18d: {  	s26 =	sadd.s32 $0x1, s26;
	s31 =	sadd.s32 $0x180, s31;
	s0 =	smov.u32 s5  }
.LBB2_22:
0x18e: {  	v1 =	vld.msk [tilespmem:s26+$0x0], $0x1;
	_ =	sdelay $0x4  }
0x18f: {  	(v2sf) =	vpush v1, $0x0;
	_ =	sdelay $0xe  }
0x190: {  	s5 =	spop (v2sf)  }
0x191: {  	p2 =	sne.s32 s0, s5  }
.Ltmp17:
0x192: {  	_ = 	snop;
	(pc) =	sbr.rel @!p2 .LBB2_23-.Ltmp17, $3  }
0x193: {  	_ = 	snop  }
0x194: {  	s2 =	smul.u32 $0x600, s25;
	_ =	sdelay $0x1  }
0x195: {  	s2 =	sshra.s32 s2, $0x2  }
0x196: {  	p2 =	seq.s32 s0, s28  }
.Ltmp18:
0x197: {  	_ = 	snop;
	(pc) =	sbr.rel @!p2 .LBB2_25-.Ltmp18, $1  }
0x198: {  	_ =	sdelay $0x3  }
.Ltmp19:
0x199: {  	s0 =	sadd.s32 $0x308, s2;
	(pc) =	sbr.rel .LBB2_26-.Ltmp19, $4  }
0x19a: {  	[spmem:s18] =	stream.linear.scatter [tilespmem:s0], [sflag:$0x1], $0x180, $0x38;
	[tilespmem:$0x1B788] =	vst v63  }
0x19b: {  	_ =	swait.ge [sflag:s10], $0x180  }
0x19c: {  	[sflag:s10] =	ssyncset.done $0x0  }
0x19d: {  	[sflag:s10] =	ssyncadd.s32 $0xFFFFFE80  }
.LBB2_25:
0x19e: {  	s3 =	smul.u32 $0x600, s29;
	_ =	sdelay $0x1  }
0x19f: {  	s3 =	sshra.s32 s3, $0x2  }
0x1a0: {  	v1 =	vld [tilespmem:s3+$0x6488];
	_ =	sdelay $0x4  }
0x1a1: {  	[tilespmem:s2+$0x308] =	vst.add.f32.msk $0xffff, v1  }
0x1a2: {  	v1 =	vld [tilespmem:s3+$0x6498];
	_ =	sdelay $0x4  }
0x1a3: {  	[tilespmem:s2+$0x318] =	vst.add.f32.msk $0xffff, v1  }
0x1a4: {  	v1 =	vld [tilespmem:s3+$0x64A8];
	_ =	sdelay $0x4  }
0x1a5: {  	[tilespmem:s2+$0x328] =	vst.add.f32.msk $0xffff, v1  }
0x1a6: {  	v1 =	vld [tilespmem:s3+$0x64B8];
	_ =	sdelay $0x4  }
0x1a7: {  	[tilespmem:s2+$0x338] =	vst.add.f32.msk $0xffff, v1  }
0x1a8: {  	v1 =	vld [tilespmem:s3+$0x64C8];
	_ =	sdelay $0x4  }
0x1a9: {  	[tilespmem:s2+$0x348] =	vst.add.f32.msk $0xffff, v1  }
0x1aa: {  	v1 =	vld [tilespmem:s3+$0x64D8];
	_ =	sdelay $0x4  }
0x1ab: {  	[tilespmem:s2+$0x358] =	vst.add.f32.msk $0xffff, v1  }
0x1ac: {  	v1 =	vld [tilespmem:s3+$0x64E8];
	_ =	sdelay $0x4  }
0x1ad: {  	[tilespmem:s2+$0x368] =	vst.add.f32.msk $0xffff, v1  }
0x1ae: {  	v1 =	vld [tilespmem:s3+$0x64F8];
	_ =	sdelay $0x4  }
0x1af: {  	[tilespmem:s2+$0x378] =	vst.add.f32.msk $0xffff, v1  }
0x1b0: {  	v1 =	vld [tilespmem:s3+$0x6508];
	_ =	sdelay $0x4  }
0x1b1: {  	[tilespmem:s2+$0x388] =	vst.add.f32.msk $0xffff, v1  }
0x1b2: {  	v1 =	vld [tilespmem:s3+$0x6518];
	_ =	sdelay $0x4  }
0x1b3: {  	[tilespmem:s2+$0x398] =	vst.add.f32.msk $0xffff, v1  }
0x1b4: {  	v1 =	vld [tilespmem:s3+$0x6528];
	_ =	sdelay $0x4  }
0x1b5: {  	[tilespmem:s2+$0x3A8] =	vst.add.f32.msk $0xffff, v1  }
0x1b6: {  	v1 =	vld [tilespmem:s3+$0x6538];
	_ =	sdelay $0x4  }
0x1b7: {  	[tilespmem:s2+$0x3B8] =	vst.add.f32.msk $0xffff, v1  }
0x1b8: {  	v1 =	vld [tilespmem:s3+$0x6548];
	_ =	sdelay $0x4  }
0x1b9: {  	[tilespmem:s2+$0x3C8] =	vst.add.f32.msk $0xffff, v1  }
0x1ba: {  	v1 =	vld [tilespmem:s3+$0x6558];
	_ =	sdelay $0x4  }
0x1bb: {  	[tilespmem:s2+$0x3D8] =	vst.add.f32.msk $0xffff, v1  }
0x1bc: {  	v1 =	vld [tilespmem:s3+$0x6568];
	_ =	sdelay $0x4  }
0x1bd: {  	[tilespmem:s2+$0x3E8] =	vst.add.f32.msk $0xffff, v1  }
0x1be: {  	v1 =	vld [tilespmem:s3+$0x6578];
	_ =	sdelay $0x4  }
0x1bf: {  	[tilespmem:s2+$0x3F8] =	vst.add.f32.msk $0xffff, v1  }
0x1c0: {  	v1 =	vld [tilespmem:s3+$0x6588];
	_ =	sdelay $0x4  }
0x1c1: {  	[tilespmem:s2+$0x408] =	vst.add.f32.msk $0xffff, v1  }
0x1c2: {  	v1 =	vld [tilespmem:s3+$0x6598];
	_ =	sdelay $0x4  }
0x1c3: {  	[tilespmem:s2+$0x418] =	vst.add.f32.msk $0xffff, v1  }
0x1c4: {  	v1 =	vld [tilespmem:s3+$0x65A8];
	_ =	sdelay $0x4  }
0x1c5: {  	[tilespmem:s2+$0x428] =	vst.add.f32.msk $0xffff, v1  }
0x1c6: {  	v1 =	vld [tilespmem:s3+$0x65B8];
	_ =	sdelay $0x4  }
0x1c7: {  	[tilespmem:s2+$0x438] =	vst.add.f32.msk $0xffff, v1  }
0x1c8: {  	v1 =	vld [tilespmem:s3+$0x65C8];
	_ =	sdelay $0x4  }
0x1c9: {  	[tilespmem:s2+$0x448] =	vst.add.f32.msk $0xffff, v1  }
0x1ca: {  	v1 =	vld [tilespmem:s3+$0x65D8];
	_ =	sdelay $0x4  }
0x1cb: {  	[tilespmem:s2+$0x458] =	vst.add.f32.msk $0xffff, v1  }
0x1cc: {  	v1 =	vld [tilespmem:s3+$0x65E8];
	_ =	sdelay $0x4  }
0x1cd: {  	[tilespmem:s2+$0x468] =	vst.add.f32.msk $0xffff, v1  }
0x1ce: {  	v1 =	vld [tilespmem:s3+$0x65F8];
	_ =	sdelay $0x2  }
0x1cf: {  	p2 =	sgt.u32 s0, $0x751F0  }
0x1d0: {  	s3 =	sand.u32 @!p2 $0x7FFF8, s0  }
0x1d1: {  	s7 =	sadd.s32 $0x308, s2;
	s8 =	sand.u32 @!p2 $0x7, s0;
	s3 =	sadd.s32 @!p2 s1, s3;
	[tilespmem:s2+$0x478] =	vst.add.f32.msk $0xffff, v1  }
0x1d2: {  	[hbm4b:s3+s8] =	stream.linear.scatter @!p2 [tilespmem:s7], [sflag:$0xC], $0x80, $0x38;
	[tilespmem:$0x1B788] =	vst v63  }
0x1d3: {  	s3 =	sadd.s32 @!p2 $0x80, s0  }
0x1d4: {  	s0 =	sadd.s32 @!p2 $0x100, s0;
	s3 =	sand.u32 @!p2 $0xFFFF8, s3  }
0x1d5: {  	s7 =	sadd.s32 $0x388, s2;
	s0 =	sand.u32 @!p2 $0xFFFF8, s0;
	s3 =	sadd.s32 @!p2 s1, s3  }
0x1d6: {  	[hbm4b:s3+s8] =	stream.linear.scatter @!p2 [tilespmem:s7], [sflag:$0xC], $0x80, $0x38;
	[tilespmem:$0x1B788] =	vst v63  }
0x1d7: {  	s2 =	sadd.s32 $0x408, s2;
	s0 =	sadd.s32 @!p2 s1, s0  }
0x1d8: {  	[hbm4b:s0+s8] =	stream.linear.scatter @!p2 [tilespmem:s2], [sflag:$0xC], $0x80, $0x38;
	[tilespmem:$0x1B788] =	vst v63  }
0x1d9: {  	s0 =	simm.s32 $0x0  }
0x1da: {  	s0 =	simm.s32 @!p2 $0x600  }
0x1db: {  	s4 =	sadd.s32 s0, s4  }
.LBB2_26:
0x1dc: {  	s0 =	sadd.s32 $0x1, s25;
	v1 =	vld [tilespmem:s31+$0xFFFFFF40]  }
0x1dd: {  	s25 =	sand.u32 $0x3F, s0  }
0x1de: {  	s0 =	smul.u32 $0x600, s25;
	_ =	sdelay $0x1  }
0x1df: {  	s0 =	sshrl.u32 s0, $0x2  }
0x1e0: {  	[tilespmem:s0+$0x308] =	vst v1  }
0x1e1: {  	v1 =	vld [tilespmem:s31+$0xFFFFFF50];
	_ =	sdelay $0x4  }
0x1e2: {  	[tilespmem:s0+$0x318] =	vst v1  }
0x1e3: {  	v1 =	vld [tilespmem:s31+$0xFFFFFF60];
	_ =	sdelay $0x4  }
0x1e4: {  	[tilespmem:s0+$0x328] =	vst v1  }
0x1e5: {  	v1 =	vld [tilespmem:s31+$0xFFFFFF70];
	_ =	sdelay $0x4  }
0x1e6: {  	[tilespmem:s0+$0x338] =	vst v1  }
0x1e7: {  	v1 =	vld [tilespmem:s31+$0xFFFFFF80];
	_ =	sdelay $0x4  }
0x1e8: {  	[tilespmem:s0+$0x348] =	vst v1  }
0x1e9: {  	v1 =	vld [tilespmem:s31+$0xFFFFFF90];
	_ =	sdelay $0x4  }
0x1ea: {  	[tilespmem:s0+$0x358] =	vst v1  }
0x1eb: {  	v1 =	vld [tilespmem:s31+$0xFFFFFFA0];
	_ =	sdelay $0x4  }
0x1ec: {  	[tilespmem:s0+$0x368] =	vst v1  }
0x1ed: {  	v1 =	vld [tilespmem:s31+$0xFFFFFFB0];
	_ =	sdelay $0x4  }
0x1ee: {  	[tilespmem:s0+$0x378] =	vst v1  }
0x1ef: {  	v1 =	vld [tilespmem:s31+$0xFFFFFFC0];
	_ =	sdelay $0x4  }
0x1f0: {  	[tilespmem:s0+$0x388] =	vst v1  }
0x1f1: {  	v1 =	vld [tilespmem:s31+$0xFFFFFFD0];
	_ =	sdelay $0x4  }
0x1f2: {  	[tilespmem:s0+$0x398] =	vst v1  }
0x1f3: {  	v1 =	vld [tilespmem:s31+$0xFFFFFFE0];
	_ =	sdelay $0x4  }
0x1f4: {  	[tilespmem:s0+$0x3A8] =	vst v1  }
0x1f5: {  	v1 =	vld [tilespmem:s31+$0xFFFFFFF0];
	_ =	sdelay $0x4  }
0x1f6: {  	[tilespmem:s0+$0x3B8] =	vst v1  }
0x1f7: {  	v1 =	vld [tilespmem:s31+$0x0];
	_ =	sdelay $0x4  }
0x1f8: {  	[tilespmem:s0+$0x3C8] =	vst v1  }
0x1f9: {  	v1 =	vld [tilespmem:s31+$0x10];
	_ =	sdelay $0x4  }
0x1fa: {  	[tilespmem:s0+$0x3D8] =	vst v1  }
0x1fb: {  	v1 =	vld [tilespmem:s31+$0x20];
	_ =	sdelay $0x4  }
0x1fc: {  	[tilespmem:s0+$0x3E8] =	vst v1  }
0x1fd: {  	v1 =	vld [tilespmem:s31+$0x30];
	_ =	sdelay $0x4  }
0x1fe: {  	[tilespmem:s0+$0x3F8] =	vst v1  }
0x1ff: {  	v1 =	vld [tilespmem:s31+$0x40];
	_ =	sdelay $0x4  }
0x200: {  	[tilespmem:s0+$0x408] =	vst v1  }
0x201: {  	v1 =	vld [tilespmem:s31+$0x50];
	_ =	sdelay $0x4  }
0x202: {  	[tilespmem:s0+$0x418] =	vst v1  }
0x203: {  	v1 =	vld [tilespmem:s31+$0x60];
	_ =	sdelay $0x4  }
0x204: {  	[tilespmem:s0+$0x428] =	vst v1  }
0x205: {  	v1 =	vld [tilespmem:s31+$0x70];
	_ =	sdelay $0x4  }
0x206: {  	[tilespmem:s0+$0x438] =	vst v1  }
0x207: {  	v1 =	vld [tilespmem:s31+$0x80];
	_ =	sdelay $0x4  }
0x208: {  	[tilespmem:s0+$0x448] =	vst v1  }
0x209: {  	v1 =	vld [tilespmem:s31+$0x90];
	_ =	sdelay $0x4  }
0x20a: {  	[tilespmem:s0+$0x458] =	vst v1  }
0x20b: {  	v1 =	vld [tilespmem:s31+$0xA0];
	_ =	sdelay $0x4  }
0x20c: {  	[tilespmem:s0+$0x468] =	vst v1  }
0x20d: {  	v1 =	vld [tilespmem:s31+$0xB0]  }
.Ltmp20:
0x20e: {  	_ = 	snop;
	(pc) =	sbr.rel .LBB2_27-.Ltmp20, $2  }
0x20f: {  	_ =	sdelay $0x2  }
0x210: {  	s29 =	sadd.s32 $0x1, s29;
	[tilespmem:s0+$0x478] =	vst v1  }
.LBB2_29:
.Ltmp21:
0x211: {  	(pc) =	sbr.rel .LBB2_30-.Ltmp21, $4  }
0x212: {  	_ = 	snop  }
0x213: {  	s2 =	simm.s32 $0x2  }
0x214: {  	_ =	swait.ge [sflag:s2], $0x0  }
0x215: {  	s5 =	smov.u32 s0;
	[sflag:s2] =	ssyncset.done $0x0;
	s2 =	simm.s32 $0x0  }
.LBB2_32:
0x216: {  	_ =	sfence.sel $0x180000  }
0x217: {  	s0 =	simm.s32 $0x9;
	[bflag:$0x0] =	sbarrier.arrive $0xFFFF  }
0x218: {  	s24 =	simm.s32 $0xA;
	[sflag:s0] =	ssyncpa.u1 $0x1  }
0x219: {  	s25 =	simm.s32 $0xB;
	[sflag:s24] =	ssyncpa.u1 $0x1  }
0x21a: {  	s26 =	simm.s32 $0x2;
	[sflag:s25] =	ssyncpa.u1 $0x1  }
0x21b: {  	[sflag:s26] =	ssyncpa.u1 $0x1  }
0x21c: {  	v0 =	vld [tilespmem:$0xC608];
	_ =	sdelay $0x4  }
0x21d: {  	(v2sf) =	vpush v0, $0x0  }
0x21e: {  	(v2sf) =	vpush v0, $0x1  }
0x21f: {  	(v2sf) =	vpush v0, $0x2;
	_ =	sdelay $0xc  }
0x220: {  	s0 =	spop (v2sf)  }
0x221: {  	s2 =	spop (v2sf)  }
0x222: {  	s3 =	smov.u32 s0;
	p0 =	sne.s32 s0, s2;
	s4 =	spop (v2sf)  }
0x223: {  	s3 =	simm.s32 @!p0 $0xFFFFFFFF;
	p0 =	seq.s32 s4, $0xFFFFFFFF  }
0x224: {  	v2 =	vimm.s32 $0x1;
	v3 =	vlaneseq.u32;
	v1 =	vmov s3;
	p1 =	sne.s32 @!p0 s0, s2  }
0x225: {  	s16 =	stileid.u32;
	v0 =	vperm.xlane v0, v2;
	s0 =	simm.s32 @!p0 $0x1;
	v1 =	vperm.xlane v1, v3;
	p1 =	por !p1, p0  }
0x226: {  	vm0 =	vcmask $0x3F04;
	s3 =	sshll.u32 s16, $0x1;
	s2 =	smul.u32 @!p0 $0x600, s4;
	s0 =	simm.s32 @p1 $0x0  }
0x227: {  	s6 =	simm.s32 $0xC608;
	v0 =	vsel vm0, v1, v0;
	s0 =	sor.u32 @!p0 s0, s3  }
0x228: {  	s5 =	sor.u32 $0x3000, s3;
	s2 =	sshra.s32 @!p0 s2, $0x2;
	[tilespmem:$0xC608] =	vst v0;
	s0 =	smul.u32 @!p0 $0x600, s0  }
0x229: {  	[spmem:s5] =	stream.linear.scatter [tilespmem:s6], [sflag:$0x1], $0x2, $0x38;
	[tilespmem:$0x1B788] =	vst v63  }
0x22a: {  	s2 =	sadd.s32 @!p0 $0x308, s2;
	s0 =	sshrl.u32 @!p0 s0, $0x2  }
0x22b: {  	[spmem:s0] =	stream.linear.scatter @!p0 [tilespmem:s2], [sflag:$0x1], $0x180, $0x38;
	[tilespmem:$0x1B788] =	vst v63  }
0x22c: {  	s0 =	simm.s32 @!p0 $0x182  }
0x22d: {  	s28 =	simm.s32 $0x1;
	s0 =	simm.s32 @p0 $0x2  }
0x22e: {  	_ =	swait.ge [sflag:s28], s0  }
0x22f: {  	s0 =	ssub.s32 $0x0, s0;
	[sflag:s28] =	ssyncset.done $0x0  }
0x230: {  	p0 =	sne.s32 s16, $0x0;
	[sflag:s28] =	ssyncadd.s32 s0  }
.Ltmp22:
0x231: {  	_ =	sfence.stream.spmem;
	(pc) =	sbr.rel @p0 .LBB2_52-.Ltmp22, $4  }
0x232: {  	s29 =	simm.s32 $0x3;
	[bflag:$0x0] =	sbarrier.arrive $0xFFFF  }
0x233: {  	s30 =	simm.s32 $0x4;
	[sflag:s29] =	ssyncpa.u1 $0x1  }
0x234: {  	s31 =	simm.s32 $0x3C;
	[sflag:s30] =	ssyncpa.u1 $0x1  }
0x235: {  	s15 =	rddreg [dreg:$0x4];
	[sflag:s31] =	ssyncpa.u1 $0x1  }
0x236: {  	_ =	sfence.stream.spmem;
	s0 =	simm.s32 $0x5  }
0x237: {  	s2 =	simm.s32 $0x3000;
	s3 =	simm.s32 $0xC618;
	[sflag:s0] =	ssyncpa.u1 $0x0  }
0x238: {  	[tilespmem:s3], [sflag:$0x5] =	stream.linear.gather [spmem:s2], $0x20, $0x38;
	[tilespmem:$0x1B788] =	vst v63  }
0x239: {  	s26 =	simm.s32 $0x0;
	s28 =	simm.s32 $0xC638  }
0x23a: {  	[tilespmem:s28], [sflag:$0x5] =	stream.linear.gather [spmem:s26], $0x3000, $0x38;
	[tilespmem:$0x1B788] =	vst v63  }
0x23b: {  	_ =	swait.ge [sflag:s0], $0x3020  }
0x23c: {  	[sflag:s0] =	ssyncset.done $0x0  }
0x23d: {  	s29 =	simm.s32 $0x0;
	[sflag:s0] =	ssyncadd.s32 $0xFFFFCFE0  }
0x23e: {  	v0 =	vld.msk [tilespmem:s29+$0xC618], $0x1;
	_ =	sdelay $0x1  }
0x23f: {  	s30 =	simm.s32 $0x1  }
0x240: {  	v1 =	vld.msk [tilespmem:s30+$0xC618], $0x1;
	_ =	sdelay $0x1  }
0x241: {  	(v2sf) =	vpush v0, $0x0;
	_ =	sdelay $0x2  }
0x242: {  	(v2sf) =	vpush v1, $0x0;
	_ =	sdelay $0x2  }
0x243: {  	s31 =	simm.s32 $0x2  }
0x244: {  	v0 =	vld.msk [tilespmem:s31+$0xC618], $0x1;
	_ =	sdelay $0x2  }
0x245: {  	s3 =	simm.s32 $0xFFFFFFFF;
	s2 =	simm.s32 $0xFFFFFFFF;
	s0 =	simm.s32 $0xC  }
.LBB2_34:
0x246: {  	s4 =	smov.u32 s2;
	s5 =	smov.u32 s3  }
0x247: {  	s2 =	sshra.s32 s0, $0x2;
	p1 =	sne.s32 s0, $0x7C;
	s0 =	sadd.s32 $0x4, s0;
	(v2sf) =	vpush v0, $0x0  }
0x248: {  	v0 =	vld.msk [tilespmem:s2+$0xC618], $0x1  }
.Ltmp23:
0x249: {  	(pc) =	sbr.rel @p1 .LBB2_34-.Ltmp23, $4  }
0x24a: {  	s2 =	spop (v2sf)  }
0x24b: {  	p2 =	sne.s32 s3, $0xFFFFFFFF;
	s3 =	smov.u32 s2  }
0x24c: {  	p3 =	seq.s32 s2, $0xFFFFFFFF;
	s3 =	smov.u32 @p2 s5  }
0x24d: {  	s2 =	smov.u32 @p3 s4;
	s3 =	smov.u32 @p3 s5  }
0x24e: {  	(v2sf) =	vpush v0, $0x0;
	_ =	sdelay $0x8  }
0x24f: {  	s0 =	spop (v2sf);
	p1 =	sne.s32 s3, $0xFFFFFFFF  }
0x250: {  	s9 =	simm.s32 $0x6;
	s6 =	simm.s32 $0x0;
	s4 =	smov.u32 s0  }
0x251: {  	s10 =	simm.s32 $0xC488;
	p2 =	seq.s32 s0, $0xFFFFFFFF;
	s4 =	smov.u32 @p1 s3  }
0x252: {  	s11 =	simm.s32 $0xC508;
	s4 =	smov.u32 @p2 s3;
	s3 =	spop (v2sf)  }
0x253: {  	s12 =	simm.s32 $0xC588;
	p1 =	sne.s32 s4, $0xFFFFFFFF;
	s5 =	smov.u32 s3  }
.Ltmp24:
0x254: {  	s5 =	smov.u32 @p1 s4;
	p1 =	seq.s32 s3, $0xFFFFFFFF;
	(pc) =	sbr.rel .LBB2_36-.Ltmp24, $4  }
0x255: {  	s13 =	simm.s32 $0x0;
	s5 =	smov.u32 @p1 s4;
	s7 =	spop (v2sf)  }
0x256: {  	s0 =	smov.u32 @p2 s2;
	p2 =	sne.s32 s5, $0xFFFFFFFF;
	s8 =	smov.u32 s7  }
0x257: {  	s3 =	smov.u32 @p1 s0;
	p1 =	seq.s32 s7, $0xFFFFFFFF;
	s8 =	smov.u32 @p2 s5  }
0x258: {  	[sflag:s9] =	ssyncpa.u1 $0x0;
	s7 =	smov.u32 @p1 s3;
	s8 =	smov.u32 @p1 s5  }
.LBB2_41:
0x259: {  	s0 =	smul.u32 $0x600, s13;
	_ =	sdelay $0x1  }
0x25a: {  	s0 =	sshra.s32 s0, $0x2  }
0x25b: {  	v0 =	vld [tilespmem:s0+$0xC638];
	_ =	sdelay $0x1  }
0x25c: {  	s2 =	smul.u32 $0x600, s3;
	_ =	sdelay $0x1  }
0x25d: {  	s2 =	sshra.s32 s2, $0x2  }
0x25e: {  	[tilespmem:s2+$0xC638] =	vst.add.f32.msk $0xffff, v0  }
0x25f: {  	v0 =	vld [tilespmem:s0+$0xC648];
	_ =	sdelay $0x4  }
0x260: {  	[tilespmem:s2+$0xC648] =	vst.add.f32.msk $0xffff, v0  }
0x261: {  	v0 =	vld [tilespmem:s0+$0xC658];
	_ =	sdelay $0x4  }
0x262: {  	[tilespmem:s2+$0xC658] =	vst.add.f32.msk $0xffff, v0  }
0x263: {  	v0 =	vld [tilespmem:s0+$0xC668];
	_ =	sdelay $0x4  }
0x264: {  	[tilespmem:s2+$0xC668] =	vst.add.f32.msk $0xffff, v0  }
0x265: {  	v0 =	vld [tilespmem:s0+$0xC678];
	_ =	sdelay $0x4  }
0x266: {  	[tilespmem:s2+$0xC678] =	vst.add.f32.msk $0xffff, v0  }
0x267: {  	v0 =	vld [tilespmem:s0+$0xC688];
	_ =	sdelay $0x4  }
0x268: {  	[tilespmem:s2+$0xC688] =	vst.add.f32.msk $0xffff, v0  }
0x269: {  	v0 =	vld [tilespmem:s0+$0xC698];
	_ =	sdelay $0x4  }
0x26a: {  	[tilespmem:s2+$0xC698] =	vst.add.f32.msk $0xffff, v0  }
0x26b: {  	v0 =	vld [tilespmem:s0+$0xC6A8];
	_ =	sdelay $0x4  }
0x26c: {  	[tilespmem:s2+$0xC6A8] =	vst.add.f32.msk $0xffff, v0  }
0x26d: {  	v0 =	vld [tilespmem:s0+$0xC6B8];
	_ =	sdelay $0x4  }
0x26e: {  	[tilespmem:s2+$0xC6B8] =	vst.add.f32.msk $0xffff, v0  }
0x26f: {  	v0 =	vld [tilespmem:s0+$0xC6C8];
	_ =	sdelay $0x4  }
0x270: {  	[tilespmem:s2+$0xC6C8] =	vst.add.f32.msk $0xffff, v0  }
0x271: {  	v0 =	vld [tilespmem:s0+$0xC6D8];
	_ =	sdelay $0x4  }
0x272: {  	[tilespmem:s2+$0xC6D8] =	vst.add.f32.msk $0xffff, v0  }
0x273: {  	v0 =	vld [tilespmem:s0+$0xC6E8];
	_ =	sdelay $0x4  }
0x274: {  	[tilespmem:s2+$0xC6E8] =	vst.add.f32.msk $0xffff, v0  }
0x275: {  	v0 =	vld [tilespmem:s0+$0xC6F8];
	_ =	sdelay $0x4  }
0x276: {  	[tilespmem:s2+$0xC6F8] =	vst.add.f32.msk $0xffff, v0  }
0x277: {  	v0 =	vld [tilespmem:s0+$0xC708];
	_ =	sdelay $0x4  }
0x278: {  	[tilespmem:s2+$0xC708] =	vst.add.f32.msk $0xffff, v0  }
0x279: {  	v0 =	vld [tilespmem:s0+$0xC718];
	_ =	sdelay $0x4  }
0x27a: {  	[tilespmem:s2+$0xC718] =	vst.add.f32.msk $0xffff, v0  }
0x27b: {  	v0 =	vld [tilespmem:s0+$0xC728];
	_ =	sdelay $0x4  }
0x27c: {  	[tilespmem:s2+$0xC728] =	vst.add.f32.msk $0xffff, v0  }
0x27d: {  	v0 =	vld [tilespmem:s0+$0xC738];
	_ =	sdelay $0x4  }
0x27e: {  	[tilespmem:s2+$0xC738] =	vst.add.f32.msk $0xffff, v0  }
0x27f: {  	v0 =	vld [tilespmem:s0+$0xC748];
	_ =	sdelay $0x4  }
0x280: {  	[tilespmem:s2+$0xC748] =	vst.add.f32.msk $0xffff, v0  }
0x281: {  	v0 =	vld [tilespmem:s0+$0xC758];
	_ =	sdelay $0x4  }
0x282: {  	[tilespmem:s2+$0xC758] =	vst.add.f32.msk $0xffff, v0  }
0x283: {  	v0 =	vld [tilespmem:s0+$0xC768];
	_ =	sdelay $0x4  }
0x284: {  	[tilespmem:s2+$0xC768] =	vst.add.f32.msk $0xffff, v0  }
0x285: {  	v0 =	vld [tilespmem:s0+$0xC778];
	_ =	sdelay $0x4  }
0x286: {  	[tilespmem:s2+$0xC778] =	vst.add.f32.msk $0xffff, v0  }
0x287: {  	v0 =	vld [tilespmem:s0+$0xC788];
	_ =	sdelay $0x4  }
0x288: {  	[tilespmem:s2+$0xC788] =	vst.add.f32.msk $0xffff, v0  }
0x289: {  	v0 =	vld [tilespmem:s0+$0xC798];
	_ =	sdelay $0x4  }
0x28a: {  	[tilespmem:s2+$0xC798] =	vst.add.f32.msk $0xffff, v0  }
0x28b: {  	v0 =	vld [tilespmem:s0+$0xC7A8];
	_ =	sdelay $0x4  }
0x28c: {  	[tilespmem:s2+$0xC7A8] =	vst.add.f32.msk $0xffff, v0  }
.LBB2_46:
0x28d: {  	s13 =	sadd.s32 $0x1, s13  }
0x28e: {  	p1 =	sne.s32 s13, $0x20  }
.Ltmp25:
0x28f: {  	_ = 	snop;
	(pc) =	sbr.rel @!p1 .LBB2_47-.Ltmp25, $1  }
0x290: {  	_ =	sdelay $0x3  }
.LBB2_36:
0x291: {  	v0 =	vld.msk [tilespmem:s13+$0xC618], $0x1;
	_ =	sdelay $0x4  }
0x292: {  	(v2sf) =	vpush v0, $0x0;
	_ =	sdelay $0xe  }
0x293: {  	s0 =	spop (v2sf)  }
0x294: {  	p1 =	seq.s32 s0, $0xFFFFFFFF  }
.Ltmp26:
0x295: {  	_ = 	snop;
	(pc) =	sbr.rel @p1 .LBB2_46-.Ltmp26, $1  }
0x296: {  	_ =	sdelay $0x3  }
0x297: {  	p1 =	slt.s32 s6, $0x1  }
.Ltmp27:
0x298: {  	_ = 	snop;
	(pc) =	sbr.rel @p1 .LBB2_42-.Ltmp27, $1  }
0x299: {  	_ =	sdelay $0x3  }
0x29a: {  	s2 =	simm.s32 $0xC618;
	p1 =	por $0x0, $0x0  }
0x29b: {  	v1 =	vld.msk @!p1 [tilespmem:s2+$0x0], $0x1;
	_ =	sdelay $0x4  }
0x29c: {  	(v2sf) =	vpush @!p1 v1, $0x0;
	_ =	sdelay $0xd  }
0x29d: {  	p3 =	sne.s32 s6, $0x1  }
.Ltmp28:
0x29e: {  	s3 =	spop @!p1 (v2sf);
	(pc) =	sbr.rel @!p3 .LBB2_40-.Ltmp28, $4  }
0x29f: {  	p2 =	seq.s32 @!p1 s0, s3  }
0x2a0: {  	s3 =	simm.s32 $0x0;
	p2 =	por !p2, p1  }
0x2a1: {  	s5 =	simm.s32 $0xFFFFFFFF;
	s3 =	simm.s32 @p2 $0xFFFFFFFF  }
0x2a2: {  	s4 =	simm.s32 $0x1;
	s3 =	smov.u32 @p1 s5  }
.LBB2_39:
0x2a3: {  	s5 =	smov.u32 s3;
	p1 =	sne.s32 s3, $0xFFFFFFFF  }
0x2a4: {  	s2 =	sadd.s32 $0x1, s2;
	s3 =	smov.u32 s4;
	s4 =	sadd.s32 $0x1, s4  }
0x2a5: {  	p2 =	sne.s32 s6, s4;
	v1 =	vld.msk @!p1 [tilespmem:s2+$0x0], $0x1;
	_ =	sdelay $0x4  }
0x2a6: {  	(v2sf) =	vpush @!p1 v1, $0x0;
	_ =	sdelay $0xe  }
.Ltmp29:
0x2a7: {  	s14 =	spop @!p1 (v2sf);
	(pc) =	sbr.rel @p2 .LBB2_39-.Ltmp29, $4  }
0x2a8: {  	p3 =	seq.s32 @!p1 s0, s14  }
0x2a9: {  	p3 =	por !p3, p1  }
0x2aa: {  	s3 =	simm.s32 @p3 $0xFFFFFFFF  }
0x2ab: {  	s3 =	smov.u32 @p1 s5  }
.LBB2_40:
0x2ac: {  	p1 =	seq.s32 s3, $0xFFFFFFFF  }
.Ltmp30:
0x2ad: {  	_ = 	snop;
	(pc) =	sbr.rel @!p1 .LBB2_41-.Ltmp30, $1  }
0x2ae: {  	_ =	sdelay $0x3  }
.LBB2_42:
0x2af: {  	p1 =	sgt.u32 s0, $0x751F0  }
0x2b0: {  	p2 =	seq.s32 @!p1 s0, s8  }
0x2b1: {  	p1 =	por p1, p2  }
0x2b2: {  	p2 =	sne.s32 @!p1 s0, s7  }
0x2b3: {  	p1 =	por p1, !p2  }
.Ltmp31:
0x2b4: {  	_ = 	snop;
	(pc) =	sbr.rel @p1 .LBB2_43-.Ltmp31, $1  }
0x2b5: {  	_ =	sdelay $0x3  }
0x2b6: {  	s2 =	sand.u32 $0x7FFF8, s0  }
0x2b7: {  	s3 =	sand.u32 $0x7, s0;
	s29 =	sadd.s32 $0x80, s0;
	s2 =	sadd.s32 s1, s2  }
0x2b8: {  	[tilespmem:s10], [sflag:$0x6] =	stream.linear.gather [hbm4b:s2+s3], $0x80, $0x38;
	[tilespmem:$0x1B788] =	vst v63  }
0x2b9: {  	s30 =	sadd.s32 $0x100, s0;
	s2 =	sand.u32 $0xFFFF8, s29  }
0x2ba: {  	s0 =	sand.u32 $0xFFFF8, s30;
	s2 =	sadd.s32 s1, s2  }
0x2bb: {  	[tilespmem:s11], [sflag:$0x6] =	stream.linear.gather [hbm4b:s2+s3], $0x80, $0x38;
	[tilespmem:$0x1B788] =	vst v63  }
0x2bc: {  	s0 =	sadd.s32 s1, s0  }
0x2bd: {  	[tilespmem:s12], [sflag:$0x6] =	stream.linear.gather [hbm4b:s0+s3], $0x80, $0x38;
	[tilespmem:$0x1B788] =	vst v63  }
0x2be: {  	_ =	swait.ge [sflag:s9], $0x180  }
0x2bf: {  	[sflag:s9] =	ssyncset.done $0x0  }
0x2c0: {  	[sflag:s9] =	ssyncadd.s32 $0xFFFFFE80  }
0x2c1: {  	v1 =	vld [tilespmem:$0xC488];
	_ =	sdelay $0x1  }
0x2c2: {  	s0 =	smul.u32 $0x600, s13;
	_ =	sdelay $0x1  }
0x2c3: {  	s31 =	sshra.s32 s0, $0x2  }
0x2c4: {  	[tilespmem:s31+$0xC638] =	vst.add.f32.msk $0xffff, v1  }
0x2c5: {  	v1 =	vld [tilespmem:$0xC498];
	_ =	sdelay $0x4  }
0x2c6: {  	[tilespmem:s31+$0xC648] =	vst.add.f32.msk $0xffff, v1  }
0x2c7: {  	v1 =	vld [tilespmem:$0xC4A8];
	_ =	sdelay $0x4  }
0x2c8: {  	[tilespmem:s31+$0xC658] =	vst.add.f32.msk $0xffff, v1  }
0x2c9: {  	v1 =	vld [tilespmem:$0xC4B8];
	_ =	sdelay $0x4  }
0x2ca: {  	[tilespmem:s31+$0xC668] =	vst.add.f32.msk $0xffff, v1  }
0x2cb: {  	v1 =	vld [tilespmem:$0xC4C8];
	_ =	sdelay $0x4  }
0x2cc: {  	[tilespmem:s31+$0xC678] =	vst.add.f32.msk $0xffff, v1  }
0x2cd: {  	v1 =	vld [tilespmem:$0xC4D8];
	_ =	sdelay $0x4  }
0x2ce: {  	[tilespmem:s31+$0xC688] =	vst.add.f32.msk $0xffff, v1  }
0x2cf: {  	v1 =	vld [tilespmem:$0xC4E8];
	_ =	sdelay $0x4  }
0x2d0: {  	[tilespmem:s31+$0xC698] =	vst.add.f32.msk $0xffff, v1  }
0x2d1: {  	v1 =	vld [tilespmem:$0xC4F8];
	_ =	sdelay $0x4  }
0x2d2: {  	[tilespmem:s31+$0xC6A8] =	vst.add.f32.msk $0xffff, v1  }
0x2d3: {  	v1 =	vld [tilespmem:$0xC508];
	_ =	sdelay $0x4  }
0x2d4: {  	[tilespmem:s31+$0xC6B8] =	vst.add.f32.msk $0xffff, v1  }
0x2d5: {  	v1 =	vld [tilespmem:$0xC518];
	_ =	sdelay $0x4  }
0x2d6: {  	[tilespmem:s31+$0xC6C8] =	vst.add.f32.msk $0xffff, v1  }
0x2d7: {  	v1 =	vld [tilespmem:$0xC528];
	_ =	sdelay $0x4  }
0x2d8: {  	[tilespmem:s31+$0xC6D8] =	vst.add.f32.msk $0xffff, v1  }
0x2d9: {  	v1 =	vld [tilespmem:$0xC538];
	_ =	sdelay $0x4  }
0x2da: {  	[tilespmem:s31+$0xC6E8] =	vst.add.f32.msk $0xffff, v1  }
0x2db: {  	v1 =	vld [tilespmem:$0xC548];
	_ =	sdelay $0x4  }
0x2dc: {  	[tilespmem:s31+$0xC6F8] =	vst.add.f32.msk $0xffff, v1  }
0x2dd: {  	v1 =	vld [tilespmem:$0xC558];
	_ =	sdelay $0x4  }
0x2de: {  	[tilespmem:s31+$0xC708] =	vst.add.f32.msk $0xffff, v1  }
0x2df: {  	v1 =	vld [tilespmem:$0xC568];
	_ =	sdelay $0x4  }
0x2e0: {  	[tilespmem:s31+$0xC718] =	vst.add.f32.msk $0xffff, v1  }
0x2e1: {  	v1 =	vld [tilespmem:$0xC578];
	_ =	sdelay $0x4  }
0x2e2: {  	[tilespmem:s31+$0xC728] =	vst.add.f32.msk $0xffff, v1  }
0x2e3: {  	v1 =	vld [tilespmem:$0xC588];
	_ =	sdelay $0x4  }
0x2e4: {  	[tilespmem:s31+$0xC738] =	vst.add.f32.msk $0xffff, v1  }
0x2e5: {  	v1 =	vld [tilespmem:$0xC598];
	_ =	sdelay $0x4  }
0x2e6: {  	[tilespmem:s31+$0xC748] =	vst.add.f32.msk $0xffff, v1  }
0x2e7: {  	v1 =	vld [tilespmem:$0xC5A8];
	_ =	sdelay $0x4  }
0x2e8: {  	[tilespmem:s31+$0xC758] =	vst.add.f32.msk $0xffff, v1  }
0x2e9: {  	v1 =	vld [tilespmem:$0xC5B8];
	_ =	sdelay $0x4  }
0x2ea: {  	[tilespmem:s31+$0xC768] =	vst.add.f32.msk $0xffff, v1  }
0x2eb: {  	v1 =	vld [tilespmem:$0xC5C8];
	_ =	sdelay $0x4  }
0x2ec: {  	[tilespmem:s31+$0xC778] =	vst.add.f32.msk $0xffff, v1  }
0x2ed: {  	v1 =	vld [tilespmem:$0xC5D8];
	_ =	sdelay $0x4  }
0x2ee: {  	[tilespmem:s31+$0xC788] =	vst.add.f32.msk $0xffff, v1  }
0x2ef: {  	v1 =	vld [tilespmem:$0xC5E8];
	_ =	sdelay $0x4  }
0x2f0: {  	[tilespmem:s31+$0xC798] =	vst.add.f32.msk $0xffff, v1  }
0x2f1: {  	v1 =	vld [tilespmem:$0xC5F8];
	_ =	sdelay $0x4  }
0x2f2: {  	[tilespmem:s31+$0xC7A8] =	vst.add.f32.msk $0xffff, v1  }
.LBB2_45:
0x2f3: {  	[tilespmem:s6+$0xC618] =	vst.msk $0x1, v0;
	s0 =	sshra.s32 s0, $0x2  }
0x2f4: {  	v0 =	vld [tilespmem:s0+$0xC638];
	_ =	sdelay $0x1  }
0x2f5: {  	s2 =	smul.u32 $0x600, s6;
	_ =	sdelay $0x1  }
0x2f6: {  	s2 =	sshra.s32 s2, $0x2  }
0x2f7: {  	[tilespmem:s2+$0xC638] =	vst v0  }
0x2f8: {  	v0 =	vld [tilespmem:s0+$0xC648];
	_ =	sdelay $0x4  }
0x2f9: {  	[tilespmem:s2+$0xC648] =	vst v0  }
0x2fa: {  	v0 =	vld [tilespmem:s0+$0xC658];
	_ =	sdelay $0x4  }
0x2fb: {  	[tilespmem:s2+$0xC658] =	vst v0  }
0x2fc: {  	v0 =	vld [tilespmem:s0+$0xC668];
	_ =	sdelay $0x4  }
0x2fd: {  	[tilespmem:s2+$0xC668] =	vst v0  }
0x2fe: {  	v0 =	vld [tilespmem:s0+$0xC678];
	_ =	sdelay $0x4  }
0x2ff: {  	[tilespmem:s2+$0xC678] =	vst v0  }
0x300: {  	v0 =	vld [tilespmem:s0+$0xC688];
	_ =	sdelay $0x4  }
0x301: {  	[tilespmem:s2+$0xC688] =	vst v0  }
0x302: {  	v0 =	vld [tilespmem:s0+$0xC698];
	_ =	sdelay $0x4  }
0x303: {  	[tilespmem:s2+$0xC698] =	vst v0  }
0x304: {  	v0 =	vld [tilespmem:s0+$0xC6A8];
	_ =	sdelay $0x4  }
0x305: {  	[tilespmem:s2+$0xC6A8] =	vst v0  }
0x306: {  	v0 =	vld [tilespmem:s0+$0xC6B8];
	_ =	sdelay $0x4  }
0x307: {  	[tilespmem:s2+$0xC6B8] =	vst v0  }
0x308: {  	v0 =	vld [tilespmem:s0+$0xC6C8];
	_ =	sdelay $0x4  }
0x309: {  	[tilespmem:s2+$0xC6C8] =	vst v0  }
0x30a: {  	v0 =	vld [tilespmem:s0+$0xC6D8];
	_ =	sdelay $0x4  }
0x30b: {  	[tilespmem:s2+$0xC6D8] =	vst v0  }
0x30c: {  	v0 =	vld [tilespmem:s0+$0xC6E8];
	_ =	sdelay $0x4  }
0x30d: {  	[tilespmem:s2+$0xC6E8] =	vst v0  }
0x30e: {  	v0 =	vld [tilespmem:s0+$0xC6F8];
	_ =	sdelay $0x4  }
0x30f: {  	[tilespmem:s2+$0xC6F8] =	vst v0  }
0x310: {  	v0 =	vld [tilespmem:s0+$0xC708];
	_ =	sdelay $0x4  }
0x311: {  	[tilespmem:s2+$0xC708] =	vst v0  }
0x312: {  	v0 =	vld [tilespmem:s0+$0xC718];
	_ =	sdelay $0x4  }
0x313: {  	[tilespmem:s2+$0xC718] =	vst v0  }
0x314: {  	v0 =	vld [tilespmem:s0+$0xC728];
	_ =	sdelay $0x4  }
0x315: {  	[tilespmem:s2+$0xC728] =	vst v0  }
0x316: {  	v0 =	vld [tilespmem:s0+$0xC738];
	_ =	sdelay $0x4  }
0x317: {  	[tilespmem:s2+$0xC738] =	vst v0  }
0x318: {  	v0 =	vld [tilespmem:s0+$0xC748];
	_ =	sdelay $0x4  }
0x319: {  	[tilespmem:s2+$0xC748] =	vst v0  }
0x31a: {  	v0 =	vld [tilespmem:s0+$0xC758];
	_ =	sdelay $0x4  }
0x31b: {  	[tilespmem:s2+$0xC758] =	vst v0  }
0x31c: {  	v0 =	vld [tilespmem:s0+$0xC768];
	_ =	sdelay $0x4  }
0x31d: {  	[tilespmem:s2+$0xC768] =	vst v0  }
0x31e: {  	v0 =	vld [tilespmem:s0+$0xC778];
	_ =	sdelay $0x4  }
0x31f: {  	[tilespmem:s2+$0xC778] =	vst v0  }
0x320: {  	v0 =	vld [tilespmem:s0+$0xC788];
	_ =	sdelay $0x4  }
0x321: {  	[tilespmem:s2+$0xC788] =	vst v0  }
0x322: {  	v0 =	vld [tilespmem:s0+$0xC798];
	_ =	sdelay $0x4  }
0x323: {  	[tilespmem:s2+$0xC798] =	vst v0  }
0x324: {  	v0 =	vld [tilespmem:s0+$0xC7A8]  }
.Ltmp32:
0x325: {  	_ = 	snop;
	(pc) =	sbr.rel .LBB2_46-.Ltmp32, $2  }
0x326: {  	_ =	sdelay $0x2  }
0x327: {  	s6 =	sadd.s32 $0x1, s6;
	[tilespmem:s2+$0xC7A8] =	vst v0  }
.LBB2_43:
.Ltmp33:
0x328: {  	(pc) =	sbr.rel .LBB2_45-.Ltmp33, $2  }
0x329: {  	_ =	sdelay $0x1  }
0x32a: {  	s0 =	smul.u32 $0x600, s13;
	_ =	sdelay $0x1  }
.LBB2_47:
0x32b: {  	s0 =	simm.s32 $0x6;
	p1 =	seq.s32 s6, $0x0  }
0x32c: {  	[sflag:s0] =	ssyncpa.u1 $0x1;
	v0 =	vimm.s32 @p1 $0xFFFFFFFF  }
0x32d: {  	s0 =	sadd.s32 $0xFFFFFFFF, s6;
	[tilespmem:$0xF638] =	vst @p1 v0  }
0x32e: {  	v0 =	vld.msk @!p1 [tilespmem:s0+$0xC618], $0x1;
	_ =	sdelay $0x1  }
0x32f: {  	v1 =	vld.msk @!p1 [tilespmem:$0xC618], $0x1;
	_ =	sdelay $0x2  }
0x330: {  	p2 =	seq.s32 @!p1 s0, $0x0;
	v0 =	vbroadcast @!p1 v0, $0x0  }
0x331: {  	vm0 =	vmmov @!p1 $0x1;
	p3 =	por !p2, p1  }
0x332: {  	p2 =	sne.s32 @!p1 s8, s7;
	v1 =	vnsel @!p1 vm0, $0xFFFFFFFF, v1;
	vm0 =	vcmask @!p1 $0x308;
	v0 =	vpsel !p3, $0xFFFFFFFF, v0  }
0x333: {  	p3 =	por !p2, p1;
	v0 =	vsel @!p1 vm0, v1, v0  }
0x334: {  	s2 =	simm.s32 @!p1 $0xC638;
	s3 =	simm.s32 @!p1 $0x0;
	s4 =	smul.u32 @!p3 $0x600, s0;
	[tilespmem:$0xF638] =	vst @!p1 v0  }
0x335: {  	[spmem:s3] =	stream.linear.scatter @!p1 [tilespmem:s2], [sflag:$0x1], $0x180, $0x38;
	[tilespmem:$0x1B788] =	vst v63  }
0x336: {  	s2 =	sshra.s32 @!p3 s4, $0x2  }
0x337: {  	s3 =	simm.s32 @!p3 $0x180;
	s2 =	sadd.s32 @!p3 $0xC638, s2  }
0x338: {  	[spmem:s3] =	stream.linear.scatter @!p3 [tilespmem:s2], [sflag:$0x1], $0x180, $0x38;
	[tilespmem:$0x1B788] =	vst v63  }
0x339: {  	s2 =	simm.s32 @!p3 $0x1  }
0x33a: {  	_ =	swait.ge @!p3 [sflag:s2], $0x300  }
0x33b: {  	p1 =	por p2, p1;
	[sflag:s2] =	ssyncset.done @!p3 $0x0  }
0x33c: {  	[sflag:s2] =	ssyncadd.s32 @!p3 $0xFFFFFD00;
	s2 =	simm.s32 @!p1 $0x1  }
0x33d: {  	_ =	swait.ge @!p1 [sflag:s2], $0x180  }
0x33e: {  	s29 =	simm.s32 $0xF638;
	[sflag:s2] =	ssyncset.done @!p1 $0x0  }
0x33f: {  	s30 =	simm.s32 $0x3000;
	s31 =	simm.s32 $0x1;
	[sflag:s2] =	ssyncadd.s32 @!p1 $0xFFFFFE80  }
0x340: {  	[spmem:s30] =	stream.linear.scatter [tilespmem:s29], [sflag:$0x1], $0x10, $0x38;
	[tilespmem:$0x1B788] =	vst v63  }
0x341: {  	_ =	swait.ge [sflag:s31], $0x10  }
0x342: {  	[sflag:s31] =	ssyncset.done $0x0  }
0x343: {  	p1 =	seq.s32 s15, $0x0;
	s9 =	rddreg [dreg:$0x1];
	[sflag:s31] =	ssyncadd.s32 $0xFFFFFFF0  }
0x344: {  	s3 =	sshll.u32 @p1 s9, $0xE;
	s8 =	rddreg [dreg:$0x2]  }
0x345: {  	s2 =	sadd.s32 @p1 $0x15C3C, s3;
	s3 =	sshll.u32 @p1 s8, $0x11  }
0x346: {  	_ =	sfence.stream.spmem;
	s2 =	sor.u32 @p1 s3, s2  }
0x347: {  	[sflag:s2] =	ssyncadd.remote.s32 @p1 $0x1;
	s2 =	simm.s32 @p1 $0x4  }
0x348: {  	s4 =	simm.s32 @!p1 $0x3C;
	s3 =	sand.u32 $0xFFFFFFFE, s9;
	_ =	swait.ge @p1 [sflag:s2], $0x62  }
0x349: {  	s5 =	simm.s32 @!p1 $0x0;
	s3 =	sadd.s32 @!p1 $0x4, s3;
	[sflag:s2] =	ssyncset.done @p1 $0x0  }
0x34a: {  	s7 =	simm.s32 @!p1 $0x300;
	[sflag:s2] =	ssyncadd.s32 @p1 $0xFFFFFF9E;
	s2 =	sshll.u32 @!p1 s3, $0x1A  }
0x34b: {  	s3 =	sshll.u32 @!p1 s3, $0xD;
	s2 =	sor.u32 @!p1 s2, s8;
	_ =	swait.eq @!p1 [sflag:s4], $0x1  }
0x34c: {  	s3 =	sor.u32 @!p1 $0x1C04, s3;
	s4 =	simm.s32 @!p1 $0x1C03;
	s2 =	sor.u32 @!p1 $0x80004000, s2  }
0x34d: {  	[spmem:s7], [sflag:s3] =	dma.general @!p1 [spmem:s5], [sflag:s4], length:$0x60, [dreg:$0x0], stride_count:$0x0, ici_dest:s2, dma_misc:DstOpCode:WRITE  }
0x34e: {  	p2 =	slt.s32 s0, $0x2;
	s5 =	simm.s32 @!p1 $0x600;
	s7 =	simm.s32 @!p1 $0x602  }
0x34f: {  	[spmem:s7], [sflag:s3] =	dma.general @!p1 [spmem:s5], [sflag:s4], length:$0x2, [dreg:$0x0], stride_count:$0x0, ici_dest:s2, dma_misc:DstOpCode:WRITE  }
.Ltmp34:
0x350: {  	s2 =	simm.s32 @!p1 $0x3;
	(pc) =	sbr.rel @p2 .LBB2_51-.Ltmp34, $4  }
0x351: {  	s3 =	sshll.u32 @!p1 s9, $0xE;
	_ =	swait.ge @!p1 [sflag:s2], $0x62  }
0x352: {  	s4 =	sshll.u32 @!p1 s8, $0x11;
	s3 =	sadd.s32 @!p1 $0x11C3C, s3;
	[sflag:s2] =	ssyncset.done @!p1 $0x0  }
0x353: {  	[sflag:s2] =	ssyncadd.s32 @!p1 $0xFFFFFF9E;
	s2 =	sor.u32 @!p1 s4, s3  }
0x354: {  	s0 =	simm.s32 $0x0;
	[sflag:s2] =	ssyncadd.remote.s32 @!p1 $0xFFFFFFFF  }
0x355: {  	s0 =	simm.s32 $0xC619  }
0x356: {  	v0 =	vld.msk [tilespmem:s0+$0x0], $0x1;
	_ =	sdelay $0x4  }
0x357: {  	(v2sf) =	vpush v0, $0x0;
	_ =	sdelay $0xe  }
0x358: {  	s2 =	spop (v2sf)  }
0x359: {  	s3 =	sadd.s32 $0xFFFFFFFE, s6;
	s0 =	simm.s32 $0xC7B8;
	p1 =	sgt.u32 s2, $0x751F0  }
0x35a: {  	s4 =	sand.u32 @!p1 $0x7FFF8, s2;
	s5 =	sadd.s32 @!p1 $0x80, s2;
	s6 =	sadd.s32 @!p1 $0x100, s2  }
0x35b: {  	s7 =	sand.u32 @!p1 $0x7, s2;
	s4 =	sadd.s32 @!p1 s1, s4;
	s2 =	sand.u32 @!p1 $0xFFFF8, s5  }
0x35c: {  	[hbm4b:s4+s7] =	stream.linear.scatter @!p1 [tilespmem:s0], [sflag:$0x5], $0x80, $0x38;
	[tilespmem:$0x1B788] =	vst v63  }
0x35d: {  	s4 =	simm.s32 @!p1 $0xC838;
	s2 =	sadd.s32 @!p1 s1, s2  }
0x35e: {  	[hbm4b:s2+s7] =	stream.linear.scatter @!p1 [tilespmem:s4], [sflag:$0x5], $0x80, $0x38;
	[tilespmem:$0x1B788] =	vst v63  }
0x35f: {  	s2 =	sadd.s32 $0xFFFFFFFF, s3  }
0x360: {  	p2 =	sne.s32 s2, $0x0  }
.Ltmp35:
0x361: {  	_ = 	snop;
	(pc) =	sbr.rel @!p2 .LBB2_50-.Ltmp35, $4  }
0x362: {  	s5 =	sand.u32 @!p1 $0xFFFF8, s6  }
0x363: {  	s3 =	simm.s32 @!p1 $0xC8B8;
	s4 =	sadd.s32 @!p1 s1, s5  }
0x364: {  	[hbm4b:s4+s7] =	stream.linear.scatter @!p1 [tilespmem:s3], [sflag:$0x5], $0x80, $0x38;
	[tilespmem:$0x1B788] =	vst v63  }
0x365: {  	s6 =	simm.s32 $0xC61A;
	s5 =	simm.s32 $0x0;
	s4 =	simm.s32 $0x0  }
.LBB2_49:
0x366: {  	s3 =	simm.s32 $0x0  }
0x367: {  	v0 =	vld.msk [tilespmem:s6+$0x0], $0x1;
	s2 =	sadd.s32 $0xFFFFFFFF, s2;
	s3 =	simm.s32 @!p1 $0x600  }
0x368: {  	p2 =	sne.s32 s2, $0x0;
	s5 =	sadd.s32 s5, s3;
	_ =	sdelay $0x3  }
0x369: {  	(v2sf) =	vpush v0, $0x0;
	_ =	sdelay $0xe  }
0x36a: {  	s3 =	spop (v2sf)  }
0x36b: {  	s0 =	sadd.s32 $0x180, s0;
	p1 =	sgt.u32 s3, $0x751F0  }
0x36c: {  	s7 =	sand.u32 @!p1 $0x7FFF8, s3;
	s8 =	sadd.s32 @!p1 $0x80, s3;
	s9 =	sadd.s32 @!p1 $0x100, s3  }
0x36d: {  	s3 =	sand.u32 @!p1 $0x7, s3;
	s7 =	sadd.s32 @!p1 s1, s7;
	s8 =	sand.u32 @!p1 $0xFFFF8, s8  }
0x36e: {  	[hbm4b:s7+s3] =	stream.linear.scatter @!p1 [tilespmem:s0], [sflag:$0x5], $0x80, $0x38;
	[tilespmem:$0x1B788] =	vst v63  }
.Ltmp36:
0x36f: {  	_ = 	snop;
	(pc) =	sbr.rel @p2 .LBB2_49-.Ltmp36, $4  }
0x370: {  	s9 =	sand.u32 @!p1 $0xFFFF8, s9;
	s7 =	sadd.s32 @!p1 $0x80, s0;
	s8 =	sadd.s32 @!p1 s1, s8  }
0x371: {  	[hbm4b:s8+s3] =	stream.linear.scatter @!p1 [tilespmem:s7], [sflag:$0x5], $0x80, $0x38;
	[tilespmem:$0x1B788] =	vst v63  }
0x372: {  	s6 =	sadd.s32 $0x1, s6;
	s7 =	sadd.s32 @!p1 $0x100, s0;
	s8 =	sadd.s32 @!p1 s1, s9  }
0x373: {  	[hbm4b:s8+s3] =	stream.linear.scatter @!p1 [tilespmem:s7], [sflag:$0x5], $0x80, $0x38;
	[tilespmem:$0x1B788] =	vst v63  }
.LBB2_50:
0x374: {  	s4 =	simm.s32 @!p1 $0x600  }
0x375: {  	s0 =	sadd.s32 s5, s4  }
0x376: {  	s0 =	sshrl.u32 s0, $0x2  }
.LBB2_51:
0x377: {  	s2 =	simm.s32 $0x5  }
0x378: {  	_ =	swait.ge [sflag:s2], s0  }
0x379: {  	s31 =	ssub.s32 $0x0, s0;
	[sflag:s2] =	ssyncset.done $0x0  }
0x37a: {  	[sflag:s2] =	ssyncadd.s32 s31  }
0x37b: {  	[sflag:s2] =	ssyncpa.u1 $0x1  }
.LBB2_52:
0x37c: {  	s0 =	sor.u32 s15, s16  }
0x37d: {  	p1 =	sne.s32 s0, $0x0  }
.Ltmp37:
0x37e: {  	_ = 	snop;
	(pc) =	sbr.rel @p1 .LBB2_70-.Ltmp37, $3  }
0x37f: {  	_ =	sdelay $0x1  }
0x380: {  	[bflag:$0x0] =	sbarrier.arrive $0xFFFF  }
0x381: {  	_ =	sfence  }
0x382: {  	s0 =	simm.s32 $0x7  }
0x383: {  	s2 =	simm.s32 $0x3000;
	s3 =	simm.s32 $0xC618;
	[sflag:s0] =	ssyncpa.u1 $0x0  }
0x384: {  	[tilespmem:s3], [sflag:$0x7] =	stream.linear.gather [spmem:s2], $0x20, $0x38;
	[tilespmem:$0x1B788] =	vst v63  }
0x385: {  	s31 =	simm.s32 $0xC638;
	s2 =	simm.s32 $0x0  }
0x386: {  	[tilespmem:s31], [sflag:$0x7] =	stream.linear.gather [spmem:s2], $0x3000, $0x38;
	[tilespmem:$0x1B788] =	vst v63  }
.Ltmp38:
0x387: {  	_ = 	snop;
	(pc) =	sbr.rel .LBB2_54-.Ltmp38, $4  }
0x388: {  	_ =	swait.ge [sflag:s0], $0x3020  }
0x389: {  	s4 =	simm.s32 $0xC488;
	[sflag:s0] =	ssyncset.done $0x0  }
0x38a: {  	s5 =	simm.s32 $0xC508;
	s3 =	simm.s32 $0x8;
	[sflag:s0] =	ssyncadd.s32 $0xFFFFCFE0  }
0x38b: {  	s6 =	simm.s32 $0xC588;
	s7 =	simm.s32 $0x0;
	[sflag:s3] =	ssyncpa.u1 $0x0  }
.LBB2_62:
0x38c: {  	s8 =	sand.u32 $0x7FFF8, s0  }
0x38d: {  	s9 =	sand.u32 $0x7, s0;
	s29 =	sadd.s32 $0x80, s0;
	s8 =	sadd.s32 s1, s8  }
0x38e: {  	[tilespmem:s4], [sflag:$0x8] =	stream.linear.gather [hbm4b:s8+s9], $0x80, $0x38;
	[tilespmem:$0x1B788] =	vst v63  }
0x38f: {  	s30 =	sadd.s32 $0x100, s0;
	s8 =	sand.u32 $0xFFFF8, s29  }
0x390: {  	s0 =	sand.u32 $0xFFFF8, s30;
	s8 =	sadd.s32 s1, s8  }
0x391: {  	[tilespmem:s5], [sflag:$0x8] =	stream.linear.gather [hbm4b:s8+s9], $0x80, $0x38;
	[tilespmem:$0x1B788] =	vst v63  }
0x392: {  	s0 =	sadd.s32 s1, s0  }
0x393: {  	[tilespmem:s6], [sflag:$0x8] =	stream.linear.gather [hbm4b:s0+s9], $0x80, $0x38;
	[tilespmem:$0x1B788] =	vst v63  }
0x394: {  	_ =	swait.ge [sflag:s3], $0x180  }
0x395: {  	[sflag:s3] =	ssyncset.done $0x0  }
0x396: {  	[sflag:s3] =	ssyncadd.s32 $0xFFFFFE80  }
0x397: {  	v1 =	vld [tilespmem:$0xC488];
	_ =	sdelay $0x1  }
0x398: {  	s0 =	smul.u32 $0x600, s7;
	_ =	sdelay $0x1  }
0x399: {  	s31 =	sshra.s32 s0, $0x2  }
0x39a: {  	[tilespmem:s31+$0xC638] =	vst.add.f32.msk $0xffff, v1  }
0x39b: {  	v1 =	vld [tilespmem:$0xC498];
	_ =	sdelay $0x4  }
0x39c: {  	[tilespmem:s31+$0xC648] =	vst.add.f32.msk $0xffff, v1  }
0x39d: {  	v1 =	vld [tilespmem:$0xC4A8];
	_ =	sdelay $0x4  }
0x39e: {  	[tilespmem:s31+$0xC658] =	vst.add.f32.msk $0xffff, v1  }
0x39f: {  	v1 =	vld [tilespmem:$0xC4B8];
	_ =	sdelay $0x4  }
0x3a0: {  	[tilespmem:s31+$0xC668] =	vst.add.f32.msk $0xffff, v1  }
0x3a1: {  	v1 =	vld [tilespmem:$0xC4C8];
	_ =	sdelay $0x4  }
0x3a2: {  	[tilespmem:s31+$0xC678] =	vst.add.f32.msk $0xffff, v1  }
0x3a3: {  	v1 =	vld [tilespmem:$0xC4D8];
	_ =	sdelay $0x4  }
0x3a4: {  	[tilespmem:s31+$0xC688] =	vst.add.f32.msk $0xffff, v1  }
0x3a5: {  	v1 =	vld [tilespmem:$0xC4E8];
	_ =	sdelay $0x4  }
0x3a6: {  	[tilespmem:s31+$0xC698] =	vst.add.f32.msk $0xffff, v1  }
0x3a7: {  	v1 =	vld [tilespmem:$0xC4F8];
	_ =	sdelay $0x4  }
0x3a8: {  	[tilespmem:s31+$0xC6A8] =	vst.add.f32.msk $0xffff, v1  }
0x3a9: {  	v1 =	vld [tilespmem:$0xC508];
	_ =	sdelay $0x4  }
0x3aa: {  	[tilespmem:s31+$0xC6B8] =	vst.add.f32.msk $0xffff, v1  }
0x3ab: {  	v1 =	vld [tilespmem:$0xC518];
	_ =	sdelay $0x4  }
0x3ac: {  	[tilespmem:s31+$0xC6C8] =	vst.add.f32.msk $0xffff, v1  }
0x3ad: {  	v1 =	vld [tilespmem:$0xC528];
	_ =	sdelay $0x4  }
0x3ae: {  	[tilespmem:s31+$0xC6D8] =	vst.add.f32.msk $0xffff, v1  }
0x3af: {  	v1 =	vld [tilespmem:$0xC538];
	_ =	sdelay $0x4  }
0x3b0: {  	[tilespmem:s31+$0xC6E8] =	vst.add.f32.msk $0xffff, v1  }
0x3b1: {  	v1 =	vld [tilespmem:$0xC548];
	_ =	sdelay $0x4  }
0x3b2: {  	[tilespmem:s31+$0xC6F8] =	vst.add.f32.msk $0xffff, v1  }
0x3b3: {  	v1 =	vld [tilespmem:$0xC558];
	_ =	sdelay $0x4  }
0x3b4: {  	[tilespmem:s31+$0xC708] =	vst.add.f32.msk $0xffff, v1  }
0x3b5: {  	v1 =	vld [tilespmem:$0xC568];
	_ =	sdelay $0x4  }
0x3b6: {  	[tilespmem:s31+$0xC718] =	vst.add.f32.msk $0xffff, v1  }
0x3b7: {  	v1 =	vld [tilespmem:$0xC578];
	_ =	sdelay $0x4  }
0x3b8: {  	[tilespmem:s31+$0xC728] =	vst.add.f32.msk $0xffff, v1  }
0x3b9: {  	v1 =	vld [tilespmem:$0xC588];
	_ =	sdelay $0x4  }
0x3ba: {  	[tilespmem:s31+$0xC738] =	vst.add.f32.msk $0xffff, v1  }
0x3bb: {  	v1 =	vld [tilespmem:$0xC598];
	_ =	sdelay $0x4  }
0x3bc: {  	[tilespmem:s31+$0xC748] =	vst.add.f32.msk $0xffff, v1  }
0x3bd: {  	v1 =	vld [tilespmem:$0xC5A8];
	_ =	sdelay $0x4  }
0x3be: {  	[tilespmem:s31+$0xC758] =	vst.add.f32.msk $0xffff, v1  }
0x3bf: {  	v1 =	vld [tilespmem:$0xC5B8];
	_ =	sdelay $0x4  }
0x3c0: {  	[tilespmem:s31+$0xC768] =	vst.add.f32.msk $0xffff, v1  }
0x3c1: {  	v1 =	vld [tilespmem:$0xC5C8];
	_ =	sdelay $0x4  }
0x3c2: {  	[tilespmem:s31+$0xC778] =	vst.add.f32.msk $0xffff, v1  }
0x3c3: {  	v1 =	vld [tilespmem:$0xC5D8];
	_ =	sdelay $0x4  }
0x3c4: {  	[tilespmem:s31+$0xC788] =	vst.add.f32.msk $0xffff, v1  }
0x3c5: {  	v1 =	vld [tilespmem:$0xC5E8];
	_ =	sdelay $0x4  }
0x3c6: {  	[tilespmem:s31+$0xC798] =	vst.add.f32.msk $0xffff, v1  }
0x3c7: {  	v1 =	vld [tilespmem:$0xC5F8];
	_ =	sdelay $0x4  }
0x3c8: {  	[tilespmem:s31+$0xC7A8] =	vst.add.f32.msk $0xffff, v1  }
.LBB2_63:
0x3c9: {  	[tilespmem:s2+$0xC618] =	vst.msk $0x1, v0;
	s0 =	sshra.s32 s0, $0x2  }
0x3ca: {  	v0 =	vld [tilespmem:s0+$0xC638];
	_ =	sdelay $0x1  }
0x3cb: {  	s8 =	smul.u32 $0x600, s2;
	_ =	sdelay $0x1  }
0x3cc: {  	s8 =	sshra.s32 s8, $0x2  }
0x3cd: {  	[tilespmem:s8+$0xC638] =	vst v0  }
0x3ce: {  	v0 =	vld [tilespmem:s0+$0xC648];
	_ =	sdelay $0x4  }
0x3cf: {  	[tilespmem:s8+$0xC648] =	vst v0  }
0x3d0: {  	v0 =	vld [tilespmem:s0+$0xC658];
	_ =	sdelay $0x4  }
0x3d1: {  	[tilespmem:s8+$0xC658] =	vst v0  }
0x3d2: {  	v0 =	vld [tilespmem:s0+$0xC668];
	_ =	sdelay $0x4  }
0x3d3: {  	[tilespmem:s8+$0xC668] =	vst v0  }
0x3d4: {  	v0 =	vld [tilespmem:s0+$0xC678];
	_ =	sdelay $0x4  }
0x3d5: {  	[tilespmem:s8+$0xC678] =	vst v0  }
0x3d6: {  	v0 =	vld [tilespmem:s0+$0xC688];
	_ =	sdelay $0x4  }
0x3d7: {  	[tilespmem:s8+$0xC688] =	vst v0  }
0x3d8: {  	v0 =	vld [tilespmem:s0+$0xC698];
	_ =	sdelay $0x4  }
0x3d9: {  	[tilespmem:s8+$0xC698] =	vst v0  }
0x3da: {  	v0 =	vld [tilespmem:s0+$0xC6A8];
	_ =	sdelay $0x4  }
0x3db: {  	[tilespmem:s8+$0xC6A8] =	vst v0  }
0x3dc: {  	v0 =	vld [tilespmem:s0+$0xC6B8];
	_ =	sdelay $0x4  }
0x3dd: {  	[tilespmem:s8+$0xC6B8] =	vst v0  }
0x3de: {  	v0 =	vld [tilespmem:s0+$0xC6C8];
	_ =	sdelay $0x4  }
0x3df: {  	[tilespmem:s8+$0xC6C8] =	vst v0  }
0x3e0: {  	v0 =	vld [tilespmem:s0+$0xC6D8];
	_ =	sdelay $0x4  }
0x3e1: {  	[tilespmem:s8+$0xC6D8] =	vst v0  }
0x3e2: {  	v0 =	vld [tilespmem:s0+$0xC6E8];
	_ =	sdelay $0x4  }
0x3e3: {  	[tilespmem:s8+$0xC6E8] =	vst v0  }
0x3e4: {  	v0 =	vld [tilespmem:s0+$0xC6F8];
	_ =	sdelay $0x4  }
0x3e5: {  	[tilespmem:s8+$0xC6F8] =	vst v0  }
0x3e6: {  	v0 =	vld [tilespmem:s0+$0xC708];
	_ =	sdelay $0x4  }
0x3e7: {  	[tilespmem:s8+$0xC708] =	vst v0  }
0x3e8: {  	v0 =	vld [tilespmem:s0+$0xC718];
	_ =	sdelay $0x4  }
0x3e9: {  	[tilespmem:s8+$0xC718] =	vst v0  }
0x3ea: {  	v0 =	vld [tilespmem:s0+$0xC728];
	_ =	sdelay $0x4  }
0x3eb: {  	[tilespmem:s8+$0xC728] =	vst v0  }
0x3ec: {  	v0 =	vld [tilespmem:s0+$0xC738];
	_ =	sdelay $0x4  }
0x3ed: {  	[tilespmem:s8+$0xC738] =	vst v0  }
0x3ee: {  	v0 =	vld [tilespmem:s0+$0xC748];
	_ =	sdelay $0x4  }
0x3ef: {  	[tilespmem:s8+$0xC748] =	vst v0  }
0x3f0: {  	v0 =	vld [tilespmem:s0+$0xC758];
	_ =	sdelay $0x4  }
0x3f1: {  	[tilespmem:s8+$0xC758] =	vst v0  }
0x3f2: {  	v0 =	vld [tilespmem:s0+$0xC768];
	_ =	sdelay $0x4  }
0x3f3: {  	[tilespmem:s8+$0xC768] =	vst v0  }
0x3f4: {  	v0 =	vld [tilespmem:s0+$0xC778];
	_ =	sdelay $0x4  }
0x3f5: {  	[tilespmem:s8+$0xC778] =	vst v0  }
0x3f6: {  	v0 =	vld [tilespmem:s0+$0xC788];
	_ =	sdelay $0x4  }
0x3f7: {  	[tilespmem:s8+$0xC788] =	vst v0  }
0x3f8: {  	v0 =	vld [tilespmem:s0+$0xC798];
	_ =	sdelay $0x4  }
0x3f9: {  	[tilespmem:s8+$0xC798] =	vst v0  }
0x3fa: {  	v0 =	vld [tilespmem:s0+$0xC7A8];
	_ =	sdelay $0x4  }
0x3fb: {  	s2 =	sadd.s32 $0x1, s2;
	[tilespmem:s8+$0xC7A8] =	vst v0  }
.LBB2_64:
0x3fc: {  	s7 =	sadd.s32 $0x1, s7  }
0x3fd: {  	p1 =	sne.s32 s7, $0x20  }
.Ltmp39:
0x3fe: {  	_ = 	snop;
	(pc) =	sbr.rel @!p1 .LBB2_65-.Ltmp39, $1  }
0x3ff: {  	_ =	sdelay $0x3  }
.LBB2_54:
0x400: {  	v0 =	vld.msk [tilespmem:s7+$0xC618], $0x1;
	_ =	sdelay $0x4  }
0x401: {  	(v2sf) =	vpush v0, $0x0;
	_ =	sdelay $0xe  }
0x402: {  	s0 =	spop (v2sf)  }
0x403: {  	p1 =	seq.s32 s0, $0xFFFFFFFF  }
.Ltmp40:
0x404: {  	_ = 	snop;
	(pc) =	sbr.rel @p1 .LBB2_64-.Ltmp40, $1  }
0x405: {  	_ =	sdelay $0x3  }
0x406: {  	p1 =	slt.s32 s2, $0x1  }
.Ltmp41:
0x407: {  	_ = 	snop;
	(pc) =	sbr.rel @p1 .LBB2_60-.Ltmp41, $1  }
0x408: {  	_ =	sdelay $0x3  }
0x409: {  	s8 =	simm.s32 $0xC618;
	p1 =	por $0x0, $0x0  }
0x40a: {  	v1 =	vld.msk @!p1 [tilespmem:s8+$0x0], $0x1;
	_ =	sdelay $0x4  }
0x40b: {  	(v2sf) =	vpush @!p1 v1, $0x0;
	_ =	sdelay $0xd  }
0x40c: {  	p3 =	sne.s32 s2, $0x1  }
.Ltmp42:
0x40d: {  	s9 =	spop @!p1 (v2sf);
	(pc) =	sbr.rel @!p3 .LBB2_58-.Ltmp42, $4  }
0x40e: {  	p2 =	seq.s32 @!p1 s0, s9  }
0x40f: {  	s9 =	simm.s32 $0x0;
	p2 =	por !p2, p1  }
0x410: {  	s11 =	simm.s32 $0xFFFFFFFF;
	s9 =	simm.s32 @p2 $0xFFFFFFFF  }
0x411: {  	s10 =	simm.s32 $0x1;
	s9 =	smov.u32 @p1 s11  }
.LBB2_57:
0x412: {  	s11 =	smov.u32 s9;
	p1 =	sne.s32 s9, $0xFFFFFFFF  }
0x413: {  	s8 =	sadd.s32 $0x1, s8;
	s9 =	smov.u32 s10;
	s10 =	sadd.s32 $0x1, s10  }
0x414: {  	p2 =	sne.s32 s2, s10;
	v1 =	vld.msk @!p1 [tilespmem:s8+$0x0], $0x1;
	_ =	sdelay $0x4  }
0x415: {  	(v2sf) =	vpush @!p1 v1, $0x0;
	_ =	sdelay $0xe  }
.Ltmp43:
0x416: {  	s12 =	spop @!p1 (v2sf);
	(pc) =	sbr.rel @p2 .LBB2_57-.Ltmp43, $4  }
0x417: {  	p3 =	seq.s32 @!p1 s0, s12  }
0x418: {  	p3 =	por !p3, p1  }
0x419: {  	s9 =	simm.s32 @p3 $0xFFFFFFFF  }
0x41a: {  	s9 =	smov.u32 @p1 s11  }
.LBB2_58:
0x41b: {  	p1 =	seq.s32 s9, $0xFFFFFFFF  }
.Ltmp44:
0x41c: {  	_ = 	snop;
	(pc) =	sbr.rel @p1 .LBB2_60-.Ltmp44, $1  }
0x41d: {  	_ =	sdelay $0x3  }
0x41e: {  	s0 =	smul.u32 $0x600, s7;
	_ =	sdelay $0x1  }
0x41f: {  	s0 =	sshra.s32 s0, $0x2  }
0x420: {  	v0 =	vld [tilespmem:s0+$0xC638];
	_ =	sdelay $0x1  }
0x421: {  	s8 =	smul.u32 $0x600, s9;
	_ =	sdelay $0x1  }
0x422: {  	s8 =	sshra.s32 s8, $0x2  }
0x423: {  	[tilespmem:s8+$0xC638] =	vst.add.f32.msk $0xffff, v0  }
0x424: {  	v0 =	vld [tilespmem:s0+$0xC648];
	_ =	sdelay $0x4  }
0x425: {  	[tilespmem:s8+$0xC648] =	vst.add.f32.msk $0xffff, v0  }
0x426: {  	v0 =	vld [tilespmem:s0+$0xC658];
	_ =	sdelay $0x4  }
0x427: {  	[tilespmem:s8+$0xC658] =	vst.add.f32.msk $0xffff, v0  }
0x428: {  	v0 =	vld [tilespmem:s0+$0xC668];
	_ =	sdelay $0x4  }
0x429: {  	[tilespmem:s8+$0xC668] =	vst.add.f32.msk $0xffff, v0  }
0x42a: {  	v0 =	vld [tilespmem:s0+$0xC678];
	_ =	sdelay $0x4  }
0x42b: {  	[tilespmem:s8+$0xC678] =	vst.add.f32.msk $0xffff, v0  }
0x42c: {  	v0 =	vld [tilespmem:s0+$0xC688];
	_ =	sdelay $0x4  }
0x42d: {  	[tilespmem:s8+$0xC688] =	vst.add.f32.msk $0xffff, v0  }
0x42e: {  	v0 =	vld [tilespmem:s0+$0xC698];
	_ =	sdelay $0x4  }
0x42f: {  	[tilespmem:s8+$0xC698] =	vst.add.f32.msk $0xffff, v0  }
0x430: {  	v0 =	vld [tilespmem:s0+$0xC6A8];
	_ =	sdelay $0x4  }
0x431: {  	[tilespmem:s8+$0xC6A8] =	vst.add.f32.msk $0xffff, v0  }
0x432: {  	v0 =	vld [tilespmem:s0+$0xC6B8];
	_ =	sdelay $0x4  }
0x433: {  	[tilespmem:s8+$0xC6B8] =	vst.add.f32.msk $0xffff, v0  }
0x434: {  	v0 =	vld [tilespmem:s0+$0xC6C8];
	_ =	sdelay $0x4  }
0x435: {  	[tilespmem:s8+$0xC6C8] =	vst.add.f32.msk $0xffff, v0  }
0x436: {  	v0 =	vld [tilespmem:s0+$0xC6D8];
	_ =	sdelay $0x4  }
0x437: {  	[tilespmem:s8+$0xC6D8] =	vst.add.f32.msk $0xffff, v0  }
0x438: {  	v0 =	vld [tilespmem:s0+$0xC6E8];
	_ =	sdelay $0x4  }
0x439: {  	[tilespmem:s8+$0xC6E8] =	vst.add.f32.msk $0xffff, v0  }
0x43a: {  	v0 =	vld [tilespmem:s0+$0xC6F8];
	_ =	sdelay $0x4  }
0x43b: {  	[tilespmem:s8+$0xC6F8] =	vst.add.f32.msk $0xffff, v0  }
0x43c: {  	v0 =	vld [tilespmem:s0+$0xC708];
	_ =	sdelay $0x4  }
0x43d: {  	[tilespmem:s8+$0xC708] =	vst.add.f32.msk $0xffff, v0  }
0x43e: {  	v0 =	vld [tilespmem:s0+$0xC718];
	_ =	sdelay $0x4  }
0x43f: {  	[tilespmem:s8+$0xC718] =	vst.add.f32.msk $0xffff, v0  }
0x440: {  	v0 =	vld [tilespmem:s0+$0xC728];
	_ =	sdelay $0x4  }
0x441: {  	[tilespmem:s8+$0xC728] =	vst.add.f32.msk $0xffff, v0  }
0x442: {  	v0 =	vld [tilespmem:s0+$0xC738];
	_ =	sdelay $0x4  }
0x443: {  	[tilespmem:s8+$0xC738] =	vst.add.f32.msk $0xffff, v0  }
0x444: {  	v0 =	vld [tilespmem:s0+$0xC748];
	_ =	sdelay $0x4  }
0x445: {  	[tilespmem:s8+$0xC748] =	vst.add.f32.msk $0xffff, v0  }
0x446: {  	v0 =	vld [tilespmem:s0+$0xC758];
	_ =	sdelay $0x4  }
0x447: {  	[tilespmem:s8+$0xC758] =	vst.add.f32.msk $0xffff, v0  }
0x448: {  	v0 =	vld [tilespmem:s0+$0xC768];
	_ =	sdelay $0x4  }
0x449: {  	[tilespmem:s8+$0xC768] =	vst.add.f32.msk $0xffff, v0  }
0x44a: {  	v0 =	vld [tilespmem:s0+$0xC778];
	_ =	sdelay $0x4  }
0x44b: {  	[tilespmem:s8+$0xC778] =	vst.add.f32.msk $0xffff, v0  }
0x44c: {  	v0 =	vld [tilespmem:s0+$0xC788];
	_ =	sdelay $0x4  }
0x44d: {  	[tilespmem:s8+$0xC788] =	vst.add.f32.msk $0xffff, v0  }
0x44e: {  	v0 =	vld [tilespmem:s0+$0xC798];
	_ =	sdelay $0x4  }
0x44f: {  	[tilespmem:s8+$0xC798] =	vst.add.f32.msk $0xffff, v0  }
0x450: {  	v0 =	vld [tilespmem:s0+$0xC7A8]  }
.Ltmp45:
0x451: {  	_ = 	snop;
	(pc) =	sbr.rel .LBB2_64-.Ltmp45, $2  }
0x452: {  	_ =	sdelay $0x2  }
0x453: {  	[tilespmem:s8+$0xC7A8] =	vst.add.f32.msk $0xffff, v0  }
.LBB2_60:
0x454: {  	p1 =	slt.u32 s0, $0x751F1  }
.Ltmp46:
0x455: {  	_ = 	snop;
	(pc) =	sbr.rel @p1 .LBB2_62-.Ltmp46, $1  }
0x456: {  	_ =	sdelay $0x3  }
.Ltmp47:
0x457: {  	(pc) =	sbr.rel .LBB2_63-.Ltmp47, $2  }
0x458: {  	_ =	sdelay $0x1  }
0x459: {  	s0 =	smul.u32 $0x600, s7;
	_ =	sdelay $0x1  }
.LBB2_65:
0x45a: {  	p1 =	slt.s32 s2, $0x1  }
.Ltmp48:
0x45b: {  	_ = 	snop;
	(pc) =	sbr.rel @p1 .LBB2_69-.Ltmp48, $3  }
0x45c: {  	_ =	sdelay $0x1  }
0x45d: {  	s0 =	simm.s32 $0x8  }
0x45e: {  	[sflag:s0] =	ssyncpa.u1 $0x1;
	s0 =	simm.s32 $0x0  }
0x45f: {  	s3 =	simm.s32 $0xC618  }
0x460: {  	v0 =	vld.msk [tilespmem:s3+$0x0], $0x1;
	_ =	sdelay $0x4  }
0x461: {  	(v2sf) =	vpush v0, $0x0;
	_ =	sdelay $0xe  }
0x462: {  	s4 =	spop (v2sf)  }
0x463: {  	s2 =	sadd.s32 $0xFFFFFFFF, s2;
	p1 =	sgt.u32 s4, $0x751F0  }
0x464: {  	s3 =	simm.s32 $0xC638;
	p2 =	sne.s32 s2, $0x0;
	s5 =	sand.u32 @!p1 $0x7FFF8, s4  }
0x465: {  	s6 =	sadd.s32 @!p1 $0x80, s4;
	s7 =	sadd.s32 @!p1 $0x100, s4;
	s4 =	sand.u32 @!p1 $0x7, s4  }
0x466: {  	s5 =	sadd.s32 @!p1 s1, s5;
	s6 =	sand.u32 @!p1 $0xFFFF8, s6;
	s7 =	sand.u32 @!p1 $0xFFFF8, s7  }
0x467: {  	[hbm4b:s5+s4] =	stream.linear.scatter @!p1 [tilespmem:s3], [sflag:$0x7], $0x80, $0x38;
	[tilespmem:$0x1B788] =	vst v63  }
.Ltmp49:
0x468: {  	s5 =	simm.s32 @!p1 $0xC6B8;
	s6 =	sadd.s32 @!p1 s1, s6;
	(pc) =	sbr.rel @!p2 .LBB2_68-.Ltmp49, $4  }
0x469: {  	[hbm4b:s6+s4] =	stream.linear.scatter @!p1 [tilespmem:s5], [sflag:$0x7], $0x80, $0x38;
	[tilespmem:$0x1B788] =	vst v63  }
0x46a: {  	s5 =	simm.s32 @!p1 $0xC738;
	s6 =	sadd.s32 @!p1 s1, s7  }
0x46b: {  	[hbm4b:s6+s4] =	stream.linear.scatter @!p1 [tilespmem:s5], [sflag:$0x7], $0x80, $0x38;
	[tilespmem:$0x1B788] =	vst v63  }
0x46c: {  	s4 =	simm.s32 $0x0;
	s5 =	simm.s32 $0xC619  }
.LBB2_67:
0x46d: {  	s6 =	simm.s32 $0x0  }
0x46e: {  	v0 =	vld.msk [tilespmem:s5+$0x0], $0x1;
	s2 =	sadd.s32 $0xFFFFFFFF, s2;
	s6 =	simm.s32 @!p1 $0x600  }
0x46f: {  	p2 =	sne.s32 s2, $0x0;
	s0 =	sadd.s32 s0, s6;
	_ =	sdelay $0x3  }
0x470: {  	(v2sf) =	vpush v0, $0x0;
	_ =	sdelay $0xe  }
0x471: {  	s6 =	spop (v2sf)  }
0x472: {  	s3 =	sadd.s32 $0x180, s3;
	p1 =	sgt.u32 s6, $0x751F0  }
0x473: {  	s7 =	sand.u32 @!p1 $0x7FFF8, s6;
	s8 =	sadd.s32 @!p1 $0x80, s6;
	s9 =	sadd.s32 @!p1 $0x100, s6  }
0x474: {  	s6 =	sand.u32 @!p1 $0x7, s6;
	s7 =	sadd.s32 @!p1 s1, s7;
	s8 =	sand.u32 @!p1 $0xFFFF8, s8  }
0x475: {  	[hbm4b:s7+s6] =	stream.linear.scatter @!p1 [tilespmem:s3], [sflag:$0x7], $0x80, $0x38;
	[tilespmem:$0x1B788] =	vst v63  }
.Ltmp50:
0x476: {  	_ = 	snop;
	(pc) =	sbr.rel @p2 .LBB2_67-.Ltmp50, $4  }
0x477: {  	s9 =	sand.u32 @!p1 $0xFFFF8, s9;
	s7 =	sadd.s32 @!p1 $0x80, s3;
	s8 =	sadd.s32 @!p1 s1, s8  }
0x478: {  	[hbm4b:s8+s6] =	stream.linear.scatter @!p1 [tilespmem:s7], [sflag:$0x7], $0x80, $0x38;
	[tilespmem:$0x1B788] =	vst v63  }
0x479: {  	s5 =	sadd.s32 $0x1, s5;
	s7 =	sadd.s32 @!p1 $0x100, s3;
	s8 =	sadd.s32 @!p1 s1, s9  }
0x47a: {  	[hbm4b:s8+s6] =	stream.linear.scatter @!p1 [tilespmem:s7], [sflag:$0x7], $0x80, $0x38;
	[tilespmem:$0x1B788] =	vst v63  }
.LBB2_68:
0x47b: {  	s4 =	simm.s32 @!p1 $0x600  }
0x47c: {  	s0 =	sadd.s32 s0, s4  }
0x47d: {  	s0 =	sshrl.u32 s0, $0x2  }
.LBB2_69:
0x47e: {  	s1 =	simm.s32 $0x7  }
0x47f: {  	_ =	swait.ge [sflag:s1], s0  }
0x480: {  	s31 =	ssub.s32 $0x0, s0;
	[sflag:s1] =	ssyncset.done $0x0  }
0x481: {  	[sflag:s1] =	ssyncadd.s32 s31  }
0x482: {  	[sflag:s1] =	ssyncpa.u1 $0x1  }
.LBB2_70:
0x483: {  	_ =	sfence;
	s0 =	simm.s32 $0x1  }
0x484: {  	[sflag:s0] =	ssyncpa.u1 $0x1  }
0x485: {  	_ =	strace $0x90000053  }
0x486: {  	[bflag:$0x2] =	sbarrier.arrive $0xFFFF  }
0x487: {  	s0 =	rddreg [dreg:$0x3]  }
0x488: {  	s0 =	sadd.s32 @!p0 $0x100000, s0  }
0x489: {  	[sflag:s0] =	ssyncadd.tile.s32 @!p0 $0x1;
	_ =	shalt  }
.Lfunc_end2:
_tile_overlayer_lowered:
.L_overlay_start_2:
0x48a: {  	(tag) =	ssettag $0x2  }
0x48b: {  	s0 =	rddreg [dreg:$0x0];
	s2 =	stileid.u32  }
0x48c: {  	s1 =	rddreg [dreg:$0x1];
	p0 =	sne.s32 s2, $0x0  }
0x48d: {  	s3 =	rddreg [dreg:$0x2];
	[bflag:$0x3] =	sbarrier.arrive $0xFFFF;
	s2 =	simm.s32 @!p0 $0x1C01  }
0x48e: {  	[timem:s3], [sflag:s2] =	dma.local @!p0 [hbm:s0], s1  }
0x48f: {  	s0 =	simm.s32 @!p0 $0x1  }
0x490: {  	_ =	swait.ge @!p0 [sflag:s0], s1  }
0x491: {  	s1 =	ssub.s32 @!p0 $0x0, s1;
	[sflag:s0] =	ssyncset.done @!p0 $0x0  }
0x492: {  	[sflag:s0] =	ssyncadd.s32 @!p0 s1  }
0x493: {  	[bflag:$0x3] =	sbarrier.arrive $0xFFFF  }
0x494: {  	_ =	shalt  }

// kernel: scatter_offload_async_start
scs
__scs_entry_jumppad:
0x0: {  	(pc) =	sbr.rel $0x88, $3  }
0x1: {  	(tag) =	ssettag $0x0;
	lr =	simm.s32 $0x1  }
0x2: {  	[smem:$0x3F80] =	sst lr;
	_ =	strace $0xD0000000  }
0x3: {  	_ = 	snop  }
0x4: {  	_ = 	snop  }
0x5: {  	_ = 	snop  }
0x6: {  	_ = 	snop  }
0x7: {  	_ = 	snop  }
__scs_overlays_trampoline_lowered:
0x8: {  	[smem:$0x3F8F] =	sst s0  }
0x9: {  	[smem:$0x3F90] =	sst s1  }
0xa: {  	[smem:$0x3F91] =	sst s2  }
0xb: {  	[smem:$0x3F92] =	sst s3  }
0xc: {  	[smem:$0x3F93] =	sst s4  }
0xd: {  	[smem:$0x3F94] =	sst s5  }
0xe: {  	[smem:$0x3F95] =	sst s6  }
0xf: {  	[smem:$0x3F96] =	sst s7  }
0x10: {  	[smem:$0x3F97] =	sst s8  }
0x11: {  	[smem:$0x3F98] =	sst s9;
	s0 =	simm.s32 @!p0 $0x0  }
0x12: {  	s1 =	sld [smem:$0x3F7E];
	s0 =	simm.s32 @p0 $0x1  }
0x13: {  	[smem:$0x3F99] =	sst s0;
	s0 =	simm.s32 @!p1 $0x0  }
0x14: {  	s2 =	sld [smem:$0x3F7D];
	s0 =	simm.s32 @p1 $0x1  }
0x15: {  	[smem:$0x3F9A] =	sst s0;
	s0 =	simm.s32 @!p2 $0x0  }
0x16: {  	s3 =	sld [smem:$0x3FDB];
	s0 =	simm.s32 @p2 $0x1  }
0x17: {  	s4 =	simm.s32 $0x1BF5;
	[smem:$0x3F9C] =	sst s0  }
0x18: {  	s0 =	sld [smem:$0x3F7F];
	_ =	swait.ge [sflag:s4], $0x0  }
0x19: {  	s7 =	sld [smem:$0x3F80]  }
0x1a: {  	s8 =	sadd.s32 $0xFFFFE003, lr  }
0x1b: {  	s9 =	sadd.s32 $0xFFFFFEF7, lr;
	s5 =	simm.s32 $0xFFFFFFFF;
	p2 =	slt.u32 s8, $0xFFFFF086  }
0x1c: {  	p1 =	slt.u32 s9, $0xF7A;
	s5 =	simm.s32 @!p2 $0x0  }
0x1d: {  	s5 =	simm.s32 @p1 $0x1;
	p0 =	seq.s32 s7, s2  }
0x1e: {  	s7 =	smul.u32 @!p0 $0xF7A, s2;
	p2 =	seq.s32 @!p0 s5, $0x0  }
0x1f: {  	s9 =	smul.u32 $0xF7A, s1;
	s8 =	simm.s32 @!p0 $0x1BF5;
	p2 =	por !p2, p0  }
0x20: {  	[sflag:s8] =	ssyncset.s32 @!p0 $0xFFFFF086;
	s6 =	sadd.s32 @!p0 s3, s7;
	s7 =	simm.s32 @!p0 $0x108  }
0x21: {  	s3 =	sadd.s32 s3, s9;
	s6 =	sadd.s32 @!p0 $0x88, s6;
	s7 =	simm.s32 @p2 $0x1082  }
0x22: {  	[simem:s7], [sflag:s8] =	dma.local @!p0 [hbm:s6], $0xF7A  }
0x23: {  	s9 =	sor.u32 $0xD0000000, s2;
	s6 =	simm.s32 $0x108;
	_ =	swait.ge @!p0 [sflag:s8], $0x0  }
0x24: {  	s3 =	sadd.s32 $0x88, s3;
	s6 =	simm.s32 @!p1 $0x1082;
	[sflag:s4] =	ssyncset.s32 $0xFFFFF086  }
0x25: {  	[simem:s6], [sflag:s4] =	dma.local [hbm:s3], $0xF7A  }
0x26: {  	[smem:$0x3F80] =	sst s1;
	(tag) =	ssettag s2;
	_ =	strace s9  }
0x27: {  	s1 =	sld [smem:$0x3F90]  }
0x28: {  	s2 =	sld [smem:$0x3F91]  }
0x29: {  	s4 =	sld [smem:$0x3F93]  }
0x2a: {  	p0 =	seq.s32 s5, $0x0;
	s5 =	sld [smem:$0x3F94]  }
0x2b: {  	s6 =	sld [smem:$0x3F95]  }
0x2c: {  	s7 =	sld [smem:$0x3F96]  }
0x2d: {  	s3 =	simm.s32 $0x108;
	s8 =	sld [smem:$0x3F97]  }
0x2e: {  	s3 =	simm.s32 @!p0 $0x1082;
	s9 =	sld [smem:$0x3F98]  }
0x2f: {  	lr =	sadd.s32 s0, s3;
	s0 =	sld [smem:$0x3F8F]  }
0x30: {  	s3 =	sld [smem:$0x3F92]  }
0x31: {  	[smem:$0x3F9B] =	sst s10  }
0x32: {  	s10 =	sld [smem:$0x3F99];
	_ =	sdelay $0x3  }
0x33: {  	p0 =	seq.s32 s10, $0x1;
	s10 =	sld [smem:$0x3F9B];
	_ =	sdelay $0x3  }
0x34: {  	[smem:$0x3F9B] =	sst s10  }
0x35: {  	s10 =	sld [smem:$0x3F9A];
	_ =	sdelay $0x3  }
0x36: {  	p1 =	seq.s32 s10, $0x1;
	s10 =	sld [smem:$0x3F9B];
	_ =	sdelay $0x3  }
0x37: {  	[smem:$0x3F9B] =	sst s10  }
0x38: {  	s10 =	sld [smem:$0x3F9C]  }
0x39: {  	_ = 	snop;
	(pc) =	sbr.ind lr, $3  }
0x3a: {  	_ = 	snop  }
0x3b: {  	_ = 	snop  }
0x3c: {  	p2 =	seq.s32 s10, $0x1;
	s10 =	sld [smem:$0x3F9B]  }
0x3d: {  	_ =	shalt  }
0x3e: {  	_ =	shalt  }
0x3f: {  	_ =	shalt  }
0x40: {  	_ =	shalt  }
0x41: {  	_ =	shalt  }
0x42: {  	_ =	shalt  }
0x43: {  	_ =	shalt  }
0x44: {  	_ =	shalt  }
0x45: {  	_ =	shalt  }
0x46: {  	_ =	shalt  }
0x47: {  	_ =	shalt  }
0x48: {  	_ =	shalt  }
0x49: {  	_ =	shalt  }
0x4a: {  	_ =	shalt  }
0x4b: {  	_ =	shalt  }
0x4c: {  	_ =	shalt  }
0x4d: {  	_ =	shalt  }
0x4e: {  	_ =	shalt  }
0x4f: {  	_ =	shalt  }
0x50: {  	_ =	shalt  }
0x51: {  	_ =	shalt  }
0x52: {  	_ =	shalt  }
0x53: {  	_ =	shalt  }
0x54: {  	_ =	shalt  }
0x55: {  	_ =	shalt  }
0x56: {  	_ =	shalt  }
0x57: {  	_ =	shalt  }
0x58: {  	_ =	shalt  }
0x59: {  	_ =	shalt  }
0x5a: {  	_ =	shalt  }
0x5b: {  	_ =	shalt  }
0x5c: {  	_ =	shalt  }
0x5d: {  	_ =	shalt  }
0x5e: {  	_ =	shalt  }
0x5f: {  	_ =	shalt  }
0x60: {  	_ =	shalt  }
0x61: {  	_ =	shalt  }
0x62: {  	_ =	shalt  }
0x63: {  	_ =	shalt  }
0x64: {  	_ =	shalt  }
0x65: {  	_ =	shalt  }
0x66: {  	_ =	shalt  }
0x67: {  	_ =	shalt  }
0x68: {  	_ =	shalt  }
0x69: {  	_ =	shalt  }
0x6a: {  	_ =	shalt  }
0x6b: {  	_ =	shalt  }
0x6c: {  	_ =	shalt  }
0x6d: {  	_ =	shalt  }
0x6e: {  	_ =	shalt  }
0x6f: {  	_ =	shalt  }
0x70: {  	_ =	shalt  }
0x71: {  	_ =	shalt  }
0x72: {  	_ =	shalt  }
0x73: {  	_ =	shalt  }
0x74: {  	_ =	shalt  }
0x75: {  	_ =	shalt  }
0x76: {  	_ =	shalt  }
0x77: {  	_ =	shalt  }
0x78: {  	_ =	shalt  }
0x79: {  	_ =	shalt  }
0x7a: {  	_ =	shalt  }
0x7b: {  	_ =	shalt  }
0x7c: {  	_ =	shalt  }
0x7d: {  	_ =	shalt  }
0x7e: {  	_ =	shalt  }
0x7f: {  	_ =	shalt  }
0x80: {  	_ =	shalt  }
0x81: {  	_ =	shalt  }
0x82: {  	_ =	shalt  }
0x83: {  	_ =	shalt  }
0x84: {  	_ =	shalt  }
0x85: {  	_ =	shalt  }
0x86: {  	_ =	shalt  }
0x87: {  	_ =	shalt  }
.Lfunc_end0:
.L_simem_size_0:
called_computation_lowered:
.L_overlay_start_0:
0x88: {  	s2 =	sld [smem:$0x3FD9]  }
0x89: {  	s3 =	sld [smem:$0x3FFE];
	_ =	sdelay $0x1  }
0x8a: {  	s1 =	srdreg.scid  }
0x8b: {  	s0 =	sand.u32 $0x1, s1  }
0x8c: {  	s15 =	sshll.u32 s0, $0xA;
	s2 =	sadd.s32 s3, s2  }
0x8d: {  	s2 =	sadd.s32 s2, s15  }
0x8e: {  	[smem:$0x3FA7] =	sst s2  }
0x8f: {  	_ = 	snop  }
0x90: {  	(tm) =	ssettm $0x1  }
0x91: {  	s16 =	sld [smem:$0x3FFB];
	_ =	sdelay $0x3  }
0x92: {  	_ =	strace s16  }
0x93: {  	s2 =	sld [smem:$0x3FFC];
	_ =	sdelay $0x3  }
0x94: {  	_ =	strace s2  }
0x95: {  	s2 =	sld [smem:$0x3FFD];
	_ =	sdelay $0x3  }
0x96: {  	_ =	strace s2  }
0x97: {  	_ =	strace $0x8FFFFFFF  }
0x98: {  	s17 =	sld [smem:$0x3FDB];
	_ =	sdelay $0x1  }
0x99: {  	s18 =	simm.s32 $_scs_section_size  }
0x9a: {  	s4 =	simm.s32 $_size__tile_overlayer_lowered;
	s5 =	simm.s32 $_tile_overlayer_lowered  }
0x9b: {  	s21 =	simm.s32 $0x1BFF;
	s20 =	sshll.u32 s5, $0x1;
	s2 =	sadd.s32 s18, s17  }
0x9c: {  	s6 =	simm.s32 $0x0;
	s19 =	sshll.u32 s4, $0x1;
	s4 =	sadd.s32 s20, s2  }
0x9d: {  	[timem:s6], [sflag:s21] =	dma.local [hbm:s4], s19  }
0x9e: {  	_ =	swait.ge [sflag:s21], s19  }
0x9f: {  	s3 =	ssub.s32 $0x0, s19;
	[sflag:s21] =	ssyncset.done $0x0  }
0xa0: {  	[sflag:s21] =	ssyncadd.s32 s3;
	_ =	sdelay $0x1  }
0xa1: {  	s22 =	simm.s32 $0x1B8B  }
0xa2: {  	_ =	swait.ge [sflag:s22], $0x1  }
0xa3: {  	[sflag:s22] =	ssyncset.done $0x0  }
0xa4: {  	s23 =	sld [smem:$0x3FFE];
	[sflag:s22] =	ssyncadd.s32 $0xFFFFFFFF  }
0xa5: {  	s25 =	simm.s32 $0x1B8E;
	s24 =	sld [smem:$0x0]  }
0xa6: {  	s26 =	simm.s32 $execute0_lowered;
	[smem:$0x3FD2] =	sst s25  }
0xa7: {  	s5 =	sshll.u32 s26, $0x1;
	_ =	strace $0x8000004F;
	[dreg:$0x1] =	wrdreg $0xFFFFFFFF  }
0xa8: {  	s28 =	simm.s32 $_size_execute0_lowered;
	s2 =	sadd.s32 s2, s5;
	[dreg:$0x0] =	wrdreg $0x0  }
0xa9: {  	s5 =	sshll.u32 s28, $0x1;
	[dreg:$0x2] =	wrdreg s2  }
0xaa: {  	[dreg:$0x3] =	wrdreg s5  }
0xab: {  	[dreg:$0x4] =	wrdreg $0xC0  }
0xac: {  	_ =	task [dreg:s6], $0x5FFFF  }
0xad: {  	[dreg:$0x1] =	wrdreg $0xFFFFFFFF  }
0xae: {  	[dreg:$0x0] =	wrdreg $0x60  }
0xaf: {  	[dreg:$0x2] =	wrdreg s23  }
0xb0: {  	[dreg:$0x3] =	wrdreg s1  }
0xb1: {  	[dreg:$0x4] =	wrdreg s24  }
0xb2: {  	[dreg:$0x5] =	wrdreg $0x9  }
0xb3: {  	_ =	task.clear_ibuf [dreg:s6], $0x6FFFF;
	_ =	strace $0x9000004F  }
0xb4: {  	s29 =	simm.s32 $0x9;
	_ =	strace $0x80000051  }
0xb5: {  	_ =	swait.ge [sflag:s29], $0x1  }
0xb6: {  	[sflag:s29] =	ssyncadd.s32 $0xFFFFFFFF  }
0xb7: {  	_ =	strace $0x90000051  }
0xb8: {  	_ =	sfence  }
0xb9: {  	s30 =	sld [smem:$0x0];
	_ =	sdelay $0x2  }
0xba: {  	s31 =	sshll.u32 s1, $0xD;
	s1 =	sshrl.u32 s1, $0x2  }
0xbb: {  	s3 =	sand.u32 $0x4000, s31;
	s1 =	sadd.s32 s1, s30  }
0xbc: {  	s0 =	sor.u32 s3, s0;
	s1 =	sshll.u32 s1, $0x11  }
0xbd: {  	s0 =	sor.u32 s1, s0  }
0xbe: {  	s0 =	sadd.s32 $0x8F2B, s0  }
0xbf: {  	[sflag:s0] =	ssyncadd.remote.s32 $0x1  }
0xc0: {  	_ =	sfence.sel $0xFFFF  }
0xc1: {  	[dreg:$0x0] =	wrdreg $0xFFFFFFFF;
	(pc) =	sbr.abs _section_cstart, $3  }
0xc2: {  	[dreg:$0x1] =	wrdreg $0xFFFFFFFF  }
0xc3: {  	_ =	task.clear_ibuf [dreg:s6], $0x2FFFF;
	_ =	strace $0x9FFFFFFF  }
0xc4: {  	(tm) =	ssettm $0x7FFFFFFF  }
0xc5: {  	_ =	shalt  }
tec
execute0_lowered:
.L_overlay_start_1:
0x0: {  	(tag) =	ssettag $0x1  }
0x1: {  	s2 =	rddreg [dreg:$0x0]  }
0x2: {  	s4 =	rddreg [dreg:$0x1];
	_ =	strace $0x80000050;
	s0 =	simm.s32 $0x1  }
0x3: {  	s3 =	simm.s32 $0x308;
	v0 =	vimm.s32 $0x0;
	[sflag:s0] =	ssyncpa.u1 $0x0  }
0x4: {  	[tilespmem:s3+$0x70] =	vst v0  }
0x5: {  	[tilespmem:s3+$0x60] =	vst v0  }
0x6: {  	[tilespmem:s3+$0x50] =	vst v0  }
0x7: {  	[tilespmem:s3+$0x40] =	vst v0  }
0x8: {  	[tilespmem:s3+$0x30] =	vst v0  }
0x9: {  	s1 =	sadd.s32 $0xA1000, s2;
	s0 =	sadd.s32 $0x77600, s2;
	s6 =	sadd.s32 $0x1DED000, s2;
	[tilespmem:s3+$0x20] =	vst v0  }
0xa: {  	s2 =	sadd.s32 $0x81400, s2;
	s7 =	sand.u32 $0x1, s4;
	s4 =	simm.s32 $0x40;
	[tilespmem:s3+$0x10] =	vst v0  }
.LBB2_1:
0xb: {  	s4 =	sadd.s32 $0x40, s4;
	[tilespmem:s3+$0x0] =	vst v0;
	s3 =	sadd.s32 $0x80, s3  }
0xc: {  	p0 =	slt.u32 s4, $0x30C0;
	[tilespmem:s3+$0x70] =	vst v0  }
0xd: {  	[tilespmem:s3+$0x60] =	vst v0  }
.Ltmp0:
0xe: {  	[tilespmem:s3+$0x50] =	vst v0;
	(pc) =	sbr.rel @p0 .LBB2_1-.Ltmp0, $4  }
0xf: {  	[tilespmem:s3+$0x40] =	vst v0  }
0x10: {  	[tilespmem:s3+$0x30] =	vst v0  }
0x11: {  	[tilespmem:s3+$0x20] =	vst v0  }
0x12: {  	[tilespmem:s3+$0x10] =	vst v0  }
0x13: {  	s8 =	stileid.u32;
	s24 =	simm.s32 $0x2  }
0x14: {  	s26 =	simm.s32 $0x9;
	s28 =	simm.s32 $0xA;
	s29 =	smul.u32 $0x4E20, s7  }
0x15: {  	[dreg:$0x4] =	wrdreg s7;
	s30 =	simm.s32 $0xB;
	s4 =	smul.u32 $0x9C, s8  }
0x16: {  	p1 =	por $0x0, $0x0;
	s19 =	simm.s32 $0x80;
	s5 =	smin.u32 s8, $0x4  }
0x17: {  	p0 =	slt.u32 s8, $0x4;
	s4 =	sadd.s32 s5, s4;
	s5 =	simm.s32 $0x2740  }
0x18: {  	s20 =	simm.s32 $0x400;
	s21 =	sshll.u32 s4, $0x6;
	s5 =	simm.s32 @!p0 $0x2700  }
0x19: {  	s17 =	simm.s32 $0xC;
	s22 =	simm.s32 $0x0;
	s25 =	sadd.s32 s5, s21  }
0x1a: {  	[tilespmem:s3+$0x0] =	vst v0;
	v0 =	vimm.s32 $0xFFFFFFFF;
	[sflag:s24] =	ssyncpa.u1 $0x0;
	s31 =	smul.u32 $0xC00, s8;
	s9 =	smin.u32 s25, $0x27100  }
0x1b: {  	s24 =	simm.s32 $0x0;
	[tilespmem:$0xC608] =	vst v0;
	[sflag:s26] =	ssyncpa.u1 $0x0;
	s3 =	ssub.s32 s9, s21  }
.Ltmp1:
0x1c: {  	s12 =	sadd.s32 s29, s2;
	p0 =	sgt.s32 s3, $0x0;
	(pc) =	sbr.rel .LBB2_3-.Ltmp1, $4  }
0x1d: {  	s0 =	sadd.s32 s29, s0;
	[sflag:s28] =	ssyncpa.u1 $0x0;
	s3 =	simm.s32 @!p0 $0x0  }
0x1e: {  	[dreg:$0x5] =	wrdreg s0;
	s18 =	sshrl.u32 s31, $0x2;
	s13 =	sshrl.u32 s3, $0x6  }
0x1f: {  	[sflag:s30] =	ssyncpa.u1 $0x0;
	s23 =	smov.u32 s21;
	s16 =	sadd.s32 $0x1, s13  }
0x20: {  	v0 =	vlaneseq.u32;
	s25 =	simm.s32 $0x0;
	p0 =	por $0x1, $0x1;
	[dreg:$0x6] =	wrdreg s16  }
.LBB2_28:
0x21: {  	s2 =	sshrl.u32 s4, $0x2  }
.LBB2_30:
0x22: {  	_ =	swait.ge [sflag:s17], s2  }
0x23: {  	s0 =	ssub.s32 $0x0, s2;
	v1 =	vmov s28;
	vm0 =	veq.s32 v0, $0x0;
	[sflag:s17] =	ssyncset.done $0x0  }
0x24: {  	vm15 =	veq.s32 v0, $0x2;
	v1 =	vsel vm0, s5, v1;
	[sflag:s17] =	ssyncadd.s32 s0  }
0x25: {  	v1 =	vsel vm15, s25, v1;
	[sflag:s17] =	ssyncpa.u1 $0x1  }
0x26: {  	[tilespmem:$0xC608] =	vst v1  }
.LBB2_31:
0x27: {  	s0 =	sadd.s32 $0x40, s23  }
0x28: {  	s2 =	smov.u32 s21;
	p2 =	slt.s32 s0, s9  }
0x29: {  	s2 =	smov.u32 @p2 s0;
	p2 =	sne.s32 s24, s16  }
.Ltmp2:
0x2a: {  	_ = 	snop;
	(pc) =	sbr.rel @!p2 .LBB2_32-.Ltmp2, $4  }
0x2b: {  	_ = 	snop  }
0x2c: {  	s25 =	smov.u32 s22  }
0x2d: {  	s31 =	sadd.s32 $0x1, s24;
	s22 =	smov.u32 s23;
	p0 =	por !p0, !p0  }
0x2e: {  	p1 =	por !p1, !p1;
	s24 =	smov.u32 s31;
	s23 =	smov.u32 s2  }
.LBB2_3:
0x2f: {  	p2 =	sge.u32 s24, s13  }
0x30: {  	s0 =	smov.u32 s23;
	p3 =	sgt.s32 @!p2 s23, $0x270C0  }
0x31: {  	s2 =	sshra.s32 @!p2 s23, $0x1F;
	s3 =	smulhi.u32 @!p2 $0xAAAAAAAB, s24;
	p3 =	por !p3, p2  }
0x32: {  	s2 =	sand.u32 @!p2 s2, s23;
	s0 =	simm.s32 @p3 $0x270C0  }
0x33: {  	s0 =	ssub.s32 @!p2 s0, s2;
	s2 =	sshrl.u32 @!p2 s3, $0x1  }
0x34: {  	s0 =	sadd.s32 @!p2 $0xFFFD8F40, s0;
	s2 =	smul.u32 @!p2 $0x3, s2  }
0x35: {  	s4 =	sand.u32 @!p2 $0x7, s23;
	s3 =	sshll.u32 @!p2 s0, $0x2;
	p3 =	sgt.s32 @!p2 s0, $0x3F  }
0x36: {  	s0 =	ssub.s32 @!p2 $0x100, s3;
	s2 =	ssub.s32 @!p2 s24, s2;
	p3 =	por !p3, p2  }
0x37: {  	s3 =	sshrl.u32 @!p2 s23, $0x3;
	s0 =	sshrl.u32 @!p2 s0, $0x2;
	s2 =	sshll.u32 @!p2 s2, $0x6  }
0x38: {  	s3 =	sadd.s32 @!p2 s3, s12;
	s0 =	simm.s32 @!p3 $0x0;
	s2 =	sadd.s32 @!p2 $0xF648, s2  }
0x39: {  	[tilespmem:s2], [sflag:$0xA] =	stream.linear.gather @!p2 [hbm4b:s3+s4], s0, $0x38;
	[tilespmem:$0x1B788] =	vst v63  }
0x3a: {  	s0 =	sadd.s32 $0xFFFFFFFF, s24  }
0x3b: {  	p2 =	sge.u32 s0, s13  }
.Ltmp3:
0x3c: {  	_ = 	snop;
	(pc) =	sbr.rel @p2 .LBB2_13-.Ltmp3, $1  }
0x3d: {  	_ =	sdelay $0x3  }
0x3e: {  	p2 =	sgt.s32 s22, $0x270C0;
	s2 =	smov.u32 s22;
	s3 =	sshra.s32 s22, $0x1F  }
0x3f: {  	s2 =	simm.s32 @!p2 $0x270C0;
	s3 =	sand.u32 s3, s22  }
0x40: {  	s2 =	ssub.s32 s2, s3  }
0x41: {  	s4 =	smulhi.u32 $0xAAAAAAAB, s0;
	s2 =	sadd.s32 $0xFFFD8F40, s2  }
0x42: {  	s5 =	sshll.u32 s2, $0x2  }
0x43: {  	s4 =	sshrl.u32 s4, $0x1;
	s5 =	ssub.s32 $0x100, s5  }
0x44: {  	s4 =	smul.u32 $0x3, s4;
	p2 =	sgt.s32 s2, $0x3F;
	s2 =	sshrl.u32 s5, $0x2  }
0x45: {  	s30 =	sand.u32 $0x1, s0;
	s7 =	simm.s32 $0xA;
	s2 =	simm.s32 @p2 $0x0  }
0x46: {  	s10 =	sand.u32 $0x7, s22;
	s4 =	ssub.s32 s0, s4;
	_ =	swait.ge [sflag:s7], s2  }
0x47: {  	s5 =	sshll.u32 s30, $0x6;
	s31 =	ssub.s32 $0x0, s2;
	[sflag:s7] =	ssyncset.done $0x0  }
0x48: {  	s8 =	rddreg [dreg:$0x5];
	[sflag:s7] =	ssyncadd.s32 s31;
	s7 =	sshrl.u32 s22, $0x3  }
0x49: {  	s28 =	sshll.u32 s4, $0x6;
	s5 =	sor.u32 $0xF708, s5;
	s0 =	sadd.s32 s7, s8  }
0x4a: {  	[tilespmem:s5], [sflag:$0xB] =	stream.linear.gather [hbm4b:s0+s10], s2, $0x38;
	[tilespmem:$0x1B788] =	vst v63  }
0x4b: {  	v1 =	vld.msk [tilespmem:s28+$0xF648], $0xffff;
	_ =	sdelay $0x3  }
0x4c: {  	s11 =	simm.s32 $0x0  }
0x4d: {  	(v2sf) =	vpush v1, s11;
	_ =	sdelay $0x5  }
0x4e: {  	s14 =	simm.s32 $0x1  }
0x4f: {  	(v2sf) =	vpush v1, s14;
	_ =	sdelay $0x3  }
0x50: {  	s3 =	simm.s32 $0x1  }
0x51: {  	s3 =	simm.s32 @!p0 $0x0;
	s30 =	simm.s32 $0x2  }
0x52: {  	s3 =	smul.u32 $0x18000, s3;
	(v2sf) =	vpush v1, s30  }
0x53: {  	s31 =	simm.s32 $0x3  }
0x54: {  	s3 =	sshrl.u32 s3, $0x2;
	s15 =	spop (v2sf);
	(v2sf) =	vpush v1, s31  }
0x55: {  	s26 =	sadd.s32 $0x13F88, s3  }
0x56: {  	s4 =	sor.u32 $0x10F88, s3;
	s0 =	sadd.s32 $0x12788, s3;
	s29 =	sshrl.u32 s15, $0x3  }
0x57: {  	s2 =	sadd.s32 $0xF788, s3;
	s3 =	sshll.u32 s15, $0x7;
	s5 =	smul.u32 $0xC00, s29  }
0x58: {  	s3 =	sand.u32 $0x380, s3  }
0x59: {  	s3 =	sor.u32 s3, s5  }
0x5a: {  	s3 =	sshrl.u32 s3, $0x3  }
0x5b: {  	s5 =	spop (v2sf);
	s3 =	sadd.s32 s6, s3  }
0x5c: {  	[tilespmem:s2], [sflag:$0x9] =	stream.strided.gather [hbm4b:s3+s19], $0x180, s20, s19, $0x38;
	[tilespmem:$0x1B788] =	vst v63  }
0x5d: {  	s7 =	sshrl.u32 s5, $0x3;
	s3 =	simm.s32 $0x4  }
.LBB2_5:
0x5e: {  	(v2sf) =	vpush v1, s3;
	s7 =	smul.u32 $0xC00, s7;
	s5 =	sshll.u32 s5, $0x7;
	p2 =	seq.s32 s3, $0xF  }
.Ltmp4:
0x5f: {  	s3 =	sadd.s32 $0x1, s3;
	s5 =	sand.u32 $0x380, s5;
	(pc) =	sbr.rel @!p2 .LBB2_5-.Ltmp4, $4  }
0x60: {  	s7 =	sor.u32 s5, s7  }
0x61: {  	s5 =	spop (v2sf);
	s10 =	sshrl.u32 s7, $0x3  }
0x62: {  	s2 =	sadd.s32 $0x180, s2;
	s7 =	sshrl.u32 s5, $0x3;
	s10 =	sadd.s32 s6, s10  }
0x63: {  	[tilespmem:s2], [sflag:$0x9] =	stream.strided.gather [hbm4b:s10+s19], $0x180, s20, s19, $0x38;
	[tilespmem:$0x1B788] =	vst v63  }
0x64: {  	s3 =	smul.u32 $0xC00, s7;
	s5 =	sshll.u32 s5, $0x7  }
0x65: {  	s5 =	sand.u32 $0x380, s5  }
0x66: {  	s15 =	spop (v2sf);
	s2 =	sadd.s32 $0x180, s2;
	s3 =	sor.u32 s5, s3  }
0x67: {  	s29 =	sshrl.u32 s15, $0x3;
	s5 =	sshll.u32 s15, $0x7;
	s3 =	sshrl.u32 s3, $0x3  }
0x68: {  	s30 =	smul.u32 $0xC00, s29;
	s5 =	sand.u32 $0x380, s5;
	s3 =	sadd.s32 s6, s3  }
0x69: {  	[tilespmem:s2], [sflag:$0x9] =	stream.strided.gather [hbm4b:s3+s19], $0x180, s20, s19, $0x38;
	[tilespmem:$0x1B788] =	vst v63  }
0x6a: {  	s3 =	sor.u32 s5, s30  }
0x6b: {  	s3 =	sshrl.u32 s3, $0x3  }
0x6c: {  	s2 =	sadd.s32 $0x180, s2;
	s3 =	sadd.s32 s6, s3  }
0x6d: {  	[tilespmem:s2], [sflag:$0x9] =	stream.strided.gather [hbm4b:s3+s19], $0x180, s20, s19, $0x38;
	[tilespmem:$0x1B788] =	vst v63  }
0x6e: {  	s31 =	spop (v2sf)  }
0x6f: {  	s8 =	sshrl.u32 s31, $0x3  }
0x70: {  	s5 =	sshll.u32 s31, $0x7;
	s10 =	smul.u32 $0xC00, s8  }
0x71: {  	s5 =	sand.u32 $0x380, s5  }
0x72: {  	s3 =	sor.u32 s5, s10  }
0x73: {  	s3 =	sshrl.u32 s3, $0x3  }
0x74: {  	s2 =	sadd.s32 $0x180, s2;
	s3 =	sadd.s32 s6, s3  }
0x75: {  	[tilespmem:s2], [sflag:$0x9] =	stream.strided.gather [hbm4b:s3+s19], $0x180, s20, s19, $0x38;
	[tilespmem:$0x1B788] =	vst v63  }
0x76: {  	v1 =	vld.msk [tilespmem:s28+$0xF658], $0xffff;
	_ =	sdelay $0x3  }
0x77: {  	s11 =	simm.s32 $0x0  }
0x78: {  	(v2sf) =	vpush v1, s11;
	_ =	sdelay $0x7  }
0x79: {  	s14 =	simm.s32 $0x1  }
0x7a: {  	(v2sf) =	vpush v1, s14;
	_ =	sdelay $0x4  }
0x7b: {  	s30 =	simm.s32 $0x2  }
0x7c: {  	s15 =	spop (v2sf);
	(v2sf) =	vpush v1, s30  }
0x7d: {  	s31 =	simm.s32 $0x3  }
0x7e: {  	(v2sf) =	vpush v1, s31;
	_ =	sdelay $0x1  }
0x7f: {  	s29 =	sshrl.u32 s15, $0x3  }
0x80: {  	s2 =	sshll.u32 s15, $0x7;
	s3 =	smul.u32 $0xC00, s29  }
0x81: {  	s2 =	sand.u32 $0x380, s2  }
0x82: {  	s2 =	sor.u32 s2, s3  }
0x83: {  	s2 =	sshrl.u32 s2, $0x3  }
0x84: {  	s3 =	spop (v2sf);
	s2 =	sadd.s32 s6, s2  }
0x85: {  	[tilespmem:s4], [sflag:$0x9] =	stream.strided.gather [hbm4b:s2+s19], $0x180, s20, s19, $0x38;
	[tilespmem:$0x1B788] =	vst v63  }
0x86: {  	s5 =	sshrl.u32 s3, $0x3;
	s2 =	simm.s32 $0x4  }
.LBB2_7:
0x87: {  	(v2sf) =	vpush v1, s2;
	s5 =	smul.u32 $0xC00, s5;
	s3 =	sshll.u32 s3, $0x7;
	p2 =	sne.s32 s2, $0xF  }
.Ltmp5:
0x88: {  	s2 =	sadd.s32 $0x1, s2;
	s3 =	sand.u32 $0x380, s3;
	(pc) =	sbr.rel @p2 .LBB2_7-.Ltmp5, $4  }
0x89: {  	s5 =	sor.u32 s3, s5  }
0x8a: {  	s3 =	spop (v2sf);
	s7 =	sshrl.u32 s5, $0x3  }
0x8b: {  	s4 =	sadd.s32 $0x180, s4;
	s5 =	sshrl.u32 s3, $0x3;
	s7 =	sadd.s32 s6, s7  }
0x8c: {  	[tilespmem:s4], [sflag:$0x9] =	stream.strided.gather [hbm4b:s7+s19], $0x180, s20, s19, $0x38;
	[tilespmem:$0x1B788] =	vst v63  }
0x8d: {  	s2 =	smul.u32 $0xC00, s5;
	s3 =	sshll.u32 s3, $0x7  }
0x8e: {  	s3 =	sand.u32 $0x380, s3  }
0x8f: {  	s15 =	spop (v2sf);
	s4 =	sadd.s32 $0x180, s4;
	s2 =	sor.u32 s3, s2  }
0x90: {  	s29 =	sshrl.u32 s15, $0x3;
	s3 =	sshll.u32 s15, $0x7;
	s2 =	sshrl.u32 s2, $0x3  }
0x91: {  	s30 =	smul.u32 $0xC00, s29;
	s3 =	sand.u32 $0x380, s3;
	s2 =	sadd.s32 s6, s2  }
0x92: {  	[tilespmem:s4], [sflag:$0x9] =	stream.strided.gather [hbm4b:s2+s19], $0x180, s20, s19, $0x38;
	[tilespmem:$0x1B788] =	vst v63  }
0x93: {  	s2 =	sor.u32 s3, s30  }
0x94: {  	s2 =	sshrl.u32 s2, $0x3  }
0x95: {  	s4 =	sadd.s32 $0x180, s4;
	s2 =	sadd.s32 s6, s2  }
0x96: {  	[tilespmem:s4], [sflag:$0x9] =	stream.strided.gather [hbm4b:s2+s19], $0x180, s20, s19, $0x38;
	[tilespmem:$0x1B788] =	vst v63  }
0x97: {  	s31 =	spop (v2sf)  }
0x98: {  	s7 =	sshrl.u32 s31, $0x3  }
0x99: {  	s3 =	sshll.u32 s31, $0x7;
	s8 =	smul.u32 $0xC00, s7  }
0x9a: {  	s3 =	sand.u32 $0x380, s3  }
0x9b: {  	s2 =	sor.u32 s3, s8  }
0x9c: {  	s2 =	sshrl.u32 s2, $0x3  }
0x9d: {  	s10 =	sadd.s32 $0x180, s4;
	s2 =	sadd.s32 s6, s2  }
0x9e: {  	[tilespmem:s10], [sflag:$0x9] =	stream.strided.gather [hbm4b:s2+s19], $0x180, s20, s19, $0x38;
	[tilespmem:$0x1B788] =	vst v63  }
0x9f: {  	v1 =	vld.msk [tilespmem:s28+$0xF668], $0xffff;
	_ =	sdelay $0x3  }
0xa0: {  	s11 =	simm.s32 $0x0  }
0xa1: {  	(v2sf) =	vpush v1, s11;
	_ =	sdelay $0x7  }
0xa2: {  	s14 =	simm.s32 $0x1  }
0xa3: {  	(v2sf) =	vpush v1, s14;
	_ =	sdelay $0x4  }
0xa4: {  	s30 =	simm.s32 $0x2  }
0xa5: {  	s15 =	spop (v2sf);
	(v2sf) =	vpush v1, s30  }
0xa6: {  	s31 =	simm.s32 $0x3  }
0xa7: {  	(v2sf) =	vpush v1, s31;
	_ =	sdelay $0x1  }
0xa8: {  	s29 =	sshrl.u32 s15, $0x3  }
0xa9: {  	s2 =	sshll.u32 s15, $0x7;
	s3 =	smul.u32 $0xC00, s29  }
0xaa: {  	s2 =	sand.u32 $0x380, s2  }
0xab: {  	s2 =	sor.u32 s2, s3  }
0xac: {  	s2 =	sshrl.u32 s2, $0x3  }
0xad: {  	s3 =	spop (v2sf);
	s2 =	sadd.s32 s6, s2  }
0xae: {  	[tilespmem:s0], [sflag:$0x9] =	stream.strided.gather [hbm4b:s2+s19], $0x180, s20, s19, $0x38;
	[tilespmem:$0x1B788] =	vst v63  }
0xaf: {  	s4 =	sshrl.u32 s3, $0x3;
	s2 =	simm.s32 $0x4  }
.LBB2_9:
0xb0: {  	(v2sf) =	vpush v1, s2;
	s4 =	smul.u32 $0xC00, s4;
	s3 =	sshll.u32 s3, $0x7;
	p2 =	sne.s32 s2, $0xF  }
.Ltmp6:
0xb1: {  	s2 =	sadd.s32 $0x1, s2;
	s3 =	sand.u32 $0x380, s3;
	(pc) =	sbr.rel @p2 .LBB2_9-.Ltmp6, $4  }
0xb2: {  	s4 =	sor.u32 s3, s4  }
0xb3: {  	s3 =	spop (v2sf);
	s5 =	sshrl.u32 s4, $0x3  }
0xb4: {  	s0 =	sadd.s32 $0x180, s0;
	s4 =	sshrl.u32 s3, $0x3;
	s5 =	sadd.s32 s6, s5  }
0xb5: {  	[tilespmem:s0], [sflag:$0x9] =	stream.strided.gather [hbm4b:s5+s19], $0x180, s20, s19, $0x38;
	[tilespmem:$0x1B788] =	vst v63  }
0xb6: {  	s2 =	smul.u32 $0xC00, s4;
	s3 =	sshll.u32 s3, $0x7  }
0xb7: {  	s3 =	sand.u32 $0x380, s3  }
0xb8: {  	s31 =	spop (v2sf);
	s0 =	sadd.s32 $0x180, s0;
	s2 =	sor.u32 s3, s2  }
0xb9: {  	s5 =	sshrl.u32 s31, $0x3;
	s3 =	sshll.u32 s31, $0x7;
	s2 =	sshrl.u32 s2, $0x3  }
0xba: {  	s7 =	smul.u32 $0xC00, s5;
	s3 =	sand.u32 $0x380, s3;
	s2 =	sadd.s32 s6, s2  }
0xbb: {  	[tilespmem:s0], [sflag:$0x9] =	stream.strided.gather [hbm4b:s2+s19], $0x180, s20, s19, $0x38;
	[tilespmem:$0x1B788] =	vst v63  }
0xbc: {  	s2 =	sor.u32 s3, s7  }
0xbd: {  	s2 =	sshrl.u32 s2, $0x3  }
0xbe: {  	s0 =	sadd.s32 $0x180, s0;
	s2 =	sadd.s32 s6, s2  }
0xbf: {  	[tilespmem:s0], [sflag:$0x9] =	stream.strided.gather [hbm4b:s2+s19], $0x180, s20, s19, $0x38;
	[tilespmem:$0x1B788] =	vst v63  }
0xc0: {  	s8 =	spop (v2sf)  }
0xc1: {  	s10 =	sshrl.u32 s8, $0x3  }
0xc2: {  	s3 =	sshll.u32 s8, $0x7;
	s11 =	smul.u32 $0xC00, s10  }
0xc3: {  	s3 =	sand.u32 $0x380, s3  }
0xc4: {  	s2 =	sor.u32 s3, s11  }
0xc5: {  	s2 =	sshrl.u32 s2, $0x3  }
0xc6: {  	s0 =	sadd.s32 $0x180, s0;
	s2 =	sadd.s32 s6, s2  }
0xc7: {  	[tilespmem:s0], [sflag:$0x9] =	stream.strided.gather [hbm4b:s2+s19], $0x180, s20, s19, $0x38;
	[tilespmem:$0x1B788] =	vst v63  }
0xc8: {  	v1 =	vld.msk [tilespmem:s28+$0xF678], $0xffff;
	_ =	sdelay $0x3  }
0xc9: {  	s14 =	simm.s32 $0x0  }
0xca: {  	(v2sf) =	vpush v1, s14;
	_ =	sdelay $0x7  }
0xcb: {  	s15 =	simm.s32 $0x1  }
0xcc: {  	(v2sf) =	vpush v1, s15;
	_ =	sdelay $0x4  }
0xcd: {  	s30 =	simm.s32 $0x2  }
0xce: {  	s28 =	spop (v2sf);
	(v2sf) =	vpush v1, s30  }
0xcf: {  	s31 =	simm.s32 $0x3  }
0xd0: {  	(v2sf) =	vpush v1, s31;
	_ =	sdelay $0x1  }
0xd1: {  	s29 =	sshrl.u32 s28, $0x3  }
0xd2: {  	s0 =	sshll.u32 s28, $0x7;
	s2 =	smul.u32 $0xC00, s29  }
0xd3: {  	s0 =	sand.u32 $0x380, s0  }
0xd4: {  	s0 =	sor.u32 s0, s2  }
0xd5: {  	s0 =	sshrl.u32 s0, $0x3  }
0xd6: {  	s2 =	spop (v2sf);
	s0 =	sadd.s32 s6, s0  }
0xd7: {  	[tilespmem:s26], [sflag:$0x9] =	stream.strided.gather [hbm4b:s0+s19], $0x180, s20, s19, $0x38;
	[tilespmem:$0x1B788] =	vst v63  }
0xd8: {  	s3 =	sshrl.u32 s2, $0x3;
	s0 =	simm.s32 $0x4  }
.LBB2_11:
0xd9: {  	(v2sf) =	vpush v1, s0;
	s3 =	smul.u32 $0xC00, s3;
	s2 =	sshll.u32 s2, $0x7;
	p2 =	seq.s32 s0, $0xF  }
.Ltmp7:
0xda: {  	s0 =	sadd.s32 $0x1, s0;
	s2 =	sand.u32 $0x380, s2;
	(pc) =	sbr.rel @!p2 .LBB2_11-.Ltmp7, $4  }
0xdb: {  	s3 =	sor.u32 s2, s3  }
0xdc: {  	s2 =	spop (v2sf);
	s4 =	sshrl.u32 s3, $0x3  }
0xdd: {  	s26 =	sadd.s32 $0x180, s26;
	s3 =	sshrl.u32 s2, $0x3;
	s4 =	sadd.s32 s6, s4  }
0xde: {  	[tilespmem:s26], [sflag:$0x9] =	stream.strided.gather [hbm4b:s4+s19], $0x180, s20, s19, $0x38;
	[tilespmem:$0x1B788] =	vst v63  }
0xdf: {  	s0 =	smul.u32 $0xC00, s3;
	s2 =	sshll.u32 s2, $0x7  }
0xe0: {  	s2 =	sand.u32 $0x380, s2  }
0xe1: {  	s14 =	spop (v2sf);
	s4 =	sadd.s32 $0x180, s26;
	s0 =	sor.u32 s2, s0  }
0xe2: {  	s15 =	sshrl.u32 s14, $0x3;
	s2 =	sshll.u32 s14, $0x7;
	s0 =	sshrl.u32 s0, $0x3  }
0xe3: {  	s26 =	smul.u32 $0xC00, s15;
	s2 =	sand.u32 $0x380, s2;
	s0 =	sadd.s32 s6, s0  }
0xe4: {  	[tilespmem:s4], [sflag:$0x9] =	stream.strided.gather [hbm4b:s0+s19], $0x180, s20, s19, $0x38;
	[tilespmem:$0x1B788] =	vst v63  }
0xe5: {  	s0 =	sor.u32 s2, s26  }
0xe6: {  	s0 =	sshrl.u32 s0, $0x3  }
0xe7: {  	s4 =	sadd.s32 $0x180, s4;
	s0 =	sadd.s32 s6, s0  }
0xe8: {  	[tilespmem:s4], [sflag:$0x9] =	stream.strided.gather [hbm4b:s0+s19], $0x180, s20, s19, $0x38;
	[tilespmem:$0x1B788] =	vst v63  }
0xe9: {  	s28 =	spop (v2sf)  }
0xea: {  	s29 =	sshrl.u32 s28, $0x3  }
0xeb: {  	s2 =	sshll.u32 s28, $0x7;
	s30 =	smul.u32 $0xC00, s29  }
0xec: {  	s2 =	sand.u32 $0x380, s2  }
0xed: {  	s0 =	sor.u32 s2, s30  }
0xee: {  	s0 =	sshrl.u32 s0, $0x3  }
0xef: {  	s31 =	sadd.s32 $0x180, s4;
	s0 =	sadd.s32 s6, s0  }
0xf0: {  	[tilespmem:s31], [sflag:$0x9] =	stream.strided.gather [hbm4b:s0+s19], $0x180, s20, s19, $0x38;
	[tilespmem:$0x1B788] =	vst v63  }
.LBB2_13:
0xf1: {  	p2 =	slt.u32 s24, $0x2  }
.Ltmp8:
0xf2: {  	_ = 	snop;
	(pc) =	sbr.rel @p2 .LBB2_31-.Ltmp8, $1  }
0xf3: {  	_ =	sdelay $0x3  }
0xf4: {  	p2 =	sgt.s32 s25, $0x270C0;
	s0 =	smov.u32 s25;
	s2 =	sshra.s32 s25, $0x1F  }
0xf5: {  	s0 =	simm.s32 @!p2 $0x270C0;
	s2 =	sand.u32 s2, s25  }
0xf6: {  	s0 =	ssub.s32 s0, s2  }
0xf7: {  	s0 =	sadd.s32 $0xFFFD8F40, s0  }
0xf8: {  	s3 =	simm.s32 $0x9;
	s28 =	sshll.u32 s0, $0x2  }
0xf9: {  	_ =	swait.ge [sflag:s3], $0x6000;
	s2 =	ssub.s32 $0x100, s28  }
0xfa: {  	[sflag:s3] =	ssyncset.done $0x0;
	p2 =	sgt.s32 s0, $0x3F;
	s0 =	sshrl.u32 s2, $0x2  }
0xfb: {  	s30 =	simm.s32 $0xB;
	[sflag:s3] =	ssyncadd.s32 $0xFFFFA000;
	s0 =	simm.s32 @p2 $0x0  }
0xfc: {  	_ =	swait.ge [sflag:s30], s0  }
0xfd: {  	s0 =	ssub.s32 $0x0, s0;
	[sflag:s30] =	ssyncset.done $0x0  }
0xfe: {  	[sflag:s30] =	ssyncadd.s32 s0  }
0xff: {  	v1 =	vld [tilespmem:$0xC608];
	_ =	sdelay $0x4  }
0x100: {  	(v2sf) =	vpush v1, $0x0  }
0x101: {  	(v2sf) =	vpush v1, $0x1  }
0x102: {  	(v2sf) =	vpush v1, $0x2;
	_ =	sdelay $0x3  }
0x103: {  	s0 =	sadd.s32 $0x40, s25  }
0x104: {  	s3 =	ssub.s32 $0x4E200, s25;
	p2 =	slt.s32 s9, s0  }
0x105: {  	s0 =	smov.u32 @p2 s9;
	p2 =	sgt.s32 s3, $0x0  }
0x106: {  	s2 =	ssub.s32 s0, s25;
	s3 =	simm.s32 @!p2 $0x0  }
0x107: {  	p2 =	slt.s32 s3, s2  }
0x108: {  	s2 =	smov.u32 @p2 s3  }
0x109: {  	p2 =	slt.s32 s2, $0x1  }
.Ltmp9:
0x10a: {  	_ = 	snop;
	(pc) =	sbr.rel @p2 .LBB2_18-.Ltmp9, $4  }
0x10b: {  	s4 =	simm.s32 $0x1  }
0x10c: {  	s4 =	simm.s32 @!p1 $0x0;
	s5 =	spop (v2sf)  }
0x10d: {  	s31 =	sshll.u32 s4, $0x6;
	s29 =	spop (v2sf)  }
0x10e: {  	s26 =	sor.u32 $0xF708, s31;
	s25 =	spop (v2sf)  }
0x10f: {  	s0 =	smin.u32 s2, $0x10  }
0x110: {  	v1 =	vmov s0  }
0x111: {  	vm1 =	vgt.u32 v1, v0;
	_ =	sdelay $0x1  }
0x112: {  	p3 =	sgt.s32 s2, $0x10  }
.Ltmp10:
0x113: {  	_ = 	snop;
	(pc) =	sbr.rel @!p3 .LBB2_17-.Ltmp10, $3  }
0x114: {  	_ =	sdelay $0x1  }
0x115: {  	v1 =	vld.msk [tilespmem:s26+$0x0 ss:$0x1], vm1  }
0x116: {  	s3 =	simm.s32 $0x10;
	s15 =	sadd.s32 $0xFFFFFFF0, s2;
	s0 =	smov.u32 s26;
	vm0 =	vmmov vm1  }
.LBB2_16:
0x117: {  	s7 =	smin.u32 s15, $0x10;
	s3 =	sadd.s32 $0x10, s3  }
0x118: {  	v2 =	vmov s7;
	p3 =	slt.s32 s3, s2  }
0x119: {  	vm1 =	vgt.u32 v2, v0  }
0x11a: {  	v2 =	vshrl.u32 v1, $0x3  }
0x11b: {  	v1 =	vshll.u32 v1, $0x4;
	v2 =	vmul.u32 $0x180, v2  }
0x11c: {  	v1 =	vand.u32 $0x70, v1  }
.Ltmp11:
0x11d: {  	v1 =	vor.u32 v1, v2;
	(pc) =	sbr.rel @p3 .LBB2_16-.Ltmp11, $3  }
0x11e: {  	[tilespmem:s0+$0x0] =	vst.msk vm0, v1;
	s0 =	sadd.s32 $0x10, s0;
	vm0 =	vmmov vm1  }
0x11f: {  	v1 =	vld.msk [tilespmem:s0+$0x0 ss:$0x1], vm1;
	_ =	sdelay $0x1  }
0x120: {  	s15 =	sadd.s32 $0xFFFFFFF0, s15  }
.LBB2_17:
0x121: {  	_ =	sdelay $0x2  }
0x122: {  	v2 =	vshrl.u32 v1, $0x3  }
0x123: {  	v1 =	vshll.u32 v1, $0x4;
	v2 =	vmul.u32 $0x180, v2  }
0x124: {  	v1 =	vand.u32 $0x70, v1  }
0x125: {  	v1 =	vor.u32 v1, v2  }
0x126: {  	[tilespmem:s0+$0x0] =	vst.msk vm0, v1  }
.LBB2_18:
0x127: {  	s0 =	sand.u32 $0x1, s24  }
0x128: {  	p3 =	sne.s32 s29, $0xFFFFFFFF;
	s0 =	sshll.u32 s0, $0x6  }
0x129: {  	v1 =	vld.msk @!p3 [tilespmem:s0+$0xF708], $0x1;
	_ =	sdelay $0x4  }
0x12a: {  	(v2sf) =	vpush @!p3 v1, $0x0;
	_ =	sdelay $0xc  }
.Ltmp12:
0x12b: {  	_ = 	snop;
	(pc) =	sbr.rel @p2 .LBB2_29-.Ltmp12, $4  }
0x12c: {  	_ = 	snop  }
0x12d: {  	s0 =	spop @!p3 (v2sf)  }
0x12e: {  	s25 =	simm.s32 @!p3 $0x0;
	s28 =	smov.u32 s0  }
0x12f: {  	[sflag:s17] =	ssyncpa.u1 $0x0;
	s0 =	smov.u32 @p3 s5;
	s28 =	smov.u32 @p3 s29  }
0x130: {  	v1 =	vld.msk [tilespmem:s26+$0x0], $0x1;
	_ =	sdelay $0x4  }
0x131: {  	(v2sf) =	vpush v1, $0x0;
	_ =	sdelay $0xe  }
0x132: {  	s16 =	smov.u32 s13;
	s3 =	smul.u32 $0x18000, s4;
	s4 =	spop (v2sf)  }
0x133: {  	s13 =	smov.u32 s9;
	s9 =	smov.u32 s12;
	p2 =	seq.s32 s0, s4  }
0x134: {  	s29 =	simm.s32 $0x0;
	s30 =	ssub.s32 $0x0, s2;
	p3 =	sgt.s32 @!p2 s0, $0x0  }
0x135: {  	s7 =	smov.u32 s0;
	s5 =	smul.u32 @!p2 $0x600, s29;
	p3 =	por !p3, p2  }
0x136: {  	s2 =	sadd.s32 $0x1, s30;
	s3 =	sshrl.u32 s3, $0x2;
	s7 =	simm.s32 @p3 $0x0  }
0x137: {  	s31 =	sadd.s32 $0xF848, s3;
	s5 =	sshra.s32 @!p2 s5, $0x2;
	s7 =	smin.u32 @!p2 s7, $0x751F0  }
0x138: {  	p3 =	seq.s32 s2, $0x0;
	s10 =	sadd.s32 @!p2 $0x6488, s5;
	s15 =	sand.u32 @!p2 $0x7FFF8, s7  }
0x139: {  	s11 =	sadd.s32 @!p2 $0x80, s7;
	s12 =	sadd.s32 @!p2 s1, s15;
	s15 =	sand.u32 @!p2 $0x7, s7  }
0x13a: {  	[tilespmem:s10], [sflag:$0x2] =	stream.linear.gather @!p2 [hbm4b:s12+s15], $0x80, $0x38;
	[tilespmem:$0x1B788] =	vst v63  }
.Ltmp13:
0x13b: {  	s3 =	simm.s32 @!p2 $0x1;
	s11 =	sand.u32 @!p2 $0xFFFF8, s11;
	(pc) =	sbr.rel @p3 .LBB2_21-.Ltmp13, $4  }
0x13c: {  	s7 =	sadd.s32 @!p2 $0x100, s7;
	s10 =	sadd.s32 @!p2 $0x6508, s5;
	s11 =	sadd.s32 @!p2 s1, s11  }
0x13d: {  	[tilespmem:s10], [sflag:$0x2] =	stream.linear.gather @!p2 [hbm4b:s11+s15], $0x80, $0x38;
	[tilespmem:$0x1B788] =	vst v63  }
0x13e: {  	s3 =	smov.u32 @p2 s29;
	s10 =	sand.u32 @!p2 $0xFFFF8, s7  }
0x13f: {  	s7 =	sadd.s32 @!p2 $0x6588, s5;
	s5 =	sadd.s32 $0x1, s26;
	s10 =	sadd.s32 @!p2 s1, s10  }
.LBB2_20:
0x140: {  	s11 =	smov.u32 s3  }
0x141: {  	[tilespmem:s7], [sflag:$0x2] =	stream.linear.gather @!p2 [hbm4b:s10+s15], $0x80, $0x38;
	[tilespmem:$0x1B788] =	vst v63  }
0x142: {  	s2 =	sadd.s32 $0x1, s2;
	s7 =	smov.u32 s4  }
0x143: {  	p3 =	seq.s32 s2, $0x0;
	v1 =	vld.msk [tilespmem:s5+$0x0], $0x1;
	_ =	sdelay $0x4  }
0x144: {  	(v2sf) =	vpush v1, $0x0;
	_ =	sdelay $0xe  }
0x145: {  	s4 =	spop (v2sf)  }
0x146: {  	p2 =	seq.s32 s7, s4  }
0x147: {  	p4 =	sgt.s32 @!p2 s7, $0x0  }
0x148: {  	s10 =	smul.u32 @!p2 $0x600, s3;
	s3 =	sadd.s32 @!p2 $0x1, s3;
	p4 =	por !p4, p2  }
0x149: {  	s3 =	smov.u32 @p2 s11;
	s7 =	simm.s32 @p4 $0x0  }
0x14a: {  	s10 =	sshra.s32 @!p2 s10, $0x2;
	s7 =	smin.u32 @!p2 s7, $0x751F0  }
0x14b: {  	s11 =	sadd.s32 @!p2 $0x6488, s10;
	s12 =	sadd.s32 @!p2 $0x6508, s10;
	s15 =	sand.u32 @!p2 $0x7FFF8, s7  }
0x14c: {  	s14 =	sadd.s32 @!p2 $0x80, s7;
	s17 =	sadd.s32 @!p2 $0x100, s7;
	s8 =	sadd.s32 @!p2 s1, s15  }
.Ltmp14:
0x14d: {  	s15 =	sand.u32 @!p2 $0x7, s7;
	s7 =	sand.u32 @!p2 $0xFFFF8, s14;
	(pc) =	sbr.rel @!p3 .LBB2_20-.Ltmp14, $4  }
0x14e: {  	[tilespmem:s11], [sflag:$0x2] =	stream.linear.gather @!p2 [hbm4b:s8+s15], $0x80, $0x38;
	[tilespmem:$0x1B788] =	vst v63  }
0x14f: {  	s8 =	sadd.s32 @!p2 s1, s7;
	s11 =	sand.u32 @!p2 $0xFFFF8, s17;
	s7 =	sadd.s32 @!p2 $0x6588, s10  }
0x150: {  	[tilespmem:s12], [sflag:$0x2] =	stream.linear.gather @!p2 [hbm4b:s8+s15], $0x80, $0x38;
	[tilespmem:$0x1B788] =	vst v63  }
0x151: {  	s5 =	sadd.s32 $0x1, s5;
	s10 =	sadd.s32 @!p2 s1, s11  }
.LBB2_21:
0x152: {  	s2 =	smul.u32 $0x600, s3  }
0x153: {  	[tilespmem:s7], [sflag:$0x2] =	stream.linear.gather @!p2 [hbm4b:s10+s15], $0x80, $0x38;
	[tilespmem:$0x1B788] =	vst v63  }
.Ltmp15:
0x154: {  	s17 =	simm.s32 $0x2;
	(pc) =	sbr.rel .LBB2_22-.Ltmp15, $4  }
0x155: {  	s4 =	simm.s32 $0x0;
	s12 =	smov.u32 s9;
	s2 =	sshrl.u32 s2, $0x2  }
0x156: {  	s9 =	smov.u32 s13;
	s13 =	smov.u32 s16;
	_ =	swait.ge [sflag:s17], s2  }
0x157: {  	s10 =	simm.s32 $0x1;
	s2 =	ssub.s32 $0x0, s2;
	[sflag:s17] =	ssyncset.done $0x0  }
0x158: {  	s16 =	rddreg [dreg:$0x6];
	[sflag:s17] =	ssyncadd.s32 s2;
	s17 =	simm.s32 $0xC  }
.LBB2_23:
0x159: {  	v1 =	vld [tilespmem:s31+$0xFFFFFF40];
	_ =	sdelay $0x4  }
0x15a: {  	[tilespmem:s2+$0x308] =	vst.add.f32.msk $0xffff, v1  }
0x15b: {  	v1 =	vld [tilespmem:s31+$0xFFFFFF50];
	_ =	sdelay $0x4  }
0x15c: {  	[tilespmem:s2+$0x318] =	vst.add.f32.msk $0xffff, v1  }
0x15d: {  	v1 =	vld [tilespmem:s31+$0xFFFFFF60];
	_ =	sdelay $0x4  }
0x15e: {  	[tilespmem:s2+$0x328] =	vst.add.f32.msk $0xffff, v1  }
0x15f: {  	v1 =	vld [tilespmem:s31+$0xFFFFFF70];
	_ =	sdelay $0x4  }
0x160: {  	[tilespmem:s2+$0x338] =	vst.add.f32.msk $0xffff, v1  }
0x161: {  	v1 =	vld [tilespmem:s31+$0xFFFFFF80];
	_ =	sdelay $0x4  }
0x162: {  	[tilespmem:s2+$0x348] =	vst.add.f32.msk $0xffff, v1  }
0x163: {  	v1 =	vld [tilespmem:s31+$0xFFFFFF90];
	_ =	sdelay $0x4  }
0x164: {  	[tilespmem:s2+$0x358] =	vst.add.f32.msk $0xffff, v1  }
0x165: {  	v1 =	vld [tilespmem:s31+$0xFFFFFFA0];
	_ =	sdelay $0x4  }
0x166: {  	[tilespmem:s2+$0x368] =	vst.add.f32.msk $0xffff, v1  }
0x167: {  	v1 =	vld [tilespmem:s31+$0xFFFFFFB0];
	_ =	sdelay $0x4  }
0x168: {  	[tilespmem:s2+$0x378] =	vst.add.f32.msk $0xffff, v1  }
0x169: {  	v1 =	vld [tilespmem:s31+$0xFFFFFFC0];
	_ =	sdelay $0x4  }
0x16a: {  	[tilespmem:s2+$0x388] =	vst.add.f32.msk $0xffff, v1  }
0x16b: {  	v1 =	vld [tilespmem:s31+$0xFFFFFFD0];
	_ =	sdelay $0x4  }
0x16c: {  	[tilespmem:s2+$0x398] =	vst.add.f32.msk $0xffff, v1  }
0x16d: {  	v1 =	vld [tilespmem:s31+$0xFFFFFFE0];
	_ =	sdelay $0x4  }
0x16e: {  	[tilespmem:s2+$0x3A8] =	vst.add.f32.msk $0xffff, v1  }
0x16f: {  	v1 =	vld [tilespmem:s31+$0xFFFFFFF0];
	_ =	sdelay $0x4  }
0x170: {  	[tilespmem:s2+$0x3B8] =	vst.add.f32.msk $0xffff, v1  }
0x171: {  	v1 =	vld [tilespmem:s31+$0x0];
	_ =	sdelay $0x4  }
0x172: {  	[tilespmem:s2+$0x3C8] =	vst.add.f32.msk $0xffff, v1  }
0x173: {  	v1 =	vld [tilespmem:s31+$0x10];
	_ =	sdelay $0x4  }
0x174: {  	[tilespmem:s2+$0x3D8] =	vst.add.f32.msk $0xffff, v1  }
0x175: {  	v1 =	vld [tilespmem:s31+$0x20];
	_ =	sdelay $0x4  }
0x176: {  	[tilespmem:s2+$0x3E8] =	vst.add.f32.msk $0xffff, v1  }
0x177: {  	v1 =	vld [tilespmem:s31+$0x30];
	_ =	sdelay $0x4  }
0x178: {  	[tilespmem:s2+$0x3F8] =	vst.add.f32.msk $0xffff, v1  }
0x179: {  	v1 =	vld [tilespmem:s31+$0x40];
	_ =	sdelay $0x4  }
0x17a: {  	[tilespmem:s2+$0x408] =	vst.add.f32.msk $0xffff, v1  }
0x17b: {  	v1 =	vld [tilespmem:s31+$0x50];
	_ =	sdelay $0x4  }
0x17c: {  	[tilespmem:s2+$0x418] =	vst.add.f32.msk $0xffff, v1  }
0x17d: {  	v1 =	vld [tilespmem:s31+$0x60];
	_ =	sdelay $0x4  }
0x17e: {  	[tilespmem:s2+$0x428] =	vst.add.f32.msk $0xffff, v1  }
0x17f: {  	v1 =	vld [tilespmem:s31+$0x70];
	_ =	sdelay $0x4  }
0x180: {  	[tilespmem:s2+$0x438] =	vst.add.f32.msk $0xffff, v1  }
0x181: {  	v1 =	vld [tilespmem:s31+$0x80];
	_ =	sdelay $0x4  }
0x182: {  	[tilespmem:s2+$0x448] =	vst.add.f32.msk $0xffff, v1  }
0x183: {  	v1 =	vld [tilespmem:s31+$0x90];
	_ =	sdelay $0x4  }
0x184: {  	[tilespmem:s2+$0x458] =	vst.add.f32.msk $0xffff, v1  }
0x185: {  	v1 =	vld [tilespmem:s31+$0xA0];
	_ =	sdelay $0x4  }
0x186: {  	[tilespmem:s2+$0x468] =	vst.add.f32.msk $0xffff, v1  }
0x187: {  	v1 =	vld [tilespmem:s31+$0xB0];
	_ =	sdelay $0x4  }
0x188: {  	[tilespmem:s2+$0x478] =	vst.add.f32.msk $0xffff, v1  }
.LBB2_27:
0x189: {  	s30 =	sadd.s32 $0x1, s30  }
0x18a: {  	p2 =	seq.s32 s30, $0x0  }
.Ltmp16:
0x18b: {  	_ = 	snop;
	(pc) =	sbr.rel @p2 .LBB2_28-.Ltmp16, $2  }
0x18c: {  	_ =	sdelay $0x2  }
0x18d: {  	s26 =	sadd.s32 $0x1, s26;
	s31 =	sadd.s32 $0x180, s31;
	s0 =	smov.u32 s5  }
.LBB2_22:
0x18e: {  	v1 =	vld.msk [tilespmem:s26+$0x0], $0x1;
	_ =	sdelay $0x4  }
0x18f: {  	(v2sf) =	vpush v1, $0x0;
	_ =	sdelay $0xe  }
0x190: {  	s5 =	spop (v2sf)  }
0x191: {  	p2 =	sne.s32 s0, s5  }
.Ltmp17:
0x192: {  	_ = 	snop;
	(pc) =	sbr.rel @!p2 .LBB2_23-.Ltmp17, $3  }
0x193: {  	_ = 	snop  }
0x194: {  	s2 =	smul.u32 $0x600, s25;
	_ =	sdelay $0x1  }
0x195: {  	s2 =	sshra.s32 s2, $0x2  }
0x196: {  	p2 =	seq.s32 s0, s28  }
.Ltmp18:
0x197: {  	_ = 	snop;
	(pc) =	sbr.rel @!p2 .LBB2_25-.Ltmp18, $1  }
0x198: {  	_ =	sdelay $0x3  }
.Ltmp19:
0x199: {  	s0 =	sadd.s32 $0x308, s2;
	(pc) =	sbr.rel .LBB2_26-.Ltmp19, $4  }
0x19a: {  	[spmem:s18] =	stream.linear.scatter [tilespmem:s0], [sflag:$0x1], $0x180, $0x38;
	[tilespmem:$0x1B788] =	vst v63  }
0x19b: {  	_ =	swait.ge [sflag:s10], $0x180  }
0x19c: {  	[sflag:s10] =	ssyncset.done $0x0  }
0x19d: {  	[sflag:s10] =	ssyncadd.s32 $0xFFFFFE80  }
.LBB2_25:
0x19e: {  	s3 =	smul.u32 $0x600, s29;
	_ =	sdelay $0x1  }
0x19f: {  	s3 =	sshra.s32 s3, $0x2  }
0x1a0: {  	v1 =	vld [tilespmem:s3+$0x6488];
	_ =	sdelay $0x4  }
0x1a1: {  	[tilespmem:s2+$0x308] =	vst.add.f32.msk $0xffff, v1  }
0x1a2: {  	v1 =	vld [tilespmem:s3+$0x6498];
	_ =	sdelay $0x4  }
0x1a3: {  	[tilespmem:s2+$0x318] =	vst.add.f32.msk $0xffff, v1  }
0x1a4: {  	v1 =	vld [tilespmem:s3+$0x64A8];
	_ =	sdelay $0x4  }
0x1a5: {  	[tilespmem:s2+$0x328] =	vst.add.f32.msk $0xffff, v1  }
0x1a6: {  	v1 =	vld [tilespmem:s3+$0x64B8];
	_ =	sdelay $0x4  }
0x1a7: {  	[tilespmem:s2+$0x338] =	vst.add.f32.msk $0xffff, v1  }
0x1a8: {  	v1 =	vld [tilespmem:s3+$0x64C8];
	_ =	sdelay $0x4  }
0x1a9: {  	[tilespmem:s2+$0x348] =	vst.add.f32.msk $0xffff, v1  }
0x1aa: {  	v1 =	vld [tilespmem:s3+$0x64D8];
	_ =	sdelay $0x4  }
0x1ab: {  	[tilespmem:s2+$0x358] =	vst.add.f32.msk $0xffff, v1  }
0x1ac: {  	v1 =	vld [tilespmem:s3+$0x64E8];
	_ =	sdelay $0x4  }
0x1ad: {  	[tilespmem:s2+$0x368] =	vst.add.f32.msk $0xffff, v1  }
0x1ae: {  	v1 =	vld [tilespmem:s3+$0x64F8];
	_ =	sdelay $0x4  }
0x1af: {  	[tilespmem:s2+$0x378] =	vst.add.f32.msk $0xffff, v1  }
0x1b0: {  	v1 =	vld [tilespmem:s3+$0x6508];
	_ =	sdelay $0x4  }
0x1b1: {  	[tilespmem:s2+$0x388] =	vst.add.f32.msk $0xffff, v1  }
0x1b2: {  	v1 =	vld [tilespmem:s3+$0x6518];
	_ =	sdelay $0x4  }
0x1b3: {  	[tilespmem:s2+$0x398] =	vst.add.f32.msk $0xffff, v1  }
0x1b4: {  	v1 =	vld [tilespmem:s3+$0x6528];
	_ =	sdelay $0x4  }
0x1b5: {  	[tilespmem:s2+$0x3A8] =	vst.add.f32.msk $0xffff, v1  }
0x1b6: {  	v1 =	vld [tilespmem:s3+$0x6538];
	_ =	sdelay $0x4  }
0x1b7: {  	[tilespmem:s2+$0x3B8] =	vst.add.f32.msk $0xffff, v1  }
0x1b8: {  	v1 =	vld [tilespmem:s3+$0x6548];
	_ =	sdelay $0x4  }
0x1b9: {  	[tilespmem:s2+$0x3C8] =	vst.add.f32.msk $0xffff, v1  }
0x1ba: {  	v1 =	vld [tilespmem:s3+$0x6558];
	_ =	sdelay $0x4  }
0x1bb: {  	[tilespmem:s2+$0x3D8] =	vst.add.f32.msk $0xffff, v1  }
0x1bc: {  	v1 =	vld [tilespmem:s3+$0x6568];
	_ =	sdelay $0x4  }
0x1bd: {  	[tilespmem:s2+$0x3E8] =	vst.add.f32.msk $0xffff, v1  }
0x1be: {  	v1 =	vld [tilespmem:s3+$0x6578];
	_ =	sdelay $0x4  }
0x1bf: {  	[tilespmem:s2+$0x3F8] =	vst.add.f32.msk $0xffff, v1  }
0x1c0: {  	v1 =	vld [tilespmem:s3+$0x6588];
	_ =	sdelay $0x4  }
0x1c1: {  	[tilespmem:s2+$0x408] =	vst.add.f32.msk $0xffff, v1  }
0x1c2: {  	v1 =	vld [tilespmem:s3+$0x6598];
	_ =	sdelay $0x4  }
0x1c3: {  	[tilespmem:s2+$0x418] =	vst.add.f32.msk $0xffff, v1  }
0x1c4: {  	v1 =	vld [tilespmem:s3+$0x65A8];
	_ =	sdelay $0x4  }
0x1c5: {  	[tilespmem:s2+$0x428] =	vst.add.f32.msk $0xffff, v1  }
0x1c6: {  	v1 =	vld [tilespmem:s3+$0x65B8];
	_ =	sdelay $0x4  }
0x1c7: {  	[tilespmem:s2+$0x438] =	vst.add.f32.msk $0xffff, v1  }
0x1c8: {  	v1 =	vld [tilespmem:s3+$0x65C8];
	_ =	sdelay $0x4  }
0x1c9: {  	[tilespmem:s2+$0x448] =	vst.add.f32.msk $0xffff, v1  }
0x1ca: {  	v1 =	vld [tilespmem:s3+$0x65D8];
	_ =	sdelay $0x4  }
0x1cb: {  	[tilespmem:s2+$0x458] =	vst.add.f32.msk $0xffff, v1  }
0x1cc: {  	v1 =	vld [tilespmem:s3+$0x65E8];
	_ =	sdelay $0x4  }
0x1cd: {  	[tilespmem:s2+$0x468] =	vst.add.f32.msk $0xffff, v1  }
0x1ce: {  	v1 =	vld [tilespmem:s3+$0x65F8];
	_ =	sdelay $0x2  }
0x1cf: {  	p2 =	sgt.u32 s0, $0x751F0  }
0x1d0: {  	s3 =	sand.u32 @!p2 $0x7FFF8, s0  }
0x1d1: {  	s7 =	sadd.s32 $0x308, s2;
	s8 =	sand.u32 @!p2 $0x7, s0;
	s3 =	sadd.s32 @!p2 s1, s3;
	[tilespmem:s2+$0x478] =	vst.add.f32.msk $0xffff, v1  }
0x1d2: {  	[hbm4b:s3+s8] =	stream.linear.scatter @!p2 [tilespmem:s7], [sflag:$0xC], $0x80, $0x38;
	[tilespmem:$0x1B788] =	vst v63  }
0x1d3: {  	s3 =	sadd.s32 @!p2 $0x80, s0  }
0x1d4: {  	s0 =	sadd.s32 @!p2 $0x100, s0;
	s3 =	sand.u32 @!p2 $0xFFFF8, s3  }
0x1d5: {  	s7 =	sadd.s32 $0x388, s2;
	s0 =	sand.u32 @!p2 $0xFFFF8, s0;
	s3 =	sadd.s32 @!p2 s1, s3  }
0x1d6: {  	[hbm4b:s3+s8] =	stream.linear.scatter @!p2 [tilespmem:s7], [sflag:$0xC], $0x80, $0x38;
	[tilespmem:$0x1B788] =	vst v63  }
0x1d7: {  	s2 =	sadd.s32 $0x408, s2;
	s0 =	sadd.s32 @!p2 s1, s0  }
0x1d8: {  	[hbm4b:s0+s8] =	stream.linear.scatter @!p2 [tilespmem:s2], [sflag:$0xC], $0x80, $0x38;
	[tilespmem:$0x1B788] =	vst v63  }
0x1d9: {  	s0 =	simm.s32 $0x0  }
0x1da: {  	s0 =	simm.s32 @!p2 $0x600  }
0x1db: {  	s4 =	sadd.s32 s0, s4  }
.LBB2_26:
0x1dc: {  	s0 =	sadd.s32 $0x1, s25;
	v1 =	vld [tilespmem:s31+$0xFFFFFF40]  }
0x1dd: {  	s25 =	sand.u32 $0x3F, s0  }
0x1de: {  	s0 =	smul.u32 $0x600, s25;
	_ =	sdelay $0x1  }
0x1df: {  	s0 =	sshrl.u32 s0, $0x2  }
0x1e0: {  	[tilespmem:s0+$0x308] =	vst v1  }
0x1e1: {  	v1 =	vld [tilespmem:s31+$0xFFFFFF50];
	_ =	sdelay $0x4  }
0x1e2: {  	[tilespmem:s0+$0x318] =	vst v1  }
0x1e3: {  	v1 =	vld [tilespmem:s31+$0xFFFFFF60];
	_ =	sdelay $0x4  }
0x1e4: {  	[tilespmem:s0+$0x328] =	vst v1  }
0x1e5: {  	v1 =	vld [tilespmem:s31+$0xFFFFFF70];
	_ =	sdelay $0x4  }
0x1e6: {  	[tilespmem:s0+$0x338] =	vst v1  }
0x1e7: {  	v1 =	vld [tilespmem:s31+$0xFFFFFF80];
	_ =	sdelay $0x4  }
0x1e8: {  	[tilespmem:s0+$0x348] =	vst v1  }
0x1e9: {  	v1 =	vld [tilespmem:s31+$0xFFFFFF90];
	_ =	sdelay $0x4  }
0x1ea: {  	[tilespmem:s0+$0x358] =	vst v1  }
0x1eb: {  	v1 =	vld [tilespmem:s31+$0xFFFFFFA0];
	_ =	sdelay $0x4  }
0x1ec: {  	[tilespmem:s0+$0x368] =	vst v1  }
0x1ed: {  	v1 =	vld [tilespmem:s31+$0xFFFFFFB0];
	_ =	sdelay $0x4  }
0x1ee: {  	[tilespmem:s0+$0x378] =	vst v1  }
0x1ef: {  	v1 =	vld [tilespmem:s31+$0xFFFFFFC0];
	_ =	sdelay $0x4  }
0x1f0: {  	[tilespmem:s0+$0x388] =	vst v1  }
0x1f1: {  	v1 =	vld [tilespmem:s31+$0xFFFFFFD0];
	_ =	sdelay $0x4  }
0x1f2: {  	[tilespmem:s0+$0x398] =	vst v1  }
0x1f3: {  	v1 =	vld [tilespmem:s31+$0xFFFFFFE0];
	_ =	sdelay $0x4  }
0x1f4: {  	[tilespmem:s0+$0x3A8] =	vst v1  }
0x1f5: {  	v1 =	vld [tilespmem:s31+$0xFFFFFFF0];
	_ =	sdelay $0x4  }
0x1f6: {  	[tilespmem:s0+$0x3B8] =	vst v1  }
0x1f7: {  	v1 =	vld [tilespmem:s31+$0x0];
	_ =	sdelay $0x4  }
0x1f8: {  	[tilespmem:s0+$0x3C8] =	vst v1  }
0x1f9: {  	v1 =	vld [tilespmem:s31+$0x10];
	_ =	sdelay $0x4  }
0x1fa: {  	[tilespmem:s0+$0x3D8] =	vst v1  }
0x1fb: {  	v1 =	vld [tilespmem:s31+$0x20];
	_ =	sdelay $0x4  }
0x1fc: {  	[tilespmem:s0+$0x3E8] =	vst v1  }
0x1fd: {  	v1 =	vld [tilespmem:s31+$0x30];
	_ =	sdelay $0x4  }
0x1fe: {  	[tilespmem:s0+$0x3F8] =	vst v1  }
0x1ff: {  	v1 =	vld [tilespmem:s31+$0x40];
	_ =	sdelay $0x4  }
0x200: {  	[tilespmem:s0+$0x408] =	vst v1  }
0x201: {  	v1 =	vld [tilespmem:s31+$0x50];
	_ =	sdelay $0x4  }
0x202: {  	[tilespmem:s0+$0x418] =	vst v1  }
0x203: {  	v1 =	vld [tilespmem:s31+$0x60];
	_ =	sdelay $0x4  }
0x204: {  	[tilespmem:s0+$0x428] =	vst v1  }
0x205: {  	v1 =	vld [tilespmem:s31+$0x70];
	_ =	sdelay $0x4  }
0x206: {  	[tilespmem:s0+$0x438] =	vst v1  }
0x207: {  	v1 =	vld [tilespmem:s31+$0x80];
	_ =	sdelay $0x4  }
0x208: {  	[tilespmem:s0+$0x448] =	vst v1  }
0x209: {  	v1 =	vld [tilespmem:s31+$0x90];
	_ =	sdelay $0x4  }
0x20a: {  	[tilespmem:s0+$0x458] =	vst v1  }
0x20b: {  	v1 =	vld [tilespmem:s31+$0xA0];
	_ =	sdelay $0x4  }
0x20c: {  	[tilespmem:s0+$0x468] =	vst v1  }
0x20d: {  	v1 =	vld [tilespmem:s31+$0xB0]  }
.Ltmp20:
0x20e: {  	_ = 	snop;
	(pc) =	sbr.rel .LBB2_27-.Ltmp20, $2  }
0x20f: {  	_ =	sdelay $0x2  }
0x210: {  	s29 =	sadd.s32 $0x1, s29;
	[tilespmem:s0+$0x478] =	vst v1  }
.LBB2_29:
.Ltmp21:
0x211: {  	(pc) =	sbr.rel .LBB2_30-.Ltmp21, $4  }
0x212: {  	_ = 	snop  }
0x213: {  	s2 =	simm.s32 $0x2  }
0x214: {  	_ =	swait.ge [sflag:s2], $0x0  }
0x215: {  	s5 =	smov.u32 s0;
	[sflag:s2] =	ssyncset.done $0x0;
	s2 =	simm.s32 $0x0  }
.LBB2_32:
0x216: {  	_ =	sfence.sel $0x180000  }
0x217: {  	s0 =	simm.s32 $0x9;
	[bflag:$0x0] =	sbarrier.arrive $0xFFFF  }
0x218: {  	s24 =	simm.s32 $0xA;
	[sflag:s0] =	ssyncpa.u1 $0x1  }
0x219: {  	s25 =	simm.s32 $0xB;
	[sflag:s24] =	ssyncpa.u1 $0x1  }
0x21a: {  	s26 =	simm.s32 $0x2;
	[sflag:s25] =	ssyncpa.u1 $0x1  }
0x21b: {  	[sflag:s26] =	ssyncpa.u1 $0x1  }
0x21c: {  	v0 =	vld [tilespmem:$0xC608];
	_ =	sdelay $0x4  }
0x21d: {  	(v2sf) =	vpush v0, $0x0  }
0x21e: {  	(v2sf) =	vpush v0, $0x1  }
0x21f: {  	(v2sf) =	vpush v0, $0x2;
	_ =	sdelay $0xc  }
0x220: {  	s0 =	spop (v2sf)  }
0x221: {  	s2 =	spop (v2sf)  }
0x222: {  	s3 =	smov.u32 s0;
	p0 =	sne.s32 s0, s2;
	s4 =	spop (v2sf)  }
0x223: {  	s3 =	simm.s32 @!p0 $0xFFFFFFFF;
	p0 =	seq.s32 s4, $0xFFFFFFFF  }
0x224: {  	v2 =	vimm.s32 $0x1;
	v3 =	vlaneseq.u32;
	v1 =	vmov s3;
	p1 =	sne.s32 @!p0 s0, s2  }
0x225: {  	s16 =	stileid.u32;
	v0 =	vperm.xlane v0, v2;
	s0 =	simm.s32 @!p0 $0x1;
	v1 =	vperm.xlane v1, v3;
	p1 =	por !p1, p0  }
0x226: {  	vm0 =	vcmask $0x3F04;
	s3 =	sshll.u32 s16, $0x1;
	s2 =	smul.u32 @!p0 $0x600, s4;
	s0 =	simm.s32 @p1 $0x0  }
0x227: {  	s6 =	simm.s32 $0xC608;
	v0 =	vsel vm0, v1, v0;
	s0 =	sor.u32 @!p0 s0, s3  }
0x228: {  	s5 =	sor.u32 $0x3000, s3;
	s2 =	sshra.s32 @!p0 s2, $0x2;
	[tilespmem:$0xC608] =	vst v0;
	s0 =	smul.u32 @!p0 $0x600, s0  }
0x229: {  	[spmem:s5] =	stream.linear.scatter [tilespmem:s6], [sflag:$0x1], $0x2, $0x38;
	[tilespmem:$0x1B788] =	vst v63  }
0x22a: {  	s2 =	sadd.s32 @!p0 $0x308, s2;
	s0 =	sshrl.u32 @!p0 s0, $0x2  }
0x22b: {  	[spmem:s0] =	stream.linear.scatter @!p0 [tilespmem:s2], [sflag:$0x1], $0x180, $0x38;
	[tilespmem:$0x1B788] =	vst v63  }
0x22c: {  	s0 =	simm.s32 @!p0 $0x182  }
0x22d: {  	s28 =	simm.s32 $0x1;
	s0 =	simm.s32 @p0 $0x2  }
0x22e: {  	_ =	swait.ge [sflag:s28], s0  }
0x22f: {  	s0 =	ssub.s32 $0x0, s0;
	[sflag:s28] =	ssyncset.done $0x0  }
0x230: {  	p0 =	sne.s32 s16, $0x0;
	[sflag:s28] =	ssyncadd.s32 s0  }
.Ltmp22:
0x231: {  	_ =	sfence.stream.spmem;
	(pc) =	sbr.rel @p0 .LBB2_52-.Ltmp22, $4  }
0x232: {  	s29 =	simm.s32 $0x3;
	[bflag:$0x0] =	sbarrier.arrive $0xFFFF  }
0x233: {  	s30 =	simm.s32 $0x4;
	[sflag:s29] =	ssyncpa.u1 $0x1  }
0x234: {  	s31 =	simm.s32 $0x3C;
	[sflag:s30] =	ssyncpa.u1 $0x1  }
0x235: {  	s15 =	rddreg [dreg:$0x4];
	[sflag:s31] =	ssyncpa.u1 $0x1  }
0x236: {  	_ =	sfence.stream.spmem;
	s0 =	simm.s32 $0x5  }
0x237: {  	s2 =	simm.s32 $0x3000;
	s3 =	simm.s32 $0xC618;
	[sflag:s0] =	ssyncpa.u1 $0x0  }
0x238: {  	[tilespmem:s3], [sflag:$0x5] =	stream.linear.gather [spmem:s2], $0x20, $0x38;
	[tilespmem:$0x1B788] =	vst v63  }
0x239: {  	s26 =	simm.s32 $0x0;
	s28 =	simm.s32 $0xC638  }
0x23a: {  	[tilespmem:s28], [sflag:$0x5] =	stream.linear.gather [spmem:s26], $0x3000, $0x38;
	[tilespmem:$0x1B788] =	vst v63  }
0x23b: {  	_ =	swait.ge [sflag:s0], $0x3020  }
0x23c: {  	[sflag:s0] =	ssyncset.done $0x0  }
0x23d: {  	s29 =	simm.s32 $0x0;
	[sflag:s0] =	ssyncadd.s32 $0xFFFFCFE0  }
0x23e: {  	v0 =	vld.msk [tilespmem:s29+$0xC618], $0x1;
	_ =	sdelay $0x1  }
0x23f: {  	s30 =	simm.s32 $0x1  }
0x240: {  	v1 =	vld.msk [tilespmem:s30+$0xC618], $0x1;
	_ =	sdelay $0x1  }
0x241: {  	(v2sf) =	vpush v0, $0x0;
	_ =	sdelay $0x2  }
0x242: {  	(v2sf) =	vpush v1, $0x0;
	_ =	sdelay $0x2  }
0x243: {  	s31 =	simm.s32 $0x2  }
0x244: {  	v0 =	vld.msk [tilespmem:s31+$0xC618], $0x1;
	_ =	sdelay $0x2  }
0x245: {  	s3 =	simm.s32 $0xFFFFFFFF;
	s2 =	simm.s32 $0xFFFFFFFF;
	s0 =	simm.s32 $0xC  }
.LBB2_34:
0x246: {  	s4 =	smov.u32 s2;
	s5 =	smov.u32 s3  }
0x247: {  	s2 =	sshra.s32 s0, $0x2;
	p1 =	sne.s32 s0, $0x7C;
	s0 =	sadd.s32 $0x4, s0;
	(v2sf) =	vpush v0, $0x0  }
0x248: {  	v0 =	vld.msk [tilespmem:s2+$0xC618], $0x1  }
.Ltmp23:
0x249: {  	(pc) =	sbr.rel @p1 .LBB2_34-.Ltmp23, $4  }
0x24a: {  	s2 =	spop (v2sf)  }
0x24b: {  	p2 =	sne.s32 s3, $0xFFFFFFFF;
	s3 =	smov.u32 s2  }
0x24c: {  	p3 =	seq.s32 s2, $0xFFFFFFFF;
	s3 =	smov.u32 @p2 s5  }
0x24d: {  	s2 =	smov.u32 @p3 s4;
	s3 =	smov.u32 @p3 s5  }
0x24e: {  	(v2sf) =	vpush v0, $0x0;
	_ =	sdelay $0x8  }
0x24f: {  	s0 =	spop (v2sf);
	p1 =	sne.s32 s3, $0xFFFFFFFF  }
0x250: {  	s9 =	simm.s32 $0x6;
	s6 =	simm.s32 $0x0;
	s4 =	smov.u32 s0  }
0x251: {  	s10 =	simm.s32 $0xC488;
	p2 =	seq.s32 s0, $0xFFFFFFFF;
	s4 =	smov.u32 @p1 s3  }
0x252: {  	s11 =	simm.s32 $0xC508;
	s4 =	smov.u32 @p2 s3;
	s3 =	spop (v2sf)  }
0x253: {  	s12 =	simm.s32 $0xC588;
	p1 =	sne.s32 s4, $0xFFFFFFFF;
	s5 =	smov.u32 s3  }
.Ltmp24:
0x254: {  	s5 =	smov.u32 @p1 s4;
	p1 =	seq.s32 s3, $0xFFFFFFFF;
	(pc) =	sbr.rel .LBB2_36-.Ltmp24, $4  }
0x255: {  	s13 =	simm.s32 $0x0;
	s5 =	smov.u32 @p1 s4;
	s7 =	spop (v2sf)  }
0x256: {  	s0 =	smov.u32 @p2 s2;
	p2 =	sne.s32 s5, $0xFFFFFFFF;
	s8 =	smov.u32 s7  }
0x257: {  	s3 =	smov.u32 @p1 s0;
	p1 =	seq.s32 s7, $0xFFFFFFFF;
	s8 =	smov.u32 @p2 s5  }
0x258: {  	[sflag:s9] =	ssyncpa.u1 $0x0;
	s7 =	smov.u32 @p1 s3;
	s8 =	smov.u32 @p1 s5  }
.LBB2_41:
0x259: {  	s0 =	smul.u32 $0x600, s13;
	_ =	sdelay $0x1  }
0x25a: {  	s0 =	sshra.s32 s0, $0x2  }
0x25b: {  	v0 =	vld [tilespmem:s0+$0xC638];
	_ =	sdelay $0x1  }
0x25c: {  	s2 =	smul.u32 $0x600, s3;
	_ =	sdelay $0x1  }
0x25d: {  	s2 =	sshra.s32 s2, $0x2  }
0x25e: {  	[tilespmem:s2+$0xC638] =	vst.add.f32.msk $0xffff, v0  }
0x25f: {  	v0 =	vld [tilespmem:s0+$0xC648];
	_ =	sdelay $0x4  }
0x260: {  	[tilespmem:s2+$0xC648] =	vst.add.f32.msk $0xffff, v0  }
0x261: {  	v0 =	vld [tilespmem:s0+$0xC658];
	_ =	sdelay $0x4  }
0x262: {  	[tilespmem:s2+$0xC658] =	vst.add.f32.msk $0xffff, v0  }
0x263: {  	v0 =	vld [tilespmem:s0+$0xC668];
	_ =	sdelay $0x4  }
0x264: {  	[tilespmem:s2+$0xC668] =	vst.add.f32.msk $0xffff, v0  }
0x265: {  	v0 =	vld [tilespmem:s0+$0xC678];
	_ =	sdelay $0x4  }
0x266: {  	[tilespmem:s2+$0xC678] =	vst.add.f32.msk $0xffff, v0  }
0x267: {  	v0 =	vld [tilespmem:s0+$0xC688];
	_ =	sdelay $0x4  }
0x268: {  	[tilespmem:s2+$0xC688] =	vst.add.f32.msk $0xffff, v0  }
0x269: {  	v0 =	vld [tilespmem:s0+$0xC698];
	_ =	sdelay $0x4  }
0x26a: {  	[tilespmem:s2+$0xC698] =	vst.add.f32.msk $0xffff, v0  }
0x26b: {  	v0 =	vld [tilespmem:s0+$0xC6A8];
	_ =	sdelay $0x4  }
0x26c: {  	[tilespmem:s2+$0xC6A8] =	vst.add.f32.msk $0xffff, v0  }
0x26d: {  	v0 =	vld [tilespmem:s0+$0xC6B8];
	_ =	sdelay $0x4  }
0x26e: {  	[tilespmem:s2+$0xC6B8] =	vst.add.f32.msk $0xffff, v0  }
0x26f: {  	v0 =	vld [tilespmem:s0+$0xC6C8];
	_ =	sdelay $0x4  }
0x270: {  	[tilespmem:s2+$0xC6C8] =	vst.add.f32.msk $0xffff, v0  }
0x271: {  	v0 =	vld [tilespmem:s0+$0xC6D8];
	_ =	sdelay $0x4  }
0x272: {  	[tilespmem:s2+$0xC6D8] =	vst.add.f32.msk $0xffff, v0  }
0x273: {  	v0 =	vld [tilespmem:s0+$0xC6E8];
	_ =	sdelay $0x4  }
0x274: {  	[tilespmem:s2+$0xC6E8] =	vst.add.f32.msk $0xffff, v0  }
0x275: {  	v0 =	vld [tilespmem:s0+$0xC6F8];
	_ =	sdelay $0x4  }
0x276: {  	[tilespmem:s2+$0xC6F8] =	vst.add.f32.msk $0xffff, v0  }
0x277: {  	v0 =	vld [tilespmem:s0+$0xC708];
	_ =	sdelay $0x4  }
0x278: {  	[tilespmem:s2+$0xC708] =	vst.add.f32.msk $0xffff, v0  }
0x279: {  	v0 =	vld [tilespmem:s0+$0xC718];
	_ =	sdelay $0x4  }
0x27a: {  	[tilespmem:s2+$0xC718] =	vst.add.f32.msk $0xffff, v0  }
0x27b: {  	v0 =	vld [tilespmem:s0+$0xC728];
	_ =	sdelay $0x4  }
0x27c: {  	[tilespmem:s2+$0xC728] =	vst.add.f32.msk $0xffff, v0  }
0x27d: {  	v0 =	vld [tilespmem:s0+$0xC738];
	_ =	sdelay $0x4  }
0x27e: {  	[tilespmem:s2+$0xC738] =	vst.add.f32.msk $0xffff, v0  }
0x27f: {  	v0 =	vld [tilespmem:s0+$0xC748];
	_ =	sdelay $0x4  }
0x280: {  	[tilespmem:s2+$0xC748] =	vst.add.f32.msk $0xffff, v0  }
0x281: {  	v0 =	vld [tilespmem:s0+$0xC758];
	_ =	sdelay $0x4  }
0x282: {  	[tilespmem:s2+$0xC758] =	vst.add.f32.msk $0xffff, v0  }
0x283: {  	v0 =	vld [tilespmem:s0+$0xC768];
	_ =	sdelay $0x4  }
0x284: {  	[tilespmem:s2+$0xC768] =	vst.add.f32.msk $0xffff, v0  }
0x285: {  	v0 =	vld [tilespmem:s0+$0xC778];
	_ =	sdelay $0x4  }
0x286: {  	[tilespmem:s2+$0xC778] =	vst.add.f32.msk $0xffff, v0  }
0x287: {  	v0 =	vld [tilespmem:s0+$0xC788];
	_ =	sdelay $0x4  }
0x288: {  	[tilespmem:s2+$0xC788] =	vst.add.f32.msk $0xffff, v0  }
0x289: {  	v0 =	vld [tilespmem:s0+$0xC798];
	_ =	sdelay $0x4  }
0x28a: {  	[tilespmem:s2+$0xC798] =	vst.add.f32.msk $0xffff, v0  }
0x28b: {  	v0 =	vld [tilespmem:s0+$0xC7A8];
	_ =	sdelay $0x4  }
0x28c: {  	[tilespmem:s2+$0xC7A8] =	vst.add.f32.msk $0xffff, v0  }
.LBB2_46:
0x28d: {  	s13 =	sadd.s32 $0x1, s13  }
0x28e: {  	p1 =	sne.s32 s13, $0x20  }
.Ltmp25:
0x28f: {  	_ = 	snop;
	(pc) =	sbr.rel @!p1 .LBB2_47-.Ltmp25, $1  }
0x290: {  	_ =	sdelay $0x3  }
.LBB2_36:
0x291: {  	v0 =	vld.msk [tilespmem:s13+$0xC618], $0x1;
	_ =	sdelay $0x4  }
0x292: {  	(v2sf) =	vpush v0, $0x0;
	_ =	sdelay $0xe  }
0x293: {  	s0 =	spop (v2sf)  }
0x294: {  	p1 =	seq.s32 s0, $0xFFFFFFFF  }
.Ltmp26:
0x295: {  	_ = 	snop;
	(pc) =	sbr.rel @p1 .LBB2_46-.Ltmp26, $1  }
0x296: {  	_ =	sdelay $0x3  }
0x297: {  	p1 =	slt.s32 s6, $0x1  }
.Ltmp27:
0x298: {  	_ = 	snop;
	(pc) =	sbr.rel @p1 .LBB2_42-.Ltmp27, $1  }
0x299: {  	_ =	sdelay $0x3  }
0x29a: {  	s2 =	simm.s32 $0xC618;
	p1 =	por $0x0, $0x0  }
0x29b: {  	v1 =	vld.msk @!p1 [tilespmem:s2+$0x0], $0x1;
	_ =	sdelay $0x4  }
0x29c: {  	(v2sf) =	vpush @!p1 v1, $0x0;
	_ =	sdelay $0xd  }
0x29d: {  	p3 =	sne.s32 s6, $0x1  }
.Ltmp28:
0x29e: {  	s3 =	spop @!p1 (v2sf);
	(pc) =	sbr.rel @!p3 .LBB2_40-.Ltmp28, $4  }
0x29f: {  	p2 =	seq.s32 @!p1 s0, s3  }
0x2a0: {  	s3 =	simm.s32 $0x0;
	p2 =	por !p2, p1  }
0x2a1: {  	s5 =	simm.s32 $0xFFFFFFFF;
	s3 =	simm.s32 @p2 $0xFFFFFFFF  }
0x2a2: {  	s4 =	simm.s32 $0x1;
	s3 =	smov.u32 @p1 s5  }
.LBB2_39:
0x2a3: {  	s5 =	smov.u32 s3;
	p1 =	sne.s32 s3, $0xFFFFFFFF  }
0x2a4: {  	s2 =	sadd.s32 $0x1, s2;
	s3 =	smov.u32 s4;
	s4 =	sadd.s32 $0x1, s4  }
0x2a5: {  	p2 =	sne.s32 s6, s4;
	v1 =	vld.msk @!p1 [tilespmem:s2+$0x0], $0x1;
	_ =	sdelay $0x4  }
0x2a6: {  	(v2sf) =	vpush @!p1 v1, $0x0;
	_ =	sdelay $0xe  }
.Ltmp29:
0x2a7: {  	s14 =	spop @!p1 (v2sf);
	(pc) =	sbr.rel @p2 .LBB2_39-.Ltmp29, $4  }
0x2a8: {  	p3 =	seq.s32 @!p1 s0, s14  }
0x2a9: {  	p3 =	por !p3, p1  }
0x2aa: {  	s3 =	simm.s32 @p3 $0xFFFFFFFF  }
0x2ab: {  	s3 =	smov.u32 @p1 s5  }
.LBB2_40:
0x2ac: {  	p1 =	seq.s32 s3, $0xFFFFFFFF  }
.Ltmp30:
0x2ad: {  	_ = 	snop;
	(pc) =	sbr.rel @!p1 .LBB2_41-.Ltmp30, $1  }
0x2ae: {  	_ =	sdelay $0x3  }
.LBB2_42:
0x2af: {  	p1 =	sgt.u32 s0, $0x751F0  }
0x2b0: {  	p2 =	seq.s32 @!p1 s0, s8  }
0x2b1: {  	p1 =	por p1, p2  }
0x2b2: {  	p2 =	sne.s32 @!p1 s0, s7  }
0x2b3: {  	p1 =	por p1, !p2  }
.Ltmp31:
0x2b4: {  	_ = 	snop;
	(pc) =	sbr.rel @p1 .LBB2_43-.Ltmp31, $1  }
0x2b5: {  	_ =	sdelay $0x3  }
0x2b6: {  	s2 =	sand.u32 $0x7FFF8, s0  }
0x2b7: {  	s3 =	sand.u32 $0x7, s0;
	s29 =	sadd.s32 $0x80, s0;
	s2 =	sadd.s32 s1, s2  }
0x2b8: {  	[tilespmem:s10], [sflag:$0x6] =	stream.linear.gather [hbm4b:s2+s3], $0x80, $0x38;
	[tilespmem:$0x1B788] =	vst v63  }
0x2b9: {  	s30 =	sadd.s32 $0x100, s0;
	s2 =	sand.u32 $0xFFFF8, s29  }
0x2ba: {  	s0 =	sand.u32 $0xFFFF8, s30;
	s2 =	sadd.s32 s1, s2  }
0x2bb: {  	[tilespmem:s11], [sflag:$0x6] =	stream.linear.gather [hbm4b:s2+s3], $0x80, $0x38;
	[tilespmem:$0x1B788] =	vst v63  }
0x2bc: {  	s0 =	sadd.s32 s1, s0  }
0x2bd: {  	[tilespmem:s12], [sflag:$0x6] =	stream.linear.gather [hbm4b:s0+s3], $0x80, $0x38;
	[tilespmem:$0x1B788] =	vst v63  }
0x2be: {  	_ =	swait.ge [sflag:s9], $0x180  }
0x2bf: {  	[sflag:s9] =	ssyncset.done $0x0  }
0x2c0: {  	[sflag:s9] =	ssyncadd.s32 $0xFFFFFE80  }
0x2c1: {  	v1 =	vld [tilespmem:$0xC488];
	_ =	sdelay $0x1  }
0x2c2: {  	s0 =	smul.u32 $0x600, s13;
	_ =	sdelay $0x1  }
0x2c3: {  	s31 =	sshra.s32 s0, $0x2  }
0x2c4: {  	[tilespmem:s31+$0xC638] =	vst.add.f32.msk $0xffff, v1  }
0x2c5: {  	v1 =	vld [tilespmem:$0xC498];
	_ =	sdelay $0x4  }
0x2c6: {  	[tilespmem:s31+$0xC648] =	vst.add.f32.msk $0xffff, v1  }
0x2c7: {  	v1 =	vld [tilespmem:$0xC4A8];
	_ =	sdelay $0x4  }
0x2c8: {  	[tilespmem:s31+$0xC658] =	vst.add.f32.msk $0xffff, v1  }
0x2c9: {  	v1 =	vld [tilespmem:$0xC4B8];
	_ =	sdelay $0x4  }
0x2ca: {  	[tilespmem:s31+$0xC668] =	vst.add.f32.msk $0xffff, v1  }
0x2cb: {  	v1 =	vld [tilespmem:$0xC4C8];
	_ =	sdelay $0x4  }
0x2cc: {  	[tilespmem:s31+$0xC678] =	vst.add.f32.msk $0xffff, v1  }
0x2cd: {  	v1 =	vld [tilespmem:$0xC4D8];
	_ =	sdelay $0x4  }
0x2ce: {  	[tilespmem:s31+$0xC688] =	vst.add.f32.msk $0xffff, v1  }
0x2cf: {  	v1 =	vld [tilespmem:$0xC4E8];
	_ =	sdelay $0x4  }
0x2d0: {  	[tilespmem:s31+$0xC698] =	vst.add.f32.msk $0xffff, v1  }
0x2d1: {  	v1 =	vld [tilespmem:$0xC4F8];
	_ =	sdelay $0x4  }
0x2d2: {  	[tilespmem:s31+$0xC6A8] =	vst.add.f32.msk $0xffff, v1  }
0x2d3: {  	v1 =	vld [tilespmem:$0xC508];
	_ =	sdelay $0x4  }
0x2d4: {  	[tilespmem:s31+$0xC6B8] =	vst.add.f32.msk $0xffff, v1  }
0x2d5: {  	v1 =	vld [tilespmem:$0xC518];
	_ =	sdelay $0x4  }
0x2d6: {  	[tilespmem:s31+$0xC6C8] =	vst.add.f32.msk $0xffff, v1  }
0x2d7: {  	v1 =	vld [tilespmem:$0xC528];
	_ =	sdelay $0x4  }
0x2d8: {  	[tilespmem:s31+$0xC6D8] =	vst.add.f32.msk $0xffff, v1  }
0x2d9: {  	v1 =	vld [tilespmem:$0xC538];
	_ =	sdelay $0x4  }
0x2da: {  	[tilespmem:s31+$0xC6E8] =	vst.add.f32.msk $0xffff, v1  }
0x2db: {  	v1 =	vld [tilespmem:$0xC548];
	_ =	sdelay $0x4  }
0x2dc: {  	[tilespmem:s31+$0xC6F8] =	vst.add.f32.msk $0xffff, v1  }
0x2dd: {  	v1 =	vld [tilespmem:$0xC558];
	_ =	sdelay $0x4  }
0x2de: {  	[tilespmem:s31+$0xC708] =	vst.add.f32.msk $0xffff, v1  }
0x2df: {  	v1 =	vld [tilespmem:$0xC568];
	_ =	sdelay $0x4  }
0x2e0: {  	[tilespmem:s31+$0xC718] =	vst.add.f32.msk $0xffff, v1  }
0x2e1: {  	v1 =	vld [tilespmem:$0xC578];
	_ =	sdelay $0x4  }
0x2e2: {  	[tilespmem:s31+$0xC728] =	vst.add.f32.msk $0xffff, v1  }
0x2e3: {  	v1 =	vld [tilespmem:$0xC588];
	_ =	sdelay $0x4  }
0x2e4: {  	[tilespmem:s31+$0xC738] =	vst.add.f32.msk $0xffff, v1  }
0x2e5: {  	v1 =	vld [tilespmem:$0xC598];
	_ =	sdelay $0x4  }
0x2e6: {  	[tilespmem:s31+$0xC748] =	vst.add.f32.msk $0xffff, v1  }
0x2e7: {  	v1 =	vld [tilespmem:$0xC5A8];
	_ =	sdelay $0x4  }
0x2e8: {  	[tilespmem:s31+$0xC758] =	vst.add.f32.msk $0xffff, v1  }
0x2e9: {  	v1 =	vld [tilespmem:$0xC5B8];
	_ =	sdelay $0x4  }
0x2ea: {  	[tilespmem:s31+$0xC768] =	vst.add.f32.msk $0xffff, v1  }
0x2eb: {  	v1 =	vld [tilespmem:$0xC5C8];
	_ =	sdelay $0x4  }
0x2ec: {  	[tilespmem:s31+$0xC778] =	vst.add.f32.msk $0xffff, v1  }
0x2ed: {  	v1 =	vld [tilespmem:$0xC5D8];
	_ =	sdelay $0x4  }
0x2ee: {  	[tilespmem:s31+$0xC788] =	vst.add.f32.msk $0xffff, v1  }
0x2ef: {  	v1 =	vld [tilespmem:$0xC5E8];
	_ =	sdelay $0x4  }
0x2f0: {  	[tilespmem:s31+$0xC798] =	vst.add.f32.msk $0xffff, v1  }
0x2f1: {  	v1 =	vld [tilespmem:$0xC5F8];
	_ =	sdelay $0x4  }
0x2f2: {  	[tilespmem:s31+$0xC7A8] =	vst.add.f32.msk $0xffff, v1  }
.LBB2_45:
0x2f3: {  	[tilespmem:s6+$0xC618] =	vst.msk $0x1, v0;
	s0 =	sshra.s32 s0, $0x2  }
0x2f4: {  	v0 =	vld [tilespmem:s0+$0xC638];
	_ =	sdelay $0x1  }
0x2f5: {  	s2 =	smul.u32 $0x600, s6;
	_ =	sdelay $0x1  }
0x2f6: {  	s2 =	sshra.s32 s2, $0x2  }
0x2f7: {  	[tilespmem:s2+$0xC638] =	vst v0  }
0x2f8: {  	v0 =	vld [tilespmem:s0+$0xC648];
	_ =	sdelay $0x4  }
0x2f9: {  	[tilespmem:s2+$0xC648] =	vst v0  }
0x2fa: {  	v0 =	vld [tilespmem:s0+$0xC658];
	_ =	sdelay $0x4  }
0x2fb: {  	[tilespmem:s2+$0xC658] =	vst v0  }
0x2fc: {  	v0 =	vld [tilespmem:s0+$0xC668];
	_ =	sdelay $0x4  }
0x2fd: {  	[tilespmem:s2+$0xC668] =	vst v0  }
0x2fe: {  	v0 =	vld [tilespmem:s0+$0xC678];
	_ =	sdelay $0x4  }
0x2ff: {  	[tilespmem:s2+$0xC678] =	vst v0  }
0x300: {  	v0 =	vld [tilespmem:s0+$0xC688];
	_ =	sdelay $0x4  }
0x301: {  	[tilespmem:s2+$0xC688] =	vst v0  }
0x302: {  	v0 =	vld [tilespmem:s0+$0xC698];
	_ =	sdelay $0x4  }
0x303: {  	[tilespmem:s2+$0xC698] =	vst v0  }
0x304: {  	v0 =	vld [tilespmem:s0+$0xC6A8];
	_ =	sdelay $0x4  }
0x305: {  	[tilespmem:s2+$0xC6A8] =	vst v0  }
0x306: {  	v0 =	vld [tilespmem:s0+$0xC6B8];
	_ =	sdelay $0x4  }
0x307: {  	[tilespmem:s2+$0xC6B8] =	vst v0  }
0x308: {  	v0 =	vld [tilespmem:s0+$0xC6C8];
	_ =	sdelay $0x4  }
0x309: {  	[tilespmem:s2+$0xC6C8] =	vst v0  }
0x30a: {  	v0 =	vld [tilespmem:s0+$0xC6D8];
	_ =	sdelay $0x4  }
0x30b: {  	[tilespmem:s2+$0xC6D8] =	vst v0  }
0x30c: {  	v0 =	vld [tilespmem:s0+$0xC6E8];
	_ =	sdelay $0x4  }
0x30d: {  	[tilespmem:s2+$0xC6E8] =	vst v0  }
0x30e: {  	v0 =	vld [tilespmem:s0+$0xC6F8];
	_ =	sdelay $0x4  }
0x30f: {  	[tilespmem:s2+$0xC6F8] =	vst v0  }
0x310: {  	v0 =	vld [tilespmem:s0+$0xC708];
	_ =	sdelay $0x4  }
0x311: {  	[tilespmem:s2+$0xC708] =	vst v0  }
0x312: {  	v0 =	vld [tilespmem:s0+$0xC718];
	_ =	sdelay $0x4  }
0x313: {  	[tilespmem:s2+$0xC718] =	vst v0  }
0x314: {  	v0 =	vld [tilespmem:s0+$0xC728];
	_ =	sdelay $0x4  }
0x315: {  	[tilespmem:s2+$0xC728] =	vst v0  }
0x316: {  	v0 =	vld [tilespmem:s0+$0xC738];
	_ =	sdelay $0x4  }
0x317: {  	[tilespmem:s2+$0xC738] =	vst v0  }
0x318: {  	v0 =	vld [tilespmem:s0+$0xC748];
	_ =	sdelay $0x4  }
0x319: {  	[tilespmem:s2+$0xC748] =	vst v0  }
0x31a: {  	v0 =	vld [tilespmem:s0+$0xC758];
	_ =	sdelay $0x4  }
0x31b: {  	[tilespmem:s2+$0xC758] =	vst v0  }
0x31c: {  	v0 =	vld [tilespmem:s0+$0xC768];
	_ =	sdelay $0x4  }
0x31d: {  	[tilespmem:s2+$0xC768] =	vst v0  }
0x31e: {  	v0 =	vld [tilespmem:s0+$0xC778];
	_ =	sdelay $0x4  }
0x31f: {  	[tilespmem:s2+$0xC778] =	vst v0  }
0x320: {  	v0 =	vld [tilespmem:s0+$0xC788];
	_ =	sdelay $0x4  }
0x321: {  	[tilespmem:s2+$0xC788] =	vst v0  }
0x322: {  	v0 =	vld [tilespmem:s0+$0xC798];
	_ =	sdelay $0x4  }
0x323: {  	[tilespmem:s2+$0xC798] =	vst v0  }
0x324: {  	v0 =	vld [tilespmem:s0+$0xC7A8]  }
.Ltmp32:
0x325: {  	_ = 	snop;
	(pc) =	sbr.rel .LBB2_46-.Ltmp32, $2  }
0x326: {  	_ =	sdelay $0x2  }
0x327: {  	s6 =	sadd.s32 $0x1, s6;
	[tilespmem:s2+$0xC7A8] =	vst v0  }
.LBB2_43:
.Ltmp33:
0x328: {  	(pc) =	sbr.rel .LBB2_45-.Ltmp33, $2  }
0x329: {  	_ =	sdelay $0x1  }
0x32a: {  	s0 =	smul.u32 $0x600, s13;
	_ =	sdelay $0x1  }
.LBB2_47:
0x32b: {  	s0 =	simm.s32 $0x6;
	p1 =	seq.s32 s6, $0x0  }
0x32c: {  	[sflag:s0] =	ssyncpa.u1 $0x1;
	v0 =	vimm.s32 @p1 $0xFFFFFFFF  }
0x32d: {  	s0 =	sadd.s32 $0xFFFFFFFF, s6;
	[tilespmem:$0xF638] =	vst @p1 v0  }
0x32e: {  	v0 =	vld.msk @!p1 [tilespmem:s0+$0xC618], $0x1;
	_ =	sdelay $0x1  }
0x32f: {  	v1 =	vld.msk @!p1 [tilespmem:$0xC618], $0x1;
	_ =	sdelay $0x2  }
0x330: {  	p2 =	seq.s32 @!p1 s0, $0x0;
	v0 =	vbroadcast @!p1 v0, $0x0  }
0x331: {  	vm0 =	vmmov @!p1 $0x1;
	p3 =	por !p2, p1  }
0x332: {  	p2 =	sne.s32 @!p1 s8, s7;
	v1 =	vnsel @!p1 vm0, $0xFFFFFFFF, v1;
	vm0 =	vcmask @!p1 $0x308;
	v0 =	vpsel !p3, $0xFFFFFFFF, v0  }
0x333: {  	p3 =	por !p2, p1;
	v0 =	vsel @!p1 vm0, v1, v0  }
0x334: {  	s2 =	simm.s32 @!p1 $0xC638;
	s3 =	simm.s32 @!p1 $0x0;
	s4 =	smul.u32 @!p3 $0x600, s0;
	[tilespmem:$0xF638] =	vst @!p1 v0  }
0x335: {  	[spmem:s3] =	stream.linear.scatter @!p1 [tilespmem:s2], [sflag:$0x1], $0x180, $0x38;
	[tilespmem:$0x1B788] =	vst v63  }
0x336: {  	s2 =	sshra.s32 @!p3 s4, $0x2  }
0x337: {  	s3 =	simm.s32 @!p3 $0x180;
	s2 =	sadd.s32 @!p3 $0xC638, s2  }
0x338: {  	[spmem:s3] =	stream.linear.scatter @!p3 [tilespmem:s2], [sflag:$0x1], $0x180, $0x38;
	[tilespmem:$0x1B788] =	vst v63  }
0x339: {  	s2 =	simm.s32 @!p3 $0x1  }
0x33a: {  	_ =	swait.ge @!p3 [sflag:s2], $0x300  }
0x33b: {  	p1 =	por p2, p1;
	[sflag:s2] =	ssyncset.done @!p3 $0x0  }
0x33c: {  	[sflag:s2] =	ssyncadd.s32 @!p3 $0xFFFFFD00;
	s2 =	simm.s32 @!p1 $0x1  }
0x33d: {  	_ =	swait.ge @!p1 [sflag:s2], $0x180  }
0x33e: {  	s29 =	simm.s32 $0xF638;
	[sflag:s2] =	ssyncset.done @!p1 $0x0  }
0x33f: {  	s30 =	simm.s32 $0x3000;
	s31 =	simm.s32 $0x1;
	[sflag:s2] =	ssyncadd.s32 @!p1 $0xFFFFFE80  }
0x340: {  	[spmem:s30] =	stream.linear.scatter [tilespmem:s29], [sflag:$0x1], $0x10, $0x38;
	[tilespmem:$0x1B788] =	vst v63  }
0x341: {  	_ =	swait.ge [sflag:s31], $0x10  }
0x342: {  	[sflag:s31] =	ssyncset.done $0x0  }
0x343: {  	p1 =	seq.s32 s15, $0x0;
	s9 =	rddreg [dreg:$0x1];
	[sflag:s31] =	ssyncadd.s32 $0xFFFFFFF0  }
0x344: {  	s3 =	sshll.u32 @p1 s9, $0xE;
	s8 =	rddreg [dreg:$0x2]  }
0x345: {  	s2 =	sadd.s32 @p1 $0x15C3C, s3;
	s3 =	sshll.u32 @p1 s8, $0x11  }
0x346: {  	_ =	sfence.stream.spmem;
	s2 =	sor.u32 @p1 s3, s2  }
0x347: {  	[sflag:s2] =	ssyncadd.remote.s32 @p1 $0x1;
	s2 =	simm.s32 @p1 $0x4  }
0x348: {  	s4 =	simm.s32 @!p1 $0x3C;
	s3 =	sand.u32 $0xFFFFFFFE, s9;
	_ =	swait.ge @p1 [sflag:s2], $0x62  }
0x349: {  	s5 =	simm.s32 @!p1 $0x0;
	s3 =	sadd.s32 @!p1 $0x4, s3;
	[sflag:s2] =	ssyncset.done @p1 $0x0  }
0x34a: {  	s7 =	simm.s32 @!p1 $0x300;
	[sflag:s2] =	ssyncadd.s32 @p1 $0xFFFFFF9E;
	s2 =	sshll.u32 @!p1 s3, $0x1A  }
0x34b: {  	s3 =	sshll.u32 @!p1 s3, $0xD;
	s2 =	sor.u32 @!p1 s2, s8;
	_ =	swait.eq @!p1 [sflag:s4], $0x1  }
0x34c: {  	s3 =	sor.u32 @!p1 $0x1C04, s3;
	s4 =	simm.s32 @!p1 $0x1C03;
	s2 =	sor.u32 @!p1 $0x80004000, s2  }
0x34d: {  	[spmem:s7], [sflag:s3] =	dma.general @!p1 [spmem:s5], [sflag:s4], length:$0x60, [dreg:$0x0], stride_count:$0x0, ici_dest:s2, dma_misc:DstOpCode:WRITE  }
0x34e: {  	p2 =	slt.s32 s0, $0x2;
	s5 =	simm.s32 @!p1 $0x600;
	s7 =	simm.s32 @!p1 $0x602  }
0x34f: {  	[spmem:s7], [sflag:s3] =	dma.general @!p1 [spmem:s5], [sflag:s4], length:$0x2, [dreg:$0x0], stride_count:$0x0, ici_dest:s2, dma_misc:DstOpCode:WRITE  }
.Ltmp34:
0x350: {  	s2 =	simm.s32 @!p1 $0x3;
	(pc) =	sbr.rel @p2 .LBB2_51-.Ltmp34, $4  }
0x351: {  	s3 =	sshll.u32 @!p1 s9, $0xE;
	_ =	swait.ge @!p1 [sflag:s2], $0x62  }
0x352: {  	s4 =	sshll.u32 @!p1 s8, $0x11;
	s3 =	sadd.s32 @!p1 $0x11C3C, s3;
	[sflag:s2] =	ssyncset.done @!p1 $0x0  }
0x353: {  	[sflag:s2] =	ssyncadd.s32 @!p1 $0xFFFFFF9E;
	s2 =	sor.u32 @!p1 s4, s3  }
0x354: {  	s0 =	simm.s32 $0x0;
	[sflag:s2] =	ssyncadd.remote.s32 @!p1 $0xFFFFFFFF  }
0x355: {  	s0 =	simm.s32 $0xC619  }
0x356: {  	v0 =	vld.msk [tilespmem:s0+$0x0], $0x1;
	_ =	sdelay $0x4  }
0x357: {  	(v2sf) =	vpush v0, $0x0;
	_ =	sdelay $0xe  }
0x358: {  	s2 =	spop (v2sf)  }
0x359: {  	s3 =	sadd.s32 $0xFFFFFFFE, s6;
	s0 =	simm.s32 $0xC7B8;
	p1 =	sgt.u32 s2, $0x751F0  }
0x35a: {  	s4 =	sand.u32 @!p1 $0x7FFF8, s2;
	s5 =	sadd.s32 @!p1 $0x80, s2;
	s6 =	sadd.s32 @!p1 $0x100, s2  }
0x35b: {  	s7 =	sand.u32 @!p1 $0x7, s2;
	s4 =	sadd.s32 @!p1 s1, s4;
	s2 =	sand.u32 @!p1 $0xFFFF8, s5  }
0x35c: {  	[hbm4b:s4+s7] =	stream.linear.scatter @!p1 [tilespmem:s0], [sflag:$0x5], $0x80, $0x38;
	[tilespmem:$0x1B788] =	vst v63  }
0x35d: {  	s4 =	simm.s32 @!p1 $0xC838;
	s2 =	sadd.s32 @!p1 s1, s2  }
0x35e: {  	[hbm4b:s2+s7] =	stream.linear.scatter @!p1 [tilespmem:s4], [sflag:$0x5], $0x80, $0x38;
	[tilespmem:$0x1B788] =	vst v63  }
0x35f: {  	s2 =	sadd.s32 $0xFFFFFFFF, s3  }
0x360: {  	p2 =	sne.s32 s2, $0x0  }
.Ltmp35:
0x361: {  	_ = 	snop;
	(pc) =	sbr.rel @!p2 .LBB2_50-.Ltmp35, $4  }
0x362: {  	s5 =	sand.u32 @!p1 $0xFFFF8, s6  }
0x363: {  	s3 =	simm.s32 @!p1 $0xC8B8;
	s4 =	sadd.s32 @!p1 s1, s5  }
0x364: {  	[hbm4b:s4+s7] =	stream.linear.scatter @!p1 [tilespmem:s3], [sflag:$0x5], $0x80, $0x38;
	[tilespmem:$0x1B788] =	vst v63  }
0x365: {  	s6 =	simm.s32 $0xC61A;
	s5 =	simm.s32 $0x0;
	s4 =	simm.s32 $0x0  }
.LBB2_49:
0x366: {  	s3 =	simm.s32 $0x0  }
0x367: {  	v0 =	vld.msk [tilespmem:s6+$0x0], $0x1;
	s2 =	sadd.s32 $0xFFFFFFFF, s2;
	s3 =	simm.s32 @!p1 $0x600  }
0x368: {  	p2 =	sne.s32 s2, $0x0;
	s5 =	sadd.s32 s5, s3;
	_ =	sdelay $0x3  }
0x369: {  	(v2sf) =	vpush v0, $0x0;
	_ =	sdelay $0xe  }
0x36a: {  	s3 =	spop (v2sf)  }
0x36b: {  	s0 =	sadd.s32 $0x180, s0;
	p1 =	sgt.u32 s3, $0x751F0  }
0x36c: {  	s7 =	sand.u32 @!p1 $0x7FFF8, s3;
	s8 =	sadd.s32 @!p1 $0x80, s3;
	s9 =	sadd.s32 @!p1 $0x100, s3  }
0x36d: {  	s3 =	sand.u32 @!p1 $0x7, s3;
	s7 =	sadd.s32 @!p1 s1, s7;
	s8 =	sand.u32 @!p1 $0xFFFF8, s8  }
0x36e: {  	[hbm4b:s7+s3] =	stream.linear.scatter @!p1 [tilespmem:s0], [sflag:$0x5], $0x80, $0x38;
	[tilespmem:$0x1B788] =	vst v63  }
.Ltmp36:
0x36f: {  	_ = 	snop;
	(pc) =	sbr.rel @p2 .LBB2_49-.Ltmp36, $4  }
0x370: {  	s9 =	sand.u32 @!p1 $0xFFFF8, s9;
	s7 =	sadd.s32 @!p1 $0x80, s0;
	s8 =	sadd.s32 @!p1 s1, s8  }
0x371: {  	[hbm4b:s8+s3] =	stream.linear.scatter @!p1 [tilespmem:s7], [sflag:$0x5], $0x80, $0x38;
	[tilespmem:$0x1B788] =	vst v63  }
0x372: {  	s6 =	sadd.s32 $0x1, s6;
	s7 =	sadd.s32 @!p1 $0x100, s0;
	s8 =	sadd.s32 @!p1 s1, s9  }
0x373: {  	[hbm4b:s8+s3] =	stream.linear.scatter @!p1 [tilespmem:s7], [sflag:$0x5], $0x80, $0x38;
	[tilespmem:$0x1B788] =	vst v63  }
.LBB2_50:
0x374: {  	s4 =	simm.s32 @!p1 $0x600  }
0x375: {  	s0 =	sadd.s32 s5, s4  }
0x376: {  	s0 =	sshrl.u32 s0, $0x2  }
.LBB2_51:
0x377: {  	s2 =	simm.s32 $0x5  }
0x378: {  	_ =	swait.ge [sflag:s2], s0  }
0x379: {  	s31 =	ssub.s32 $0x0, s0;
	[sflag:s2] =	ssyncset.done $0x0  }
0x37a: {  	[sflag:s2] =	ssyncadd.s32 s31  }
0x37b: {  	[sflag:s2] =	ssyncpa.u1 $0x1  }
.LBB2_52:
0x37c: {  	s0 =	sor.u32 s15, s16  }
0x37d: {  	p1 =	sne.s32 s0, $0x0  }
.Ltmp37:
0x37e: {  	_ = 	snop;
	(pc) =	sbr.rel @p1 .LBB2_70-.Ltmp37, $3  }
0x37f: {  	_ =	sdelay $0x1  }
0x380: {  	[bflag:$0x0] =	sbarrier.arrive $0xFFFF  }
0x381: {  	_ =	sfence  }
0x382: {  	s0 =	simm.s32 $0x7  }
0x383: {  	s2 =	simm.s32 $0x3000;
	s3 =	simm.s32 $0xC618;
	[sflag:s0] =	ssyncpa.u1 $0x0  }
0x384: {  	[tilespmem:s3], [sflag:$0x7] =	stream.linear.gather [spmem:s2], $0x20, $0x38;
	[tilespmem:$0x1B788] =	vst v63  }
0x385: {  	s31 =	simm.s32 $0xC638;
	s2 =	simm.s32 $0x0  }
0x386: {  	[tilespmem:s31], [sflag:$0x7] =	stream.linear.gather [spmem:s2], $0x3000, $0x38;
	[tilespmem:$0x1B788] =	vst v63  }
.Ltmp38:
0x387: {  	_ = 	snop;
	(pc) =	sbr.rel .LBB2_54-.Ltmp38, $4  }
0x388: {  	_ =	swait.ge [sflag:s0], $0x3020  }
0x389: {  	s4 =	simm.s32 $0xC488;
	[sflag:s0] =	ssyncset.done $0x0  }
0x38a: {  	s5 =	simm.s32 $0xC508;
	s3 =	simm.s32 $0x8;
	[sflag:s0] =	ssyncadd.s32 $0xFFFFCFE0  }
0x38b: {  	s6 =	simm.s32 $0xC588;
	s7 =	simm.s32 $0x0;
	[sflag:s3] =	ssyncpa.u1 $0x0  }
.LBB2_62:
0x38c: {  	s8 =	sand.u32 $0x7FFF8, s0  }
0x38d: {  	s9 =	sand.u32 $0x7, s0;
	s29 =	sadd.s32 $0x80, s0;
	s8 =	sadd.s32 s1, s8  }
0x38e: {  	[tilespmem:s4], [sflag:$0x8] =	stream.linear.gather [hbm4b:s8+s9], $0x80, $0x38;
	[tilespmem:$0x1B788] =	vst v63  }
0x38f: {  	s30 =	sadd.s32 $0x100, s0;
	s8 =	sand.u32 $0xFFFF8, s29  }
0x390: {  	s0 =	sand.u32 $0xFFFF8, s30;
	s8 =	sadd.s32 s1, s8  }
0x391: {  	[tilespmem:s5], [sflag:$0x8] =	stream.linear.gather [hbm4b:s8+s9], $0x80, $0x38;
	[tilespmem:$0x1B788] =	vst v63  }
0x392: {  	s0 =	sadd.s32 s1, s0  }
0x393: {  	[tilespmem:s6], [sflag:$0x8] =	stream.linear.gather [hbm4b:s0+s9], $0x80, $0x38;
	[tilespmem:$0x1B788] =	vst v63  }
0x394: {  	_ =	swait.ge [sflag:s3], $0x180  }
0x395: {  	[sflag:s3] =	ssyncset.done $0x0  }
0x396: {  	[sflag:s3] =	ssyncadd.s32 $0xFFFFFE80  }
0x397: {  	v1 =	vld [tilespmem:$0xC488];
	_ =	sdelay $0x1  }
0x398: {  	s0 =	smul.u32 $0x600, s7;
	_ =	sdelay $0x1  }
0x399: {  	s31 =	sshra.s32 s0, $0x2  }
0x39a: {  	[tilespmem:s31+$0xC638] =	vst.add.f32.msk $0xffff, v1  }
0x39b: {  	v1 =	vld [tilespmem:$0xC498];
	_ =	sdelay $0x4  }
0x39c: {  	[tilespmem:s31+$0xC648] =	vst.add.f32.msk $0xffff, v1  }
0x39d: {  	v1 =	vld [tilespmem:$0xC4A8];
	_ =	sdelay $0x4  }
0x39e: {  	[tilespmem:s31+$0xC658] =	vst.add.f32.msk $0xffff, v1  }
0x39f: {  	v1 =	vld [tilespmem:$0xC4B8];
	_ =	sdelay $0x4  }
0x3a0: {  	[tilespmem:s31+$0xC668] =	vst.add.f32.msk $0xffff, v1  }
0x3a1: {  	v1 =	vld [tilespmem:$0xC4C8];
	_ =	sdelay $0x4  }
0x3a2: {  	[tilespmem:s31+$0xC678] =	vst.add.f32.msk $0xffff, v1  }
0x3a3: {  	v1 =	vld [tilespmem:$0xC4D8];
	_ =	sdelay $0x4  }
0x3a4: {  	[tilespmem:s31+$0xC688] =	vst.add.f32.msk $0xffff, v1  }
0x3a5: {  	v1 =	vld [tilespmem:$0xC4E8];
	_ =	sdelay $0x4  }
0x3a6: {  	[tilespmem:s31+$0xC698] =	vst.add.f32.msk $0xffff, v1  }
0x3a7: {  	v1 =	vld [tilespmem:$0xC4F8];
	_ =	sdelay $0x4  }
0x3a8: {  	[tilespmem:s31+$0xC6A8] =	vst.add.f32.msk $0xffff, v1  }
0x3a9: {  	v1 =	vld [tilespmem:$0xC508];
	_ =	sdelay $0x4  }
0x3aa: {  	[tilespmem:s31+$0xC6B8] =	vst.add.f32.msk $0xffff, v1  }
0x3ab: {  	v1 =	vld [tilespmem:$0xC518];
	_ =	sdelay $0x4  }
0x3ac: {  	[tilespmem:s31+$0xC6C8] =	vst.add.f32.msk $0xffff, v1  }
0x3ad: {  	v1 =	vld [tilespmem:$0xC528];
	_ =	sdelay $0x4  }
0x3ae: {  	[tilespmem:s31+$0xC6D8] =	vst.add.f32.msk $0xffff, v1  }
0x3af: {  	v1 =	vld [tilespmem:$0xC538];
	_ =	sdelay $0x4  }
0x3b0: {  	[tilespmem:s31+$0xC6E8] =	vst.add.f32.msk $0xffff, v1  }
0x3b1: {  	v1 =	vld [tilespmem:$0xC548];
	_ =	sdelay $0x4  }
0x3b2: {  	[tilespmem:s31+$0xC6F8] =	vst.add.f32.msk $0xffff, v1  }
0x3b3: {  	v1 =	vld [tilespmem:$0xC558];
	_ =	sdelay $0x4  }
0x3b4: {  	[tilespmem:s31+$0xC708] =	vst.add.f32.msk $0xffff, v1  }
0x3b5: {  	v1 =	vld [tilespmem:$0xC568];
	_ =	sdelay $0x4  }
0x3b6: {  	[tilespmem:s31+$0xC718] =	vst.add.f32.msk $0xffff, v1  }
0x3b7: {  	v1 =	vld [tilespmem:$0xC578];
	_ =	sdelay $0x4  }
0x3b8: {  	[tilespmem:s31+$0xC728] =	vst.add.f32.msk $0xffff, v1  }
0x3b9: {  	v1 =	vld [tilespmem:$0xC588];
	_ =	sdelay $0x4  }
0x3ba: {  	[tilespmem:s31+$0xC738] =	vst.add.f32.msk $0xffff, v1  }
0x3bb: {  	v1 =	vld [tilespmem:$0xC598];
	_ =	sdelay $0x4  }
0x3bc: {  	[tilespmem:s31+$0xC748] =	vst.add.f32.msk $0xffff, v1  }
0x3bd: {  	v1 =	vld [tilespmem:$0xC5A8];
	_ =	sdelay $0x4  }
0x3be: {  	[tilespmem:s31+$0xC758] =	vst.add.f32.msk $0xffff, v1  }
0x3bf: {  	v1 =	vld [tilespmem:$0xC5B8];
	_ =	sdelay $0x4  }
0x3c0: {  	[tilespmem:s31+$0xC768] =	vst.add.f32.msk $0xffff, v1  }
0x3c1: {  	v1 =	vld [tilespmem:$0xC5C8];
	_ =	sdelay $0x4  }
0x3c2: {  	[tilespmem:s31+$0xC778] =	vst.add.f32.msk $0xffff, v1  }
0x3c3: {  	v1 =	vld [tilespmem:$0xC5D8];
	_ =	sdelay $0x4  }
0x3c4: {  	[tilespmem:s31+$0xC788] =	vst.add.f32.msk $0xffff, v1  }
0x3c5: {  	v1 =	vld [tilespmem:$0xC5E8];
	_ =	sdelay $0x4  }
0x3c6: {  	[tilespmem:s31+$0xC798] =	vst.add.f32.msk $0xffff, v1  }
0x3c7: {  	v1 =	vld [tilespmem:$0xC5F8];
	_ =	sdelay $0x4  }
0x3c8: {  	[tilespmem:s31+$0xC7A8] =	vst.add.f32.msk $0xffff, v1  }
.LBB2_63:
0x3c9: {  	[tilespmem:s2+$0xC618] =	vst.msk $0x1, v0;
	s0 =	sshra.s32 s0, $0x2  }
0x3ca: {  	v0 =	vld [tilespmem:s0+$0xC638];
	_ =	sdelay $0x1  }
0x3cb: {  	s8 =	smul.u32 $0x600, s2;
	_ =	sdelay $0x1  }
0x3cc: {  	s8 =	sshra.s32 s8, $0x2  }
0x3cd: {  	[tilespmem:s8+$0xC638] =	vst v0  }
0x3ce: {  	v0 =	vld [tilespmem:s0+$0xC648];
	_ =	sdelay $0x4  }
0x3cf: {  	[tilespmem:s8+$0xC648] =	vst v0  }
0x3d0: {  	v0 =	vld [tilespmem:s0+$0xC658];
	_ =	sdelay $0x4  }
0x3d1: {  	[tilespmem:s8+$0xC658] =	vst v0  }
0x3d2: {  	v0 =	vld [tilespmem:s0+$0xC668];
	_ =	sdelay $0x4  }
0x3d3: {  	[tilespmem:s8+$0xC668] =	vst v0  }
0x3d4: {  	v0 =	vld [tilespmem:s0+$0xC678];
	_ =	sdelay $0x4  }
0x3d5: {  	[tilespmem:s8+$0xC678] =	vst v0  }
0x3d6: {  	v0 =	vld [tilespmem:s0+$0xC688];
	_ =	sdelay $0x4  }
0x3d7: {  	[tilespmem:s8+$0xC688] =	vst v0  }
0x3d8: {  	v0 =	vld [tilespmem:s0+$0xC698];
	_ =	sdelay $0x4  }
0x3d9: {  	[tilespmem:s8+$0xC698] =	vst v0  }
0x3da: {  	v0 =	vld [tilespmem:s0+$0xC6A8];
	_ =	sdelay $0x4  }
0x3db: {  	[tilespmem:s8+$0xC6A8] =	vst v0  }
0x3dc: {  	v0 =	vld [tilespmem:s0+$0xC6B8];
	_ =	sdelay $0x4  }
0x3dd: {  	[tilespmem:s8+$0xC6B8] =	vst v0  }
0x3de: {  	v0 =	vld [tilespmem:s0+$0xC6C8];
	_ =	sdelay $0x4  }
0x3df: {  	[tilespmem:s8+$0xC6C8] =	vst v0  }
0x3e0: {  	v0 =	vld [tilespmem:s0+$0xC6D8];
	_ =	sdelay $0x4  }
0x3e1: {  	[tilespmem:s8+$0xC6D8] =	vst v0  }
0x3e2: {  	v0 =	vld [tilespmem:s0+$0xC6E8];
	_ =	sdelay $0x4  }
0x3e3: {  	[tilespmem:s8+$0xC6E8] =	vst v0  }
0x3e4: {  	v0 =	vld [tilespmem:s0+$0xC6F8];
	_ =	sdelay $0x4  }
0x3e5: {  	[tilespmem:s8+$0xC6F8] =	vst v0  }
0x3e6: {  	v0 =	vld [tilespmem:s0+$0xC708];
	_ =	sdelay $0x4  }
0x3e7: {  	[tilespmem:s8+$0xC708] =	vst v0  }
0x3e8: {  	v0 =	vld [tilespmem:s0+$0xC718];
	_ =	sdelay $0x4  }
0x3e9: {  	[tilespmem:s8+$0xC718] =	vst v0  }
0x3ea: {  	v0 =	vld [tilespmem:s0+$0xC728];
	_ =	sdelay $0x4  }
0x3eb: {  	[tilespmem:s8+$0xC728] =	vst v0  }
0x3ec: {  	v0 =	vld [tilespmem:s0+$0xC738];
	_ =	sdelay $0x4  }
0x3ed: {  	[tilespmem:s8+$0xC738] =	vst v0  }
0x3ee: {  	v0 =	vld [tilespmem:s0+$0xC748];
	_ =	sdelay $0x4  }
0x3ef: {  	[tilespmem:s8+$0xC748] =	vst v0  }
0x3f0: {  	v0 =	vld [tilespmem:s0+$0xC758];
	_ =	sdelay $0x4  }
0x3f1: {  	[tilespmem:s8+$0xC758] =	vst v0  }
0x3f2: {  	v0 =	vld [tilespmem:s0+$0xC768];
	_ =	sdelay $0x4  }
0x3f3: {  	[tilespmem:s8+$0xC768] =	vst v0  }
0x3f4: {  	v0 =	vld [tilespmem:s0+$0xC778];
	_ =	sdelay $0x4  }
0x3f5: {  	[tilespmem:s8+$0xC778] =	vst v0  }
0x3f6: {  	v0 =	vld [tilespmem:s0+$0xC788];
	_ =	sdelay $0x4  }
0x3f7: {  	[tilespmem:s8+$0xC788] =	vst v0  }
0x3f8: {  	v0 =	vld [tilespmem:s0+$0xC798];
	_ =	sdelay $0x4  }
0x3f9: {  	[tilespmem:s8+$0xC798] =	vst v0  }
0x3fa: {  	v0 =	vld [tilespmem:s0+$0xC7A8];
	_ =	sdelay $0x4  }
0x3fb: {  	s2 =	sadd.s32 $0x1, s2;
	[tilespmem:s8+$0xC7A8] =	vst v0  }
.LBB2_64:
0x3fc: {  	s7 =	sadd.s32 $0x1, s7  }
0x3fd: {  	p1 =	sne.s32 s7, $0x20  }
.Ltmp39:
0x3fe: {  	_ = 	snop;
	(pc) =	sbr.rel @!p1 .LBB2_65-.Ltmp39, $1  }
0x3ff: {  	_ =	sdelay $0x3  }
.LBB2_54:
0x400: {  	v0 =	vld.msk [tilespmem:s7+$0xC618], $0x1;
	_ =	sdelay $0x4  }
0x401: {  	(v2sf) =	vpush v0, $0x0;
	_ =	sdelay $0xe  }
0x402: {  	s0 =	spop (v2sf)  }
0x403: {  	p1 =	seq.s32 s0, $0xFFFFFFFF  }
.Ltmp40:
0x404: {  	_ = 	snop;
	(pc) =	sbr.rel @p1 .LBB2_64-.Ltmp40, $1  }
0x405: {  	_ =	sdelay $0x3  }
0x406: {  	p1 =	slt.s32 s2, $0x1  }
.Ltmp41:
0x407: {  	_ = 	snop;
	(pc) =	sbr.rel @p1 .LBB2_60-.Ltmp41, $1  }
0x408: {  	_ =	sdelay $0x3  }
0x409: {  	s8 =	simm.s32 $0xC618;
	p1 =	por $0x0, $0x0  }
0x40a: {  	v1 =	vld.msk @!p1 [tilespmem:s8+$0x0], $0x1;
	_ =	sdelay $0x4  }
0x40b: {  	(v2sf) =	vpush @!p1 v1, $0x0;
	_ =	sdelay $0xd  }
0x40c: {  	p3 =	sne.s32 s2, $0x1  }
.Ltmp42:
0x40d: {  	s9 =	spop @!p1 (v2sf);
	(pc) =	sbr.rel @!p3 .LBB2_58-.Ltmp42, $4  }
0x40e: {  	p2 =	seq.s32 @!p1 s0, s9  }
0x40f: {  	s9 =	simm.s32 $0x0;
	p2 =	por !p2, p1  }
0x410: {  	s11 =	simm.s32 $0xFFFFFFFF;
	s9 =	simm.s32 @p2 $0xFFFFFFFF  }
0x411: {  	s10 =	simm.s32 $0x1;
	s9 =	smov.u32 @p1 s11  }
.LBB2_57:
0x412: {  	s11 =	smov.u32 s9;
	p1 =	sne.s32 s9, $0xFFFFFFFF  }
0x413: {  	s8 =	sadd.s32 $0x1, s8;
	s9 =	smov.u32 s10;
	s10 =	sadd.s32 $0x1, s10  }
0x414: {  	p2 =	sne.s32 s2, s10;
	v1 =	vld.msk @!p1 [tilespmem:s8+$0x0], $0x1;
	_ =	sdelay $0x4  }
0x415: {  	(v2sf) =	vpush @!p1 v1, $0x0;
	_ =	sdelay $0xe  }
.Ltmp43:
0x416: {  	s12 =	spop @!p1 (v2sf);
	(pc) =	sbr.rel @p2 .LBB2_57-.Ltmp43, $4  }
0x417: {  	p3 =	seq.s32 @!p1 s0, s12  }
0x418: {  	p3 =	por !p3, p1  }
0x419: {  	s9 =	simm.s32 @p3 $0xFFFFFFFF  }
0x41a: {  	s9 =	smov.u32 @p1 s11  }
.LBB2_58:
0x41b: {  	p1 =	seq.s32 s9, $0xFFFFFFFF  }
.Ltmp44:
0x41c: {  	_ = 	snop;
	(pc) =	sbr.rel @p1 .LBB2_60-.Ltmp44, $1  }
0x41d: {  	_ =	sdelay $0x3  }
0x41e: {  	s0 =	smul.u32 $0x600, s7;
	_ =	sdelay $0x1  }
0x41f: {  	s0 =	sshra.s32 s0, $0x2  }
0x420: {  	v0 =	vld [tilespmem:s0+$0xC638];
	_ =	sdelay $0x1  }
0x421: {  	s8 =	smul.u32 $0x600, s9;
	_ =	sdelay $0x1  }
0x422: {  	s8 =	sshra.s32 s8, $0x2  }
0x423: {  	[tilespmem:s8+$0xC638] =	vst.add.f32.msk $0xffff, v0  }
0x424: {  	v0 =	vld [tilespmem:s0+$0xC648];
	_ =	sdelay $0x4  }
0x425: {  	[tilespmem:s8+$0xC648] =	vst.add.f32.msk $0xffff, v0  }
0x426: {  	v0 =	vld [tilespmem:s0+$0xC658];
	_ =	sdelay $0x4  }
0x427: {  	[tilespmem:s8+$0xC658] =	vst.add.f32.msk $0xffff, v0  }
0x428: {  	v0 =	vld [tilespmem:s0+$0xC668];
	_ =	sdelay $0x4  }
0x429: {  	[tilespmem:s8+$0xC668] =	vst.add.f32.msk $0xffff, v0  }
0x42a: {  	v0 =	vld [tilespmem:s0+$0xC678];
	_ =	sdelay $0x4  }
0x42b: {  	[tilespmem:s8+$0xC678] =	vst.add.f32.msk $0xffff, v0  }
0x42c: {  	v0 =	vld [tilespmem:s0+$0xC688];
	_ =	sdelay $0x4  }
0x42d: {  	[tilespmem:s8+$0xC688] =	vst.add.f32.msk $0xffff, v0  }
0x42e: {  	v0 =	vld [tilespmem:s0+$0xC698];
	_ =	sdelay $0x4  }
0x42f: {  	[tilespmem:s8+$0xC698] =	vst.add.f32.msk $0xffff, v0  }
0x430: {  	v0 =	vld [tilespmem:s0+$0xC6A8];
	_ =	sdelay $0x4  }
0x431: {  	[tilespmem:s8+$0xC6A8] =	vst.add.f32.msk $0xffff, v0  }
0x432: {  	v0 =	vld [tilespmem:s0+$0xC6B8];
	_ =	sdelay $0x4  }
0x433: {  	[tilespmem:s8+$0xC6B8] =	vst.add.f32.msk $0xffff, v0  }
0x434: {  	v0 =	vld [tilespmem:s0+$0xC6C8];
	_ =	sdelay $0x4  }
0x435: {  	[tilespmem:s8+$0xC6C8] =	vst.add.f32.msk $0xffff, v0  }
0x436: {  	v0 =	vld [tilespmem:s0+$0xC6D8];
	_ =	sdelay $0x4  }
0x437: {  	[tilespmem:s8+$0xC6D8] =	vst.add.f32.msk $0xffff, v0  }
0x438: {  	v0 =	vld [tilespmem:s0+$0xC6E8];
	_ =	sdelay $0x4  }
0x439: {  	[tilespmem:s8+$0xC6E8] =	vst.add.f32.msk $0xffff, v0  }
0x43a: {  	v0 =	vld [tilespmem:s0+$0xC6F8];
	_ =	sdelay $0x4  }
0x43b: {  	[tilespmem:s8+$0xC6F8] =	vst.add.f32.msk $0xffff, v0  }
0x43c: {  	v0 =	vld [tilespmem:s0+$0xC708];
	_ =	sdelay $0x4  }
0x43d: {  	[tilespmem:s8+$0xC708] =	vst.add.f32.msk $0xffff, v0  }
0x43e: {  	v0 =	vld [tilespmem:s0+$0xC718];
	_ =	sdelay $0x4  }
0x43f: {  	[tilespmem:s8+$0xC718] =	vst.add.f32.msk $0xffff, v0  }
0x440: {  	v0 =	vld [tilespmem:s0+$0xC728];
	_ =	sdelay $0x4  }
0x441: {  	[tilespmem:s8+$0xC728] =	vst.add.f32.msk $0xffff, v0  }
0x442: {  	v0 =	vld [tilespmem:s0+$0xC738];
	_ =	sdelay $0x4  }
0x443: {  	[tilespmem:s8+$0xC738] =	vst.add.f32.msk $0xffff, v0  }
0x444: {  	v0 =	vld [tilespmem:s0+$0xC748];
	_ =	sdelay $0x4  }
0x445: {  	[tilespmem:s8+$0xC748] =	vst.add.f32.msk $0xffff, v0  }
0x446: {  	v0 =	vld [tilespmem:s0+$0xC758];
	_ =	sdelay $0x4  }
0x447: {  	[tilespmem:s8+$0xC758] =	vst.add.f32.msk $0xffff, v0  }
0x448: {  	v0 =	vld [tilespmem:s0+$0xC768];
	_ =	sdelay $0x4  }
0x449: {  	[tilespmem:s8+$0xC768] =	vst.add.f32.msk $0xffff, v0  }
0x44a: {  	v0 =	vld [tilespmem:s0+$0xC778];
	_ =	sdelay $0x4  }
0x44b: {  	[tilespmem:s8+$0xC778] =	vst.add.f32.msk $0xffff, v0  }
0x44c: {  	v0 =	vld [tilespmem:s0+$0xC788];
	_ =	sdelay $0x4  }
0x44d: {  	[tilespmem:s8+$0xC788] =	vst.add.f32.msk $0xffff, v0  }
0x44e: {  	v0 =	vld [tilespmem:s0+$0xC798];
	_ =	sdelay $0x4  }
0x44f: {  	[tilespmem:s8+$0xC798] =	vst.add.f32.msk $0xffff, v0  }
0x450: {  	v0 =	vld [tilespmem:s0+$0xC7A8]  }
.Ltmp45:
0x451: {  	_ = 	snop;
	(pc) =	sbr.rel .LBB2_64-.Ltmp45, $2  }
0x452: {  	_ =	sdelay $0x2  }
0x453: {  	[tilespmem:s8+$0xC7A8] =	vst.add.f32.msk $0xffff, v0  }
.LBB2_60:
0x454: {  	p1 =	slt.u32 s0, $0x751F1  }
.Ltmp46:
0x455: {  	_ = 	snop;
	(pc) =	sbr.rel @p1 .LBB2_62-.Ltmp46, $1  }
0x456: {  	_ =	sdelay $0x3  }
.Ltmp47:
0x457: {  	(pc) =	sbr.rel .LBB2_63-.Ltmp47, $2  }
0x458: {  	_ =	sdelay $0x1  }
0x459: {  	s0 =	smul.u32 $0x600, s7;
	_ =	sdelay $0x1  }
.LBB2_65:
0x45a: {  	p1 =	slt.s32 s2, $0x1  }
.Ltmp48:
0x45b: {  	_ = 	snop;
	(pc) =	sbr.rel @p1 .LBB2_69-.Ltmp48, $3  }
0x45c: {  	_ =	sdelay $0x1  }
0x45d: {  	s0 =	simm.s32 $0x8  }
0x45e: {  	[sflag:s0] =	ssyncpa.u1 $0x1;
	s0 =	simm.s32 $0x0  }
0x45f: {  	s3 =	simm.s32 $0xC618  }
0x460: {  	v0 =	vld.msk [tilespmem:s3+$0x0], $0x1;
	_ =	sdelay $0x4  }
0x461: {  	(v2sf) =	vpush v0, $0x0;
	_ =	sdelay $0xe  }
0x462: {  	s4 =	spop (v2sf)  }
0x463: {  	s2 =	sadd.s32 $0xFFFFFFFF, s2;
	p1 =	sgt.u32 s4, $0x751F0  }
0x464: {  	s3 =	simm.s32 $0xC638;
	p2 =	sne.s32 s2, $0x0;
	s5 =	sand.u32 @!p1 $0x7FFF8, s4  }
0x465: {  	s6 =	sadd.s32 @!p1 $0x80, s4;
	s7 =	sadd.s32 @!p1 $0x100, s4;
	s4 =	sand.u32 @!p1 $0x7, s4  }
0x466: {  	s5 =	sadd.s32 @!p1 s1, s5;
	s6 =	sand.u32 @!p1 $0xFFFF8, s6;
	s7 =	sand.u32 @!p1 $0xFFFF8, s7  }
0x467: {  	[hbm4b:s5+s4] =	stream.linear.scatter @!p1 [tilespmem:s3], [sflag:$0x7], $0x80, $0x38;
	[tilespmem:$0x1B788] =	vst v63  }
.Ltmp49:
0x468: {  	s5 =	simm.s32 @!p1 $0xC6B8;
	s6 =	sadd.s32 @!p1 s1, s6;
	(pc) =	sbr.rel @!p2 .LBB2_68-.Ltmp49, $4  }
0x469: {  	[hbm4b:s6+s4] =	stream.linear.scatter @!p1 [tilespmem:s5], [sflag:$0x7], $0x80, $0x38;
	[tilespmem:$0x1B788] =	vst v63  }
0x46a: {  	s5 =	simm.s32 @!p1 $0xC738;
	s6 =	sadd.s32 @!p1 s1, s7  }
0x46b: {  	[hbm4b:s6+s4] =	stream.linear.scatter @!p1 [tilespmem:s5], [sflag:$0x7], $0x80, $0x38;
	[tilespmem:$0x1B788] =	vst v63  }
0x46c: {  	s4 =	simm.s32 $0x0;
	s5 =	simm.s32 $0xC619  }
.LBB2_67:
0x46d: {  	s6 =	simm.s32 $0x0  }
0x46e: {  	v0 =	vld.msk [tilespmem:s5+$0x0], $0x1;
	s2 =	sadd.s32 $0xFFFFFFFF, s2;
	s6 =	simm.s32 @!p1 $0x600  }
0x46f: {  	p2 =	sne.s32 s2, $0x0;
	s0 =	sadd.s32 s0, s6;
	_ =	sdelay $0x3  }
0x470: {  	(v2sf) =	vpush v0, $0x0;
	_ =	sdelay $0xe  }
0x471: {  	s6 =	spop (v2sf)  }
0x472: {  	s3 =	sadd.s32 $0x180, s3;
	p1 =	sgt.u32 s6, $0x751F0  }
0x473: {  	s7 =	sand.u32 @!p1 $0x7FFF8, s6;
	s8 =	sadd.s32 @!p1 $0x80, s6;
	s9 =	sadd.s32 @!p1 $0x100, s6  }
0x474: {  	s6 =	sand.u32 @!p1 $0x7, s6;
	s7 =	sadd.s32 @!p1 s1, s7;
	s8 =	sand.u32 @!p1 $0xFFFF8, s8  }
0x475: {  	[hbm4b:s7+s6] =	stream.linear.scatter @!p1 [tilespmem:s3], [sflag:$0x7], $0x80, $0x38;
	[tilespmem:$0x1B788] =	vst v63  }
.Ltmp50:
0x476: {  	_ = 	snop;
	(pc) =	sbr.rel @p2 .LBB2_67-.Ltmp50, $4  }
0x477: {  	s9 =	sand.u32 @!p1 $0xFFFF8, s9;
	s7 =	sadd.s32 @!p1 $0x80, s3;
	s8 =	sadd.s32 @!p1 s1, s8  }
0x478: {  	[hbm4b:s8+s6] =	stream.linear.scatter @!p1 [tilespmem:s7], [sflag:$0x7], $0x80, $0x38;
	[tilespmem:$0x1B788] =	vst v63  }
0x479: {  	s5 =	sadd.s32 $0x1, s5;
	s7 =	sadd.s32 @!p1 $0x100, s3;
	s8 =	sadd.s32 @!p1 s1, s9  }
0x47a: {  	[hbm4b:s8+s6] =	stream.linear.scatter @!p1 [tilespmem:s7], [sflag:$0x7], $0x80, $0x38;
	[tilespmem:$0x1B788] =	vst v63  }
.LBB2_68:
0x47b: {  	s4 =	simm.s32 @!p1 $0x600  }
0x47c: {  	s0 =	sadd.s32 s0, s4  }
0x47d: {  	s0 =	sshrl.u32 s0, $0x2  }
.LBB2_69:
0x47e: {  	s1 =	simm.s32 $0x7  }
0x47f: {  	_ =	swait.ge [sflag:s1], s0  }
0x480: {  	s31 =	ssub.s32 $0x0, s0;
	[sflag:s1] =	ssyncset.done $0x0  }
0x481: {  	[sflag:s1] =	ssyncadd.s32 s31  }
0x482: {  	[sflag:s1] =	ssyncpa.u1 $0x1  }
.LBB2_70:
0x483: {  	_ =	sfence;
	s0 =	simm.s32 $0x1  }
0x484: {  	[sflag:s0] =	ssyncpa.u1 $0x1  }
0x485: {  	_ =	strace $0x90000050  }
0x486: {  	[bflag:$0x2] =	sbarrier.arrive $0xFFFF  }
0x487: {  	s0 =	rddreg [dreg:$0x3]  }
0x488: {  	s0 =	sadd.s32 @!p0 $0x100000, s0  }
0x489: {  	[sflag:s0] =	ssyncadd.tile.s32 @!p0 $0x1;
	_ =	shalt  }
.Lfunc_end2:
_tile_overlayer_lowered:
.L_overlay_start_2:
0x48a: {  	(tag) =	ssettag $0x2  }
0x48b: {  	s0 =	rddreg [dreg:$0x0];
	s2 =	stileid.u32  }
0x48c: {  	s1 =	rddreg [dreg:$0x1];
	p0 =	sne.s32 s2, $0x0  }
0x48d: {  	s3 =	rddreg [dreg:$0x2];
	[bflag:$0x3] =	sbarrier.arrive $0xFFFF;
	s2 =	simm.s32 @!p0 $0x1C01  }
0x48e: {  	[timem:s3], [sflag:s2] =	dma.local @!p0 [hbm:s0], s1  }
0x48f: {  	s0 =	simm.s32 @!p0 $0x1  }
0x490: {  	_ =	swait.ge @!p0 [sflag:s0], s1  }
0x491: {  	s1 =	ssub.s32 @!p0 $0x0, s1;
	[sflag:s0] =	ssyncset.done @!p0 $0x0  }
0x492: {  	[sflag:s0] =	ssyncadd.s32 @!p0 s1  }
0x493: {  	[bflag:$0x3] =	sbarrier.arrive $0xFFFF  }
0x494: {  	_ =	shalt  }

</sc_bundles>
